<compile_context>
chip_gen: v7x
topology: tpu7x:2x2x1
jax: 0.10.2.dev20260603
libtpu: 0.0.44.dev20260713+nightly
codegen_flags: <defaults>
</compile_context>

<pallas_src>
import functools

import jax
import jax.numpy as jnp
from jax import lax
from jax.experimental import pallas as pl
from jax.experimental.pallas import tpu as pltpu, tpu_sc as plsc

N = 10000
E = 160000
D = 256
HALF = 128

NC = 2
NS = 16
CHUNK = 128
NCH = 80
PH = 40
EPT = CHUNK * NCH
E_PAD = NS * EPT
TRASH = N
N_ACC = 10112
ROWS_I = N_ACC // NS

BN = 2000
GRID_N = N // BN

_mesh = plsc.VectorSubcoreMesh(
    core_axis_name="c", subcore_axis_name="s", num_cores=NC, num_subcores=NS
)


@functools.partial(
    pl.kernel,
    out_type=jax.ShapeDtypeStruct((NC, N_ACC, HALF), jnp.float32),
    mesh=_mesh,
    scratch_types=[
        pltpu.VMEM((NCH, CHUNK), jnp.int32),
        pltpu.VMEM((CHUNK, HALF), jnp.float32),
        pltpu.VMEM_SHARED((N_ACC, HALF), jnp.float32),
        pltpu.SemaphoreType.DMA,
        pltpu.SemaphoreType.DMA,
    ],
)
def _sc_degrees(src_hbm, dst_hbm, ones_hbm, zeros_hbm, out_hbm, idx_v, ones_v, acc_sh,
                semA, semB):
    c = lax.axis_index("c")
    s = lax.axis_index("s")
    pltpu.sync_copy(zeros_hbm, acc_sh.at[pl.ds(s * ROWS_I, ROWS_I)])
    pltpu.sync_copy(ones_hbm, ones_v)

    @pl.when(c == 0)
    def _():
        pltpu.sync_copy(dst_hbm.at[s], idx_v)

    @pl.when(c == 1)
    def _():
        pltpu.sync_copy(src_hbm.at[s], idx_v)

    plsc.subcore_barrier()
    pltpu.async_copy(ones_v, acc_sh.at[idx_v.at[0]], semA, add=True)

    def body(jj, _):
        j = jj * 2
        pltpu.async_copy(ones_v, acc_sh.at[idx_v.at[j + 1]], semB, add=True)
        pltpu.make_async_copy(ones_v, acc_sh.at[idx_v.at[j]], semA).wait()

        @pl.when(j + 2 < NCH)
        def _():
            pltpu.async_copy(ones_v, acc_sh.at[idx_v.at[j + 2]], semA, add=True)

        pltpu.make_async_copy(ones_v, acc_sh.at[idx_v.at[j + 1]], semB).wait()
        return ()

    lax.fori_loop(0, NCH // 2, body, ())
    plsc.subcore_barrier()
    pltpu.sync_copy(
        acc_sh.at[pl.ds(s * ROWS_I, ROWS_I)],
        out_hbm.at[c].at[pl.ds(s * ROWS_I, ROWS_I)],
    )


@functools.partial(
    pl.kernel,
    out_type=(
        jax.ShapeDtypeStruct((N_ACC, HALF), jnp.float32),
        jax.ShapeDtypeStruct((N_ACC, HALF), jnp.float32),
    ),
    mesh=_mesh,
    scratch_types=[
        pltpu.VMEM((PH, CHUNK), jnp.int32),
        pltpu.VMEM((PH, CHUNK), jnp.int32),
        pltpu.VMEM((CHUNK, HALF), jnp.float32),
        pltpu.VMEM((CHUNK, HALF), jnp.float32),
        pltpu.VMEM_SHARED((N_ACC, HALF), jnp.float32),
        pltpu.SemaphoreType.DMA,
        pltpu.SemaphoreType.DMA,
    ],
)
def _sc_spmv(x0, x1, src_hbm, dst_hbm, zeros_hbm, out0, out1,
             idx_s, idx_d, rowsA, rowsB, acc_sh, semA, semB):
    c = lax.axis_index("c")
    s = lax.axis_index("s")
    pltpu.sync_copy(zeros_hbm, acc_sh.at[pl.ds(s * ROWS_I, ROWS_I)])
    plsc.subcore_barrier()

    def run(x_hbm):
        for p in range(NCH // PH):
            pltpu.sync_copy(src_hbm.at[s].at[pl.ds(p * PH, PH)], idx_s)
            pltpu.sync_copy(dst_hbm.at[s].at[pl.ds(p * PH, PH)], idx_d)
            pltpu.async_copy(x_hbm.at[idx_s.at[0]], rowsA, semA)

            def body(jj, _):
                j = jj * 2
                pltpu.async_copy(x_hbm.at[idx_s.at[j + 1]], rowsB, semB)
                pltpu.make_async_copy(x_hbm.at[idx_s.at[j]], rowsA, semA).wait()
                pltpu.sync_copy(rowsA, acc_sh.at[idx_d.at[j]], add=True)

                @pl.when(j + 2 < PH)
                def _():
                    pltpu.async_copy(x_hbm.at[idx_s.at[j + 2]], rowsA, semA)

                pltpu.make_async_copy(x_hbm.at[idx_s.at[j + 1]], rowsB, semB).wait()
                pltpu.sync_copy(rowsB, acc_sh.at[idx_d.at[j + 1]], add=True)
                return ()

            lax.fori_loop(0, PH // 2, body, ())

    @pl.when(c == 0)
    def _():
        run(x0)

    @pl.when(c == 1)
    def _():
        run(x1)

    plsc.subcore_barrier()

    @pl.when(c == 0)
    def _():
        pltpu.sync_copy(acc_sh.at[pl.ds(s * ROWS_I, ROWS_I)],
                        out0.at[pl.ds(s * ROWS_I, ROWS_I)])

    @pl.when(c == 1)
    def _():
        pltpu.sync_copy(acc_sh.at[pl.ds(s * ROWS_I, ROWS_I)],
                        out1.at[pl.ds(s * ROWS_I, ROWS_I)])


def _norm(deg):
    return jnp.where(deg > 0, lax.rsqrt(jnp.maximum(deg, 1e-12)), 0.0)


def _tc_first_body(dego_ref, h_ref, w_ref, y0_ref, y1_ref):
    i = pl.program_id(0)
    norm = _norm(dego_ref[pl.ds(i * BN, BN), 0:1])
    y = jnp.dot(h_ref[...] * norm, w_ref[...],
                preferred_element_type=jnp.float32,
                precision=lax.Precision.HIGHEST)
    y0_ref[...] = y[:, :HALF]
    y1_ref[...] = y[:, HALF:]


def _tc_mid_body(degi_ref, dego_ref, a0_ref, a1_ref, b_ref, w_ref, y0_ref, y1_ref):
    i = pl.program_id(0)
    ni = _norm(degi_ref[pl.ds(i * BN, BN), 0:1])
    no = _norm(dego_ref[pl.ds(i * BN, BN), 0:1])
    a = jnp.concatenate([a0_ref[...], a1_ref[...]], axis=1)
    hh = jnp.maximum(a * ni + b_ref[...], 0.0)
    y = jnp.dot(hh * no, w_ref[...],
                preferred_element_type=jnp.float32,
                precision=lax.Precision.HIGHEST)
    y0_ref[...] = y[:, :HALF]
    y1_ref[...] = y[:, HALF:]


def _tc_final_body(degi_ref, a0_ref, a1_ref, b_ref, o_ref):
    i = pl.program_id(0)
    ni = _norm(degi_ref[pl.ds(i * BN, BN), 0:1])
    a = jnp.concatenate([a0_ref[...], a1_ref[...]], axis=1)
    hh = jnp.maximum(a * ni + b_ref[...], 0.0)
    part = jnp.sum(hh, axis=0, keepdims=True) * (1.0 / N)

    @pl.when(i == 0)
    def _():
        o_ref[...] = jnp.zeros_like(o_ref)

    o_ref[...] += part


_deg_spec = pl.BlockSpec((N, 16), lambda i: (0, 0))
_half_spec = pl.BlockSpec((BN, HALF), lambda i: (i, 0))
_half_pad_spec = pl.BlockSpec((BN, HALF), lambda i: (i, 0))
_full_spec = pl.BlockSpec((BN, D), lambda i: (i, 0))
_w_spec = pl.BlockSpec((D, D), lambda i: (0, 0))
_b_spec = pl.BlockSpec((1, D), lambda i: (0, 0))

_tc_first = pl.pallas_call(
    _tc_first_body,
    grid=(GRID_N,),
    in_specs=[_deg_spec, _full_spec, _w_spec],
    out_specs=[_half_spec, _half_spec],
    out_shape=[
        jax.ShapeDtypeStruct((N, HALF), jnp.float32),
        jax.ShapeDtypeStruct((N, HALF), jnp.float32),
    ],
)

_tc_mid = pl.pallas_call(
    _tc_mid_body,
    grid=(GRID_N,),
    in_specs=[_deg_spec, _deg_spec, _half_pad_spec, _half_pad_spec, _b_spec, _w_spec],
    out_specs=[_half_spec, _half_spec],
    out_shape=[
        jax.ShapeDtypeStruct((N, HALF), jnp.float32),
        jax.ShapeDtypeStruct((N, HALF), jnp.float32),
    ],
)

_tc_final = pl.pallas_call(
    _tc_final_body,
    grid=(GRID_N,),
    in_specs=[_deg_spec, _half_pad_spec, _half_pad_spec, _b_spec],
    out_specs=pl.BlockSpec((1, D), lambda i: (0, 0)),
    out_shape=jax.ShapeDtypeStruct((1, D), jnp.float32),
)


def kernel(h, edge_index, W1, b1, W2, b2, W3, b3):
    src = edge_index[0].astype(jnp.int32)
    dst = edge_index[1].astype(jnp.int32)
    pad = E_PAD - E
    src_g = jnp.concatenate([src, jnp.zeros((pad,), jnp.int32)]).reshape(NS, NCH, CHUNK)
    src_d = jnp.concatenate([src, jnp.full((pad,), TRASH, jnp.int32)]).reshape(NS, NCH, CHUNK)
    dst_p = jnp.concatenate([dst, jnp.full((pad,), TRASH, jnp.int32)]).reshape(NS, NCH, CHUNK)

    ones_rows = jnp.ones((CHUNK, HALF), jnp.float32)
    zeros_half = jnp.zeros((ROWS_I, HALF), jnp.float32)

    degs = _sc_degrees(src_d, dst_p, ones_rows, zeros_half)
    deg_in = degs[0][:N, :16]
    deg_out = degs[1][:N, :16]

    b1r = b1.reshape(1, D)
    b2r = b2.reshape(1, D)
    b3r = b3.reshape(1, D)

    y0, y1 = _tc_first(deg_out, h, W1)
    a0, a1 = _sc_spmv(y0, y1, src_g, dst_p, zeros_half)
    y0, y1 = _tc_mid(deg_in, deg_out, a0, a1, b1r, W2)
    a0, a1 = _sc_spmv(y0, y1, src_g, dst_p, zeros_half)
    y0, y1 = _tc_mid(deg_in, deg_out, a0, a1, b2r, W3)
    a0, a1 = _sc_spmv(y0, y1, src_g, dst_p, zeros_half)
    out = _tc_final(deg_in, a0, a1, b3r)
    return out.reshape(D)

# --- scband reference (transcript-rebuilt; emitter-appended) ---
"""Pipeline reference for scband-graph-embedding-23570780521025 (READ-ONLY COPY).

The authoritative reference and input builder live on the scoring server;
editing this copy changes nothing except your own understanding.
"""

import jax, jax.numpy as jnp
import numpy as np

N = 10000
E = 160000
D_IN = 256
D_H = 256


def _xavier_normal(key, fan_in, fan_out):
    std = np.sqrt(2.0 / (fan_in + fan_out))
    return jax.random.normal(key, (fan_in, fan_out), dtype=jnp.float32) * std


def setup_inputs(seed: int = 0) -> dict:
    key = jax.random.key(seed)
    ks = jax.random.split(key, 8)
    h = jax.random.normal(ks[0], (N, D_IN), dtype=jnp.float32)
    edge_index = jax.random.randint(ks[1], (2, E), 0, N)
    W1 = _xavier_normal(ks[2], D_IN, D_H)
    b1 = jnp.zeros((D_H,), dtype=jnp.float32)
    W2 = _xavier_normal(ks[3], D_H, D_H)
    b2 = jnp.zeros((D_H,), dtype=jnp.float32)
    W3 = _xavier_normal(ks[4], D_H, D_H)
    b3 = jnp.zeros((D_H,), dtype=jnp.float32)
    return {"h": h, "edge_index": edge_index, "W1": W1, "b1": b1, "W2": W2, "b2": b2, "W3": W3, "b3": b3}


def _graph_conv(h, src, dst, W, b, n_nodes):
    # DGL GraphConv with norm='both':
    # feat_src = h * out_deg^{-1/2}; message-sum to dst; rst = rst * in_deg^{-1/2}; + bias
    ones = jnp.ones((src.shape[0],), dtype=jnp.float32)
    deg_out = jnp.zeros((n_nodes,), dtype=jnp.float32).at[src].add(ones)
    deg_in = jnp.zeros((n_nodes,), dtype=jnp.float32).at[dst].add(ones)
    norm_out = jnp.where(deg_out > 0, jax.lax.rsqrt(jnp.maximum(deg_out, 1e-12)), 0.0)
    norm_in = jnp.where(deg_in > 0, jax.lax.rsqrt(jnp.maximum(deg_in, 1e-12)), 0.0)
    x = h * norm_out[:, None]
    x = x @ W
    msg = jnp.take(x, src, axis=0)
    agg = jax.ops.segment_sum(msg, dst, num_segments=n_nodes)
    out = agg * norm_in[:, None] + b
    return out


def reference(h, edge_index, W1, b1, W2, b2, W3, b3):
    src = edge_index[0]
    dst = edge_index[1]
    n_nodes = h.shape[0]
    x = jax.nn.relu(_graph_conv(h, src, dst, W1, b1, n_nodes))
    x = jax.nn.relu(_graph_conv(x, src, dst, W2, b2, n_nodes))
    x = jax.nn.relu(_graph_conv(x, src, dst, W3, b3, n_nodes))
    # dgl.mean_nodes over a single graph -> mean over all nodes
    hg = jnp.mean(x, axis=0)
    return hg

if __name__ == "__main__":
    import jax
    _d = setup_inputs()
    print(jax.jit(kernel)(*tuple(_d.values())))

</pallas_src>

<mosaic_0001>
#map = affine_map<(d0, d1) -> (0, 0)>
#map1 = affine_map<(d0, d1) -> (0, 0, 0)>
module attributes {stable_mosaic.version = 14 : i64} {
  func.func @_sc_spmv(%arg0: i32, %arg1: i32, %arg2: memref<10000x128xf32, #tpu.memory_space<hbm>>, %arg3: memref<10000x128xf32, #tpu.memory_space<hbm>>, %arg4: memref<16x80x128xi32, #tpu.memory_space<hbm>>, %arg5: memref<16x80x128xi32, #tpu.memory_space<hbm>>, %arg6: memref<632x128xf32, #tpu.memory_space<hbm>>, %arg7: memref<10112x128xf32, #tpu.memory_space<hbm>>, %arg8: memref<10112x128xf32, #tpu.memory_space<hbm>>, %arg9: memref<40x128xi32, #tpu.memory_space<vmem>>, %arg10: memref<40x128xi32, #tpu.memory_space<vmem>>, %arg11: memref<128x128xf32, #tpu.memory_space<vmem>>, %arg12: memref<128x128xf32, #tpu.memory_space<vmem>>, %arg13: memref<10112x128xf32, #tpu.memory_space<vmem_shared>>, %arg14: memref<!tpu.dma_semaphore, #tpu.memory_space<semaphore_mem>>, %arg15: memref<!tpu.dma_semaphore, #tpu.memory_space<semaphore_mem>>) attributes {dimension_semantics = [#tpu.dimension_semantics<core_parallel>, #tpu.dimension_semantics<subcore_parallel>], iteration_bounds = array<i64: 2, 16>, scalar_prefetch = 0 : i64, scratch_operands = 7 : i64, tpu.core_type = #tpu.core_type<sc_vector_subcore>, window_params = [{transform_indices = #map}, {transform_indices = #map}, {transform_indices = #map1}, {transform_indices = #map1}, {transform_indices = #map}, {transform_indices = #map}, {transform_indices = #map}]} {
    %mul3A = arith.constant 632 : i32
    %mul3A_0 = arith.muli %arg1, %mul3A : i32
    "tpu.region"() ({
      %run_scoped3A = tpu.sem_alloc : memref<!tpu.dma_semaphore, #tpu.memory_space<semaphore_mem>>
      %dma_start3A = arith.constant 0 : i32
      %dma_start3A_19 = tpu.memref_slice %arg13[%mul3A_0, %dma_start3A] : memref<10112x128xf32, #tpu.memory_space<vmem_shared>> -> memref<632x128xf32, #tpu.memory_space<vmem_shared>>
      tpu.enqueue_dma source(%arg6 : memref<632x128xf32, #tpu.memory_space<hbm>>) target(%dma_start3A_19 : memref<632x128xf32, #tpu.memory_space<vmem_shared>>) target_semaphore(%run_scoped3A : memref<!tpu.dma_semaphore, #tpu.memory_space<semaphore_mem>>)
      %dma_wait3A = arith.constant 0 : i32
      %dma_wait3A_20 = tpu.memref_slice %arg13[%mul3A_0, %dma_wait3A] : memref<10112x128xf32, #tpu.memory_space<vmem_shared>> -> memref<632x128xf32, #tpu.memory_space<vmem_shared>>
      tpu.wait_dma2 semaphore(%run_scoped3A : memref<!tpu.dma_semaphore, #tpu.memory_space<semaphore_mem>>) src(%arg6 : memref<632x128xf32, #tpu.memory_space<hbm>>) dst(%dma_wait3A_20 : memref<632x128xf32, #tpu.memory_space<vmem_shared>>)
      tpu.yield
    }) : () -> ()
    %barrier3A = arith.constant 0 : index
    tpu.barrier barrier_id(%barrier3A)
    %eq3A = arith.constant 0 : i32
    %eq3A_1 = arith.cmpi eq, %arg0, %eq3A : i32
    %convert_element_type3A = arith.extui %eq3A_1 : i1 to i32
    %cond3A = arith.constant 0 : i32
    %cond3A_2 = arith.cmpi ne, %convert_element_type3A, %cond3A : i32
    scf.if %cond3A_2 {
      "tpu.region"() ({
        %run_scoped3A = tpu.sem_alloc : memref<!tpu.dma_semaphore, #tpu.memory_space<semaphore_mem>>
        %dma_start3A_41 = arith.constant 0 : i32
        %dma_start3A_42 = arith.constant 0 : i32
        %dma_start3A_43 = tpu.memref_slice %arg4[%arg1, %dma_start3A_41, %dma_start3A_42] : memref<16x80x128xi32, #tpu.memory_space<hbm>> -> memref<1x80x128xi32, #tpu.memory_space<hbm>>
        %dma_start3A_44 = tpu.memref_squeeze %dma_start3A_43 : memref<1x80x128xi32, #tpu.memory_space<hbm>> -> memref<80x128xi32, #tpu.memory_space<hbm>>
        %dma_start3A_45 = arith.constant 0 : i32
        %dma_start3A_46 = arith.constant 0 : i32
        %dma_start3A_47 = tpu.memref_slice %dma_start3A_44[%dma_start3A_45, %dma_start3A_46] : memref<80x128xi32, #tpu.memory_space<hbm>> -> memref<40x128xi32, #tpu.memory_space<hbm>>
        %dma_start3A_48 = arith.constant 0 : i32
        %dma_start3A_49 = arith.constant 0 : i32
        %dma_start3A_50 = tpu.memref_slice %arg4[%arg1, %dma_start3A_48, %dma_start3A_49] : memref<16x80x128xi32, #tpu.memory_space<hbm>> -> memref<1x80x128xi32, #tpu.memory_space<hbm>>
        %dma_start3A_51 = tpu.memref_squeeze %dma_start3A_50 : memref<1x80x128xi32, #tpu.memory_space<hbm>> -> memref<80x128xi32, #tpu.memory_space<hbm>>
        %dma_start3A_52 = arith.constant 0 : i32
        %dma_start3A_53 = arith.constant 0 : i32
        %dma_start3A_54 = tpu.memref_slice %dma_start3A_51[%dma_start3A_52, %dma_start3A_53] : memref<80x128xi32, #tpu.memory_space<hbm>> -> memref<40x128xi32, #tpu.memory_space<hbm>>
        tpu.enqueue_dma source(%dma_start3A_54 : memref<40x128xi32, #tpu.memory_space<hbm>>) target(%arg9 : memref<40x128xi32, #tpu.memory_space<vmem>>) target_semaphore(%run_scoped3A : memref<!tpu.dma_semaphore, #tpu.memory_space<semaphore_mem>>)
        %dma_wait3A = arith.constant 0 : i32
        %dma_wait3A_55 = arith.constant 0 : i32
        %dma_wait3A_56 = tpu.memref_slice %arg4[%arg1, %dma_wait3A, %dma_wait3A_55] : memref<16x80x128xi32, #tpu.memory_space<hbm>> -> memref<1x80x128xi32, #tpu.memory_space<hbm>>
        %dma_wait3A_57 = tpu.memref_squeeze %dma_wait3A_56 : memref<1x80x128xi32, #tpu.memory_space<hbm>> -> memref<80x128xi32, #tpu.memory_space<hbm>>
        %dma_wait3A_58 = arith.constant 0 : i32
        %dma_wait3A_59 = arith.constant 0 : i32
        %dma_wait3A_60 = tpu.memref_slice %dma_wait3A_57[%dma_wait3A_58, %dma_wait3A_59] : memref<80x128xi32, #tpu.memory_space<hbm>> -> memref<40x128xi32, #tpu.memory_space<hbm>>
        %dma_wait3A_61 = arith.constant 0 : i32
        %dma_wait3A_62 = arith.constant 0 : i32
        %dma_wait3A_63 = tpu.memref_slice %arg4[%arg1, %dma_wait3A_61, %dma_wait3A_62] : memref<16x80x128xi32, #tpu.memory_space<hbm>> -> memref<1x80x128xi32, #tpu.memory_space<hbm>>
        %dma_wait3A_64 = tpu.memref_squeeze %dma_wait3A_63 : memref<1x80x128xi32, #tpu.memory_space<hbm>> -> memref<80x128xi32, #tpu.memory_space<hbm>>
        %dma_wait3A_65 = arith.constant 0 : i32
        %dma_wait3A_66 = arith.constant 0 : i32
        %dma_wait3A_67 = tpu.memref_slice %dma_wait3A_64[%dma_wait3A_65, %dma_wait3A_66] : memref<80x128xi32, #tpu.memory_space<hbm>> -> memref<40x128xi32, #tpu.memory_space<hbm>>
        tpu.wait_dma2 semaphore(%run_scoped3A : memref<!tpu.dma_semaphore, #tpu.memory_space<semaphore_mem>>) src(%dma_wait3A_67 : memref<40x128xi32, #tpu.memory_space<hbm>>) dst(%arg9 : memref<40x128xi32, #tpu.memory_space<vmem>>)
        tpu.yield
      }) : () -> ()
      "tpu.region"() ({
        %run_scoped3A = tpu.sem_alloc : memref<!tpu.dma_semaphore, #tpu.memory_space<semaphore_mem>>
        %dma_start3A_41 = arith.constant 0 : i32
        %dma_start3A_42 = arith.constant 0 : i32
        %dma_start3A_43 = tpu.memref_slice %arg5[%arg1, %dma_start3A_41, %dma_start3A_42] : memref<16x80x128xi32, #tpu.memory_space<hbm>> -> memref<1x80x128xi32, #tpu.memory_space<hbm>>
        %dma_start3A_44 = tpu.memref_squeeze %dma_start3A_43 : memref<1x80x128xi32, #tpu.memory_space<hbm>> -> memref<80x128xi32, #tpu.memory_space<hbm>>
        %dma_start3A_45 = arith.constant 0 : i32
        %dma_start3A_46 = arith.constant 0 : i32
        %dma_start3A_47 = tpu.memref_slice %dma_start3A_44[%dma_start3A_45, %dma_start3A_46] : memref<80x128xi32, #tpu.memory_space<hbm>> -> memref<40x128xi32, #tpu.memory_space<hbm>>
        %dma_start3A_48 = arith.constant 0 : i32
        %dma_start3A_49 = arith.constant 0 : i32
        %dma_start3A_50 = tpu.memref_slice %arg5[%arg1, %dma_start3A_48, %dma_start3A_49] : memref<16x80x128xi32, #tpu.memory_space<hbm>> -> memref<1x80x128xi32, #tpu.memory_space<hbm>>
        %dma_start3A_51 = tpu.memref_squeeze %dma_start3A_50 : memref<1x80x128xi32, #tpu.memory_space<hbm>> -> memref<80x128xi32, #tpu.memory_space<hbm>>
        %dma_start3A_52 = arith.constant 0 : i32
        %dma_start3A_53 = arith.constant 0 : i32
        %dma_start3A_54 = tpu.memref_slice %dma_start3A_51[%dma_start3A_52, %dma_start3A_53] : memref<80x128xi32, #tpu.memory_space<hbm>> -> memref<40x128xi32, #tpu.memory_space<hbm>>
        tpu.enqueue_dma source(%dma_start3A_54 : memref<40x128xi32, #tpu.memory_space<hbm>>) target(%arg10 : memref<40x128xi32, #tpu.memory_space<vmem>>) target_semaphore(%run_scoped3A : memref<!tpu.dma_semaphore, #tpu.memory_space<semaphore_mem>>)
        %dma_wait3A = arith.constant 0 : i32
        %dma_wait3A_55 = arith.constant 0 : i32
        %dma_wait3A_56 = tpu.memref_slice %arg5[%arg1, %dma_wait3A, %dma_wait3A_55] : memref<16x80x128xi32, #tpu.memory_space<hbm>> -> memref<1x80x128xi32, #tpu.memory_space<hbm>>
        %dma_wait3A_57 = tpu.memref_squeeze %dma_wait3A_56 : memref<1x80x128xi32, #tpu.memory_space<hbm>> -> memref<80x128xi32, #tpu.memory_space<hbm>>
        %dma_wait3A_58 = arith.constant 0 : i32
        %dma_wait3A_59 = arith.constant 0 : i32
        %dma_wait3A_60 = tpu.memref_slice %dma_wait3A_57[%dma_wait3A_58, %dma_wait3A_59] : memref<80x128xi32, #tpu.memory_space<hbm>> -> memref<40x128xi32, #tpu.memory_space<hbm>>
        %dma_wait3A_61 = arith.constant 0 : i32
        %dma_wait3A_62 = arith.constant 0 : i32
        %dma_wait3A_63 = tpu.memref_slice %arg5[%arg1, %dma_wait3A_61, %dma_wait3A_62] : memref<16x80x128xi32, #tpu.memory_space<hbm>> -> memref<1x80x128xi32, #tpu.memory_space<hbm>>
        %dma_wait3A_64 = tpu.memref_squeeze %dma_wait3A_63 : memref<1x80x128xi32, #tpu.memory_space<hbm>> -> memref<80x128xi32, #tpu.memory_space<hbm>>
        %dma_wait3A_65 = arith.constant 0 : i32
        %dma_wait3A_66 = arith.constant 0 : i32
        %dma_wait3A_67 = tpu.memref_slice %dma_wait3A_64[%dma_wait3A_65, %dma_wait3A_66] : memref<80x128xi32, #tpu.memory_space<hbm>> -> memref<40x128xi32, #tpu.memory_space<hbm>>
        tpu.wait_dma2 semaphore(%run_scoped3A : memref<!tpu.dma_semaphore, #tpu.memory_space<semaphore_mem>>) src(%dma_wait3A_67 : memref<40x128xi32, #tpu.memory_space<hbm>>) dst(%arg10 : memref<40x128xi32, #tpu.memory_space<vmem>>)
        tpu.yield
      }) : () -> ()
      %dma_start3A = arith.constant 0 : i32
      %dma_start3A_19 = arith.constant 0 : i32
      %dma_start3A_20 = tpu.memref_slice %arg9[%dma_start3A, %dma_start3A_19] : memref<40x128xi32, #tpu.memory_space<vmem>> -> memref<1x128xi32, #tpu.memory_space<vmem>>
      %dma_start3A_21 = tpu.memref_squeeze %dma_start3A_20 : memref<1x128xi32, #tpu.memory_space<vmem>> -> memref<128xi32, #tpu.memory_space<vmem>>
      %dma_start3A_22 = arith.constant 0 : i32
      %dma_start3A_23 = arith.constant 0 : i32
      %dma_start3A_24 = tpu.memref_slice %arg2[%dma_start3A_22, %dma_start3A_23] : memref<10000x128xf32, #tpu.memory_space<hbm>> -> memref<10000x128xf32, #tpu.memory_space<hbm>>
      tpu.enqueue_indirect_dma source(%dma_start3A_24 : memref<10000x128xf32, #tpu.memory_space<hbm>>) target(%arg11 : memref<128x128xf32, #tpu.memory_space<vmem>>) offsets(%dma_start3A_21 : memref<128xi32, #tpu.memory_space<vmem>>) semaphore(%arg14 : memref<!tpu.dma_semaphore, #tpu.memory_space<semaphore_mem>>)
      %scan3A = arith.constant 0 : i32
      %scan3A_25 = arith.constant 20 : i32
      %scan3A_26 = arith.addi %scan3A, %scan3A_25 : i32
      %scan3A_27 = arith.constant 1 : i32
      scf.for %scan3A_41 = %scan3A to %scan3A_26 step %scan3A_27  : i32 {
        %mul3A_42 = arith.constant 2 : i32
        %mul3A_43 = arith.muli %scan3A_41, %mul3A_42 : i32
        %add3A = arith.constant 1 : i32
        %add3A_44 = arith.addi %mul3A_43, %add3A : i32
        %dma_start3A_45 = arith.constant 0 : i32
        %dma_start3A_46 = tpu.memref_slice %arg9[%add3A_44, %dma_start3A_45] : memref<40x128xi32, #tpu.memory_space<vmem>> -> memref<1x128xi32, #tpu.memory_space<vmem>>
        %dma_start3A_47 = tpu.memref_squeeze %dma_start3A_46 : memref<1x128xi32, #tpu.memory_space<vmem>> -> memref<128xi32, #tpu.memory_space<vmem>>
        %dma_start3A_48 = arith.constant 0 : i32
        %dma_start3A_49 = arith.constant 0 : i32
        %dma_start3A_50 = tpu.memref_slice %arg2[%dma_start3A_48, %dma_start3A_49] : memref<10000x128xf32, #tpu.memory_space<hbm>> -> memref<10000x128xf32, #tpu.memory_space<hbm>>
        tpu.enqueue_indirect_dma source(%dma_start3A_50 : memref<10000x128xf32, #tpu.memory_space<hbm>>) target(%arg12 : memref<128x128xf32, #tpu.memory_space<vmem>>) offsets(%dma_start3A_47 : memref<128xi32, #tpu.memory_space<vmem>>) semaphore(%arg15 : memref<!tpu.dma_semaphore, #tpu.memory_space<semaphore_mem>>)
        %dma_wait3A = arith.constant 0 : i32
        %dma_wait3A_51 = tpu.memref_slice %arg9[%mul3A_43, %dma_wait3A] : memref<40x128xi32, #tpu.memory_space<vmem>> -> memref<1x128xi32, #tpu.memory_space<vmem>>
        %dma_wait3A_52 = tpu.memref_squeeze %dma_wait3A_51 : memref<1x128xi32, #tpu.memory_space<vmem>> -> memref<128xi32, #tpu.memory_space<vmem>>
        %dma_wait3A_53 = arith.constant 0 : i32
        %dma_wait3A_54 = arith.constant 0 : i32
        %dma_wait3A_55 = tpu.memref_slice %arg2[%dma_wait3A_53, %dma_wait3A_54] : memref<10000x128xf32, #tpu.memory_space<hbm>> -> memref<10000x128xf32, #tpu.memory_space<hbm>>
        tpu.wait_indirect_dma semaphore(%arg14 : memref<!tpu.dma_semaphore, #tpu.memory_space<semaphore_mem>>) src(%dma_wait3A_55 : memref<10000x128xf32, #tpu.memory_space<hbm>>) dst(%arg11 : memref<128x128xf32, #tpu.memory_space<vmem>>)
        "tpu.region"() ({
          %run_scoped3A = tpu.sem_alloc : memref<!tpu.dma_semaphore, #tpu.memory_space<semaphore_mem>>
          %dma_start3A_72 = arith.constant 0 : i32
          %dma_start3A_73 = tpu.memref_slice %arg10[%mul3A_43, %dma_start3A_72] : memref<40x128xi32, #tpu.memory_space<vmem>> -> memref<1x128xi32, #tpu.memory_space<vmem>>
          %dma_start3A_74 = tpu.memref_squeeze %dma_start3A_73 : memref<1x128xi32, #tpu.memory_space<vmem>> -> memref<128xi32, #tpu.memory_space<vmem>>
          %dma_start3A_75 = arith.constant 0 : i32
          %dma_start3A_76 = arith.constant 0 : i32
          %dma_start3A_77 = tpu.memref_slice %arg13[%dma_start3A_75, %dma_start3A_76] : memref<10112x128xf32, #tpu.memory_space<vmem_shared>> -> memref<10112x128xf32, #tpu.memory_space<vmem_shared>>
          tpu.enqueue_indirect_dma source(%arg11 : memref<128x128xf32, #tpu.memory_space<vmem>>) target(%dma_start3A_77 : memref<10112x128xf32, #tpu.memory_space<vmem_shared>>) offsets(%dma_start3A_74 : memref<128xi32, #tpu.memory_space<vmem>>) semaphore(%run_scoped3A : memref<!tpu.dma_semaphore, #tpu.memory_space<semaphore_mem>>) {add = true}
          %dma_wait3A_78 = arith.constant 0 : i32
          %dma_wait3A_79 = tpu.memref_slice %arg10[%mul3A_43, %dma_wait3A_78] : memref<40x128xi32, #tpu.memory_space<vmem>> -> memref<1x128xi32, #tpu.memory_space<vmem>>
          %dma_wait3A_80 = tpu.memref_squeeze %dma_wait3A_79 : memref<1x128xi32, #tpu.memory_space<vmem>> -> memref<128xi32, #tpu.memory_space<vmem>>
          %dma_wait3A_81 = arith.constant 0 : i32
          %dma_wait3A_82 = arith.constant 0 : i32
          %dma_wait3A_83 = tpu.memref_slice %arg13[%dma_wait3A_81, %dma_wait3A_82] : memref<10112x128xf32, #tpu.memory_space<vmem_shared>> -> memref<10112x128xf32, #tpu.memory_space<vmem_shared>>
          tpu.wait_indirect_dma semaphore(%run_scoped3A : memref<!tpu.dma_semaphore, #tpu.memory_space<semaphore_mem>>) src(%arg11 : memref<128x128xf32, #tpu.memory_space<vmem>>) dst(%dma_wait3A_83 : memref<10112x128xf32, #tpu.memory_space<vmem_shared>>)
          tpu.yield
        }) : () -> ()
        %add3A_56 = arith.constant 2 : i32
        %add3A_57 = arith.addi %mul3A_43, %add3A_56 : i32
        %lt3A = arith.constant 40 : i32
        %lt3A_58 = arith.cmpi slt, %add3A_57, %lt3A : i32
        %convert_element_type3A_59 = arith.extui %lt3A_58 : i1 to i32
        %cond3A_60 = arith.constant 0 : i32
        %cond3A_61 = arith.cmpi ne, %convert_element_type3A_59, %cond3A_60 : i32
        scf.if %cond3A_61 {
          %add3A_72 = arith.constant 2 : i32
          %add3A_73 = arith.addi %mul3A_43, %add3A_72 : i32
          %dma_start3A_74 = arith.constant 0 : i32
          %dma_start3A_75 = tpu.memref_slice %arg9[%add3A_73, %dma_start3A_74] : memref<40x128xi32, #tpu.memory_space<vmem>> -> memref<1x128xi32, #tpu.memory_space<vmem>>
          %dma_start3A_76 = tpu.memref_squeeze %dma_start3A_75 : memref<1x128xi32, #tpu.memory_space<vmem>> -> memref<128xi32, #tpu.memory_space<vmem>>
          %dma_start3A_77 = arith.constant 0 : i32
          %dma_start3A_78 = arith.constant 0 : i32
          %dma_start3A_79 = tpu.memref_slice %arg2[%dma_start3A_77, %dma_start3A_78] : memref<10000x128xf32, #tpu.memory_space<hbm>> -> memref<10000x128xf32, #tpu.memory_space<hbm>>
          tpu.enqueue_indirect_dma source(%dma_start3A_79 : memref<10000x128xf32, #tpu.memory_space<hbm>>) target(%arg11 : memref<128x128xf32, #tpu.memory_space<vmem>>) offsets(%dma_start3A_76 : memref<128xi32, #tpu.memory_space<vmem>>) semaphore(%arg14 : memref<!tpu.dma_semaphore, #tpu.memory_space<semaphore_mem>>)
        } else {
        }
        %add3A_62 = arith.constant 1 : i32
        %add3A_63 = arith.addi %mul3A_43, %add3A_62 : i32
        %dma_wait3A_64 = arith.constant 0 : i32
        %dma_wait3A_65 = tpu.memref_slice %arg9[%add3A_63, %dma_wait3A_64] : memref<40x128xi32, #tpu.memory_space<vmem>> -> memref<1x128xi32, #tpu.memory_space<vmem>>
        %dma_wait3A_66 = tpu.memref_squeeze %dma_wait3A_65 : memref<1x128xi32, #tpu.memory_space<vmem>> -> memref<128xi32, #tpu.memory_space<vmem>>
        %dma_wait3A_67 = arith.constant 0 : i32
        %dma_wait3A_68 = arith.constant 0 : i32
        %dma_wait3A_69 = tpu.memref_slice %arg2[%dma_wait3A_67, %dma_wait3A_68] : memref<10000x128xf32, #tpu.memory_space<hbm>> -> memref<10000x128xf32, #tpu.memory_space<hbm>>
        tpu.wait_indirect_dma semaphore(%arg15 : memref<!tpu.dma_semaphore, #tpu.memory_space<semaphore_mem>>) src(%dma_wait3A_69 : memref<10000x128xf32, #tpu.memory_space<hbm>>) dst(%arg12 : memref<128x128xf32, #tpu.memory_space<vmem>>)
        %add3A_70 = arith.constant 1 : i32
        %add3A_71 = arith.addi %mul3A_43, %add3A_70 : i32
        "tpu.region"() ({
          %run_scoped3A = tpu.sem_alloc : memref<!tpu.dma_semaphore, #tpu.memory_space<semaphore_mem>>
          %dma_start3A_72 = arith.constant 0 : i32
          %dma_start3A_73 = tpu.memref_slice %arg10[%add3A_71, %dma_start3A_72] : memref<40x128xi32, #tpu.memory_space<vmem>> -> memref<1x128xi32, #tpu.memory_space<vmem>>
          %dma_start3A_74 = tpu.memref_squeeze %dma_start3A_73 : memref<1x128xi32, #tpu.memory_space<vmem>> -> memref<128xi32, #tpu.memory_space<vmem>>
          %dma_start3A_75 = arith.constant 0 : i32
          %dma_start3A_76 = arith.constant 0 : i32
          %dma_start3A_77 = tpu.memref_slice %arg13[%dma_start3A_75, %dma_start3A_76] : memref<10112x128xf32, #tpu.memory_space<vmem_shared>> -> memref<10112x128xf32, #tpu.memory_space<vmem_shared>>
          tpu.enqueue_indirect_dma source(%arg12 : memref<128x128xf32, #tpu.memory_space<vmem>>) target(%dma_start3A_77 : memref<10112x128xf32, #tpu.memory_space<vmem_shared>>) offsets(%dma_start3A_74 : memref<128xi32, #tpu.memory_space<vmem>>) semaphore(%run_scoped3A : memref<!tpu.dma_semaphore, #tpu.memory_space<semaphore_mem>>) {add = true}
          %dma_wait3A_78 = arith.constant 0 : i32
          %dma_wait3A_79 = tpu.memref_slice %arg10[%add3A_71, %dma_wait3A_78] : memref<40x128xi32, #tpu.memory_space<vmem>> -> memref<1x128xi32, #tpu.memory_space<vmem>>
          %dma_wait3A_80 = tpu.memref_squeeze %dma_wait3A_79 : memref<1x128xi32, #tpu.memory_space<vmem>> -> memref<128xi32, #tpu.memory_space<vmem>>
          %dma_wait3A_81 = arith.constant 0 : i32
          %dma_wait3A_82 = arith.constant 0 : i32
          %dma_wait3A_83 = tpu.memref_slice %arg13[%dma_wait3A_81, %dma_wait3A_82] : memref<10112x128xf32, #tpu.memory_space<vmem_shared>> -> memref<10112x128xf32, #tpu.memory_space<vmem_shared>>
          tpu.wait_indirect_dma semaphore(%run_scoped3A : memref<!tpu.dma_semaphore, #tpu.memory_space<semaphore_mem>>) src(%arg12 : memref<128x128xf32, #tpu.memory_space<vmem>>) dst(%dma_wait3A_83 : memref<10112x128xf32, #tpu.memory_space<vmem_shared>>)
          tpu.yield
        }) : () -> ()
      }
      %scan3A_28 = arith.constant 20 : i32
      "tpu.region"() ({
        %run_scoped3A = tpu.sem_alloc : memref<!tpu.dma_semaphore, #tpu.memory_space<semaphore_mem>>
        %dma_start3A_41 = arith.constant 0 : i32
        %dma_start3A_42 = arith.constant 0 : i32
        %dma_start3A_43 = tpu.memref_slice %arg4[%arg1, %dma_start3A_41, %dma_start3A_42] : memref<16x80x128xi32, #tpu.memory_space<hbm>> -> memref<1x80x128xi32, #tpu.memory_space<hbm>>
        %dma_start3A_44 = tpu.memref_squeeze %dma_start3A_43 : memref<1x80x128xi32, #tpu.memory_space<hbm>> -> memref<80x128xi32, #tpu.memory_space<hbm>>
        %dma_start3A_45 = arith.constant 40 : i32
        %dma_start3A_46 = arith.constant 0 : i32
        %dma_start3A_47 = tpu.memref_slice %dma_start3A_44[%dma_start3A_45, %dma_start3A_46] : memref<80x128xi32, #tpu.memory_space<hbm>> -> memref<40x128xi32, #tpu.memory_space<hbm>>
        %dma_start3A_48 = arith.constant 0 : i32
        %dma_start3A_49 = arith.constant 0 : i32
        %dma_start3A_50 = tpu.memref_slice %arg4[%arg1, %dma_start3A_48, %dma_start3A_49] : memref<16x80x128xi32, #tpu.memory_space<hbm>> -> memref<1x80x128xi32, #tpu.memory_space<hbm>>
        %dma_start3A_51 = tpu.memref_squeeze %dma_start3A_50 : memref<1x80x128xi32, #tpu.memory_space<hbm>> -> memref<80x128xi32, #tpu.memory_space<hbm>>
        %dma_start3A_52 = arith.constant 40 : i32
        %dma_start3A_53 = arith.constant 0 : i32
        %dma_start3A_54 = tpu.memref_slice %dma_start3A_51[%dma_start3A_52, %dma_start3A_53] : memref<80x128xi32, #tpu.memory_space<hbm>> -> memref<40x128xi32, #tpu.memory_space<hbm>>
        tpu.enqueue_dma source(%dma_start3A_54 : memref<40x128xi32, #tpu.memory_space<hbm>>) target(%arg9 : memref<40x128xi32, #tpu.memory_space<vmem>>) target_semaphore(%run_scoped3A : memref<!tpu.dma_semaphore, #tpu.memory_space<semaphore_mem>>)
        %dma_wait3A = arith.constant 0 : i32
        %dma_wait3A_55 = arith.constant 0 : i32
        %dma_wait3A_56 = tpu.memref_slice %arg4[%arg1, %dma_wait3A, %dma_wait3A_55] : memref<16x80x128xi32, #tpu.memory_space<hbm>> -> memref<1x80x128xi32, #tpu.memory_space<hbm>>
        %dma_wait3A_57 = tpu.memref_squeeze %dma_wait3A_56 : memref<1x80x128xi32, #tpu.memory_space<hbm>> -> memref<80x128xi32, #tpu.memory_space<hbm>>
        %dma_wait3A_58 = arith.constant 40 : i32
        %dma_wait3A_59 = arith.constant 0 : i32
        %dma_wait3A_60 = tpu.memref_slice %dma_wait3A_57[%dma_wait3A_58, %dma_wait3A_59] : memref<80x128xi32, #tpu.memory_space<hbm>> -> memref<40x128xi32, #tpu.memory_space<hbm>>
        %dma_wait3A_61 = arith.constant 0 : i32
        %dma_wait3A_62 = arith.constant 0 : i32
        %dma_wait3A_63 = tpu.memref_slice %arg4[%arg1, %dma_wait3A_61, %dma_wait3A_62] : memref<16x80x128xi32, #tpu.memory_space<hbm>> -> memref<1x80x128xi32, #tpu.memory_space<hbm>>
        %dma_wait3A_64 = tpu.memref_squeeze %dma_wait3A_63 : memref<1x80x128xi32, #tpu.memory_space<hbm>> -> memref<80x128xi32, #tpu.memory_space<hbm>>
        %dma_wait3A_65 = arith.constant 40 : i32
        %dma_wait3A_66 = arith.constant 0 : i32
        %dma_wait3A_67 = tpu.memref_slice %dma_wait3A_64[%dma_wait3A_65, %dma_wait3A_66] : memref<80x128xi32, #tpu.memory_space<hbm>> -> memref<40x128xi32, #tpu.memory_space<hbm>>
        tpu.wait_dma2 semaphore(%run_scoped3A : memref<!tpu.dma_semaphore, #tpu.memory_space<semaphore_mem>>) src(%dma_wait3A_67 : memref<40x128xi32, #tpu.memory_space<hbm>>) dst(%arg9 : memref<40x128xi32, #tpu.memory_space<vmem>>)
        tpu.yield
      }) : () -> ()
      "tpu.region"() ({
        %run_scoped3A = tpu.sem_alloc : memref<!tpu.dma_semaphore, #tpu.memory_space<semaphore_mem>>
        %dma_start3A_41 = arith.constant 0 : i32
        %dma_start3A_42 = arith.constant 0 : i32
        %dma_start3A_43 = tpu.memref_slice %arg5[%arg1, %dma_start3A_41, %dma_start3A_42] : memref<16x80x128xi32, #tpu.memory_space<hbm>> -> memref<1x80x128xi32, #tpu.memory_space<hbm>>
        %dma_start3A_44 = tpu.memref_squeeze %dma_start3A_43 : memref<1x80x128xi32, #tpu.memory_space<hbm>> -> memref<80x128xi32, #tpu.memory_space<hbm>>
        %dma_start3A_45 = arith.constant 40 : i32
        %dma_start3A_46 = arith.constant 0 : i32
        %dma_start3A_47 = tpu.memref_slice %dma_start3A_44[%dma_start3A_45, %dma_start3A_46] : memref<80x128xi32, #tpu.memory_space<hbm>> -> memref<40x128xi32, #tpu.memory_space<hbm>>
        %dma_start3A_48 = arith.constant 0 : i32
        %dma_start3A_49 = arith.constant 0 : i32
        %dma_start3A_50 = tpu.memref_slice %arg5[%arg1, %dma_start3A_48, %dma_start3A_49] : memref<16x80x128xi32, #tpu.memory_space<hbm>> -> memref<1x80x128xi32, #tpu.memory_space<hbm>>
        %dma_start3A_51 = tpu.memref_squeeze %dma_start3A_50 : memref<1x80x128xi32, #tpu.memory_space<hbm>> -> memref<80x128xi32, #tpu.memory_space<hbm>>
        %dma_start3A_52 = arith.constant 40 : i32
        %dma_start3A_53 = arith.constant 0 : i32
        %dma_start3A_54 = tpu.memref_slice %dma_start3A_51[%dma_start3A_52, %dma_start3A_53] : memref<80x128xi32, #tpu.memory_space<hbm>> -> memref<40x128xi32, #tpu.memory_space<hbm>>
        tpu.enqueue_dma source(%dma_start3A_54 : memref<40x128xi32, #tpu.memory_space<hbm>>) target(%arg10 : memref<40x128xi32, #tpu.memory_space<vmem>>) target_semaphore(%run_scoped3A : memref<!tpu.dma_semaphore, #tpu.memory_space<semaphore_mem>>)
        %dma_wait3A = arith.constant 0 : i32
        %dma_wait3A_55 = arith.constant 0 : i32
        %dma_wait3A_56 = tpu.memref_slice %arg5[%arg1, %dma_wait3A, %dma_wait3A_55] : memref<16x80x128xi32, #tpu.memory_space<hbm>> -> memref<1x80x128xi32, #tpu.memory_space<hbm>>
        %dma_wait3A_57 = tpu.memref_squeeze %dma_wait3A_56 : memref<1x80x128xi32, #tpu.memory_space<hbm>> -> memref<80x128xi32, #tpu.memory_space<hbm>>
        %dma_wait3A_58 = arith.constant 40 : i32
        %dma_wait3A_59 = arith.constant 0 : i32
        %dma_wait3A_60 = tpu.memref_slice %dma_wait3A_57[%dma_wait3A_58, %dma_wait3A_59] : memref<80x128xi32, #tpu.memory_space<hbm>> -> memref<40x128xi32, #tpu.memory_space<hbm>>
        %dma_wait3A_61 = arith.constant 0 : i32
        %dma_wait3A_62 = arith.constant 0 : i32
        %dma_wait3A_63 = tpu.memref_slice %arg5[%arg1, %dma_wait3A_61, %dma_wait3A_62] : memref<16x80x128xi32, #tpu.memory_space<hbm>> -> memref<1x80x128xi32, #tpu.memory_space<hbm>>
        %dma_wait3A_64 = tpu.memref_squeeze %dma_wait3A_63 : memref<1x80x128xi32, #tpu.memory_space<hbm>> -> memref<80x128xi32, #tpu.memory_space<hbm>>
        %dma_wait3A_65 = arith.constant 40 : i32
        %dma_wait3A_66 = arith.constant 0 : i32
        %dma_wait3A_67 = tpu.memref_slice %dma_wait3A_64[%dma_wait3A_65, %dma_wait3A_66] : memref<80x128xi32, #tpu.memory_space<hbm>> -> memref<40x128xi32, #tpu.memory_space<hbm>>
        tpu.wait_dma2 semaphore(%run_scoped3A : memref<!tpu.dma_semaphore, #tpu.memory_space<semaphore_mem>>) src(%dma_wait3A_67 : memref<40x128xi32, #tpu.memory_space<hbm>>) dst(%arg10 : memref<40x128xi32, #tpu.memory_space<vmem>>)
        tpu.yield
      }) : () -> ()
      %dma_start3A_29 = arith.constant 0 : i32
      %dma_start3A_30 = arith.constant 0 : i32
      %dma_start3A_31 = tpu.memref_slice %arg9[%dma_start3A_29, %dma_start3A_30] : memref<40x128xi32, #tpu.memory_space<vmem>> -> memref<1x128xi32, #tpu.memory_space<vmem>>
      %dma_start3A_32 = tpu.memref_squeeze %dma_start3A_31 : memref<1x128xi32, #tpu.memory_space<vmem>> -> memref<128xi32, #tpu.memory_space<vmem>>
      %dma_start3A_33 = arith.constant 0 : i32
      %dma_start3A_34 = arith.constant 0 : i32
      %dma_start3A_35 = tpu.memref_slice %arg2[%dma_start3A_33, %dma_start3A_34] : memref<10000x128xf32, #tpu.memory_space<hbm>> -> memref<10000x128xf32, #tpu.memory_space<hbm>>
      tpu.enqueue_indirect_dma source(%dma_start3A_35 : memref<10000x128xf32, #tpu.memory_space<hbm>>) target(%arg11 : memref<128x128xf32, #tpu.memory_space<vmem>>) offsets(%dma_start3A_32 : memref<128xi32, #tpu.memory_space<vmem>>) semaphore(%arg14 : memref<!tpu.dma_semaphore, #tpu.memory_space<semaphore_mem>>)
      %scan3A_36 = arith.constant 0 : i32
      %scan3A_37 = arith.constant 20 : i32
      %scan3A_38 = arith.addi %scan3A_36, %scan3A_37 : i32
      %scan3A_39 = arith.constant 1 : i32
      scf.for %scan3A_41 = %scan3A_36 to %scan3A_38 step %scan3A_39  : i32 {
        %mul3A_42 = arith.constant 2 : i32
        %mul3A_43 = arith.muli %scan3A_41, %mul3A_42 : i32
        %add3A = arith.constant 1 : i32
        %add3A_44 = arith.addi %mul3A_43, %add3A : i32
        %dma_start3A_45 = arith.constant 0 : i32
        %dma_start3A_46 = tpu.memref_slice %arg9[%add3A_44, %dma_start3A_45] : memref<40x128xi32, #tpu.memory_space<vmem>> -> memref<1x128xi32, #tpu.memory_space<vmem>>
        %dma_start3A_47 = tpu.memref_squeeze %dma_start3A_46 : memref<1x128xi32, #tpu.memory_space<vmem>> -> memref<128xi32, #tpu.memory_space<vmem>>
        %dma_start3A_48 = arith.constant 0 : i32
        %dma_start3A_49 = arith.constant 0 : i32
        %dma_start3A_50 = tpu.memref_slice %arg2[%dma_start3A_48, %dma_start3A_49] : memref<10000x128xf32, #tpu.memory_space<hbm>> -> memref<10000x128xf32, #tpu.memory_space<hbm>>
        tpu.enqueue_indirect_dma source(%dma_start3A_50 : memref<10000x128xf32, #tpu.memory_space<hbm>>) target(%arg12 : memref<128x128xf32, #tpu.memory_space<vmem>>) offsets(%dma_start3A_47 : memref<128xi32, #tpu.memory_space<vmem>>) semaphore(%arg15 : memref<!tpu.dma_semaphore, #tpu.memory_space<semaphore_mem>>)
        %dma_wait3A = arith.constant 0 : i32
        %dma_wait3A_51 = tpu.memref_slice %arg9[%mul3A_43, %dma_wait3A] : memref<40x128xi32, #tpu.memory_space<vmem>> -> memref<1x128xi32, #tpu.memory_space<vmem>>
        %dma_wait3A_52 = tpu.memref_squeeze %dma_wait3A_51 : memref<1x128xi32, #tpu.memory_space<vmem>> -> memref<128xi32, #tpu.memory_space<vmem>>
        %dma_wait3A_53 = arith.constant 0 : i32
        %dma_wait3A_54 = arith.constant 0 : i32
        %dma_wait3A_55 = tpu.memref_slice %arg2[%dma_wait3A_53, %dma_wait3A_54] : memref<10000x128xf32, #tpu.memory_space<hbm>> -> memref<10000x128xf32, #tpu.memory_space<hbm>>
        tpu.wait_indirect_dma semaphore(%arg14 : memref<!tpu.dma_semaphore, #tpu.memory_space<semaphore_mem>>) src(%dma_wait3A_55 : memref<10000x128xf32, #tpu.memory_space<hbm>>) dst(%arg11 : memref<128x128xf32, #tpu.memory_space<vmem>>)
        "tpu.region"() ({
          %run_scoped3A = tpu.sem_alloc : memref<!tpu.dma_semaphore, #tpu.memory_space<semaphore_mem>>
          %dma_start3A_72 = arith.constant 0 : i32
          %dma_start3A_73 = tpu.memref_slice %arg10[%mul3A_43, %dma_start3A_72] : memref<40x128xi32, #tpu.memory_space<vmem>> -> memref<1x128xi32, #tpu.memory_space<vmem>>
          %dma_start3A_74 = tpu.memref_squeeze %dma_start3A_73 : memref<1x128xi32, #tpu.memory_space<vmem>> -> memref<128xi32, #tpu.memory_space<vmem>>
          %dma_start3A_75 = arith.constant 0 : i32
          %dma_start3A_76 = arith.constant 0 : i32
          %dma_start3A_77 = tpu.memref_slice %arg13[%dma_start3A_75, %dma_start3A_76] : memref<10112x128xf32, #tpu.memory_space<vmem_shared>> -> memref<10112x128xf32, #tpu.memory_space<vmem_shared>>
          tpu.enqueue_indirect_dma source(%arg11 : memref<128x128xf32, #tpu.memory_space<vmem>>) target(%dma_start3A_77 : memref<10112x128xf32, #tpu.memory_space<vmem_shared>>) offsets(%dma_start3A_74 : memref<128xi32, #tpu.memory_space<vmem>>) semaphore(%run_scoped3A : memref<!tpu.dma_semaphore, #tpu.memory_space<semaphore_mem>>) {add = true}
          %dma_wait3A_78 = arith.constant 0 : i32
          %dma_wait3A_79 = tpu.memref_slice %arg10[%mul3A_43, %dma_wait3A_78] : memref<40x128xi32, #tpu.memory_space<vmem>> -> memref<1x128xi32, #tpu.memory_space<vmem>>
          %dma_wait3A_80 = tpu.memref_squeeze %dma_wait3A_79 : memref<1x128xi32, #tpu.memory_space<vmem>> -> memref<128xi32, #tpu.memory_space<vmem>>
          %dma_wait3A_81 = arith.constant 0 : i32
          %dma_wait3A_82 = arith.constant 0 : i32
          %dma_wait3A_83 = tpu.memref_slice %arg13[%dma_wait3A_81, %dma_wait3A_82] : memref<10112x128xf32, #tpu.memory_space<vmem_shared>> -> memref<10112x128xf32, #tpu.memory_space<vmem_shared>>
          tpu.wait_indirect_dma semaphore(%run_scoped3A : memref<!tpu.dma_semaphore, #tpu.memory_space<semaphore_mem>>) src(%arg11 : memref<128x128xf32, #tpu.memory_space<vmem>>) dst(%dma_wait3A_83 : memref<10112x128xf32, #tpu.memory_space<vmem_shared>>)
          tpu.yield
        }) : () -> ()
        %add3A_56 = arith.constant 2 : i32
        %add3A_57 = arith.addi %mul3A_43, %add3A_56 : i32
        %lt3A = arith.constant 40 : i32
        %lt3A_58 = arith.cmpi slt, %add3A_57, %lt3A : i32
        %convert_element_type3A_59 = arith.extui %lt3A_58 : i1 to i32
        %cond3A_60 = arith.constant 0 : i32
        %cond3A_61 = arith.cmpi ne, %convert_element_type3A_59, %cond3A_60 : i32
        scf.if %cond3A_61 {
          %add3A_72 = arith.constant 2 : i32
          %add3A_73 = arith.addi %mul3A_43, %add3A_72 : i32
          %dma_start3A_74 = arith.constant 0 : i32
          %dma_start3A_75 = tpu.memref_slice %arg9[%add3A_73, %dma_start3A_74] : memref<40x128xi32, #tpu.memory_space<vmem>> -> memref<1x128xi32, #tpu.memory_space<vmem>>
          %dma_start3A_76 = tpu.memref_squeeze %dma_start3A_75 : memref<1x128xi32, #tpu.memory_space<vmem>> -> memref<128xi32, #tpu.memory_space<vmem>>
          %dma_start3A_77 = arith.constant 0 : i32
          %dma_start3A_78 = arith.constant 0 : i32
          %dma_start3A_79 = tpu.memref_slice %arg2[%dma_start3A_77, %dma_start3A_78] : memref<10000x128xf32, #tpu.memory_space<hbm>> -> memref<10000x128xf32, #tpu.memory_space<hbm>>
          tpu.enqueue_indirect_dma source(%dma_start3A_79 : memref<10000x128xf32, #tpu.memory_space<hbm>>) target(%arg11 : memref<128x128xf32, #tpu.memory_space<vmem>>) offsets(%dma_start3A_76 : memref<128xi32, #tpu.memory_space<vmem>>) semaphore(%arg14 : memref<!tpu.dma_semaphore, #tpu.memory_space<semaphore_mem>>)
        } else {
        }
        %add3A_62 = arith.constant 1 : i32
        %add3A_63 = arith.addi %mul3A_43, %add3A_62 : i32
        %dma_wait3A_64 = arith.constant 0 : i32
        %dma_wait3A_65 = tpu.memref_slice %arg9[%add3A_63, %dma_wait3A_64] : memref<40x128xi32, #tpu.memory_space<vmem>> -> memref<1x128xi32, #tpu.memory_space<vmem>>
        %dma_wait3A_66 = tpu.memref_squeeze %dma_wait3A_65 : memref<1x128xi32, #tpu.memory_space<vmem>> -> memref<128xi32, #tpu.memory_space<vmem>>
        %dma_wait3A_67 = arith.constant 0 : i32
        %dma_wait3A_68 = arith.constant 0 : i32
        %dma_wait3A_69 = tpu.memref_slice %arg2[%dma_wait3A_67, %dma_wait3A_68] : memref<10000x128xf32, #tpu.memory_space<hbm>> -> memref<10000x128xf32, #tpu.memory_space<hbm>>
        tpu.wait_indirect_dma semaphore(%arg15 : memref<!tpu.dma_semaphore, #tpu.memory_space<semaphore_mem>>) src(%dma_wait3A_69 : memref<10000x128xf32, #tpu.memory_space<hbm>>) dst(%arg12 : memref<128x128xf32, #tpu.memory_space<vmem>>)
        %add3A_70 = arith.constant 1 : i32
        %add3A_71 = arith.addi %mul3A_43, %add3A_70 : i32
        "tpu.region"() ({
          %run_scoped3A = tpu.sem_alloc : memref<!tpu.dma_semaphore, #tpu.memory_space<semaphore_mem>>
          %dma_start3A_72 = arith.constant 0 : i32
          %dma_start3A_73 = tpu.memref_slice %arg10[%add3A_71, %dma_start3A_72] : memref<40x128xi32, #tpu.memory_space<vmem>> -> memref<1x128xi32, #tpu.memory_space<vmem>>
          %dma_start3A_74 = tpu.memref_squeeze %dma_start3A_73 : memref<1x128xi32, #tpu.memory_space<vmem>> -> memref<128xi32, #tpu.memory_space<vmem>>
          %dma_start3A_75 = arith.constant 0 : i32
          %dma_start3A_76 = arith.constant 0 : i32
          %dma_start3A_77 = tpu.memref_slice %arg13[%dma_start3A_75, %dma_start3A_76] : memref<10112x128xf32, #tpu.memory_space<vmem_shared>> -> memref<10112x128xf32, #tpu.memory_space<vmem_shared>>
          tpu.enqueue_indirect_dma source(%arg12 : memref<128x128xf32, #tpu.memory_space<vmem>>) target(%dma_start3A_77 : memref<10112x128xf32, #tpu.memory_space<vmem_shared>>) offsets(%dma_start3A_74 : memref<128xi32, #tpu.memory_space<vmem>>) semaphore(%run_scoped3A : memref<!tpu.dma_semaphore, #tpu.memory_space<semaphore_mem>>) {add = true}
          %dma_wait3A_78 = arith.constant 0 : i32
          %dma_wait3A_79 = tpu.memref_slice %arg10[%add3A_71, %dma_wait3A_78] : memref<40x128xi32, #tpu.memory_space<vmem>> -> memref<1x128xi32, #tpu.memory_space<vmem>>
          %dma_wait3A_80 = tpu.memref_squeeze %dma_wait3A_79 : memref<1x128xi32, #tpu.memory_space<vmem>> -> memref<128xi32, #tpu.memory_space<vmem>>
          %dma_wait3A_81 = arith.constant 0 : i32
          %dma_wait3A_82 = arith.constant 0 : i32
          %dma_wait3A_83 = tpu.memref_slice %arg13[%dma_wait3A_81, %dma_wait3A_82] : memref<10112x128xf32, #tpu.memory_space<vmem_shared>> -> memref<10112x128xf32, #tpu.memory_space<vmem_shared>>
          tpu.wait_indirect_dma semaphore(%run_scoped3A : memref<!tpu.dma_semaphore, #tpu.memory_space<semaphore_mem>>) src(%arg12 : memref<128x128xf32, #tpu.memory_space<vmem>>) dst(%dma_wait3A_83 : memref<10112x128xf32, #tpu.memory_space<vmem_shared>>)
          tpu.yield
        }) : () -> ()
      }
      %scan3A_40 = arith.constant 20 : i32
    } else {
    }
    %eq3A_3 = arith.constant 1 : i32
    %eq3A_4 = arith.cmpi eq, %arg0, %eq3A_3 : i32
    %convert_element_type3A_5 = arith.extui %eq3A_4 : i1 to i32
    %cond3A_6 = arith.constant 0 : i32
    %cond3A_7 = arith.cmpi ne, %convert_element_type3A_5, %cond3A_6 : i32
    scf.if %cond3A_7 {
      "tpu.region"() ({
        %run_scoped3A = tpu.sem_alloc : memref<!tpu.dma_semaphore, #tpu.memory_space<semaphore_mem>>
        %dma_start3A_41 = arith.constant 0 : i32
        %dma_start3A_42 = arith.constant 0 : i32
        %dma_start3A_43 = tpu.memref_slice %arg4[%arg1, %dma_start3A_41, %dma_start3A_42] : memref<16x80x128xi32, #tpu.memory_space<hbm>> -> memref<1x80x128xi32, #tpu.memory_space<hbm>>
        %dma_start3A_44 = tpu.memref_squeeze %dma_start3A_43 : memref<1x80x128xi32, #tpu.memory_space<hbm>> -> memref<80x128xi32, #tpu.memory_space<hbm>>
        %dma_start3A_45 = arith.constant 0 : i32
        %dma_start3A_46 = arith.constant 0 : i32
        %dma_start3A_47 = tpu.memref_slice %dma_start3A_44[%dma_start3A_45, %dma_start3A_46] : memref<80x128xi32, #tpu.memory_space<hbm>> -> memref<40x128xi32, #tpu.memory_space<hbm>>
        %dma_start3A_48 = arith.constant 0 : i32
        %dma_start3A_49 = arith.constant 0 : i32
        %dma_start3A_50 = tpu.memref_slice %arg4[%arg1, %dma_start3A_48, %dma_start3A_49] : memref<16x80x128xi32, #tpu.memory_space<hbm>> -> memref<1x80x128xi32, #tpu.memory_space<hbm>>
        %dma_start3A_51 = tpu.memref_squeeze %dma_start3A_50 : memref<1x80x128xi32, #tpu.memory_space<hbm>> -> memref<80x128xi32, #tpu.memory_space<hbm>>
        %dma_start3A_52 = arith.constant 0 : i32
        %dma_start3A_53 = arith.constant 0 : i32
        %dma_start3A_54 = tpu.memref_slice %dma_start3A_51[%dma_start3A_52, %dma_start3A_53] : memref<80x128xi32, #tpu.memory_space<hbm>> -> memref<40x128xi32, #tpu.memory_space<hbm>>
        tpu.enqueue_dma source(%dma_start3A_54 : memref<40x128xi32, #tpu.memory_space<hbm>>) target(%arg9 : memref<40x128xi32, #tpu.memory_space<vmem>>) target_semaphore(%run_scoped3A : memref<!tpu.dma_semaphore, #tpu.memory_space<semaphore_mem>>)
        %dma_wait3A = arith.constant 0 : i32
        %dma_wait3A_55 = arith.constant 0 : i32
        %dma_wait3A_56 = tpu.memref_slice %arg4[%arg1, %dma_wait3A, %dma_wait3A_55] : memref<16x80x128xi32, #tpu.memory_space<hbm>> -> memref<1x80x128xi32, #tpu.memory_space<hbm>>
        %dma_wait3A_57 = tpu.memref_squeeze %dma_wait3A_56 : memref<1x80x128xi32, #tpu.memory_space<hbm>> -> memref<80x128xi32, #tpu.memory_space<hbm>>
        %dma_wait3A_58 = arith.constant 0 : i32
        %dma_wait3A_59 = arith.constant 0 : i32
        %dma_wait3A_60 = tpu.memref_slice %dma_wait3A_57[%dma_wait3A_58, %dma_wait3A_59] : memref<80x128xi32, #tpu.memory_space<hbm>> -> memref<40x128xi32, #tpu.memory_space<hbm>>
        %dma_wait3A_61 = arith.constant 0 : i32
        %dma_wait3A_62 = arith.constant 0 : i32
        %dma_wait3A_63 = tpu.memref_slice %arg4[%arg1, %dma_wait3A_61, %dma_wait3A_62] : memref<16x80x128xi32, #tpu.memory_space<hbm>> -> memref<1x80x128xi32, #tpu.memory_space<hbm>>
        %dma_wait3A_64 = tpu.memref_squeeze %dma_wait3A_63 : memref<1x80x128xi32, #tpu.memory_space<hbm>> -> memref<80x128xi32, #tpu.memory_space<hbm>>
        %dma_wait3A_65 = arith.constant 0 : i32
        %dma_wait3A_66 = arith.constant 0 : i32
        %dma_wait3A_67 = tpu.memref_slice %dma_wait3A_64[%dma_wait3A_65, %dma_wait3A_66] : memref<80x128xi32, #tpu.memory_space<hbm>> -> memref<40x128xi32, #tpu.memory_space<hbm>>
        tpu.wait_dma2 semaphore(%run_scoped3A : memref<!tpu.dma_semaphore, #tpu.memory_space<semaphore_mem>>) src(%dma_wait3A_67 : memref<40x128xi32, #tpu.memory_space<hbm>>) dst(%arg9 : memref<40x128xi32, #tpu.memory_space<vmem>>)
        tpu.yield
      }) : () -> ()
      "tpu.region"() ({
        %run_scoped3A = tpu.sem_alloc : memref<!tpu.dma_semaphore, #tpu.memory_space<semaphore_mem>>
        %dma_start3A_41 = arith.constant 0 : i32
        %dma_start3A_42 = arith.constant 0 : i32
        %dma_start3A_43 = tpu.memref_slice %arg5[%arg1, %dma_start3A_41, %dma_start3A_42] : memref<16x80x128xi32, #tpu.memory_space<hbm>> -> memref<1x80x128xi32, #tpu.memory_space<hbm>>
        %dma_start3A_44 = tpu.memref_squeeze %dma_start3A_43 : memref<1x80x128xi32, #tpu.memory_space<hbm>> -> memref<80x128xi32, #tpu.memory_space<hbm>>
        %dma_start3A_45 = arith.constant 0 : i32
        %dma_start3A_46 = arith.constant 0 : i32
        %dma_start3A_47 = tpu.memref_slice %dma_start3A_44[%dma_start3A_45, %dma_start3A_46] : memref<80x128xi32, #tpu.memory_space<hbm>> -> memref<40x128xi32, #tpu.memory_space<hbm>>
        %dma_start3A_48 = arith.constant 0 : i32
        %dma_start3A_49 = arith.constant 0 : i32
        %dma_start3A_50 = tpu.memref_slice %arg5[%arg1, %dma_start3A_48, %dma_start3A_49] : memref<16x80x128xi32, #tpu.memory_space<hbm>> -> memref<1x80x128xi32, #tpu.memory_space<hbm>>
        %dma_start3A_51 = tpu.memref_squeeze %dma_start3A_50 : memref<1x80x128xi32, #tpu.memory_space<hbm>> -> memref<80x128xi32, #tpu.memory_space<hbm>>
        %dma_start3A_52 = arith.constant 0 : i32
        %dma_start3A_53 = arith.constant 0 : i32
        %dma_start3A_54 = tpu.memref_slice %dma_start3A_51[%dma_start3A_52, %dma_start3A_53] : memref<80x128xi32, #tpu.memory_space<hbm>> -> memref<40x128xi32, #tpu.memory_space<hbm>>
        tpu.enqueue_dma source(%dma_start3A_54 : memref<40x128xi32, #tpu.memory_space<hbm>>) target(%arg10 : memref<40x128xi32, #tpu.memory_space<vmem>>) target_semaphore(%run_scoped3A : memref<!tpu.dma_semaphore, #tpu.memory_space<semaphore_mem>>)
        %dma_wait3A = arith.constant 0 : i32
        %dma_wait3A_55 = arith.constant 0 : i32
        %dma_wait3A_56 = tpu.memref_slice %arg5[%arg1, %dma_wait3A, %dma_wait3A_55] : memref<16x80x128xi32, #tpu.memory_space<hbm>> -> memref<1x80x128xi32, #tpu.memory_space<hbm>>
        %dma_wait3A_57 = tpu.memref_squeeze %dma_wait3A_56 : memref<1x80x128xi32, #tpu.memory_space<hbm>> -> memref<80x128xi32, #tpu.memory_space<hbm>>
        %dma_wait3A_58 = arith.constant 0 : i32
        %dma_wait3A_59 = arith.constant 0 : i32
        %dma_wait3A_60 = tpu.memref_slice %dma_wait3A_57[%dma_wait3A_58, %dma_wait3A_59] : memref<80x128xi32, #tpu.memory_space<hbm>> -> memref<40x128xi32, #tpu.memory_space<hbm>>
        %dma_wait3A_61 = arith.constant 0 : i32
        %dma_wait3A_62 = arith.constant 0 : i32
        %dma_wait3A_63 = tpu.memref_slice %arg5[%arg1, %dma_wait3A_61, %dma_wait3A_62] : memref<16x80x128xi32, #tpu.memory_space<hbm>> -> memref<1x80x128xi32, #tpu.memory_space<hbm>>
        %dma_wait3A_64 = tpu.memref_squeeze %dma_wait3A_63 : memref<1x80x128xi32, #tpu.memory_space<hbm>> -> memref<80x128xi32, #tpu.memory_space<hbm>>
        %dma_wait3A_65 = arith.constant 0 : i32
        %dma_wait3A_66 = arith.constant 0 : i32
        %dma_wait3A_67 = tpu.memref_slice %dma_wait3A_64[%dma_wait3A_65, %dma_wait3A_66] : memref<80x128xi32, #tpu.memory_space<hbm>> -> memref<40x128xi32, #tpu.memory_space<hbm>>
        tpu.wait_dma2 semaphore(%run_scoped3A : memref<!tpu.dma_semaphore, #tpu.memory_space<semaphore_mem>>) src(%dma_wait3A_67 : memref<40x128xi32, #tpu.memory_space<hbm>>) dst(%arg10 : memref<40x128xi32, #tpu.memory_space<vmem>>)
        tpu.yield
      }) : () -> ()
      %dma_start3A = arith.constant 0 : i32
      %dma_start3A_19 = arith.constant 0 : i32
      %dma_start3A_20 = tpu.memref_slice %arg9[%dma_start3A, %dma_start3A_19] : memref<40x128xi32, #tpu.memory_space<vmem>> -> memref<1x128xi32, #tpu.memory_space<vmem>>
      %dma_start3A_21 = tpu.memref_squeeze %dma_start3A_20 : memref<1x128xi32, #tpu.memory_space<vmem>> -> memref<128xi32, #tpu.memory_space<vmem>>
      %dma_start3A_22 = arith.constant 0 : i32
      %dma_start3A_23 = arith.constant 0 : i32
      %dma_start3A_24 = tpu.memref_slice %arg3[%dma_start3A_22, %dma_start3A_23] : memref<10000x128xf32, #tpu.memory_space<hbm>> -> memref<10000x128xf32, #tpu.memory_space<hbm>>
      tpu.enqueue_indirect_dma source(%dma_start3A_24 : memref<10000x128xf32, #tpu.memory_space<hbm>>) target(%arg11 : memref<128x128xf32, #tpu.memory_space<vmem>>) offsets(%dma_start3A_21 : memref<128xi32, #tpu.memory_space<vmem>>) semaphore(%arg14 : memref<!tpu.dma_semaphore, #tpu.memory_space<semaphore_mem>>)
      %scan3A = arith.constant 0 : i32
      %scan3A_25 = arith.constant 20 : i32
      %scan3A_26 = arith.addi %scan3A, %scan3A_25 : i32
      %scan3A_27 = arith.constant 1 : i32
      scf.for %scan3A_41 = %scan3A to %scan3A_26 step %scan3A_27  : i32 {
        %mul3A_42 = arith.constant 2 : i32
        %mul3A_43 = arith.muli %scan3A_41, %mul3A_42 : i32
        %add3A = arith.constant 1 : i32
        %add3A_44 = arith.addi %mul3A_43, %add3A : i32
        %dma_start3A_45 = arith.constant 0 : i32
        %dma_start3A_46 = tpu.memref_slice %arg9[%add3A_44, %dma_start3A_45] : memref<40x128xi32, #tpu.memory_space<vmem>> -> memref<1x128xi32, #tpu.memory_space<vmem>>
        %dma_start3A_47 = tpu.memref_squeeze %dma_start3A_46 : memref<1x128xi32, #tpu.memory_space<vmem>> -> memref<128xi32, #tpu.memory_space<vmem>>
        %dma_start3A_48 = arith.constant 0 : i32
        %dma_start3A_49 = arith.constant 0 : i32
        %dma_start3A_50 = tpu.memref_slice %arg3[%dma_start3A_48, %dma_start3A_49] : memref<10000x128xf32, #tpu.memory_space<hbm>> -> memref<10000x128xf32, #tpu.memory_space<hbm>>
        tpu.enqueue_indirect_dma source(%dma_start3A_50 : memref<10000x128xf32, #tpu.memory_space<hbm>>) target(%arg12 : memref<128x128xf32, #tpu.memory_space<vmem>>) offsets(%dma_start3A_47 : memref<128xi32, #tpu.memory_space<vmem>>) semaphore(%arg15 : memref<!tpu.dma_semaphore, #tpu.memory_space<semaphore_mem>>)
        %dma_wait3A = arith.constant 0 : i32
        %dma_wait3A_51 = tpu.memref_slice %arg9[%mul3A_43, %dma_wait3A] : memref<40x128xi32, #tpu.memory_space<vmem>> -> memref<1x128xi32, #tpu.memory_space<vmem>>
        %dma_wait3A_52 = tpu.memref_squeeze %dma_wait3A_51 : memref<1x128xi32, #tpu.memory_space<vmem>> -> memref<128xi32, #tpu.memory_space<vmem>>
        %dma_wait3A_53 = arith.constant 0 : i32
        %dma_wait3A_54 = arith.constant 0 : i32
        %dma_wait3A_55 = tpu.memref_slice %arg3[%dma_wait3A_53, %dma_wait3A_54] : memref<10000x128xf32, #tpu.memory_space<hbm>> -> memref<10000x128xf32, #tpu.memory_space<hbm>>
        tpu.wait_indirect_dma semaphore(%arg14 : memref<!tpu.dma_semaphore, #tpu.memory_space<semaphore_mem>>) src(%dma_wait3A_55 : memref<10000x128xf32, #tpu.memory_space<hbm>>) dst(%arg11 : memref<128x128xf32, #tpu.memory_space<vmem>>)
        "tpu.region"() ({
          %run_scoped3A = tpu.sem_alloc : memref<!tpu.dma_semaphore, #tpu.memory_space<semaphore_mem>>
          %dma_start3A_72 = arith.constant 0 : i32
          %dma_start3A_73 = tpu.memref_slice %arg10[%mul3A_43, %dma_start3A_72] : memref<40x128xi32, #tpu.memory_space<vmem>> -> memref<1x128xi32, #tpu.memory_space<vmem>>
          %dma_start3A_74 = tpu.memref_squeeze %dma_start3A_73 : memref<1x128xi32, #tpu.memory_space<vmem>> -> memref<128xi32, #tpu.memory_space<vmem>>
          %dma_start3A_75 = arith.constant 0 : i32
          %dma_start3A_76 = arith.constant 0 : i32
          %dma_start3A_77 = tpu.memref_slice %arg13[%dma_start3A_75, %dma_start3A_76] : memref<10112x128xf32, #tpu.memory_space<vmem_shared>> -> memref<10112x128xf32, #tpu.memory_space<vmem_shared>>
          tpu.enqueue_indirect_dma source(%arg11 : memref<128x128xf32, #tpu.memory_space<vmem>>) target(%dma_start3A_77 : memref<10112x128xf32, #tpu.memory_space<vmem_shared>>) offsets(%dma_start3A_74 : memref<128xi32, #tpu.memory_space<vmem>>) semaphore(%run_scoped3A : memref<!tpu.dma_semaphore, #tpu.memory_space<semaphore_mem>>) {add = true}
          %dma_wait3A_78 = arith.constant 0 : i32
          %dma_wait3A_79 = tpu.memref_slice %arg10[%mul3A_43, %dma_wait3A_78] : memref<40x128xi32, #tpu.memory_space<vmem>> -> memref<1x128xi32, #tpu.memory_space<vmem>>
          %dma_wait3A_80 = tpu.memref_squeeze %dma_wait3A_79 : memref<1x128xi32, #tpu.memory_space<vmem>> -> memref<128xi32, #tpu.memory_space<vmem>>
          %dma_wait3A_81 = arith.constant 0 : i32
          %dma_wait3A_82 = arith.constant 0 : i32
          %dma_wait3A_83 = tpu.memref_slice %arg13[%dma_wait3A_81, %dma_wait3A_82] : memref<10112x128xf32, #tpu.memory_space<vmem_shared>> -> memref<10112x128xf32, #tpu.memory_space<vmem_shared>>
          tpu.wait_indirect_dma semaphore(%run_scoped3A : memref<!tpu.dma_semaphore, #tpu.memory_space<semaphore_mem>>) src(%arg11 : memref<128x128xf32, #tpu.memory_space<vmem>>) dst(%dma_wait3A_83 : memref<10112x128xf32, #tpu.memory_space<vmem_shared>>)
          tpu.yield
        }) : () -> ()
        %add3A_56 = arith.constant 2 : i32
        %add3A_57 = arith.addi %mul3A_43, %add3A_56 : i32
        %lt3A = arith.constant 40 : i32
        %lt3A_58 = arith.cmpi slt, %add3A_57, %lt3A : i32
        %convert_element_type3A_59 = arith.extui %lt3A_58 : i1 to i32
        %cond3A_60 = arith.constant 0 : i32
        %cond3A_61 = arith.cmpi ne, %convert_element_type3A_59, %cond3A_60 : i32
        scf.if %cond3A_61 {
          %add3A_72 = arith.constant 2 : i32
          %add3A_73 = arith.addi %mul3A_43, %add3A_72 : i32
          %dma_start3A_74 = arith.constant 0 : i32
          %dma_start3A_75 = tpu.memref_slice %arg9[%add3A_73, %dma_start3A_74] : memref<40x128xi32, #tpu.memory_space<vmem>> -> memref<1x128xi32, #tpu.memory_space<vmem>>
          %dma_start3A_76 = tpu.memref_squeeze %dma_start3A_75 : memref<1x128xi32, #tpu.memory_space<vmem>> -> memref<128xi32, #tpu.memory_space<vmem>>
          %dma_start3A_77 = arith.constant 0 : i32
          %dma_start3A_78 = arith.constant 0 : i32
          %dma_start3A_79 = tpu.memref_slice %arg3[%dma_start3A_77, %dma_start3A_78] : memref<10000x128xf32, #tpu.memory_space<hbm>> -> memref<10000x128xf32, #tpu.memory_space<hbm>>
          tpu.enqueue_indirect_dma source(%dma_start3A_79 : memref<10000x128xf32, #tpu.memory_space<hbm>>) target(%arg11 : memref<128x128xf32, #tpu.memory_space<vmem>>) offsets(%dma_start3A_76 : memref<128xi32, #tpu.memory_space<vmem>>) semaphore(%arg14 : memref<!tpu.dma_semaphore, #tpu.memory_space<semaphore_mem>>)
        } else {
        }
        %add3A_62 = arith.constant 1 : i32
        %add3A_63 = arith.addi %mul3A_43, %add3A_62 : i32
        %dma_wait3A_64 = arith.constant 0 : i32
        %dma_wait3A_65 = tpu.memref_slice %arg9[%add3A_63, %dma_wait3A_64] : memref<40x128xi32, #tpu.memory_space<vmem>> -> memref<1x128xi32, #tpu.memory_space<vmem>>
        %dma_wait3A_66 = tpu.memref_squeeze %dma_wait3A_65 : memref<1x128xi32, #tpu.memory_space<vmem>> -> memref<128xi32, #tpu.memory_space<vmem>>
        %dma_wait3A_67 = arith.constant 0 : i32
        %dma_wait3A_68 = arith.constant 0 : i32
        %dma_wait3A_69 = tpu.memref_slice %arg3[%dma_wait3A_67, %dma_wait3A_68] : memref<10000x128xf32, #tpu.memory_space<hbm>> -> memref<10000x128xf32, #tpu.memory_space<hbm>>
        tpu.wait_indirect_dma semaphore(%arg15 : memref<!tpu.dma_semaphore, #tpu.memory_space<semaphore_mem>>) src(%dma_wait3A_69 : memref<10000x128xf32, #tpu.memory_space<hbm>>) dst(%arg12 : memref<128x128xf32, #tpu.memory_space<vmem>>)
        %add3A_70 = arith.constant 1 : i32
        %add3A_71 = arith.addi %mul3A_43, %add3A_70 : i32
        "tpu.region"() ({
          %run_scoped3A = tpu.sem_alloc : memref<!tpu.dma_semaphore, #tpu.memory_space<semaphore_mem>>
          %dma_start3A_72 = arith.constant 0 : i32
          %dma_start3A_73 = tpu.memref_slice %arg10[%add3A_71, %dma_start3A_72] : memref<40x128xi32, #tpu.memory_space<vmem>> -> memref<1x128xi32, #tpu.memory_space<vmem>>
          %dma_start3A_74 = tpu.memref_squeeze %dma_start3A_73 : memref<1x128xi32, #tpu.memory_space<vmem>> -> memref<128xi32, #tpu.memory_space<vmem>>
          %dma_start3A_75 = arith.constant 0 : i32
          %dma_start3A_76 = arith.constant 0 : i32
          %dma_start3A_77 = tpu.memref_slice %arg13[%dma_start3A_75, %dma_start3A_76] : memref<10112x128xf32, #tpu.memory_space<vmem_shared>> -> memref<10112x128xf32, #tpu.memory_space<vmem_shared>>
          tpu.enqueue_indirect_dma source(%arg12 : memref<128x128xf32, #tpu.memory_space<vmem>>) target(%dma_start3A_77 : memref<10112x128xf32, #tpu.memory_space<vmem_shared>>) offsets(%dma_start3A_74 : memref<128xi32, #tpu.memory_space<vmem>>) semaphore(%run_scoped3A : memref<!tpu.dma_semaphore, #tpu.memory_space<semaphore_mem>>) {add = true}
          %dma_wait3A_78 = arith.constant 0 : i32
          %dma_wait3A_79 = tpu.memref_slice %arg10[%add3A_71, %dma_wait3A_78] : memref<40x128xi32, #tpu.memory_space<vmem>> -> memref<1x128xi32, #tpu.memory_space<vmem>>
          %dma_wait3A_80 = tpu.memref_squeeze %dma_wait3A_79 : memref<1x128xi32, #tpu.memory_space<vmem>> -> memref<128xi32, #tpu.memory_space<vmem>>
          %dma_wait3A_81 = arith.constant 0 : i32
          %dma_wait3A_82 = arith.constant 0 : i32
          %dma_wait3A_83 = tpu.memref_slice %arg13[%dma_wait3A_81, %dma_wait3A_82] : memref<10112x128xf32, #tpu.memory_space<vmem_shared>> -> memref<10112x128xf32, #tpu.memory_space<vmem_shared>>
          tpu.wait_indirect_dma semaphore(%run_scoped3A : memref<!tpu.dma_semaphore, #tpu.memory_space<semaphore_mem>>) src(%arg12 : memref<128x128xf32, #tpu.memory_space<vmem>>) dst(%dma_wait3A_83 : memref<10112x128xf32, #tpu.memory_space<vmem_shared>>)
          tpu.yield
        }) : () -> ()
      }
      %scan3A_28 = arith.constant 20 : i32
      "tpu.region"() ({
        %run_scoped3A = tpu.sem_alloc : memref<!tpu.dma_semaphore, #tpu.memory_space<semaphore_mem>>
        %dma_start3A_41 = arith.constant 0 : i32
        %dma_start3A_42 = arith.constant 0 : i32
        %dma_start3A_43 = tpu.memref_slice %arg4[%arg1, %dma_start3A_41, %dma_start3A_42] : memref<16x80x128xi32, #tpu.memory_space<hbm>> -> memref<1x80x128xi32, #tpu.memory_space<hbm>>
        %dma_start3A_44 = tpu.memref_squeeze %dma_start3A_43 : memref<1x80x128xi32, #tpu.memory_space<hbm>> -> memref<80x128xi32, #tpu.memory_space<hbm>>
        %dma_start3A_45 = arith.constant 40 : i32
        %dma_start3A_46 = arith.constant 0 : i32
        %dma_start3A_47 = tpu.memref_slice %dma_start3A_44[%dma_start3A_45, %dma_start3A_46] : memref<80x128xi32, #tpu.memory_space<hbm>> -> memref<40x128xi32, #tpu.memory_space<hbm>>
        %dma_start3A_48 = arith.constant 0 : i32
        %dma_start3A_49 = arith.constant 0 : i32
        %dma_start3A_50 = tpu.memref_slice %arg4[%arg1, %dma_start3A_48, %dma_start3A_49] : memref<16x80x128xi32, #tpu.memory_space<hbm>> -> memref<1x80x128xi32, #tpu.memory_space<hbm>>
        %dma_start3A_51 = tpu.memref_squeeze %dma_start3A_50 : memref<1x80x128xi32, #tpu.memory_space<hbm>> -> memref<80x128xi32, #tpu.memory_space<hbm>>
        %dma_start3A_52 = arith.constant 40 : i32
        %dma_start3A_53 = arith.constant 0 : i32
        %dma_start3A_54 = tpu.memref_slice %dma_start3A_51[%dma_start3A_52, %dma_start3A_53] : memref<80x128xi32, #tpu.memory_space<hbm>> -> memref<40x128xi32, #tpu.memory_space<hbm>>
        tpu.enqueue_dma source(%dma_start3A_54 : memref<40x128xi32, #tpu.memory_space<hbm>>) target(%arg9 : memref<40x128xi32, #tpu.memory_space<vmem>>) target_semaphore(%run_scoped3A : memref<!tpu.dma_semaphore, #tpu.memory_space<semaphore_mem>>)
        %dma_wait3A = arith.constant 0 : i32
        %dma_wait3A_55 = arith.constant 0 : i32
        %dma_wait3A_56 = tpu.memref_slice %arg4[%arg1, %dma_wait3A, %dma_wait3A_55] : memref<16x80x128xi32, #tpu.memory_space<hbm>> -> memref<1x80x128xi32, #tpu.memory_space<hbm>>
        %dma_wait3A_57 = tpu.memref_squeeze %dma_wait3A_56 : memref<1x80x128xi32, #tpu.memory_space<hbm>> -> memref<80x128xi32, #tpu.memory_space<hbm>>
        %dma_wait3A_58 = arith.constant 40 : i32
        %dma_wait3A_59 = arith.constant 0 : i32
        %dma_wait3A_60 = tpu.memref_slice %dma_wait3A_57[%dma_wait3A_58, %dma_wait3A_59] : memref<80x128xi32, #tpu.memory_space<hbm>> -> memref<40x128xi32, #tpu.memory_space<hbm>>
        %dma_wait3A_61 = arith.constant 0 : i32
        %dma_wait3A_62 = arith.constant 0 : i32
        %dma_wait3A_63 = tpu.memref_slice %arg4[%arg1, %dma_wait3A_61, %dma_wait3A_62] : memref<16x80x128xi32, #tpu.memory_space<hbm>> -> memref<1x80x128xi32, #tpu.memory_space<hbm>>
        %dma_wait3A_64 = tpu.memref_squeeze %dma_wait3A_63 : memref<1x80x128xi32, #tpu.memory_space<hbm>> -> memref<80x128xi32, #tpu.memory_space<hbm>>
        %dma_wait3A_65 = arith.constant 40 : i32
        %dma_wait3A_66 = arith.constant 0 : i32
        %dma_wait3A_67 = tpu.memref_slice %dma_wait3A_64[%dma_wait3A_65, %dma_wait3A_66] : memref<80x128xi32, #tpu.memory_space<hbm>> -> memref<40x128xi32, #tpu.memory_space<hbm>>
        tpu.wait_dma2 semaphore(%run_scoped3A : memref<!tpu.dma_semaphore, #tpu.memory_space<semaphore_mem>>) src(%dma_wait3A_67 : memref<40x128xi32, #tpu.memory_space<hbm>>) dst(%arg9 : memref<40x128xi32, #tpu.memory_space<vmem>>)
        tpu.yield
      }) : () -> ()
      "tpu.region"() ({
        %run_scoped3A = tpu.sem_alloc : memref<!tpu.dma_semaphore, #tpu.memory_space<semaphore_mem>>
        %dma_start3A_41 = arith.constant 0 : i32
        %dma_start3A_42 = arith.constant 0 : i32
        %dma_start3A_43 = tpu.memref_slice %arg5[%arg1, %dma_start3A_41, %dma_start3A_42] : memref<16x80x128xi32, #tpu.memory_space<hbm>> -> memref<1x80x128xi32, #tpu.memory_space<hbm>>
        %dma_start3A_44 = tpu.memref_squeeze %dma_start3A_43 : memref<1x80x128xi32, #tpu.memory_space<hbm>> -> memref<80x128xi32, #tpu.memory_space<hbm>>
        %dma_start3A_45 = arith.constant 40 : i32
        %dma_start3A_46 = arith.constant 0 : i32
        %dma_start3A_47 = tpu.memref_slice %dma_start3A_44[%dma_start3A_45, %dma_start3A_46] : memref<80x128xi32, #tpu.memory_space<hbm>> -> memref<40x128xi32, #tpu.memory_space<hbm>>
        %dma_start3A_48 = arith.constant 0 : i32
        %dma_start3A_49 = arith.constant 0 : i32
        %dma_start3A_50 = tpu.memref_slice %arg5[%arg1, %dma_start3A_48, %dma_start3A_49] : memref<16x80x128xi32, #tpu.memory_space<hbm>> -> memref<1x80x128xi32, #tpu.memory_space<hbm>>
        %dma_start3A_51 = tpu.memref_squeeze %dma_start3A_50 : memref<1x80x128xi32, #tpu.memory_space<hbm>> -> memref<80x128xi32, #tpu.memory_space<hbm>>
        %dma_start3A_52 = arith.constant 40 : i32
        %dma_start3A_53 = arith.constant 0 : i32
        %dma_start3A_54 = tpu.memref_slice %dma_start3A_51[%dma_start3A_52, %dma_start3A_53] : memref<80x128xi32, #tpu.memory_space<hbm>> -> memref<40x128xi32, #tpu.memory_space<hbm>>
        tpu.enqueue_dma source(%dma_start3A_54 : memref<40x128xi32, #tpu.memory_space<hbm>>) target(%arg10 : memref<40x128xi32, #tpu.memory_space<vmem>>) target_semaphore(%run_scoped3A : memref<!tpu.dma_semaphore, #tpu.memory_space<semaphore_mem>>)
        %dma_wait3A = arith.constant 0 : i32
        %dma_wait3A_55 = arith.constant 0 : i32
        %dma_wait3A_56 = tpu.memref_slice %arg5[%arg1, %dma_wait3A, %dma_wait3A_55] : memref<16x80x128xi32, #tpu.memory_space<hbm>> -> memref<1x80x128xi32, #tpu.memory_space<hbm>>
        %dma_wait3A_57 = tpu.memref_squeeze %dma_wait3A_56 : memref<1x80x128xi32, #tpu.memory_space<hbm>> -> memref<80x128xi32, #tpu.memory_space<hbm>>
        %dma_wait3A_58 = arith.constant 40 : i32
        %dma_wait3A_59 = arith.constant 0 : i32
        %dma_wait3A_60 = tpu.memref_slice %dma_wait3A_57[%dma_wait3A_58, %dma_wait3A_59] : memref<80x128xi32, #tpu.memory_space<hbm>> -> memref<40x128xi32, #tpu.memory_space<hbm>>
        %dma_wait3A_61 = arith.constant 0 : i32
        %dma_wait3A_62 = arith.constant 0 : i32
        %dma_wait3A_63 = tpu.memref_slice %arg5[%arg1, %dma_wait3A_61, %dma_wait3A_62] : memref<16x80x128xi32, #tpu.memory_space<hbm>> -> memref<1x80x128xi32, #tpu.memory_space<hbm>>
        %dma_wait3A_64 = tpu.memref_squeeze %dma_wait3A_63 : memref<1x80x128xi32, #tpu.memory_space<hbm>> -> memref<80x128xi32, #tpu.memory_space<hbm>>
        %dma_wait3A_65 = arith.constant 40 : i32
        %dma_wait3A_66 = arith.constant 0 : i32
        %dma_wait3A_67 = tpu.memref_slice %dma_wait3A_64[%dma_wait3A_65, %dma_wait3A_66] : memref<80x128xi32, #tpu.memory_space<hbm>> -> memref<40x128xi32, #tpu.memory_space<hbm>>
        tpu.wait_dma2 semaphore(%run_scoped3A : memref<!tpu.dma_semaphore, #tpu.memory_space<semaphore_mem>>) src(%dma_wait3A_67 : memref<40x128xi32, #tpu.memory_space<hbm>>) dst(%arg10 : memref<40x128xi32, #tpu.memory_space<vmem>>)
        tpu.yield
      }) : () -> ()
      %dma_start3A_29 = arith.constant 0 : i32
      %dma_start3A_30 = arith.constant 0 : i32
      %dma_start3A_31 = tpu.memref_slice %arg9[%dma_start3A_29, %dma_start3A_30] : memref<40x128xi32, #tpu.memory_space<vmem>> -> memref<1x128xi32, #tpu.memory_space<vmem>>
      %dma_start3A_32 = tpu.memref_squeeze %dma_start3A_31 : memref<1x128xi32, #tpu.memory_space<vmem>> -> memref<128xi32, #tpu.memory_space<vmem>>
      %dma_start3A_33 = arith.constant 0 : i32
      %dma_start3A_34 = arith.constant 0 : i32
      %dma_start3A_35 = tpu.memref_slice %arg3[%dma_start3A_33, %dma_start3A_34] : memref<10000x128xf32, #tpu.memory_space<hbm>> -> memref<10000x128xf32, #tpu.memory_space<hbm>>
      tpu.enqueue_indirect_dma source(%dma_start3A_35 : memref<10000x128xf32, #tpu.memory_space<hbm>>) target(%arg11 : memref<128x128xf32, #tpu.memory_space<vmem>>) offsets(%dma_start3A_32 : memref<128xi32, #tpu.memory_space<vmem>>) semaphore(%arg14 : memref<!tpu.dma_semaphore, #tpu.memory_space<semaphore_mem>>)
      %scan3A_36 = arith.constant 0 : i32
      %scan3A_37 = arith.constant 20 : i32
      %scan3A_38 = arith.addi %scan3A_36, %scan3A_37 : i32
      %scan3A_39 = arith.constant 1 : i32
      scf.for %scan3A_41 = %scan3A_36 to %scan3A_38 step %scan3A_39  : i32 {
        %mul3A_42 = arith.constant 2 : i32
        %mul3A_43 = arith.muli %scan3A_41, %mul3A_42 : i32
        %add3A = arith.constant 1 : i32
        %add3A_44 = arith.addi %mul3A_43, %add3A : i32
        %dma_start3A_45 = arith.constant 0 : i32
        %dma_start3A_46 = tpu.memref_slice %arg9[%add3A_44, %dma_start3A_45] : memref<40x128xi32, #tpu.memory_space<vmem>> -> memref<1x128xi32, #tpu.memory_space<vmem>>
        %dma_start3A_47 = tpu.memref_squeeze %dma_start3A_46 : memref<1x128xi32, #tpu.memory_space<vmem>> -> memref<128xi32, #tpu.memory_space<vmem>>
        %dma_start3A_48 = arith.constant 0 : i32
        %dma_start3A_49 = arith.constant 0 : i32
        %dma_start3A_50 = tpu.memref_slice %arg3[%dma_start3A_48, %dma_start3A_49] : memref<10000x128xf32, #tpu.memory_space<hbm>> -> memref<10000x128xf32, #tpu.memory_space<hbm>>
        tpu.enqueue_indirect_dma source(%dma_start3A_50 : memref<10000x128xf32, #tpu.memory_space<hbm>>) target(%arg12 : memref<128x128xf32, #tpu.memory_space<vmem>>) offsets(%dma_start3A_47 : memref<128xi32, #tpu.memory_space<vmem>>) semaphore(%arg15 : memref<!tpu.dma_semaphore, #tpu.memory_space<semaphore_mem>>)
        %dma_wait3A = arith.constant 0 : i32
        %dma_wait3A_51 = tpu.memref_slice %arg9[%mul3A_43, %dma_wait3A] : memref<40x128xi32, #tpu.memory_space<vmem>> -> memref<1x128xi32, #tpu.memory_space<vmem>>
        %dma_wait3A_52 = tpu.memref_squeeze %dma_wait3A_51 : memref<1x128xi32, #tpu.memory_space<vmem>> -> memref<128xi32, #tpu.memory_space<vmem>>
        %dma_wait3A_53 = arith.constant 0 : i32
        %dma_wait3A_54 = arith.constant 0 : i32
        %dma_wait3A_55 = tpu.memref_slice %arg3[%dma_wait3A_53, %dma_wait3A_54] : memref<10000x128xf32, #tpu.memory_space<hbm>> -> memref<10000x128xf32, #tpu.memory_space<hbm>>
        tpu.wait_indirect_dma semaphore(%arg14 : memref<!tpu.dma_semaphore, #tpu.memory_space<semaphore_mem>>) src(%dma_wait3A_55 : memref<10000x128xf32, #tpu.memory_space<hbm>>) dst(%arg11 : memref<128x128xf32, #tpu.memory_space<vmem>>)
        "tpu.region"() ({
          %run_scoped3A = tpu.sem_alloc : memref<!tpu.dma_semaphore, #tpu.memory_space<semaphore_mem>>
          %dma_start3A_72 = arith.constant 0 : i32
          %dma_start3A_73 = tpu.memref_slice %arg10[%mul3A_43, %dma_start3A_72] : memref<40x128xi32, #tpu.memory_space<vmem>> -> memref<1x128xi32, #tpu.memory_space<vmem>>
          %dma_start3A_74 = tpu.memref_squeeze %dma_start3A_73 : memref<1x128xi32, #tpu.memory_space<vmem>> -> memref<128xi32, #tpu.memory_space<vmem>>
          %dma_start3A_75 = arith.constant 0 : i32
          %dma_start3A_76 = arith.constant 0 : i32
          %dma_start3A_77 = tpu.memref_slice %arg13[%dma_start3A_75, %dma_start3A_76] : memref<10112x128xf32, #tpu.memory_space<vmem_shared>> -> memref<10112x128xf32, #tpu.memory_space<vmem_shared>>
          tpu.enqueue_indirect_dma source(%arg11 : memref<128x128xf32, #tpu.memory_space<vmem>>) target(%dma_start3A_77 : memref<10112x128xf32, #tpu.memory_space<vmem_shared>>) offsets(%dma_start3A_74 : memref<128xi32, #tpu.memory_space<vmem>>) semaphore(%run_scoped3A : memref<!tpu.dma_semaphore, #tpu.memory_space<semaphore_mem>>) {add = true}
          %dma_wait3A_78 = arith.constant 0 : i32
          %dma_wait3A_79 = tpu.memref_slice %arg10[%mul3A_43, %dma_wait3A_78] : memref<40x128xi32, #tpu.memory_space<vmem>> -> memref<1x128xi32, #tpu.memory_space<vmem>>
          %dma_wait3A_80 = tpu.memref_squeeze %dma_wait3A_79 : memref<1x128xi32, #tpu.memory_space<vmem>> -> memref<128xi32, #tpu.memory_space<vmem>>
          %dma_wait3A_81 = arith.constant 0 : i32
          %dma_wait3A_82 = arith.constant 0 : i32
          %dma_wait3A_83 = tpu.memref_slice %arg13[%dma_wait3A_81, %dma_wait3A_82] : memref<10112x128xf32, #tpu.memory_space<vmem_shared>> -> memref<10112x128xf32, #tpu.memory_space<vmem_shared>>
          tpu.wait_indirect_dma semaphore(%run_scoped3A : memref<!tpu.dma_semaphore, #tpu.memory_space<semaphore_mem>>) src(%arg11 : memref<128x128xf32, #tpu.memory_space<vmem>>) dst(%dma_wait3A_83 : memref<10112x128xf32, #tpu.memory_space<vmem_shared>>)
          tpu.yield
        }) : () -> ()
        %add3A_56 = arith.constant 2 : i32
        %add3A_57 = arith.addi %mul3A_43, %add3A_56 : i32
        %lt3A = arith.constant 40 : i32
        %lt3A_58 = arith.cmpi slt, %add3A_57, %lt3A : i32
        %convert_element_type3A_59 = arith.extui %lt3A_58 : i1 to i32
        %cond3A_60 = arith.constant 0 : i32
        %cond3A_61 = arith.cmpi ne, %convert_element_type3A_59, %cond3A_60 : i32
        scf.if %cond3A_61 {
          %add3A_72 = arith.constant 2 : i32
          %add3A_73 = arith.addi %mul3A_43, %add3A_72 : i32
          %dma_start3A_74 = arith.constant 0 : i32
          %dma_start3A_75 = tpu.memref_slice %arg9[%add3A_73, %dma_start3A_74] : memref<40x128xi32, #tpu.memory_space<vmem>> -> memref<1x128xi32, #tpu.memory_space<vmem>>
          %dma_start3A_76 = tpu.memref_squeeze %dma_start3A_75 : memref<1x128xi32, #tpu.memory_space<vmem>> -> memref<128xi32, #tpu.memory_space<vmem>>
          %dma_start3A_77 = arith.constant 0 : i32
          %dma_start3A_78 = arith.constant 0 : i32
          %dma_start3A_79 = tpu.memref_slice %arg3[%dma_start3A_77, %dma_start3A_78] : memref<10000x128xf32, #tpu.memory_space<hbm>> -> memref<10000x128xf32, #tpu.memory_space<hbm>>
          tpu.enqueue_indirect_dma source(%dma_start3A_79 : memref<10000x128xf32, #tpu.memory_space<hbm>>) target(%arg11 : memref<128x128xf32, #tpu.memory_space<vmem>>) offsets(%dma_start3A_76 : memref<128xi32, #tpu.memory_space<vmem>>) semaphore(%arg14 : memref<!tpu.dma_semaphore, #tpu.memory_space<semaphore_mem>>)
        } else {
        }
        %add3A_62 = arith.constant 1 : i32
        %add3A_63 = arith.addi %mul3A_43, %add3A_62 : i32
        %dma_wait3A_64 = arith.constant 0 : i32
        %dma_wait3A_65 = tpu.memref_slice %arg9[%add3A_63, %dma_wait3A_64] : memref<40x128xi32, #tpu.memory_space<vmem>> -> memref<1x128xi32, #tpu.memory_space<vmem>>
        %dma_wait3A_66 = tpu.memref_squeeze %dma_wait3A_65 : memref<1x128xi32, #tpu.memory_space<vmem>> -> memref<128xi32, #tpu.memory_space<vmem>>
        %dma_wait3A_67 = arith.constant 0 : i32
        %dma_wait3A_68 = arith.constant 0 : i32
        %dma_wait3A_69 = tpu.memref_slice %arg3[%dma_wait3A_67, %dma_wait3A_68] : memref<10000x128xf32, #tpu.memory_space<hbm>> -> memref<10000x128xf32, #tpu.memory_space<hbm>>
        tpu.wait_indirect_dma semaphore(%arg15 : memref<!tpu.dma_semaphore, #tpu.memory_space<semaphore_mem>>) src(%dma_wait3A_69 : memref<10000x128xf32, #tpu.memory_space<hbm>>) dst(%arg12 : memref<128x128xf32, #tpu.memory_space<vmem>>)
        %add3A_70 = arith.constant 1 : i32
        %add3A_71 = arith.addi %mul3A_43, %add3A_70 : i32
        "tpu.region"() ({
          %run_scoped3A = tpu.sem_alloc : memref<!tpu.dma_semaphore, #tpu.memory_space<semaphore_mem>>
          %dma_start3A_72 = arith.constant 0 : i32
          %dma_start3A_73 = tpu.memref_slice %arg10[%add3A_71, %dma_start3A_72] : memref<40x128xi32, #tpu.memory_space<vmem>> -> memref<1x128xi32, #tpu.memory_space<vmem>>
          %dma_start3A_74 = tpu.memref_squeeze %dma_start3A_73 : memref<1x128xi32, #tpu.memory_space<vmem>> -> memref<128xi32, #tpu.memory_space<vmem>>
          %dma_start3A_75 = arith.constant 0 : i32
          %dma_start3A_76 = arith.constant 0 : i32
          %dma_start3A_77 = tpu.memref_slice %arg13[%dma_start3A_75, %dma_start3A_76] : memref<10112x128xf32, #tpu.memory_space<vmem_shared>> -> memref<10112x128xf32, #tpu.memory_space<vmem_shared>>
          tpu.enqueue_indirect_dma source(%arg12 : memref<128x128xf32, #tpu.memory_space<vmem>>) target(%dma_start3A_77 : memref<10112x128xf32, #tpu.memory_space<vmem_shared>>) offsets(%dma_start3A_74 : memref<128xi32, #tpu.memory_space<vmem>>) semaphore(%run_scoped3A : memref<!tpu.dma_semaphore, #tpu.memory_space<semaphore_mem>>) {add = true}
          %dma_wait3A_78 = arith.constant 0 : i32
          %dma_wait3A_79 = tpu.memref_slice %arg10[%add3A_71, %dma_wait3A_78] : memref<40x128xi32, #tpu.memory_space<vmem>> -> memref<1x128xi32, #tpu.memory_space<vmem>>
          %dma_wait3A_80 = tpu.memref_squeeze %dma_wait3A_79 : memref<1x128xi32, #tpu.memory_space<vmem>> -> memref<128xi32, #tpu.memory_space<vmem>>
          %dma_wait3A_81 = arith.constant 0 : i32
          %dma_wait3A_82 = arith.constant 0 : i32
          %dma_wait3A_83 = tpu.memref_slice %arg13[%dma_wait3A_81, %dma_wait3A_82] : memref<10112x128xf32, #tpu.memory_space<vmem_shared>> -> memref<10112x128xf32, #tpu.memory_space<vmem_shared>>
          tpu.wait_indirect_dma semaphore(%run_scoped3A : memref<!tpu.dma_semaphore, #tpu.memory_space<semaphore_mem>>) src(%arg12 : memref<128x128xf32, #tpu.memory_space<vmem>>) dst(%dma_wait3A_83 : memref<10112x128xf32, #tpu.memory_space<vmem_shared>>)
          tpu.yield
        }) : () -> ()
      }
      %scan3A_40 = arith.constant 20 : i32
    } else {
    }
    %barrier3A_8 = arith.constant 0 : index
    tpu.barrier barrier_id(%barrier3A_8)
    %eq3A_9 = arith.constant 0 : i32
    %eq3A_10 = arith.cmpi eq, %arg0, %eq3A_9 : i32
    %convert_element_type3A_11 = arith.extui %eq3A_10 : i1 to i32
    %cond3A_12 = arith.constant 0 : i32
    %cond3A_13 = arith.cmpi ne, %convert_element_type3A_11, %cond3A_12 : i32
    scf.if %cond3A_13 {
      %mul3A_19 = arith.constant 632 : i32
      %mul3A_20 = arith.muli %arg1, %mul3A_19 : i32
      %mul3A_21 = arith.constant 632 : i32
      %mul3A_22 = arith.muli %arg1, %mul3A_21 : i32
      "tpu.region"() ({
        %run_scoped3A = tpu.sem_alloc : memref<!tpu.dma_semaphore, #tpu.memory_space<semaphore_mem>>
        %dma_start3A = arith.constant 0 : i32
        %dma_start3A_23 = tpu.memref_slice %arg7[%mul3A_22, %dma_start3A] : memref<10112x128xf32, #tpu.memory_space<hbm>> -> memref<632x128xf32, #tpu.memory_space<hbm>>
        %dma_start3A_24 = arith.constant 0 : i32
        %dma_start3A_25 = tpu.memref_slice %arg13[%mul3A_20, %dma_start3A_24] : memref<10112x128xf32, #tpu.memory_space<vmem_shared>> -> memref<632x128xf32, #tpu.memory_space<vmem_shared>>
        tpu.enqueue_dma source(%dma_start3A_25 : memref<632x128xf32, #tpu.memory_space<vmem_shared>>) target(%dma_start3A_23 : memref<632x128xf32, #tpu.memory_space<hbm>>) target_semaphore(%run_scoped3A : memref<!tpu.dma_semaphore, #tpu.memory_space<semaphore_mem>>)
        %dma_wait3A = arith.constant 0 : i32
        %dma_wait3A_26 = tpu.memref_slice %arg7[%mul3A_22, %dma_wait3A] : memref<10112x128xf32, #tpu.memory_space<hbm>> -> memref<632x128xf32, #tpu.memory_space<hbm>>
        %dma_wait3A_27 = arith.constant 0 : i32
        %dma_wait3A_28 = tpu.memref_slice %arg13[%mul3A_20, %dma_wait3A_27] : memref<10112x128xf32, #tpu.memory_space<vmem_shared>> -> memref<632x128xf32, #tpu.memory_space<vmem_shared>>
        tpu.wait_dma2 semaphore(%run_scoped3A : memref<!tpu.dma_semaphore, #tpu.memory_space<semaphore_mem>>) src(%dma_wait3A_28 : memref<632x128xf32, #tpu.memory_space<vmem_shared>>) dst(%dma_wait3A_26 : memref<632x128xf32, #tpu.memory_space<hbm>>)
        tpu.yield
      }) : () -> ()
    } else {
    }
    %eq3A_14 = arith.constant 1 : i32
    %eq3A_15 = arith.cmpi eq, %arg0, %eq3A_14 : i32
    %convert_element_type3A_16 = arith.extui %eq3A_15 : i1 to i32
    %cond3A_17 = arith.constant 0 : i32
    %cond3A_18 = arith.cmpi ne, %convert_element_type3A_16, %cond3A_17 : i32
    scf.if %cond3A_18 {
      %mul3A_19 = arith.constant 632 : i32
      %mul3A_20 = arith.muli %arg1, %mul3A_19 : i32
      %mul3A_21 = arith.constant 632 : i32
      %mul3A_22 = arith.muli %arg1, %mul3A_21 : i32
      "tpu.region"() ({
        %run_scoped3A = tpu.sem_alloc : memref<!tpu.dma_semaphore, #tpu.memory_space<semaphore_mem>>
        %dma_start3A = arith.constant 0 : i32
        %dma_start3A_23 = tpu.memref_slice %arg8[%mul3A_22, %dma_start3A] : memref<10112x128xf32, #tpu.memory_space<hbm>> -> memref<632x128xf32, #tpu.memory_space<hbm>>
        %dma_start3A_24 = arith.constant 0 : i32
        %dma_start3A_25 = tpu.memref_slice %arg13[%mul3A_20, %dma_start3A_24] : memref<10112x128xf32, #tpu.memory_space<vmem_shared>> -> memref<632x128xf32, #tpu.memory_space<vmem_shared>>
        tpu.enqueue_dma source(%dma_start3A_25 : memref<632x128xf32, #tpu.memory_space<vmem_shared>>) target(%dma_start3A_23 : memref<632x128xf32, #tpu.memory_space<hbm>>) target_semaphore(%run_scoped3A : memref<!tpu.dma_semaphore, #tpu.memory_space<semaphore_mem>>)
        %dma_wait3A = arith.constant 0 : i32
        %dma_wait3A_26 = tpu.memref_slice %arg8[%mul3A_22, %dma_wait3A] : memref<10112x128xf32, #tpu.memory_space<hbm>> -> memref<632x128xf32, #tpu.memory_space<hbm>>
        %dma_wait3A_27 = arith.constant 0 : i32
        %dma_wait3A_28 = tpu.memref_slice %arg13[%mul3A_20, %dma_wait3A_27] : memref<10112x128xf32, #tpu.memory_space<vmem_shared>> -> memref<632x128xf32, #tpu.memory_space<vmem_shared>>
        tpu.wait_dma2 semaphore(%run_scoped3A : memref<!tpu.dma_semaphore, #tpu.memory_space<semaphore_mem>>) src(%dma_wait3A_28 : memref<632x128xf32, #tpu.memory_space<vmem_shared>>) dst(%dma_wait3A_26 : memref<632x128xf32, #tpu.memory_space<hbm>>)
        tpu.yield
      }) : () -> ()
    } else {
    }
    return
  }
}

#map = affine_map<(d0, d1) -> (0, 0)>
#map1 = affine_map<(d0, d1) -> (0, 0, 0)>
module attributes {stable_mosaic.version = 14 : i64} {
  func.func @_sc_spmv(%arg0: i32, %arg1: i32, %arg2: memref<10000x128xf32, #tpu.memory_space<hbm>>, %arg3: memref<10000x128xf32, #tpu.memory_space<hbm>>, %arg4: memref<16x80x128xi32, #tpu.memory_space<hbm>>, %arg5: memref<16x80x128xi32, #tpu.memory_space<hbm>>, %arg6: memref<632x128xf32, #tpu.memory_space<hbm>>, %arg7: memref<10112x128xf32, #tpu.memory_space<hbm>>, %arg8: memref<10112x128xf32, #tpu.memory_space<hbm>>, %arg9: memref<40x128xi32, #tpu.memory_space<vmem>>, %arg10: memref<40x128xi32, #tpu.memory_space<vmem>>, %arg11: memref<128x128xf32, #tpu.memory_space<vmem>>, %arg12: memref<128x128xf32, #tpu.memory_space<vmem>>, %arg13: memref<10112x128xf32, #tpu.memory_space<vmem_shared>>, %arg14: memref<!tpu.dma_semaphore, #tpu.memory_space<semaphore_mem>>, %arg15: memref<!tpu.dma_semaphore, #tpu.memory_space<semaphore_mem>>) attributes {dimension_semantics = [#tpu.dimension_semantics<core_parallel>, #tpu.dimension_semantics<subcore_parallel>], iteration_bounds = array<i64: 2, 16>, scalar_prefetch = 0 : i64, scratch_operands = 7 : i64, tpu.core_type = #tpu.core_type<sc_vector_subcore>, window_params = [{transform_indices = #map}, {transform_indices = #map}, {transform_indices = #map1}, {transform_indices = #map1}, {transform_indices = #map}, {transform_indices = #map}, {transform_indices = #map}]} {
    %mul3A = arith.constant 632 : i32
    %mul3A_0 = arith.muli %arg1, %mul3A : i32
    "tpu.region"() ({
      %run_scoped3A = tpu.sem_alloc : memref<!tpu.dma_semaphore, #tpu.memory_space<semaphore_mem>>
      %dma_start3A = arith.constant 0 : i32
      %dma_start3A_19 = tpu.memref_slice %arg13[%mul3A_0, %dma_start3A] : memref<10112x128xf32, #tpu.memory_space<vmem_shared>> -> memref<632x128xf32, #tpu.memory_space<vmem_shared>>
      tpu.enqueue_dma source(%arg6 : memref<632x128xf32, #tpu.memory_space<hbm>>) target(%dma_start3A_19 : memref<632x128xf32, #tpu.memory_space<vmem_shared>>) target_semaphore(%run_scoped3A : memref<!tpu.dma_semaphore, #tpu.memory_space<semaphore_mem>>)
      %dma_wait3A = arith.constant 0 : i32
      %dma_wait3A_20 = tpu.memref_slice %arg13[%mul3A_0, %dma_wait3A] : memref<10112x128xf32, #tpu.memory_space<vmem_shared>> -> memref<632x128xf32, #tpu.memory_space<vmem_shared>>
      tpu.wait_dma2 semaphore(%run_scoped3A : memref<!tpu.dma_semaphore, #tpu.memory_space<semaphore_mem>>) src(%arg6 : memref<632x128xf32, #tpu.memory_space<hbm>>) dst(%dma_wait3A_20 : memref<632x128xf32, #tpu.memory_space<vmem_shared>>)
      tpu.yield
    }) : () -> ()
    %barrier3A = arith.constant 0 : index
    tpu.barrier barrier_id(%barrier3A)
    %eq3A = arith.constant 0 : i32
    %eq3A_1 = arith.cmpi eq, %arg0, %eq3A : i32
    %convert_element_type3A = arith.extui %eq3A_1 : i1 to i32
    %cond3A = arith.constant 0 : i32
    %cond3A_2 = arith.cmpi ne, %convert_element_type3A, %cond3A : i32
    scf.if %cond3A_2 {
      "tpu.region"() ({
        %run_scoped3A = tpu.sem_alloc : memref<!tpu.dma_semaphore, #tpu.memory_space<semaphore_mem>>
        %dma_start3A_41 = arith.constant 0 : i32
        %dma_start3A_42 = arith.constant 0 : i32
        %dma_start3A_43 = tpu.memref_slice %arg4[%arg1, %dma_start3A_41, %dma_start3A_42] : memref<16x80x128xi32, #tpu.memory_space<hbm>> -> memref<1x80x128xi32, #tpu.memory_space<hbm>>
        %dma_start3A_44 = tpu.memref_squeeze %dma_start3A_43 : memref<1x80x128xi32, #tpu.memory_space<hbm>> -> memref<80x128xi32, #tpu.memory_space<hbm>>
        %dma_start3A_45 = arith.constant 0 : i32
        %dma_start3A_46 = arith.constant 0 : i32
        %dma_start3A_47 = tpu.memref_slice %dma_start3A_44[%dma_start3A_45, %dma_start3A_46] : memref<80x128xi32, #tpu.memory_space<hbm>> -> memref<40x128xi32, #tpu.memory_space<hbm>>
        %dma_start3A_48 = arith.constant 0 : i32
        %dma_start3A_49 = arith.constant 0 : i32
        %dma_start3A_50 = tpu.memref_slice %arg4[%arg1, %dma_start3A_48, %dma_start3A_49] : memref<16x80x128xi32, #tpu.memory_space<hbm>> -> memref<1x80x128xi32, #tpu.memory_space<hbm>>
        %dma_start3A_51 = tpu.memref_squeeze %dma_start3A_50 : memref<1x80x128xi32, #tpu.memory_space<hbm>> -> memref<80x128xi32, #tpu.memory_space<hbm>>
        %dma_start3A_52 = arith.constant 0 : i32
        %dma_start3A_53 = arith.constant 0 : i32
        %dma_start3A_54 = tpu.memref_slice %dma_start3A_51[%dma_start3A_52, %dma_start3A_53] : memref<80x128xi32, #tpu.memory_space<hbm>> -> memref<40x128xi32, #tpu.memory_space<hbm>>
        tpu.enqueue_dma source(%dma_start3A_54 : memref<40x128xi32, #tpu.memory_space<hbm>>) target(%arg9 : memref<40x128xi32, #tpu.memory_space<vmem>>) target_semaphore(%run_scoped3A : memref<!tpu.dma_semaphore, #tpu.memory_space<semaphore_mem>>)
        %dma_wait3A = arith.constant 0 : i32
        %dma_wait3A_55 = arith.constant 0 : i32
        %dma_wait3A_56 = tpu.memref_slice %arg4[%arg1, %dma_wait3A, %dma_wait3A_55] : memref<16x80x128xi32, #tpu.memory_space<hbm>> -> memref<1x80x128xi32, #tpu.memory_space<hbm>>
        %dma_wait3A_57 = tpu.memref_squeeze %dma_wait3A_56 : memref<1x80x128xi32, #tpu.memory_space<hbm>> -> memref<80x128xi32, #tpu.memory_space<hbm>>
        %dma_wait3A_58 = arith.constant 0 : i32
        %dma_wait3A_59 = arith.constant 0 : i32
        %dma_wait3A_60 = tpu.memref_slice %dma_wait3A_57[%dma_wait3A_58, %dma_wait3A_59] : memref<80x128xi32, #tpu.memory_space<hbm>> -> memref<40x128xi32, #tpu.memory_space<hbm>>
        %dma_wait3A_61 = arith.constant 0 : i32
        %dma_wait3A_62 = arith.constant 0 : i32
        %dma_wait3A_63 = tpu.memref_slice %arg4[%arg1, %dma_wait3A_61, %dma_wait3A_62] : memref<16x80x128xi32, #tpu.memory_space<hbm>> -> memref<1x80x128xi32, #tpu.memory_space<hbm>>
        %dma_wait3A_64 = tpu.memref_squeeze %dma_wait3A_63 : memref<1x80x128xi32, #tpu.memory_space<hbm>> -> memref<80x128xi32, #tpu.memory_space<hbm>>
        %dma_wait3A_65 = arith.constant 0 : i32
        %dma_wait3A_66 = arith.constant 0 : i32
        %dma_wait3A_67 = tpu.memref_slice %dma_wait3A_64[%dma_wait3A_65, %dma_wait3A_66] : memref<80x128xi32, #tpu.memory_space<hbm>> -> memref<40x128xi32, #tpu.memory_space<hbm>>
        tpu.wait_dma2 semaphore(%run_scoped3A : memref<!tpu.dma_semaphore, #tpu.memory_space<semaphore_mem>>) src(%dma_wait3A_67 : memref<40x128xi32, #tpu.memory_space<hbm>>) dst(%arg9 : memref<40x128xi32, #tpu.memory_space<vmem>>)
        tpu.yield
      }) : () -> ()
      "tpu.region"() ({
        %run_scoped3A = tpu.sem_alloc : memref<!tpu.dma_semaphore, #tpu.memory_space<semaphore_mem>>
        %dma_start3A_41 = arith.constant 0 : i32
        %dma_start3A_42 = arith.constant 0 : i32
        %dma_start3A_43 = tpu.memref_slice %arg5[%arg1, %dma_start3A_41, %dma_start3A_42] : memref<16x80x128xi32, #tpu.memory_space<hbm>> -> memref<1x80x128xi32, #tpu.memory_space<hbm>>
        %dma_start3A_44 = tpu.memref_squeeze %dma_start3A_43 : memref<1x80x128xi32, #tpu.memory_space<hbm>> -> memref<80x128xi32, #tpu.memory_space<hbm>>
        %dma_start3A_45 = arith.constant 0 : i32
        %dma_start3A_46 = arith.constant 0 : i32
        %dma_start3A_47 = tpu.memref_slice %dma_start3A_44[%dma_start3A_45, %dma_start3A_46] : memref<80x128xi32, #tpu.memory_space<hbm>> -> memref<40x128xi32, #tpu.memory_space<hbm>>
        %dma_start3A_48 = arith.constant 0 : i32
        %dma_start3A_49 = arith.constant 0 : i32
        %dma_start3A_50 = tpu.memref_slice %arg5[%arg1, %dma_start3A_48, %dma_start3A_49] : memref<16x80x128xi32, #tpu.memory_space<hbm>> -> memref<1x80x128xi32, #tpu.memory_space<hbm>>
        %dma_start3A_51 = tpu.memref_squeeze %dma_start3A_50 : memref<1x80x128xi32, #tpu.memory_space<hbm>> -> memref<80x128xi32, #tpu.memory_space<hbm>>
        %dma_start3A_52 = arith.constant 0 : i32
        %dma_start3A_53 = arith.constant 0 : i32
        %dma_start3A_54 = tpu.memref_slice %dma_start3A_51[%dma_start3A_52, %dma_start3A_53] : memref<80x128xi32, #tpu.memory_space<hbm>> -> memref<40x128xi32, #tpu.memory_space<hbm>>
        tpu.enqueue_dma source(%dma_start3A_54 : memref<40x128xi32, #tpu.memory_space<hbm>>) target(%arg10 : memref<40x128xi32, #tpu.memory_space<vmem>>) target_semaphore(%run_scoped3A : memref<!tpu.dma_semaphore, #tpu.memory_space<semaphore_mem>>)
        %dma_wait3A = arith.constant 0 : i32
        %dma_wait3A_55 = arith.constant 0 : i32
        %dma_wait3A_56 = tpu.memref_slice %arg5[%arg1, %dma_wait3A, %dma_wait3A_55] : memref<16x80x128xi32, #tpu.memory_space<hbm>> -> memref<1x80x128xi32, #tpu.memory_space<hbm>>
        %dma_wait3A_57 = tpu.memref_squeeze %dma_wait3A_56 : memref<1x80x128xi32, #tpu.memory_space<hbm>> -> memref<80x128xi32, #tpu.memory_space<hbm>>
        %dma_wait3A_58 = arith.constant 0 : i32
        %dma_wait3A_59 = arith.constant 0 : i32
        %dma_wait3A_60 = tpu.memref_slice %dma_wait3A_57[%dma_wait3A_58, %dma_wait3A_59] : memref<80x128xi32, #tpu.memory_space<hbm>> -> memref<40x128xi32, #tpu.memory_space<hbm>>
        %dma_wait3A_61 = arith.constant 0 : i32
        %dma_wait3A_62 = arith.constant 0 : i32
        %dma_wait3A_63 = tpu.memref_slice %arg5[%arg1, %dma_wait3A_61, %dma_wait3A_62] : memref<16x80x128xi32, #tpu.memory_space<hbm>> -> memref<1x80x128xi32, #tpu.memory_space<hbm>>
        %dma_wait3A_64 = tpu.memref_squeeze %dma_wait3A_63 : memref<1x80x128xi32, #tpu.memory_space<hbm>> -> memref<80x128xi32, #tpu.memory_space<hbm>>
        %dma_wait3A_65 = arith.constant 0 : i32
        %dma_wait3A_66 = arith.constant 0 : i32
        %dma_wait3A_67 = tpu.memref_slice %dma_wait3A_64[%dma_wait3A_65, %dma_wait3A_66] : memref<80x128xi32, #tpu.memory_space<hbm>> -> memref<40x128xi32, #tpu.memory_space<hbm>>
        tpu.wait_dma2 semaphore(%run_scoped3A : memref<!tpu.dma_semaphore, #tpu.memory_space<semaphore_mem>>) src(%dma_wait3A_67 : memref<40x128xi32, #tpu.memory_space<hbm>>) dst(%arg10 : memref<40x128xi32, #tpu.memory_space<vmem>>)
        tpu.yield
      }) : () -> ()
      %dma_start3A = arith.constant 0 : i32
      %dma_start3A_19 = arith.constant 0 : i32
      %dma_start3A_20 = tpu.memref_slice %arg9[%dma_start3A, %dma_start3A_19] : memref<40x128xi32, #tpu.memory_space<vmem>> -> memref<1x128xi32, #tpu.memory_space<vmem>>
      %dma_start3A_21 = tpu.memref_squeeze %dma_start3A_20 : memref<1x128xi32, #tpu.memory_space<vmem>> -> memref<128xi32, #tpu.memory_space<vmem>>
      %dma_start3A_22 = arith.constant 0 : i32
      %dma_start3A_23 = arith.constant 0 : i32
      %dma_start3A_24 = tpu.memref_slice %arg2[%dma_start3A_22, %dma_start3A_23] : memref<10000x128xf32, #tpu.memory_space<hbm>> -> memref<10000x128xf32, #tpu.memory_space<hbm>>
      tpu.enqueue_indirect_dma source(%dma_start3A_24 : memref<10000x128xf32, #tpu.memory_space<hbm>>) target(%arg11 : memref<128x128xf32, #tpu.memory_space<vmem>>) offsets(%dma_start3A_21 : memref<128xi32, #tpu.memory_space<vmem>>) semaphore(%arg14 : memref<!tpu.dma_semaphore, #tpu.memory_space<semaphore_mem>>)
      %scan3A = arith.constant 0 : i32
      %scan3A_25 = arith.constant 20 : i32
      %scan3A_26 = arith.addi %scan3A, %scan3A_25 : i32
      %scan3A_27 = arith.constant 1 : i32
      scf.for %scan3A_41 = %scan3A to %scan3A_26 step %scan3A_27  : i32 {
        %mul3A_42 = arith.constant 2 : i32
        %mul3A_43 = arith.muli %scan3A_41, %mul3A_42 : i32
        %add3A = arith.constant 1 : i32
        %add3A_44 = arith.addi %mul3A_43, %add3A : i32
        %dma_start3A_45 = arith.constant 0 : i32
        %dma_start3A_46 = tpu.memref_slice %arg9[%add3A_44, %dma_start3A_45] : memref<40x128xi32, #tpu.memory_space<vmem>> -> memref<1x128xi32, #tpu.memory_space<vmem>>
        %dma_start3A_47 = tpu.memref_squeeze %dma_start3A_46 : memref<1x128xi32, #tpu.memory_space<vmem>> -> memref<128xi32, #tpu.memory_space<vmem>>
        %dma_start3A_48 = arith.constant 0 : i32
        %dma_start3A_49 = arith.constant 0 : i32
        %dma_start3A_50 = tpu.memref_slice %arg2[%dma_start3A_48, %dma_start3A_49] : memref<10000x128xf32, #tpu.memory_space<hbm>> -> memref<10000x128xf32, #tpu.memory_space<hbm>>
        tpu.enqueue_indirect_dma source(%dma_start3A_50 : memref<10000x128xf32, #tpu.memory_space<hbm>>) target(%arg12 : memref<128x128xf32, #tpu.memory_space<vmem>>) offsets(%dma_start3A_47 : memref<128xi32, #tpu.memory_space<vmem>>) semaphore(%arg15 : memref<!tpu.dma_semaphore, #tpu.memory_space<semaphore_mem>>)
        %dma_wait3A = arith.constant 0 : i32
        %dma_wait3A_51 = tpu.memref_slice %arg9[%mul3A_43, %dma_wait3A] : memref<40x128xi32, #tpu.memory_space<vmem>> -> memref<1x128xi32, #tpu.memory_space<vmem>>
        %dma_wait3A_52 = tpu.memref_squeeze %dma_wait3A_51 : memref<1x128xi32, #tpu.memory_space<vmem>> -> memref<128xi32, #tpu.memory_space<vmem>>
        %dma_wait3A_53 = arith.constant 0 : i32
        %dma_wait3A_54 = arith.constant 0 : i32
        %dma_wait3A_55 = tpu.memref_slice %arg2[%dma_wait3A_53, %dma_wait3A_54] : memref<10000x128xf32, #tpu.memory_space<hbm>> -> memref<10000x128xf32, #tpu.memory_space<hbm>>
        tpu.wait_indirect_dma semaphore(%arg14 : memref<!tpu.dma_semaphore, #tpu.memory_space<semaphore_mem>>) src(%dma_wait3A_55 : memref<10000x128xf32, #tpu.memory_space<hbm>>) dst(%arg11 : memref<128x128xf32, #tpu.memory_space<vmem>>)
        "tpu.region"() ({
          %run_scoped3A = tpu.sem_alloc : memref<!tpu.dma_semaphore, #tpu.memory_space<semaphore_mem>>
          %dma_start3A_72 = arith.constant 0 : i32
          %dma_start3A_73 = tpu.memref_slice %arg10[%mul3A_43, %dma_start3A_72] : memref<40x128xi32, #tpu.memory_space<vmem>> -> memref<1x128xi32, #tpu.memory_space<vmem>>
          %dma_start3A_74 = tpu.memref_squeeze %dma_start3A_73 : memref<1x128xi32, #tpu.memory_space<vmem>> -> memref<128xi32, #tpu.memory_space<vmem>>
          %dma_start3A_75 = arith.constant 0 : i32
          %dma_start3A_76 = arith.constant 0 : i32
          %dma_start3A_77 = tpu.memref_slice %arg13[%dma_start3A_75, %dma_start3A_76] : memref<10112x128xf32, #tpu.memory_space<vmem_shared>> -> memref<10112x128xf32, #tpu.memory_space<vmem_shared>>
          tpu.enqueue_indirect_dma source(%arg11 : memref<128x128xf32, #tpu.memory_space<vmem>>) target(%dma_start3A_77 : memref<10112x128xf32, #tpu.memory_space<vmem_shared>>) offsets(%dma_start3A_74 : memref<128xi32, #tpu.memory_space<vmem>>) semaphore(%run_scoped3A : memref<!tpu.dma_semaphore, #tpu.memory_space<semaphore_mem>>) {add = true}
          %dma_wait3A_78 = arith.constant 0 : i32
          %dma_wait3A_79 = tpu.memref_slice %arg10[%mul3A_43, %dma_wait3A_78] : memref<40x128xi32, #tpu.memory_space<vmem>> -> memref<1x128xi32, #tpu.memory_space<vmem>>
          %dma_wait3A_80 = tpu.memref_squeeze %dma_wait3A_79 : memref<1x128xi32, #tpu.memory_space<vmem>> -> memref<128xi32, #tpu.memory_space<vmem>>
          %dma_wait3A_81 = arith.constant 0 : i32
          %dma_wait3A_82 = arith.constant 0 : i32
          %dma_wait3A_83 = tpu.memref_slice %arg13[%dma_wait3A_81, %dma_wait3A_82] : memref<10112x128xf32, #tpu.memory_space<vmem_shared>> -> memref<10112x128xf32, #tpu.memory_space<vmem_shared>>
          tpu.wait_indirect_dma semaphore(%run_scoped3A : memref<!tpu.dma_semaphore, #tpu.memory_space<semaphore_mem>>) src(%arg11 : memref<128x128xf32, #tpu.memory_space<vmem>>) dst(%dma_wait3A_83 : memref<10112x128xf32, #tpu.memory_space<vmem_shared>>)
          tpu.yield
        }) : () -> ()
        %add3A_56 = arith.constant 2 : i32
        %add3A_57 = arith.addi %mul3A_43, %add3A_56 : i32
        %lt3A = arith.constant 40 : i32
        %lt3A_58 = arith.cmpi slt, %add3A_57, %lt3A : i32
        %convert_element_type3A_59 = arith.extui %lt3A_58 : i1 to i32
        %cond3A_60 = arith.constant 0 : i32
        %cond3A_61 = arith.cmpi ne, %convert_element_type3A_59, %cond3A_60 : i32
        scf.if %cond3A_61 {
          %add3A_72 = arith.constant 2 : i32
          %add3A_73 = arith.addi %mul3A_43, %add3A_72 : i32
          %dma_start3A_74 = arith.constant 0 : i32
          %dma_start3A_75 = tpu.memref_slice %arg9[%add3A_73, %dma_start3A_74] : memref<40x128xi32, #tpu.memory_space<vmem>> -> memref<1x128xi32, #tpu.memory_space<vmem>>
          %dma_start3A_76 = tpu.memref_squeeze %dma_start3A_75 : memref<1x128xi32, #tpu.memory_space<vmem>> -> memref<128xi32, #tpu.memory_space<vmem>>
          %dma_start3A_77 = arith.constant 0 : i32
          %dma_start3A_78 = arith.constant 0 : i32
          %dma_start3A_79 = tpu.memref_slice %arg2[%dma_start3A_77, %dma_start3A_78] : memref<10000x128xf32, #tpu.memory_space<hbm>> -> memref<10000x128xf32, #tpu.memory_space<hbm>>
          tpu.enqueue_indirect_dma source(%dma_start3A_79 : memref<10000x128xf32, #tpu.memory_space<hbm>>) target(%arg11 : memref<128x128xf32, #tpu.memory_space<vmem>>) offsets(%dma_start3A_76 : memref<128xi32, #tpu.memory_space<vmem>>) semaphore(%arg14 : memref<!tpu.dma_semaphore, #tpu.memory_space<semaphore_mem>>)
        } else {
        }
        %add3A_62 = arith.constant 1 : i32
        %add3A_63 = arith.addi %mul3A_43, %add3A_62 : i32
        %dma_wait3A_64 = arith.constant 0 : i32
        %dma_wait3A_65 = tpu.memref_slice %arg9[%add3A_63, %dma_wait3A_64] : memref<40x128xi32, #tpu.memory_space<vmem>> -> memref<1x128xi32, #tpu.memory_space<vmem>>
        %dma_wait3A_66 = tpu.memref_squeeze %dma_wait3A_65 : memref<1x128xi32, #tpu.memory_space<vmem>> -> memref<128xi32, #tpu.memory_space<vmem>>
        %dma_wait3A_67 = arith.constant 0 : i32
        %dma_wait3A_68 = arith.constant 0 : i32
        %dma_wait3A_69 = tpu.memref_slice %arg2[%dma_wait3A_67, %dma_wait3A_68] : memref<10000x128xf32, #tpu.memory_space<hbm>> -> memref<10000x128xf32, #tpu.memory_space<hbm>>
        tpu.wait_indirect_dma semaphore(%arg15 : memref<!tpu.dma_semaphore, #tpu.memory_space<semaphore_mem>>) src(%dma_wait3A_69 : memref<10000x128xf32, #tpu.memory_space<hbm>>) dst(%arg12 : memref<128x128xf32, #tpu.memory_space<vmem>>)
        %add3A_70 = arith.constant 1 : i32
        %add3A_71 = arith.addi %mul3A_43, %add3A_70 : i32
        "tpu.region"() ({
          %run_scoped3A = tpu.sem_alloc : memref<!tpu.dma_semaphore, #tpu.memory_space<semaphore_mem>>
          %dma_start3A_72 = arith.constant 0 : i32
          %dma_start3A_73 = tpu.memref_slice %arg10[%add3A_71, %dma_start3A_72] : memref<40x128xi32, #tpu.memory_space<vmem>> -> memref<1x128xi32, #tpu.memory_space<vmem>>
          %dma_start3A_74 = tpu.memref_squeeze %dma_start3A_73 : memref<1x128xi32, #tpu.memory_space<vmem>> -> memref<128xi32, #tpu.memory_space<vmem>>
          %dma_start3A_75 = arith.constant 0 : i32
          %dma_start3A_76 = arith.constant 0 : i32
          %dma_start3A_77 = tpu.memref_slice %arg13[%dma_start3A_75, %dma_start3A_76] : memref<10112x128xf32, #tpu.memory_space<vmem_shared>> -> memref<10112x128xf32, #tpu.memory_space<vmem_shared>>
          tpu.enqueue_indirect_dma source(%arg12 : memref<128x128xf32, #tpu.memory_space<vmem>>) target(%dma_start3A_77 : memref<10112x128xf32, #tpu.memory_space<vmem_shared>>) offsets(%dma_start3A_74 : memref<128xi32, #tpu.memory_space<vmem>>) semaphore(%run_scoped3A : memref<!tpu.dma_semaphore, #tpu.memory_space<semaphore_mem>>) {add = true}
          %dma_wait3A_78 = arith.constant 0 : i32
          %dma_wait3A_79 = tpu.memref_slice %arg10[%add3A_71, %dma_wait3A_78] : memref<40x128xi32, #tpu.memory_space<vmem>> -> memref<1x128xi32, #tpu.memory_space<vmem>>
          %dma_wait3A_80 = tpu.memref_squeeze %dma_wait3A_79 : memref<1x128xi32, #tpu.memory_space<vmem>> -> memref<128xi32, #tpu.memory_space<vmem>>
          %dma_wait3A_81 = arith.constant 0 : i32
          %dma_wait3A_82 = arith.constant 0 : i32
          %dma_wait3A_83 = tpu.memref_slice %arg13[%dma_wait3A_81, %dma_wait3A_82] : memref<10112x128xf32, #tpu.memory_space<vmem_shared>> -> memref<10112x128xf32, #tpu.memory_space<vmem_shared>>
          tpu.wait_indirect_dma semaphore(%run_scoped3A : memref<!tpu.dma_semaphore, #tpu.memory_space<semaphore_mem>>) src(%arg12 : memref<128x128xf32, #tpu.memory_space<vmem>>) dst(%dma_wait3A_83 : memref<10112x128xf32, #tpu.memory_space<vmem_shared>>)
          tpu.yield
        }) : () -> ()
      }
      %scan3A_28 = arith.constant 20 : i32
      "tpu.region"() ({
        %run_scoped3A = tpu.sem_alloc : memref<!tpu.dma_semaphore, #tpu.memory_space<semaphore_mem>>
        %dma_start3A_41 = arith.constant 0 : i32
        %dma_start3A_42 = arith.constant 0 : i32
        %dma_start3A_43 = tpu.memref_slice %arg4[%arg1, %dma_start3A_41, %dma_start3A_42] : memref<16x80x128xi32, #tpu.memory_space<hbm>> -> memref<1x80x128xi32, #tpu.memory_space<hbm>>
        %dma_start3A_44 = tpu.memref_squeeze %dma_start3A_43 : memref<1x80x128xi32, #tpu.memory_space<hbm>> -> memref<80x128xi32, #tpu.memory_space<hbm>>
        %dma_start3A_45 = arith.constant 40 : i32
        %dma_start3A_46 = arith.constant 0 : i32
        %dma_start3A_47 = tpu.memref_slice %dma_start3A_44[%dma_start3A_45, %dma_start3A_46] : memref<80x128xi32, #tpu.memory_space<hbm>> -> memref<40x128xi32, #tpu.memory_space<hbm>>
        %dma_start3A_48 = arith.constant 0 : i32
        %dma_start3A_49 = arith.constant 0 : i32
        %dma_start3A_50 = tpu.memref_slice %arg4[%arg1, %dma_start3A_48, %dma_start3A_49] : memref<16x80x128xi32, #tpu.memory_space<hbm>> -> memref<1x80x128xi32, #tpu.memory_space<hbm>>
        %dma_start3A_51 = tpu.memref_squeeze %dma_start3A_50 : memref<1x80x128xi32, #tpu.memory_space<hbm>> -> memref<80x128xi32, #tpu.memory_space<hbm>>
        %dma_start3A_52 = arith.constant 40 : i32
        %dma_start3A_53 = arith.constant 0 : i32
        %dma_start3A_54 = tpu.memref_slice %dma_start3A_51[%dma_start3A_52, %dma_start3A_53] : memref<80x128xi32, #tpu.memory_space<hbm>> -> memref<40x128xi32, #tpu.memory_space<hbm>>
        tpu.enqueue_dma source(%dma_start3A_54 : memref<40x128xi32, #tpu.memory_space<hbm>>) target(%arg9 : memref<40x128xi32, #tpu.memory_space<vmem>>) target_semaphore(%run_scoped3A : memref<!tpu.dma_semaphore, #tpu.memory_space<semaphore_mem>>)
        %dma_wait3A = arith.constant 0 : i32
        %dma_wait3A_55 = arith.constant 0 : i32
        %dma_wait3A_56 = tpu.memref_slice %arg4[%arg1, %dma_wait3A, %dma_wait3A_55] : memref<16x80x128xi32, #tpu.memory_space<hbm>> -> memref<1x80x128xi32, #tpu.memory_space<hbm>>
        %dma_wait3A_57 = tpu.memref_squeeze %dma_wait3A_56 : memref<1x80x128xi32, #tpu.memory_space<hbm>> -> memref<80x128xi32, #tpu.memory_space<hbm>>
        %dma_wait3A_58 = arith.constant 40 : i32
        %dma_wait3A_59 = arith.constant 0 : i32
        %dma_wait3A_60 = tpu.memref_slice %dma_wait3A_57[%dma_wait3A_58, %dma_wait3A_59] : memref<80x128xi32, #tpu.memory_space<hbm>> -> memref<40x128xi32, #tpu.memory_space<hbm>>
        %dma_wait3A_61 = arith.constant 0 : i32
        %dma_wait3A_62 = arith.constant 0 : i32
        %dma_wait3A_63 = tpu.memref_slice %arg4[%arg1, %dma_wait3A_61, %dma_wait3A_62] : memref<16x80x128xi32, #tpu.memory_space<hbm>> -> memref<1x80x128xi32, #tpu.memory_space<hbm>>
        %dma_wait3A_64 = tpu.memref_squeeze %dma_wait3A_63 : memref<1x80x128xi32, #tpu.memory_space<hbm>> -> memref<80x128xi32, #tpu.memory_space<hbm>>
        %dma_wait3A_65 = arith.constant 40 : i32
        %dma_wait3A_66 = arith.constant 0 : i32
        %dma_wait3A_67 = tpu.memref_slice %dma_wait3A_64[%dma_wait3A_65, %dma_wait3A_66] : memref<80x128xi32, #tpu.memory_space<hbm>> -> memref<40x128xi32, #tpu.memory_space<hbm>>
        tpu.wait_dma2 semaphore(%run_scoped3A : memref<!tpu.dma_semaphore, #tpu.memory_space<semaphore_mem>>) src(%dma_wait3A_67 : memref<40x128xi32, #tpu.memory_space<hbm>>) dst(%arg9 : memref<40x128xi32, #tpu.memory_space<vmem>>)
        tpu.yield
      }) : () -> ()
      "tpu.region"() ({
        %run_scoped3A = tpu.sem_alloc : memref<!tpu.dma_semaphore, #tpu.memory_space<semaphore_mem>>
        %dma_start3A_41 = arith.constant 0 : i32
        %dma_start3A_42 = arith.constant 0 : i32
        %dma_start3A_43 = tpu.memref_slice %arg5[%arg1, %dma_start3A_41, %dma_start3A_42] : memref<16x80x128xi32, #tpu.memory_space<hbm>> -> memref<1x80x128xi32, #tpu.memory_space<hbm>>
        %dma_start3A_44 = tpu.memref_squeeze %dma_start3A_43 : memref<1x80x128xi32, #tpu.memory_space<hbm>> -> memref<80x128xi32, #tpu.memory_space<hbm>>
        %dma_start3A_45 = arith.constant 40 : i32
        %dma_start3A_46 = arith.constant 0 : i32
        %dma_start3A_47 = tpu.memref_slice %dma_start3A_44[%dma_start3A_45, %dma_start3A_46] : memref<80x128xi32, #tpu.memory_space<hbm>> -> memref<40x128xi32, #tpu.memory_space<hbm>>
        %dma_start3A_48 = arith.constant 0 : i32
        %dma_start3A_49 = arith.constant 0 : i32
        %dma_start3A_50 = tpu.memref_slice %arg5[%arg1, %dma_start3A_48, %dma_start3A_49] : memref<16x80x128xi32, #tpu.memory_space<hbm>> -> memref<1x80x128xi32, #tpu.memory_space<hbm>>
        %dma_start3A_51 = tpu.memref_squeeze %dma_start3A_50 : memref<1x80x128xi32, #tpu.memory_space<hbm>> -> memref<80x128xi32, #tpu.memory_space<hbm>>
        %dma_start3A_52 = arith.constant 40 : i32
        %dma_start3A_53 = arith.constant 0 : i32
        %dma_start3A_54 = tpu.memref_slice %dma_start3A_51[%dma_start3A_52, %dma_start3A_53] : memref<80x128xi32, #tpu.memory_space<hbm>> -> memref<40x128xi32, #tpu.memory_space<hbm>>
        tpu.enqueue_dma source(%dma_start3A_54 : memref<40x128xi32, #tpu.memory_space<hbm>>) target(%arg10 : memref<40x128xi32, #tpu.memory_space<vmem>>) target_semaphore(%run_scoped3A : memref<!tpu.dma_semaphore, #tpu.memory_space<semaphore_mem>>)
        %dma_wait3A = arith.constant 0 : i32
        %dma_wait3A_55 = arith.constant 0 : i32
        %dma_wait3A_56 = tpu.memref_slice %arg5[%arg1, %dma_wait3A, %dma_wait3A_55] : memref<16x80x128xi32, #tpu.memory_space<hbm>> -> memref<1x80x128xi32, #tpu.memory_space<hbm>>
        %dma_wait3A_57 = tpu.memref_squeeze %dma_wait3A_56 : memref<1x80x128xi32, #tpu.memory_space<hbm>> -> memref<80x128xi32, #tpu.memory_space<hbm>>
        %dma_wait3A_58 = arith.constant 40 : i32
        %dma_wait3A_59 = arith.constant 0 : i32
        %dma_wait3A_60 = tpu.memref_slice %dma_wait3A_57[%dma_wait3A_58, %dma_wait3A_59] : memref<80x128xi32, #tpu.memory_space<hbm>> -> memref<40x128xi32, #tpu.memory_space<hbm>>
        %dma_wait3A_61 = arith.constant 0 : i32
        %dma_wait3A_62 = arith.constant 0 : i32
        %dma_wait3A_63 = tpu.memref_slice %arg5[%arg1, %dma_wait3A_61, %dma_wait3A_62] : memref<16x80x128xi32, #tpu.memory_space<hbm>> -> memref<1x80x128xi32, #tpu.memory_space<hbm>>
        %dma_wait3A_64 = tpu.memref_squeeze %dma_wait3A_63 : memref<1x80x128xi32, #tpu.memory_space<hbm>> -> memref<80x128xi32, #tpu.memory_space<hbm>>
        %dma_wait3A_65 = arith.constant 40 : i32
        %dma_wait3A_66 = arith.constant 0 : i32
        %dma_wait3A_67 = tpu.memref_slice %dma_wait3A_64[%dma_wait3A_65, %dma_wait3A_66] : memref<80x128xi32, #tpu.memory_space<hbm>> -> memref<40x128xi32, #tpu.memory_space<hbm>>
        tpu.wait_dma2 semaphore(%run_scoped3A : memref<!tpu.dma_semaphore, #tpu.memory_space<semaphore_mem>>) src(%dma_wait3A_67 : memref<40x128xi32, #tpu.memory_space<hbm>>) dst(%arg10 : memref<40x128xi32, #tpu.memory_space<vmem>>)
        tpu.yield
      }) : () -> ()
      %dma_start3A_29 = arith.constant 0 : i32
      %dma_start3A_30 = arith.constant 0 : i32
      %dma_start3A_31 = tpu.memref_slice %arg9[%dma_start3A_29, %dma_start3A_30] : memref<40x128xi32, #tpu.memory_space<vmem>> -> memref<1x128xi32, #tpu.memory_space<vmem>>
      %dma_start3A_32 = tpu.memref_squeeze %dma_start3A_31 : memref<1x128xi32, #tpu.memory_space<vmem>> -> memref<128xi32, #tpu.memory_space<vmem>>
      %dma_start3A_33 = arith.constant 0 : i32
      %dma_start3A_34 = arith.constant 0 : i32
      %dma_start3A_35 = tpu.memref_slice %arg2[%dma_start3A_33, %dma_start3A_34] : memref<10000x128xf32, #tpu.memory_space<hbm>> -> memref<10000x128xf32, #tpu.memory_space<hbm>>
      tpu.enqueue_indirect_dma source(%dma_start3A_35 : memref<10000x128xf32, #tpu.memory_space<hbm>>) target(%arg11 : memref<128x128xf32, #tpu.memory_space<vmem>>) offsets(%dma_start3A_32 : memref<128xi32, #tpu.memory_space<vmem>>) semaphore(%arg14 : memref<!tpu.dma_semaphore, #tpu.memory_space<semaphore_mem>>)
      %scan3A_36 = arith.constant 0 : i32
      %scan3A_37 = arith.constant 20 : i32
      %scan3A_38 = arith.addi %scan3A_36, %scan3A_37 : i32
      %scan3A_39 = arith.constant 1 : i32
      scf.for %scan3A_41 = %scan3A_36 to %scan3A_38 step %scan3A_39  : i32 {
        %mul3A_42 = arith.constant 2 : i32
        %mul3A_43 = arith.muli %scan3A_41, %mul3A_42 : i32
        %add3A = arith.constant 1 : i32
        %add3A_44 = arith.addi %mul3A_43, %add3A : i32
        %dma_start3A_45 = arith.constant 0 : i32
        %dma_start3A_46 = tpu.memref_slice %arg9[%add3A_44, %dma_start3A_45] : memref<40x128xi32, #tpu.memory_space<vmem>> -> memref<1x128xi32, #tpu.memory_space<vmem>>
        %dma_start3A_47 = tpu.memref_squeeze %dma_start3A_46 : memref<1x128xi32, #tpu.memory_space<vmem>> -> memref<128xi32, #tpu.memory_space<vmem>>
        %dma_start3A_48 = arith.constant 0 : i32
        %dma_start3A_49 = arith.constant 0 : i32
        %dma_start3A_50 = tpu.memref_slice %arg2[%dma_start3A_48, %dma_start3A_49] : memref<10000x128xf32, #tpu.memory_space<hbm>> -> memref<10000x128xf32, #tpu.memory_space<hbm>>
        tpu.enqueue_indirect_dma source(%dma_start3A_50 : memref<10000x128xf32, #tpu.memory_space<hbm>>) target(%arg12 : memref<128x128xf32, #tpu.memory_space<vmem>>) offsets(%dma_start3A_47 : memref<128xi32, #tpu.memory_space<vmem>>) semaphore(%arg15 : memref<!tpu.dma_semaphore, #tpu.memory_space<semaphore_mem>>)
        %dma_wait3A = arith.constant 0 : i32
        %dma_wait3A_51 = tpu.memref_slice %arg9[%mul3A_43, %dma_wait3A] : memref<40x128xi32, #tpu.memory_space<vmem>> -> memref<1x128xi32, #tpu.memory_space<vmem>>
        %dma_wait3A_52 = tpu.memref_squeeze %dma_wait3A_51 : memref<1x128xi32, #tpu.memory_space<vmem>> -> memref<128xi32, #tpu.memory_space<vmem>>
        %dma_wait3A_53 = arith.constant 0 : i32
        %dma_wait3A_54 = arith.constant 0 : i32
        %dma_wait3A_55 = tpu.memref_slice %arg2[%dma_wait3A_53, %dma_wait3A_54] : memref<10000x128xf32, #tpu.memory_space<hbm>> -> memref<10000x128xf32, #tpu.memory_space<hbm>>
        tpu.wait_indirect_dma semaphore(%arg14 : memref<!tpu.dma_semaphore, #tpu.memory_space<semaphore_mem>>) src(%dma_wait3A_55 : memref<10000x128xf32, #tpu.memory_space<hbm>>) dst(%arg11 : memref<128x128xf32, #tpu.memory_space<vmem>>)
        "tpu.region"() ({
          %run_scoped3A = tpu.sem_alloc : memref<!tpu.dma_semaphore, #tpu.memory_space<semaphore_mem>>
          %dma_start3A_72 = arith.constant 0 : i32
          %dma_start3A_73 = tpu.memref_slice %arg10[%mul3A_43, %dma_start3A_72] : memref<40x128xi32, #tpu.memory_space<vmem>> -> memref<1x128xi32, #tpu.memory_space<vmem>>
          %dma_start3A_74 = tpu.memref_squeeze %dma_start3A_73 : memref<1x128xi32, #tpu.memory_space<vmem>> -> memref<128xi32, #tpu.memory_space<vmem>>
          %dma_start3A_75 = arith.constant 0 : i32
          %dma_start3A_76 = arith.constant 0 : i32
          %dma_start3A_77 = tpu.memref_slice %arg13[%dma_start3A_75, %dma_start3A_76] : memref<10112x128xf32, #tpu.memory_space<vmem_shared>> -> memref<10112x128xf32, #tpu.memory_space<vmem_shared>>
          tpu.enqueue_indirect_dma source(%arg11 : memref<128x128xf32, #tpu.memory_space<vmem>>) target(%dma_start3A_77 : memref<10112x128xf32, #tpu.memory_space<vmem_shared>>) offsets(%dma_start3A_74 : memref<128xi32, #tpu.memory_space<vmem>>) semaphore(%run_scoped3A : memref<!tpu.dma_semaphore, #tpu.memory_space<semaphore_mem>>) {add = true}
          %dma_wait3A_78 = arith.constant 0 : i32
          %dma_wait3A_79 = tpu.memref_slice %arg10[%mul3A_43, %dma_wait3A_78] : memref<40x128xi32, #tpu.memory_space<vmem>> -> memref<1x128xi32, #tpu.memory_space<vmem>>
          %dma_wait3A_80 = tpu.memref_squeeze %dma_wait3A_79 : memref<1x128xi32, #tpu.memory_space<vmem>> -> memref<128xi32, #tpu.memory_space<vmem>>
          %dma_wait3A_81 = arith.constant 0 : i32
          %dma_wait3A_82 = arith.constant 0 : i32
          %dma_wait3A_83 = tpu.memref_slice %arg13[%dma_wait3A_81, %dma_wait3A_82] : memref<10112x128xf32, #tpu.memory_space<vmem_shared>> -> memref<10112x128xf32, #tpu.memory_space<vmem_shared>>
          tpu.wait_indirect_dma semaphore(%run_scoped3A : memref<!tpu.dma_semaphore, #tpu.memory_space<semaphore_mem>>) src(%arg11 : memref<128x128xf32, #tpu.memory_space<vmem>>) dst(%dma_wait3A_83 : memref<10112x128xf32, #tpu.memory_space<vmem_shared>>)
          tpu.yield
        }) : () -> ()
        %add3A_56 = arith.constant 2 : i32
        %add3A_57 = arith.addi %mul3A_43, %add3A_56 : i32
        %lt3A = arith.constant 40 : i32
        %lt3A_58 = arith.cmpi slt, %add3A_57, %lt3A : i32
        %convert_element_type3A_59 = arith.extui %lt3A_58 : i1 to i32
        %cond3A_60 = arith.constant 0 : i32
        %cond3A_61 = arith.cmpi ne, %convert_element_type3A_59, %cond3A_60 : i32
        scf.if %cond3A_61 {
          %add3A_72 = arith.constant 2 : i32
          %add3A_73 = arith.addi %mul3A_43, %add3A_72 : i32
          %dma_start3A_74 = arith.constant 0 : i32
          %dma_start3A_75 = tpu.memref_slice %arg9[%add3A_73, %dma_start3A_74] : memref<40x128xi32, #tpu.memory_space<vmem>> -> memref<1x128xi32, #tpu.memory_space<vmem>>
          %dma_start3A_76 = tpu.memref_squeeze %dma_start3A_75 : memref<1x128xi32, #tpu.memory_space<vmem>> -> memref<128xi32, #tpu.memory_space<vmem>>
          %dma_start3A_77 = arith.constant 0 : i32
          %dma_start3A_78 = arith.constant 0 : i32
          %dma_start3A_79 = tpu.memref_slice %arg2[%dma_start3A_77, %dma_start3A_78] : memref<10000x128xf32, #tpu.memory_space<hbm>> -> memref<10000x128xf32, #tpu.memory_space<hbm>>
          tpu.enqueue_indirect_dma source(%dma_start3A_79 : memref<10000x128xf32, #tpu.memory_space<hbm>>) target(%arg11 : memref<128x128xf32, #tpu.memory_space<vmem>>) offsets(%dma_start3A_76 : memref<128xi32, #tpu.memory_space<vmem>>) semaphore(%arg14 : memref<!tpu.dma_semaphore, #tpu.memory_space<semaphore_mem>>)
        } else {
        }
        %add3A_62 = arith.constant 1 : i32
        %add3A_63 = arith.addi %mul3A_43, %add3A_62 : i32
        %dma_wait3A_64 = arith.constant 0 : i32
        %dma_wait3A_65 = tpu.memref_slice %arg9[%add3A_63, %dma_wait3A_64] : memref<40x128xi32, #tpu.memory_space<vmem>> -> memref<1x128xi32, #tpu.memory_space<vmem>>
        %dma_wait3A_66 = tpu.memref_squeeze %dma_wait3A_65 : memref<1x128xi32, #tpu.memory_space<vmem>> -> memref<128xi32, #tpu.memory_space<vmem>>
        %dma_wait3A_67 = arith.constant 0 : i32
        %dma_wait3A_68 = arith.constant 0 : i32
        %dma_wait3A_69 = tpu.memref_slice %arg2[%dma_wait3A_67, %dma_wait3A_68] : memref<10000x128xf32, #tpu.memory_space<hbm>> -> memref<10000x128xf32, #tpu.memory_space<hbm>>
        tpu.wait_indirect_dma semaphore(%arg15 : memref<!tpu.dma_semaphore, #tpu.memory_space<semaphore_mem>>) src(%dma_wait3A_69 : memref<10000x128xf32, #tpu.memory_space<hbm>>) dst(%arg12 : memref<128x128xf32, #tpu.memory_space<vmem>>)
        %add3A_70 = arith.constant 1 : i32
        %add3A_71 = arith.addi %mul3A_43, %add3A_70 : i32
        "tpu.region"() ({
          %run_scoped3A = tpu.sem_alloc : memref<!tpu.dma_semaphore, #tpu.memory_space<semaphore_mem>>
          %dma_start3A_72 = arith.constant 0 : i32
          %dma_start3A_73 = tpu.memref_slice %arg10[%add3A_71, %dma_start3A_72] : memref<40x128xi32, #tpu.memory_space<vmem>> -> memref<1x128xi32, #tpu.memory_space<vmem>>
          %dma_start3A_74 = tpu.memref_squeeze %dma_start3A_73 : memref<1x128xi32, #tpu.memory_space<vmem>> -> memref<128xi32, #tpu.memory_space<vmem>>
          %dma_start3A_75 = arith.constant 0 : i32
          %dma_start3A_76 = arith.constant 0 : i32
          %dma_start3A_77 = tpu.memref_slice %arg13[%dma_start3A_75, %dma_start3A_76] : memref<10112x128xf32, #tpu.memory_space<vmem_shared>> -> memref<10112x128xf32, #tpu.memory_space<vmem_shared>>
          tpu.enqueue_indirect_dma source(%arg12 : memref<128x128xf32, #tpu.memory_space<vmem>>) target(%dma_start3A_77 : memref<10112x128xf32, #tpu.memory_space<vmem_shared>>) offsets(%dma_start3A_74 : memref<128xi32, #tpu.memory_space<vmem>>) semaphore(%run_scoped3A : memref<!tpu.dma_semaphore, #tpu.memory_space<semaphore_mem>>) {add = true}
          %dma_wait3A_78 = arith.constant 0 : i32
          %dma_wait3A_79 = tpu.memref_slice %arg10[%add3A_71, %dma_wait3A_78] : memref<40x128xi32, #tpu.memory_space<vmem>> -> memref<1x128xi32, #tpu.memory_space<vmem>>
          %dma_wait3A_80 = tpu.memref_squeeze %dma_wait3A_79 : memref<1x128xi32, #tpu.memory_space<vmem>> -> memref<128xi32, #tpu.memory_space<vmem>>
          %dma_wait3A_81 = arith.constant 0 : i32
          %dma_wait3A_82 = arith.constant 0 : i32
          %dma_wait3A_83 = tpu.memref_slice %arg13[%dma_wait3A_81, %dma_wait3A_82] : memref<10112x128xf32, #tpu.memory_space<vmem_shared>> -> memref<10112x128xf32, #tpu.memory_space<vmem_shared>>
          tpu.wait_indirect_dma semaphore(%run_scoped3A : memref<!tpu.dma_semaphore, #tpu.memory_space<semaphore_mem>>) src(%arg12 : memref<128x128xf32, #tpu.memory_space<vmem>>) dst(%dma_wait3A_83 : memref<10112x128xf32, #tpu.memory_space<vmem_shared>>)
          tpu.yield
        }) : () -> ()
      }
      %scan3A_40 = arith.constant 20 : i32
    } else {
    }
    %eq3A_3 = arith.constant 1 : i32
    %eq3A_4 = arith.cmpi eq, %arg0, %eq3A_3 : i32
    %convert_element_type3A_5 = arith.extui %eq3A_4 : i1 to i32
    %cond3A_6 = arith.constant 0 : i32
    %cond3A_7 = arith.cmpi ne, %convert_element_type3A_5, %cond3A_6 : i32
    scf.if %cond3A_7 {
      "tpu.region"() ({
        %run_scoped3A = tpu.sem_alloc : memref<!tpu.dma_semaphore, #tpu.memory_space<semaphore_mem>>
        %dma_start3A_41 = arith.constant 0 : i32
        %dma_start3A_42 = arith.constant 0 : i32
        %dma_start3A_43 = tpu.memref_slice %arg4[%arg1, %dma_start3A_41, %dma_start3A_42] : memref<16x80x128xi32, #tpu.memory_space<hbm>> -> memref<1x80x128xi32, #tpu.memory_space<hbm>>
        %dma_start3A_44 = tpu.memref_squeeze %dma_start3A_43 : memref<1x80x128xi32, #tpu.memory_space<hbm>> -> memref<80x128xi32, #tpu.memory_space<hbm>>
        %dma_start3A_45 = arith.constant 0 : i32
        %dma_start3A_46 = arith.constant 0 : i32
        %dma_start3A_47 = tpu.memref_slice %dma_start3A_44[%dma_start3A_45, %dma_start3A_46] : memref<80x128xi32, #tpu.memory_space<hbm>> -> memref<40x128xi32, #tpu.memory_space<hbm>>
        %dma_start3A_48 = arith.constant 0 : i32
        %dma_start3A_49 = arith.constant 0 : i32
        %dma_start3A_50 = tpu.memref_slice %arg4[%arg1, %dma_start3A_48, %dma_start3A_49] : memref<16x80x128xi32, #tpu.memory_space<hbm>> -> memref<1x80x128xi32, #tpu.memory_space<hbm>>
        %dma_start3A_51 = tpu.memref_squeeze %dma_start3A_50 : memref<1x80x128xi32, #tpu.memory_space<hbm>> -> memref<80x128xi32, #tpu.memory_space<hbm>>
        %dma_start3A_52 = arith.constant 0 : i32
        %dma_start3A_53 = arith.constant 0 : i32
        %dma_start3A_54 = tpu.memref_slice %dma_start3A_51[%dma_start3A_52, %dma_start3A_53] : memref<80x128xi32, #tpu.memory_space<hbm>> -> memref<40x128xi32, #tpu.memory_space<hbm>>
        tpu.enqueue_dma source(%dma_start3A_54 : memref<40x128xi32, #tpu.memory_space<hbm>>) target(%arg9 : memref<40x128xi32, #tpu.memory_space<vmem>>) target_semaphore(%run_scoped3A : memref<!tpu.dma_semaphore, #tpu.memory_space<semaphore_mem>>)
        %dma_wait3A = arith.constant 0 : i32
        %dma_wait3A_55 = arith.constant 0 : i32
        %dma_wait3A_56 = tpu.memref_slice %arg4[%arg1, %dma_wait3A, %dma_wait3A_55] : memref<16x80x128xi32, #tpu.memory_space<hbm>> -> memref<1x80x128xi32, #tpu.memory_space<hbm>>
        %dma_wait3A_57 = tpu.memref_squeeze %dma_wait3A_56 : memref<1x80x128xi32, #tpu.memory_space<hbm>> -> memref<80x128xi32, #tpu.memory_space<hbm>>
        %dma_wait3A_58 = arith.constant 0 : i32
        %dma_wait3A_59 = arith.constant 0 : i32
        %dma_wait3A_60 = tpu.memref_slice %dma_wait3A_57[%dma_wait3A_58, %dma_wait3A_59] : memref<80x128xi32, #tpu.memory_space<hbm>> -> memref<40x128xi32, #tpu.memory_space<hbm>>
        %dma_wait3A_61 = arith.constant 0 : i32
        %dma_wait3A_62 = arith.constant 0 : i32
        %dma_wait3A_63 = tpu.memref_slice %arg4[%arg1, %dma_wait3A_61, %dma_wait3A_62] : memref<16x80x128xi32, #tpu.memory_space<hbm>> -> memref<1x80x128xi32, #tpu.memory_space<hbm>>
        %dma_wait3A_64 = tpu.memref_squeeze %dma_wait3A_63 : memref<1x80x128xi32, #tpu.memory_space<hbm>> -> memref<80x128xi32, #tpu.memory_space<hbm>>
        %dma_wait3A_65 = arith.constant 0 : i32
        %dma_wait3A_66 = arith.constant 0 : i32
        %dma_wait3A_67 = tpu.memref_slice %dma_wait3A_64[%dma_wait3A_65, %dma_wait3A_66] : memref<80x128xi32, #tpu.memory_space<hbm>> -> memref<40x128xi32, #tpu.memory_space<hbm>>
        tpu.wait_dma2 semaphore(%run_scoped3A : memref<!tpu.dma_semaphore, #tpu.memory_space<semaphore_mem>>) src(%dma_wait3A_67 : memref<40x128xi32, #tpu.memory_space<hbm>>) dst(%arg9 : memref<40x128xi32, #tpu.memory_space<vmem>>)
        tpu.yield
      }) : () -> ()
      "tpu.region"() ({
        %run_scoped3A = tpu.sem_alloc : memref<!tpu.dma_semaphore, #tpu.memory_space<semaphore_mem>>
        %dma_start3A_41 = arith.constant 0 : i32
        %dma_start3A_42 = arith.constant 0 : i32
        %dma_start3A_43 = tpu.memref_slice %arg5[%arg1, %dma_start3A_41, %dma_start3A_42] : memref<16x80x128xi32, #tpu.memory_space<hbm>> -> memref<1x80x128xi32, #tpu.memory_space<hbm>>
        %dma_start3A_44 = tpu.memref_squeeze %dma_start3A_43 : memref<1x80x128xi32, #tpu.memory_space<hbm>> -> memref<80x128xi32, #tpu.memory_space<hbm>>
        %dma_start3A_45 = arith.constant 0 : i32
        %dma_start3A_46 = arith.constant 0 : i32
        %dma_start3A_47 = tpu.memref_slice %dma_start3A_44[%dma_start3A_45, %dma_start3A_46] : memref<80x128xi32, #tpu.memory_space<hbm>> -> memref<40x128xi32, #tpu.memory_space<hbm>>
        %dma_start3A_48 = arith.constant 0 : i32
        %dma_start3A_49 = arith.constant 0 : i32
        %dma_start3A_50 = tpu.memref_slice %arg5[%arg1, %dma_start3A_48, %dma_start3A_49] : memref<16x80x128xi32, #tpu.memory_space<hbm>> -> memref<1x80x128xi32, #tpu.memory_space<hbm>>
        %dma_start3A_51 = tpu.memref_squeeze %dma_start3A_50 : memref<1x80x128xi32, #tpu.memory_space<hbm>> -> memref<80x128xi32, #tpu.memory_space<hbm>>
        %dma_start3A_52 = arith.constant 0 : i32
        %dma_start3A_53 = arith.constant 0 : i32
        %dma_start3A_54 = tpu.memref_slice %dma_start3A_51[%dma_start3A_52, %dma_start3A_53] : memref<80x128xi32, #tpu.memory_space<hbm>> -> memref<40x128xi32, #tpu.memory_space<hbm>>
        tpu.enqueue_dma source(%dma_start3A_54 : memref<40x128xi32, #tpu.memory_space<hbm>>) target(%arg10 : memref<40x128xi32, #tpu.memory_space<vmem>>) target_semaphore(%run_scoped3A : memref<!tpu.dma_semaphore, #tpu.memory_space<semaphore_mem>>)
        %dma_wait3A = arith.constant 0 : i32
        %dma_wait3A_55 = arith.constant 0 : i32
        %dma_wait3A_56 = tpu.memref_slice %arg5[%arg1, %dma_wait3A, %dma_wait3A_55] : memref<16x80x128xi32, #tpu.memory_space<hbm>> -> memref<1x80x128xi32, #tpu.memory_space<hbm>>
        %dma_wait3A_57 = tpu.memref_squeeze %dma_wait3A_56 : memref<1x80x128xi32, #tpu.memory_space<hbm>> -> memref<80x128xi32, #tpu.memory_space<hbm>>
        %dma_wait3A_58 = arith.constant 0 : i32
        %dma_wait3A_59 = arith.constant 0 : i32
        %dma_wait3A_60 = tpu.memref_slice %dma_wait3A_57[%dma_wait3A_58, %dma_wait3A_59] : memref<80x128xi32, #tpu.memory_space<hbm>> -> memref<40x128xi32, #tpu.memory_space<hbm>>
        %dma_wait3A_61 = arith.constant 0 : i32
        %dma_wait3A_62 = arith.constant 0 : i32
        %dma_wait3A_63 = tpu.memref_slice %arg5[%arg1, %dma_wait3A_61, %dma_wait3A_62] : memref<16x80x128xi32, #tpu.memory_space<hbm>> -> memref<1x80x128xi32, #tpu.memory_space<hbm>>
        %dma_wait3A_64 = tpu.memref_squeeze %dma_wait3A_63 : memref<1x80x128xi32, #tpu.memory_space<hbm>> -> memref<80x128xi32, #tpu.memory_space<hbm>>
        %dma_wait3A_65 = arith.constant 0 : i32
        %dma_wait3A_66 = arith.constant 0 : i32
        %dma_wait3A_67 = tpu.memref_slice %dma_wait3A_64[%dma_wait3A_65, %dma_wait3A_66] : memref<80x128xi32, #tpu.memory_space<hbm>> -> memref<40x128xi32, #tpu.memory_space<hbm>>
        tpu.wait_dma2 semaphore(%run_scoped3A : memref<!tpu.dma_semaphore, #tpu.memory_space<semaphore_mem>>) src(%dma_wait3A_67 : memref<40x128xi32, #tpu.memory_space<hbm>>) dst(%arg10 : memref<40x128xi32, #tpu.memory_space<vmem>>)
        tpu.yield
      }) : () -> ()
      %dma_start3A = arith.constant 0 : i32
      %dma_start3A_19 = arith.constant 0 : i32
      %dma_start3A_20 = tpu.memref_slice %arg9[%dma_start3A, %dma_start3A_19] : memref<40x128xi32, #tpu.memory_space<vmem>> -> memref<1x128xi32, #tpu.memory_space<vmem>>
      %dma_start3A_21 = tpu.memref_squeeze %dma_start3A_20 : memref<1x128xi32, #tpu.memory_space<vmem>> -> memref<128xi32, #tpu.memory_space<vmem>>
      %dma_start3A_22 = arith.constant 0 : i32
      %dma_start3A_23 = arith.constant 0 : i32
      %dma_start3A_24 = tpu.memref_slice %arg3[%dma_start3A_22, %dma_start3A_23] : memref<10000x128xf32, #tpu.memory_space<hbm>> -> memref<10000x128xf32, #tpu.memory_space<hbm>>
      tpu.enqueue_indirect_dma source(%dma_start3A_24 : memref<10000x128xf32, #tpu.memory_space<hbm>>) target(%arg11 : memref<128x128xf32, #tpu.memory_space<vmem>>) offsets(%dma_start3A_21 : memref<128xi32, #tpu.memory_space<vmem>>) semaphore(%arg14 : memref<!tpu.dma_semaphore, #tpu.memory_space<semaphore_mem>>)
      %scan3A = arith.constant 0 : i32
      %scan3A_25 = arith.constant 20 : i32
      %scan3A_26 = arith.addi %scan3A, %scan3A_25 : i32
      %scan3A_27 = arith.constant 1 : i32
      scf.for %scan3A_41 = %scan3A to %scan3A_26 step %scan3A_27  : i32 {
        %mul3A_42 = arith.constant 2 : i32
        %mul3A_43 = arith.muli %scan3A_41, %mul3A_42 : i32
        %add3A = arith.constant 1 : i32
        %add3A_44 = arith.addi %mul3A_43, %add3A : i32
        %dma_start3A_45 = arith.constant 0 : i32
        %dma_start3A_46 = tpu.memref_slice %arg9[%add3A_44, %dma_start3A_45] : memref<40x128xi32, #tpu.memory_space<vmem>> -> memref<1x128xi32, #tpu.memory_space<vmem>>
        %dma_start3A_47 = tpu.memref_squeeze %dma_start3A_46 : memref<1x128xi32, #tpu.memory_space<vmem>> -> memref<128xi32, #tpu.memory_space<vmem>>
        %dma_start3A_48 = arith.constant 0 : i32
        %dma_start3A_49 = arith.constant 0 : i32
        %dma_start3A_50 = tpu.memref_slice %arg3[%dma_start3A_48, %dma_start3A_49] : memref<10000x128xf32, #tpu.memory_space<hbm>> -> memref<10000x128xf32, #tpu.memory_space<hbm>>
        tpu.enqueue_indirect_dma source(%dma_start3A_50 : memref<10000x128xf32, #tpu.memory_space<hbm>>) target(%arg12 : memref<128x128xf32, #tpu.memory_space<vmem>>) offsets(%dma_start3A_47 : memref<128xi32, #tpu.memory_space<vmem>>) semaphore(%arg15 : memref<!tpu.dma_semaphore, #tpu.memory_space<semaphore_mem>>)
        %dma_wait3A = arith.constant 0 : i32
        %dma_wait3A_51 = tpu.memref_slice %arg9[%mul3A_43, %dma_wait3A] : memref<40x128xi32, #tpu.memory_space<vmem>> -> memref<1x128xi32, #tpu.memory_space<vmem>>
        %dma_wait3A_52 = tpu.memref_squeeze %dma_wait3A_51 : memref<1x128xi32, #tpu.memory_space<vmem>> -> memref<128xi32, #tpu.memory_space<vmem>>
        %dma_wait3A_53 = arith.constant 0 : i32
        %dma_wait3A_54 = arith.constant 0 : i32
        %dma_wait3A_55 = tpu.memref_slice %arg3[%dma_wait3A_53, %dma_wait3A_54] : memref<10000x128xf32, #tpu.memory_space<hbm>> -> memref<10000x128xf32, #tpu.memory_space<hbm>>
        tpu.wait_indirect_dma semaphore(%arg14 : memref<!tpu.dma_semaphore, #tpu.memory_space<semaphore_mem>>) src(%dma_wait3A_55 : memref<10000x128xf32, #tpu.memory_space<hbm>>) dst(%arg11 : memref<128x128xf32, #tpu.memory_space<vmem>>)
        "tpu.region"() ({
          %run_scoped3A = tpu.sem_alloc : memref<!tpu.dma_semaphore, #tpu.memory_space<semaphore_mem>>
          %dma_start3A_72 = arith.constant 0 : i32
          %dma_start3A_73 = tpu.memref_slice %arg10[%mul3A_43, %dma_start3A_72] : memref<40x128xi32, #tpu.memory_space<vmem>> -> memref<1x128xi32, #tpu.memory_space<vmem>>
          %dma_start3A_74 = tpu.memref_squeeze %dma_start3A_73 : memref<1x128xi32, #tpu.memory_space<vmem>> -> memref<128xi32, #tpu.memory_space<vmem>>
          %dma_start3A_75 = arith.constant 0 : i32
          %dma_start3A_76 = arith.constant 0 : i32
          %dma_start3A_77 = tpu.memref_slice %arg13[%dma_start3A_75, %dma_start3A_76] : memref<10112x128xf32, #tpu.memory_space<vmem_shared>> -> memref<10112x128xf32, #tpu.memory_space<vmem_shared>>
          tpu.enqueue_indirect_dma source(%arg11 : memref<128x128xf32, #tpu.memory_space<vmem>>) target(%dma_start3A_77 : memref<10112x128xf32, #tpu.memory_space<vmem_shared>>) offsets(%dma_start3A_74 : memref<128xi32, #tpu.memory_space<vmem>>) semaphore(%run_scoped3A : memref<!tpu.dma_semaphore, #tpu.memory_space<semaphore_mem>>) {add = true}
          %dma_wait3A_78 = arith.constant 0 : i32
          %dma_wait3A_79 = tpu.memref_slice %arg10[%mul3A_43, %dma_wait3A_78] : memref<40x128xi32, #tpu.memory_space<vmem>> -> memref<1x128xi32, #tpu.memory_space<vmem>>
          %dma_wait3A_80 = tpu.memref_squeeze %dma_wait3A_79 : memref<1x128xi32, #tpu.memory_space<vmem>> -> memref<128xi32, #tpu.memory_space<vmem>>
          %dma_wait3A_81 = arith.constant 0 : i32
          %dma_wait3A_82 = arith.constant 0 : i32
          %dma_wait3A_83 = tpu.memref_slice %arg13[%dma_wait3A_81, %dma_wait3A_82] : memref<10112x128xf32, #tpu.memory_space<vmem_shared>> -> memref<10112x128xf32, #tpu.memory_space<vmem_shared>>
          tpu.wait_indirect_dma semaphore(%run_scoped3A : memref<!tpu.dma_semaphore, #tpu.memory_space<semaphore_mem>>) src(%arg11 : memref<128x128xf32, #tpu.memory_space<vmem>>) dst(%dma_wait3A_83 : memref<10112x128xf32, #tpu.memory_space<vmem_shared>>)
          tpu.yield
        }) : () -> ()
        %add3A_56 = arith.constant 2 : i32
        %add3A_57 = arith.addi %mul3A_43, %add3A_56 : i32
        %lt3A = arith.constant 40 : i32
        %lt3A_58 = arith.cmpi slt, %add3A_57, %lt3A : i32
        %convert_element_type3A_59 = arith.extui %lt3A_58 : i1 to i32
        %cond3A_60 = arith.constant 0 : i32
        %cond3A_61 = arith.cmpi ne, %convert_element_type3A_59, %cond3A_60 : i32
        scf.if %cond3A_61 {
          %add3A_72 = arith.constant 2 : i32
          %add3A_73 = arith.addi %mul3A_43, %add3A_72 : i32
          %dma_start3A_74 = arith.constant 0 : i32
          %dma_start3A_75 = tpu.memref_slice %arg9[%add3A_73, %dma_start3A_74] : memref<40x128xi32, #tpu.memory_space<vmem>> -> memref<1x128xi32, #tpu.memory_space<vmem>>
          %dma_start3A_76 = tpu.memref_squeeze %dma_start3A_75 : memref<1x128xi32, #tpu.memory_space<vmem>> -> memref<128xi32, #tpu.memory_space<vmem>>
          %dma_start3A_77 = arith.constant 0 : i32
          %dma_start3A_78 = arith.constant 0 : i32
          %dma_start3A_79 = tpu.memref_slice %arg3[%dma_start3A_77, %dma_start3A_78] : memref<10000x128xf32, #tpu.memory_space<hbm>> -> memref<10000x128xf32, #tpu.memory_space<hbm>>
          tpu.enqueue_indirect_dma source(%dma_start3A_79 : memref<10000x128xf32, #tpu.memory_space<hbm>>) target(%arg11 : memref<128x128xf32, #tpu.memory_space<vmem>>) offsets(%dma_start3A_76 : memref<128xi32, #tpu.memory_space<vmem>>) semaphore(%arg14 : memref<!tpu.dma_semaphore, #tpu.memory_space<semaphore_mem>>)
        } else {
        }
        %add3A_62 = arith.constant 1 : i32
        %add3A_63 = arith.addi %mul3A_43, %add3A_62 : i32
        %dma_wait3A_64 = arith.constant 0 : i32
        %dma_wait3A_65 = tpu.memref_slice %arg9[%add3A_63, %dma_wait3A_64] : memref<40x128xi32, #tpu.memory_space<vmem>> -> memref<1x128xi32, #tpu.memory_space<vmem>>
        %dma_wait3A_66 = tpu.memref_squeeze %dma_wait3A_65 : memref<1x128xi32, #tpu.memory_space<vmem>> -> memref<128xi32, #tpu.memory_space<vmem>>
        %dma_wait3A_67 = arith.constant 0 : i32
        %dma_wait3A_68 = arith.constant 0 : i32
        %dma_wait3A_69 = tpu.memref_slice %arg3[%dma_wait3A_67, %dma_wait3A_68] : memref<10000x128xf32, #tpu.memory_space<hbm>> -> memref<10000x128xf32, #tpu.memory_space<hbm>>
        tpu.wait_indirect_dma semaphore(%arg15 : memref<!tpu.dma_semaphore, #tpu.memory_space<semaphore_mem>>) src(%dma_wait3A_69 : memref<10000x128xf32, #tpu.memory_space<hbm>>) dst(%arg12 : memref<128x128xf32, #tpu.memory_space<vmem>>)
        %add3A_70 = arith.constant 1 : i32
        %add3A_71 = arith.addi %mul3A_43, %add3A_70 : i32
        "tpu.region"() ({
          %run_scoped3A = tpu.sem_alloc : memref<!tpu.dma_semaphore, #tpu.memory_space<semaphore_mem>>
          %dma_start3A_72 = arith.constant 0 : i32
          %dma_start3A_73 = tpu.memref_slice %arg10[%add3A_71, %dma_start3A_72] : memref<40x128xi32, #tpu.memory_space<vmem>> -> memref<1x128xi32, #tpu.memory_space<vmem>>
          %dma_start3A_74 = tpu.memref_squeeze %dma_start3A_73 : memref<1x128xi32, #tpu.memory_space<vmem>> -> memref<128xi32, #tpu.memory_space<vmem>>
          %dma_start3A_75 = arith.constant 0 : i32
          %dma_start3A_76 = arith.constant 0 : i32
          %dma_start3A_77 = tpu.memref_slice %arg13[%dma_start3A_75, %dma_start3A_76] : memref<10112x128xf32, #tpu.memory_space<vmem_shared>> -> memref<10112x128xf32, #tpu.memory_space<vmem_shared>>
          tpu.enqueue_indirect_dma source(%arg12 : memref<128x128xf32, #tpu.memory_space<vmem>>) target(%dma_start3A_77 : memref<10112x128xf32, #tpu.memory_space<vmem_shared>>) offsets(%dma_start3A_74 : memref<128xi32, #tpu.memory_space<vmem>>) semaphore(%run_scoped3A : memref<!tpu.dma_semaphore, #tpu.memory_space<semaphore_mem>>) {add = true}
          %dma_wait3A_78 = arith.constant 0 : i32
          %dma_wait3A_79 = tpu.memref_slice %arg10[%add3A_71, %dma_wait3A_78] : memref<40x128xi32, #tpu.memory_space<vmem>> -> memref<1x128xi32, #tpu.memory_space<vmem>>
          %dma_wait3A_80 = tpu.memref_squeeze %dma_wait3A_79 : memref<1x128xi32, #tpu.memory_space<vmem>> -> memref<128xi32, #tpu.memory_space<vmem>>
          %dma_wait3A_81 = arith.constant 0 : i32
          %dma_wait3A_82 = arith.constant 0 : i32
          %dma_wait3A_83 = tpu.memref_slice %arg13[%dma_wait3A_81, %dma_wait3A_82] : memref<10112x128xf32, #tpu.memory_space<vmem_shared>> -> memref<10112x128xf32, #tpu.memory_space<vmem_shared>>
          tpu.wait_indirect_dma semaphore(%run_scoped3A : memref<!tpu.dma_semaphore, #tpu.memory_space<semaphore_mem>>) src(%arg12 : memref<128x128xf32, #tpu.memory_space<vmem>>) dst(%dma_wait3A_83 : memref<10112x128xf32, #tpu.memory_space<vmem_shared>>)
          tpu.yield
        }) : () -> ()
      }
      %scan3A_28 = arith.constant 20 : i32
      "tpu.region"() ({
        %run_scoped3A = tpu.sem_alloc : memref<!tpu.dma_semaphore, #tpu.memory_space<semaphore_mem>>
        %dma_start3A_41 = arith.constant 0 : i32
        %dma_start3A_42 = arith.constant 0 : i32
        %dma_start3A_43 = tpu.memref_slice %arg4[%arg1, %dma_start3A_41, %dma_start3A_42] : memref<16x80x128xi32, #tpu.memory_space<hbm>> -> memref<1x80x128xi32, #tpu.memory_space<hbm>>
        %dma_start3A_44 = tpu.memref_squeeze %dma_start3A_43 : memref<1x80x128xi32, #tpu.memory_space<hbm>> -> memref<80x128xi32, #tpu.memory_space<hbm>>
        %dma_start3A_45 = arith.constant 40 : i32
        %dma_start3A_46 = arith.constant 0 : i32
        %dma_start3A_47 = tpu.memref_slice %dma_start3A_44[%dma_start3A_45, %dma_start3A_46] : memref<80x128xi32, #tpu.memory_space<hbm>> -> memref<40x128xi32, #tpu.memory_space<hbm>>
        %dma_start3A_48 = arith.constant 0 : i32
        %dma_start3A_49 = arith.constant 0 : i32
        %dma_start3A_50 = tpu.memref_slice %arg4[%arg1, %dma_start3A_48, %dma_start3A_49] : memref<16x80x128xi32, #tpu.memory_space<hbm>> -> memref<1x80x128xi32, #tpu.memory_space<hbm>>
        %dma_start3A_51 = tpu.memref_squeeze %dma_start3A_50 : memref<1x80x128xi32, #tpu.memory_space<hbm>> -> memref<80x128xi32, #tpu.memory_space<hbm>>
        %dma_start3A_52 = arith.constant 40 : i32
        %dma_start3A_53 = arith.constant 0 : i32
        %dma_start3A_54 = tpu.memref_slice %dma_start3A_51[%dma_start3A_52, %dma_start3A_53] : memref<80x128xi32, #tpu.memory_space<hbm>> -> memref<40x128xi32, #tpu.memory_space<hbm>>
        tpu.enqueue_dma source(%dma_start3A_54 : memref<40x128xi32, #tpu.memory_space<hbm>>) target(%arg9 : memref<40x128xi32, #tpu.memory_space<vmem>>) target_semaphore(%run_scoped3A : memref<!tpu.dma_semaphore, #tpu.memory_space<semaphore_mem>>)
        %dma_wait3A = arith.constant 0 : i32
        %dma_wait3A_55 = arith.constant 0 : i32
        %dma_wait3A_56 = tpu.memref_slice %arg4[%arg1, %dma_wait3A, %dma_wait3A_55] : memref<16x80x128xi32, #tpu.memory_space<hbm>> -> memref<1x80x128xi32, #tpu.memory_space<hbm>>
        %dma_wait3A_57 = tpu.memref_squeeze %dma_wait3A_56 : memref<1x80x128xi32, #tpu.memory_space<hbm>> -> memref<80x128xi32, #tpu.memory_space<hbm>>
        %dma_wait3A_58 = arith.constant 40 : i32
        %dma_wait3A_59 = arith.constant 0 : i32
        %dma_wait3A_60 = tpu.memref_slice %dma_wait3A_57[%dma_wait3A_58, %dma_wait3A_59] : memref<80x128xi32, #tpu.memory_space<hbm>> -> memref<40x128xi32, #tpu.memory_space<hbm>>
        %dma_wait3A_61 = arith.constant 0 : i32
        %dma_wait3A_62 = arith.constant 0 : i32
        %dma_wait3A_63 = tpu.memref_slice %arg4[%arg1, %dma_wait3A_61, %dma_wait3A_62] : memref<16x80x128xi32, #tpu.memory_space<hbm>> -> memref<1x80x128xi32, #tpu.memory_space<hbm>>
        %dma_wait3A_64 = tpu.memref_squeeze %dma_wait3A_63 : memref<1x80x128xi32, #tpu.memory_space<hbm>> -> memref<80x128xi32, #tpu.memory_space<hbm>>
        %dma_wait3A_65 = arith.constant 40 : i32
        %dma_wait3A_66 = arith.constant 0 : i32
        %dma_wait3A_67 = tpu.memref_slice %dma_wait3A_64[%dma_wait3A_65, %dma_wait3A_66] : memref<80x128xi32, #tpu.memory_space<hbm>> -> memref<40x128xi32, #tpu.memory_space<hbm>>
        tpu.wait_dma2 semaphore(%run_scoped3A : memref<!tpu.dma_semaphore, #tpu.memory_space<semaphore_mem>>) src(%dma_wait3A_67 : memref<40x128xi32, #tpu.memory_space<hbm>>) dst(%arg9 : memref<40x128xi32, #tpu.memory_space<vmem>>)
        tpu.yield
      }) : () -> ()
      "tpu.region"() ({
        %run_scoped3A = tpu.sem_alloc : memref<!tpu.dma_semaphore, #tpu.memory_space<semaphore_mem>>
        %dma_start3A_41 = arith.constant 0 : i32
        %dma_start3A_42 = arith.constant 0 : i32
        %dma_start3A_43 = tpu.memref_slice %arg5[%arg1, %dma_start3A_41, %dma_start3A_42] : memref<16x80x128xi32, #tpu.memory_space<hbm>> -> memref<1x80x128xi32, #tpu.memory_space<hbm>>
        %dma_start3A_44 = tpu.memref_squeeze %dma_start3A_43 : memref<1x80x128xi32, #tpu.memory_space<hbm>> -> memref<80x128xi32, #tpu.memory_space<hbm>>
        %dma_start3A_45 = arith.constant 40 : i32
        %dma_start3A_46 = arith.constant 0 : i32
        %dma_start3A_47 = tpu.memref_slice %dma_start3A_44[%dma_start3A_45, %dma_start3A_46] : memref<80x128xi32, #tpu.memory_space<hbm>> -> memref<40x128xi32, #tpu.memory_space<hbm>>
        %dma_start3A_48 = arith.constant 0 : i32
        %dma_start3A_49 = arith.constant 0 : i32
        %dma_start3A_50 = tpu.memref_slice %arg5[%arg1, %dma_start3A_48, %dma_start3A_49] : memref<16x80x128xi32, #tpu.memory_space<hbm>> -> memref<1x80x128xi32, #tpu.memory_space<hbm>>
        %dma_start3A_51 = tpu.memref_squeeze %dma_start3A_50 : memref<1x80x128xi32, #tpu.memory_space<hbm>> -> memref<80x128xi32, #tpu.memory_space<hbm>>
        %dma_start3A_52 = arith.constant 40 : i32
        %dma_start3A_53 = arith.constant 0 : i32
        %dma_start3A_54 = tpu.memref_slice %dma_start3A_51[%dma_start3A_52, %dma_start3A_53] : memref<80x128xi32, #tpu.memory_space<hbm>> -> memref<40x128xi32, #tpu.memory_space<hbm>>
        tpu.enqueue_dma source(%dma_start3A_54 : memref<40x128xi32, #tpu.memory_space<hbm>>) target(%arg10 : memref<40x128xi32, #tpu.memory_space<vmem>>) target_semaphore(%run_scoped3A : memref<!tpu.dma_semaphore, #tpu.memory_space<semaphore_mem>>)
        %dma_wait3A = arith.constant 0 : i32
        %dma_wait3A_55 = arith.constant 0 : i32
        %dma_wait3A_56 = tpu.memref_slice %arg5[%arg1, %dma_wait3A, %dma_wait3A_55] : memref<16x80x128xi32, #tpu.memory_space<hbm>> -> memref<1x80x128xi32, #tpu.memory_space<hbm>>
        %dma_wait3A_57 = tpu.memref_squeeze %dma_wait3A_56 : memref<1x80x128xi32, #tpu.memory_space<hbm>> -> memref<80x128xi32, #tpu.memory_space<hbm>>
        %dma_wait3A_58 = arith.constant 40 : i32
        %dma_wait3A_59 = arith.constant 0 : i32
        %dma_wait3A_60 = tpu.memref_slice %dma_wait3A_57[%dma_wait3A_58, %dma_wait3A_59] : memref<80x128xi32, #tpu.memory_space<hbm>> -> memref<40x128xi32, #tpu.memory_space<hbm>>
        %dma_wait3A_61 = arith.constant 0 : i32
        %dma_wait3A_62 = arith.constant 0 : i32
        %dma_wait3A_63 = tpu.memref_slice %arg5[%arg1, %dma_wait3A_61, %dma_wait3A_62] : memref<16x80x128xi32, #tpu.memory_space<hbm>> -> memref<1x80x128xi32, #tpu.memory_space<hbm>>
        %dma_wait3A_64 = tpu.memref_squeeze %dma_wait3A_63 : memref<1x80x128xi32, #tpu.memory_space<hbm>> -> memref<80x128xi32, #tpu.memory_space<hbm>>
        %dma_wait3A_65 = arith.constant 40 : i32
        %dma_wait3A_66 = arith.constant 0 : i32
        %dma_wait3A_67 = tpu.memref_slice %dma_wait3A_64[%dma_wait3A_65, %dma_wait3A_66] : memref<80x128xi32, #tpu.memory_space<hbm>> -> memref<40x128xi32, #tpu.memory_space<hbm>>
        tpu.wait_dma2 semaphore(%run_scoped3A : memref<!tpu.dma_semaphore, #tpu.memory_space<semaphore_mem>>) src(%dma_wait3A_67 : memref<40x128xi32, #tpu.memory_space<hbm>>) dst(%arg10 : memref<40x128xi32, #tpu.memory_space<vmem>>)
        tpu.yield
      }) : () -> ()
      %dma_start3A_29 = arith.constant 0 : i32
      %dma_start3A_30 = arith.constant 0 : i32
      %dma_start3A_31 = tpu.memref_slice %arg9[%dma_start3A_29, %dma_start3A_30] : memref<40x128xi32, #tpu.memory_space<vmem>> -> memref<1x128xi32, #tpu.memory_space<vmem>>
      %dma_start3A_32 = tpu.memref_squeeze %dma_start3A_31 : memref<1x128xi32, #tpu.memory_space<vmem>> -> memref<128xi32, #tpu.memory_space<vmem>>
      %dma_start3A_33 = arith.constant 0 : i32
      %dma_start3A_34 = arith.constant 0 : i32
      %dma_start3A_35 = tpu.memref_slice %arg3[%dma_start3A_33, %dma_start3A_34] : memref<10000x128xf32, #tpu.memory_space<hbm>> -> memref<10000x128xf32, #tpu.memory_space<hbm>>
      tpu.enqueue_indirect_dma source(%dma_start3A_35 : memref<10000x128xf32, #tpu.memory_space<hbm>>) target(%arg11 : memref<128x128xf32, #tpu.memory_space<vmem>>) offsets(%dma_start3A_32 : memref<128xi32, #tpu.memory_space<vmem>>) semaphore(%arg14 : memref<!tpu.dma_semaphore, #tpu.memory_space<semaphore_mem>>)
      %scan3A_36 = arith.constant 0 : i32
      %scan3A_37 = arith.constant 20 : i32
      %scan3A_38 = arith.addi %scan3A_36, %scan3A_37 : i32
      %scan3A_39 = arith.constant 1 : i32
      scf.for %scan3A_41 = %scan3A_36 to %scan3A_38 step %scan3A_39  : i32 {
        %mul3A_42 = arith.constant 2 : i32
        %mul3A_43 = arith.muli %scan3A_41, %mul3A_42 : i32
        %add3A = arith.constant 1 : i32
        %add3A_44 = arith.addi %mul3A_43, %add3A : i32
        %dma_start3A_45 = arith.constant 0 : i32
        %dma_start3A_46 = tpu.memref_slice %arg9[%add3A_44, %dma_start3A_45] : memref<40x128xi32, #tpu.memory_space<vmem>> -> memref<1x128xi32, #tpu.memory_space<vmem>>
        %dma_start3A_47 = tpu.memref_squeeze %dma_start3A_46 : memref<1x128xi32, #tpu.memory_space<vmem>> -> memref<128xi32, #tpu.memory_space<vmem>>
        %dma_start3A_48 = arith.constant 0 : i32
        %dma_start3A_49 = arith.constant 0 : i32
        %dma_start3A_50 = tpu.memref_slice %arg3[%dma_start3A_48, %dma_start3A_49] : memref<10000x128xf32, #tpu.memory_space<hbm>> -> memref<10000x128xf32, #tpu.memory_space<hbm>>
        tpu.enqueue_indirect_dma source(%dma_start3A_50 : memref<10000x128xf32, #tpu.memory_space<hbm>>) target(%arg12 : memref<128x128xf32, #tpu.memory_space<vmem>>) offsets(%dma_start3A_47 : memref<128xi32, #tpu.memory_space<vmem>>) semaphore(%arg15 : memref<!tpu.dma_semaphore, #tpu.memory_space<semaphore_mem>>)
        %dma_wait3A = arith.constant 0 : i32
        %dma_wait3A_51 = tpu.memref_slice %arg9[%mul3A_43, %dma_wait3A] : memref<40x128xi32, #tpu.memory_space<vmem>> -> memref<1x128xi32, #tpu.memory_space<vmem>>
        %dma_wait3A_52 = tpu.memref_squeeze %dma_wait3A_51 : memref<1x128xi32, #tpu.memory_space<vmem>> -> memref<128xi32, #tpu.memory_space<vmem>>
        %dma_wait3A_53 = arith.constant 0 : i32
        %dma_wait3A_54 = arith.constant 0 : i32
        %dma_wait3A_55 = tpu.memref_slice %arg3[%dma_wait3A_53, %dma_wait3A_54] : memref<10000x128xf32, #tpu.memory_space<hbm>> -> memref<10000x128xf32, #tpu.memory_space<hbm>>
        tpu.wait_indirect_dma semaphore(%arg14 : memref<!tpu.dma_semaphore, #tpu.memory_space<semaphore_mem>>) src(%dma_wait3A_55 : memref<10000x128xf32, #tpu.memory_space<hbm>>) dst(%arg11 : memref<128x128xf32, #tpu.memory_space<vmem>>)
        "tpu.region"() ({
          %run_scoped3A = tpu.sem_alloc : memref<!tpu.dma_semaphore, #tpu.memory_space<semaphore_mem>>
          %dma_start3A_72 = arith.constant 0 : i32
          %dma_start3A_73 = tpu.memref_slice %arg10[%mul3A_43, %dma_start3A_72] : memref<40x128xi32, #tpu.memory_space<vmem>> -> memref<1x128xi32, #tpu.memory_space<vmem>>
          %dma_start3A_74 = tpu.memref_squeeze %dma_start3A_73 : memref<1x128xi32, #tpu.memory_space<vmem>> -> memref<128xi32, #tpu.memory_space<vmem>>
          %dma_start3A_75 = arith.constant 0 : i32
          %dma_start3A_76 = arith.constant 0 : i32
          %dma_start3A_77 = tpu.memref_slice %arg13[%dma_start3A_75, %dma_start3A_76] : memref<10112x128xf32, #tpu.memory_space<vmem_shared>> -> memref<10112x128xf32, #tpu.memory_space<vmem_shared>>
          tpu.enqueue_indirect_dma source(%arg11 : memref<128x128xf32, #tpu.memory_space<vmem>>) target(%dma_start3A_77 : memref<10112x128xf32, #tpu.memory_space<vmem_shared>>) offsets(%dma_start3A_74 : memref<128xi32, #tpu.memory_space<vmem>>) semaphore(%run_scoped3A : memref<!tpu.dma_semaphore, #tpu.memory_space<semaphore_mem>>) {add = true}
          %dma_wait3A_78 = arith.constant 0 : i32
          %dma_wait3A_79 = tpu.memref_slice %arg10[%mul3A_43, %dma_wait3A_78] : memref<40x128xi32, #tpu.memory_space<vmem>> -> memref<1x128xi32, #tpu.memory_space<vmem>>
          %dma_wait3A_80 = tpu.memref_squeeze %dma_wait3A_79 : memref<1x128xi32, #tpu.memory_space<vmem>> -> memref<128xi32, #tpu.memory_space<vmem>>
          %dma_wait3A_81 = arith.constant 0 : i32
          %dma_wait3A_82 = arith.constant 0 : i32
          %dma_wait3A_83 = tpu.memref_slice %arg13[%dma_wait3A_81, %dma_wait3A_82] : memref<10112x128xf32, #tpu.memory_space<vmem_shared>> -> memref<10112x128xf32, #tpu.memory_space<vmem_shared>>
          tpu.wait_indirect_dma semaphore(%run_scoped3A : memref<!tpu.dma_semaphore, #tpu.memory_space<semaphore_mem>>) src(%arg11 : memref<128x128xf32, #tpu.memory_space<vmem>>) dst(%dma_wait3A_83 : memref<10112x128xf32, #tpu.memory_space<vmem_shared>>)
          tpu.yield
        }) : () -> ()
        %add3A_56 = arith.constant 2 : i32
        %add3A_57 = arith.addi %mul3A_43, %add3A_56 : i32
        %lt3A = arith.constant 40 : i32
        %lt3A_58 = arith.cmpi slt, %add3A_57, %lt3A : i32
        %convert_element_type3A_59 = arith.extui %lt3A_58 : i1 to i32
        %cond3A_60 = arith.constant 0 : i32
        %cond3A_61 = arith.cmpi ne, %convert_element_type3A_59, %cond3A_60 : i32
        scf.if %cond3A_61 {
          %add3A_72 = arith.constant 2 : i32
          %add3A_73 = arith.addi %mul3A_43, %add3A_72 : i32
          %dma_start3A_74 = arith.constant 0 : i32
          %dma_start3A_75 = tpu.memref_slice %arg9[%add3A_73, %dma_start3A_74] : memref<40x128xi32, #tpu.memory_space<vmem>> -> memref<1x128xi32, #tpu.memory_space<vmem>>
          %dma_start3A_76 = tpu.memref_squeeze %dma_start3A_75 : memref<1x128xi32, #tpu.memory_space<vmem>> -> memref<128xi32, #tpu.memory_space<vmem>>
          %dma_start3A_77 = arith.constant 0 : i32
          %dma_start3A_78 = arith.constant 0 : i32
          %dma_start3A_79 = tpu.memref_slice %arg3[%dma_start3A_77, %dma_start3A_78] : memref<10000x128xf32, #tpu.memory_space<hbm>> -> memref<10000x128xf32, #tpu.memory_space<hbm>>
          tpu.enqueue_indirect_dma source(%dma_start3A_79 : memref<10000x128xf32, #tpu.memory_space<hbm>>) target(%arg11 : memref<128x128xf32, #tpu.memory_space<vmem>>) offsets(%dma_start3A_76 : memref<128xi32, #tpu.memory_space<vmem>>) semaphore(%arg14 : memref<!tpu.dma_semaphore, #tpu.memory_space<semaphore_mem>>)
        } else {
        }
        %add3A_62 = arith.constant 1 : i32
        %add3A_63 = arith.addi %mul3A_43, %add3A_62 : i32
        %dma_wait3A_64 = arith.constant 0 : i32
        %dma_wait3A_65 = tpu.memref_slice %arg9[%add3A_63, %dma_wait3A_64] : memref<40x128xi32, #tpu.memory_space<vmem>> -> memref<1x128xi32, #tpu.memory_space<vmem>>
        %dma_wait3A_66 = tpu.memref_squeeze %dma_wait3A_65 : memref<1x128xi32, #tpu.memory_space<vmem>> -> memref<128xi32, #tpu.memory_space<vmem>>
        %dma_wait3A_67 = arith.constant 0 : i32
        %dma_wait3A_68 = arith.constant 0 : i32
        %dma_wait3A_69 = tpu.memref_slice %arg3[%dma_wait3A_67, %dma_wait3A_68] : memref<10000x128xf32, #tpu.memory_space<hbm>> -> memref<10000x128xf32, #tpu.memory_space<hbm>>
        tpu.wait_indirect_dma semaphore(%arg15 : memref<!tpu.dma_semaphore, #tpu.memory_space<semaphore_mem>>) src(%dma_wait3A_69 : memref<10000x128xf32, #tpu.memory_space<hbm>>) dst(%arg12 : memref<128x128xf32, #tpu.memory_space<vmem>>)
        %add3A_70 = arith.constant 1 : i32
        %add3A_71 = arith.addi %mul3A_43, %add3A_70 : i32
        "tpu.region"() ({
          %run_scoped3A = tpu.sem_alloc : memref<!tpu.dma_semaphore, #tpu.memory_space<semaphore_mem>>
          %dma_start3A_72 = arith.constant 0 : i32
          %dma_start3A_73 = tpu.memref_slice %arg10[%add3A_71, %dma_start3A_72] : memref<40x128xi32, #tpu.memory_space<vmem>> -> memref<1x128xi32, #tpu.memory_space<vmem>>
          %dma_start3A_74 = tpu.memref_squeeze %dma_start3A_73 : memref<1x128xi32, #tpu.memory_space<vmem>> -> memref<128xi32, #tpu.memory_space<vmem>>
          %dma_start3A_75 = arith.constant 0 : i32
          %dma_start3A_76 = arith.constant 0 : i32
          %dma_start3A_77 = tpu.memref_slice %arg13[%dma_start3A_75, %dma_start3A_76] : memref<10112x128xf32, #tpu.memory_space<vmem_shared>> -> memref<10112x128xf32, #tpu.memory_space<vmem_shared>>
          tpu.enqueue_indirect_dma source(%arg12 : memref<128x128xf32, #tpu.memory_space<vmem>>) target(%dma_start3A_77 : memref<10112x128xf32, #tpu.memory_space<vmem_shared>>) offsets(%dma_start3A_74 : memref<128xi32, #tpu.memory_space<vmem>>) semaphore(%run_scoped3A : memref<!tpu.dma_semaphore, #tpu.memory_space<semaphore_mem>>) {add = true}
          %dma_wait3A_78 = arith.constant 0 : i32
          %dma_wait3A_79 = tpu.memref_slice %arg10[%add3A_71, %dma_wait3A_78] : memref<40x128xi32, #tpu.memory_space<vmem>> -> memref<1x128xi32, #tpu.memory_space<vmem>>
          %dma_wait3A_80 = tpu.memref_squeeze %dma_wait3A_79 : memref<1x128xi32, #tpu.memory_space<vmem>> -> memref<128xi32, #tpu.memory_space<vmem>>
          %dma_wait3A_81 = arith.constant 0 : i32
          %dma_wait3A_82 = arith.constant 0 : i32
          %dma_wait3A_83 = tpu.memref_slice %arg13[%dma_wait3A_81, %dma_wait3A_82] : memref<10112x128xf32, #tpu.memory_space<vmem_shared>> -> memref<10112x128xf32, #tpu.memory_space<vmem_shared>>
          tpu.wait_indirect_dma semaphore(%run_scoped3A : memref<!tpu.dma_semaphore, #tpu.memory_space<semaphore_mem>>) src(%arg12 : memref<128x128xf32, #tpu.memory_space<vmem>>) dst(%dma_wait3A_83 : memref<10112x128xf32, #tpu.memory_space<vmem_shared>>)
          tpu.yield
        }) : () -> ()
      }
      %scan3A_40 = arith.constant 20 : i32
    } else {
    }
    %barrier3A_8 = arith.constant 0 : index
    tpu.barrier barrier_id(%barrier3A_8)
    %eq3A_9 = arith.constant 0 : i32
    %eq3A_10 = arith.cmpi eq, %arg0, %eq3A_9 : i32
    %convert_element_type3A_11 = arith.extui %eq3A_10 : i1 to i32
    %cond3A_12 = arith.constant 0 : i32
    %cond3A_13 = arith.cmpi ne, %convert_element_type3A_11, %cond3A_12 : i32
    scf.if %cond3A_13 {
      %mul3A_19 = arith.constant 632 : i32
      %mul3A_20 = arith.muli %arg1, %mul3A_19 : i32
      %mul3A_21 = arith.constant 632 : i32
      %mul3A_22 = arith.muli %arg1, %mul3A_21 : i32
      "tpu.region"() ({
        %run_scoped3A = tpu.sem_alloc : memref<!tpu.dma_semaphore, #tpu.memory_space<semaphore_mem>>
        %dma_start3A = arith.constant 0 : i32
        %dma_start3A_23 = tpu.memref_slice %arg7[%mul3A_22, %dma_start3A] : memref<10112x128xf32, #tpu.memory_space<hbm>> -> memref<632x128xf32, #tpu.memory_space<hbm>>
        %dma_start3A_24 = arith.constant 0 : i32
        %dma_start3A_25 = tpu.memref_slice %arg13[%mul3A_20, %dma_start3A_24] : memref<10112x128xf32, #tpu.memory_space<vmem_shared>> -> memref<632x128xf32, #tpu.memory_space<vmem_shared>>
        tpu.enqueue_dma source(%dma_start3A_25 : memref<632x128xf32, #tpu.memory_space<vmem_shared>>) target(%dma_start3A_23 : memref<632x128xf32, #tpu.memory_space<hbm>>) target_semaphore(%run_scoped3A : memref<!tpu.dma_semaphore, #tpu.memory_space<semaphore_mem>>)
        %dma_wait3A = arith.constant 0 : i32
        %dma_wait3A_26 = tpu.memref_slice %arg7[%mul3A_22, %dma_wait3A] : memref<10112x128xf32, #tpu.memory_space<hbm>> -> memref<632x128xf32, #tpu.memory_space<hbm>>
        %dma_wait3A_27 = arith.constant 0 : i32
        %dma_wait3A_28 = tpu.memref_slice %arg13[%mul3A_20, %dma_wait3A_27] : memref<10112x128xf32, #tpu.memory_space<vmem_shared>> -> memref<632x128xf32, #tpu.memory_space<vmem_shared>>
        tpu.wait_dma2 semaphore(%run_scoped3A : memref<!tpu.dma_semaphore, #tpu.memory_space<semaphore_mem>>) src(%dma_wait3A_28 : memref<632x128xf32, #tpu.memory_space<vmem_shared>>) dst(%dma_wait3A_26 : memref<632x128xf32, #tpu.memory_space<hbm>>)
        tpu.yield
      }) : () -> ()
    } else {
    }
    %eq3A_14 = arith.constant 1 : i32
    %eq3A_15 = arith.cmpi eq, %arg0, %eq3A_14 : i32
    %convert_element_type3A_16 = arith.extui %eq3A_15 : i1 to i32
    %cond3A_17 = arith.constant 0 : i32
    %cond3A_18 = arith.cmpi ne, %convert_element_type3A_16, %cond3A_17 : i32
    scf.if %cond3A_18 {
      %mul3A_19 = arith.constant 632 : i32
      %mul3A_20 = arith.muli %arg1, %mul3A_19 : i32
      %mul3A_21 = arith.constant 632 : i32
      %mul3A_22 = arith.muli %arg1, %mul3A_21 : i32
      "tpu.region"() ({
        %run_scoped3A = tpu.sem_alloc : memref<!tpu.dma_semaphore, #tpu.memory_space<semaphore_mem>>
        %dma_start3A = arith.constant 0 : i32
        %dma_start3A_23 = tpu.memref_slice %arg8[%mul3A_22, %dma_start3A] : memref<10112x128xf32, #tpu.memory_space<hbm>> -> memref<632x128xf32, #tpu.memory_space<hbm>>
        %dma_start3A_24 = arith.constant 0 : i32
        %dma_start3A_25 = tpu.memref_slice %arg13[%mul3A_20, %dma_start3A_24] : memref<10112x128xf32, #tpu.memory_space<vmem_shared>> -> memref<632x128xf32, #tpu.memory_space<vmem_shared>>
        tpu.enqueue_dma source(%dma_start3A_25 : memref<632x128xf32, #tpu.memory_space<vmem_shared>>) target(%dma_start3A_23 : memref<632x128xf32, #tpu.memory_space<hbm>>) target_semaphore(%run_scoped3A : memref<!tpu.dma_semaphore, #tpu.memory_space<semaphore_mem>>)
        %dma_wait3A = arith.constant 0 : i32
        %dma_wait3A_26 = tpu.memref_slice %arg8[%mul3A_22, %dma_wait3A] : memref<10112x128xf32, #tpu.memory_space<hbm>> -> memref<632x128xf32, #tpu.memory_space<hbm>>
        %dma_wait3A_27 = arith.constant 0 : i32
        %dma_wait3A_28 = tpu.memref_slice %arg13[%mul3A_20, %dma_wait3A_27] : memref<10112x128xf32, #tpu.memory_space<vmem_shared>> -> memref<632x128xf32, #tpu.memory_space<vmem_shared>>
        tpu.wait_dma2 semaphore(%run_scoped3A : memref<!tpu.dma_semaphore, #tpu.memory_space<semaphore_mem>>) src(%dma_wait3A_28 : memref<632x128xf32, #tpu.memory_space<vmem_shared>>) dst(%dma_wait3A_26 : memref<632x128xf32, #tpu.memory_space<hbm>>)
        tpu.yield
      }) : () -> ()
    } else {
    }
    return
  }
}

#map = affine_map<(d0, d1) -> (0, 0, 0)>
#map1 = affine_map<(d0, d1) -> (0, 0)>
module attributes {stable_mosaic.version = 14 : i64} {
  func.func @_sc_degrees(%arg0: i32, %arg1: i32, %arg2: memref<16x80x128xi32, #tpu.memory_space<hbm>>, %arg3: memref<16x80x128xi32, #tpu.memory_space<hbm>>, %arg4: memref<128x128xf32, #tpu.memory_space<hbm>>, %arg5: memref<632x128xf32, #tpu.memory_space<hbm>>, %arg6: memref<2x10112x128xf32, #tpu.memory_space<hbm>>, %arg7: memref<80x128xi32, #tpu.memory_space<vmem>>, %arg8: memref<128x128xf32, #tpu.memory_space<vmem>>, %arg9: memref<10112x128xf32, #tpu.memory_space<vmem_shared>>, %arg10: memref<!tpu.dma_semaphore, #tpu.memory_space<semaphore_mem>>, %arg11: memref<!tpu.dma_semaphore, #tpu.memory_space<semaphore_mem>>) attributes {dimension_semantics = [#tpu.dimension_semantics<core_parallel>, #tpu.dimension_semantics<subcore_parallel>], iteration_bounds = array<i64: 2, 16>, scalar_prefetch = 0 : i64, scratch_operands = 5 : i64, tpu.core_type = #tpu.core_type<sc_vector_subcore>, window_params = [{transform_indices = #map}, {transform_indices = #map}, {transform_indices = #map1}, {transform_indices = #map1}, {transform_indices = #map}]} {
    %mul3A = arith.constant 632 : i32
    %mul3A_0 = arith.muli %arg1, %mul3A : i32
    "tpu.region"() ({
      %run_scoped3A = tpu.sem_alloc : memref<!tpu.dma_semaphore, #tpu.memory_space<semaphore_mem>>
      %dma_start3A_23 = arith.constant 0 : i32
      %dma_start3A_24 = tpu.memref_slice %arg9[%mul3A_0, %dma_start3A_23] : memref<10112x128xf32, #tpu.memory_space<vmem_shared>> -> memref<632x128xf32, #tpu.memory_space<vmem_shared>>
      tpu.enqueue_dma source(%arg5 : memref<632x128xf32, #tpu.memory_space<hbm>>) target(%dma_start3A_24 : memref<632x128xf32, #tpu.memory_space<vmem_shared>>) target_semaphore(%run_scoped3A : memref<!tpu.dma_semaphore, #tpu.memory_space<semaphore_mem>>)
      %dma_wait3A = arith.constant 0 : i32
      %dma_wait3A_25 = tpu.memref_slice %arg9[%mul3A_0, %dma_wait3A] : memref<10112x128xf32, #tpu.memory_space<vmem_shared>> -> memref<632x128xf32, #tpu.memory_space<vmem_shared>>
      tpu.wait_dma2 semaphore(%run_scoped3A : memref<!tpu.dma_semaphore, #tpu.memory_space<semaphore_mem>>) src(%arg5 : memref<632x128xf32, #tpu.memory_space<hbm>>) dst(%dma_wait3A_25 : memref<632x128xf32, #tpu.memory_space<vmem_shared>>)
      tpu.yield
    }) : () -> ()
    "tpu.region"() ({
      %run_scoped3A = tpu.sem_alloc : memref<!tpu.dma_semaphore, #tpu.memory_space<semaphore_mem>>
      tpu.enqueue_dma source(%arg4 : memref<128x128xf32, #tpu.memory_space<hbm>>) target(%arg8 : memref<128x128xf32, #tpu.memory_space<vmem>>) target_semaphore(%run_scoped3A : memref<!tpu.dma_semaphore, #tpu.memory_space<semaphore_mem>>)
      tpu.wait_dma2 semaphore(%run_scoped3A : memref<!tpu.dma_semaphore, #tpu.memory_space<semaphore_mem>>) src(%arg4 : memref<128x128xf32, #tpu.memory_space<hbm>>) dst(%arg8 : memref<128x128xf32, #tpu.memory_space<vmem>>)
      tpu.yield
    }) : () -> ()
    %eq3A = arith.constant 0 : i32
    %eq3A_1 = arith.cmpi eq, %arg0, %eq3A : i32
    %convert_element_type3A = arith.extui %eq3A_1 : i1 to i32
    %cond3A = arith.constant 0 : i32
    %cond3A_2 = arith.cmpi ne, %convert_element_type3A, %cond3A : i32
    scf.if %cond3A_2 {
      "tpu.region"() ({
        %run_scoped3A = tpu.sem_alloc : memref<!tpu.dma_semaphore, #tpu.memory_space<semaphore_mem>>
        %dma_start3A_23 = arith.constant 0 : i32
        %dma_start3A_24 = arith.constant 0 : i32
        %dma_start3A_25 = tpu.memref_slice %arg3[%arg1, %dma_start3A_23, %dma_start3A_24] : memref<16x80x128xi32, #tpu.memory_space<hbm>> -> memref<1x80x128xi32, #tpu.memory_space<hbm>>
        %dma_start3A_26 = tpu.memref_squeeze %dma_start3A_25 : memref<1x80x128xi32, #tpu.memory_space<hbm>> -> memref<80x128xi32, #tpu.memory_space<hbm>>
        %dma_start3A_27 = arith.constant 0 : i32
        %dma_start3A_28 = arith.constant 0 : i32
        %dma_start3A_29 = tpu.memref_slice %arg3[%arg1, %dma_start3A_27, %dma_start3A_28] : memref<16x80x128xi32, #tpu.memory_space<hbm>> -> memref<1x80x128xi32, #tpu.memory_space<hbm>>
        %dma_start3A_30 = tpu.memref_squeeze %dma_start3A_29 : memref<1x80x128xi32, #tpu.memory_space<hbm>> -> memref<80x128xi32, #tpu.memory_space<hbm>>
        tpu.enqueue_dma source(%dma_start3A_30 : memref<80x128xi32, #tpu.memory_space<hbm>>) target(%arg7 : memref<80x128xi32, #tpu.memory_space<vmem>>) target_semaphore(%run_scoped3A : memref<!tpu.dma_semaphore, #tpu.memory_space<semaphore_mem>>)
        %dma_wait3A = arith.constant 0 : i32
        %dma_wait3A_31 = arith.constant 0 : i32
        %dma_wait3A_32 = tpu.memref_slice %arg3[%arg1, %dma_wait3A, %dma_wait3A_31] : memref<16x80x128xi32, #tpu.memory_space<hbm>> -> memref<1x80x128xi32, #tpu.memory_space<hbm>>
        %dma_wait3A_33 = tpu.memref_squeeze %dma_wait3A_32 : memref<1x80x128xi32, #tpu.memory_space<hbm>> -> memref<80x128xi32, #tpu.memory_space<hbm>>
        %dma_wait3A_34 = arith.constant 0 : i32
        %dma_wait3A_35 = arith.constant 0 : i32
        %dma_wait3A_36 = tpu.memref_slice %arg3[%arg1, %dma_wait3A_34, %dma_wait3A_35] : memref<16x80x128xi32, #tpu.memory_space<hbm>> -> memref<1x80x128xi32, #tpu.memory_space<hbm>>
        %dma_wait3A_37 = tpu.memref_squeeze %dma_wait3A_36 : memref<1x80x128xi32, #tpu.memory_space<hbm>> -> memref<80x128xi32, #tpu.memory_space<hbm>>
        tpu.wait_dma2 semaphore(%run_scoped3A : memref<!tpu.dma_semaphore, #tpu.memory_space<semaphore_mem>>) src(%dma_wait3A_37 : memref<80x128xi32, #tpu.memory_space<hbm>>) dst(%arg7 : memref<80x128xi32, #tpu.memory_space<vmem>>)
        tpu.yield
      }) : () -> ()
    } else {
    }
    %eq3A_3 = arith.constant 1 : i32
    %eq3A_4 = arith.cmpi eq, %arg0, %eq3A_3 : i32
    %convert_element_type3A_5 = arith.extui %eq3A_4 : i1 to i32
    %cond3A_6 = arith.constant 0 : i32
    %cond3A_7 = arith.cmpi ne, %convert_element_type3A_5, %cond3A_6 : i32
    scf.if %cond3A_7 {
      "tpu.region"() ({
        %run_scoped3A = tpu.sem_alloc : memref<!tpu.dma_semaphore, #tpu.memory_space<semaphore_mem>>
        %dma_start3A_23 = arith.constant 0 : i32
        %dma_start3A_24 = arith.constant 0 : i32
        %dma_start3A_25 = tpu.memref_slice %arg2[%arg1, %dma_start3A_23, %dma_start3A_24] : memref<16x80x128xi32, #tpu.memory_space<hbm>> -> memref<1x80x128xi32, #tpu.memory_space<hbm>>
        %dma_start3A_26 = tpu.memref_squeeze %dma_start3A_25 : memref<1x80x128xi32, #tpu.memory_space<hbm>> -> memref<80x128xi32, #tpu.memory_space<hbm>>
        %dma_start3A_27 = arith.constant 0 : i32
        %dma_start3A_28 = arith.constant 0 : i32
        %dma_start3A_29 = tpu.memref_slice %arg2[%arg1, %dma_start3A_27, %dma_start3A_28] : memref<16x80x128xi32, #tpu.memory_space<hbm>> -> memref<1x80x128xi32, #tpu.memory_space<hbm>>
        %dma_start3A_30 = tpu.memref_squeeze %dma_start3A_29 : memref<1x80x128xi32, #tpu.memory_space<hbm>> -> memref<80x128xi32, #tpu.memory_space<hbm>>
        tpu.enqueue_dma source(%dma_start3A_30 : memref<80x128xi32, #tpu.memory_space<hbm>>) target(%arg7 : memref<80x128xi32, #tpu.memory_space<vmem>>) target_semaphore(%run_scoped3A : memref<!tpu.dma_semaphore, #tpu.memory_space<semaphore_mem>>)
        %dma_wait3A = arith.constant 0 : i32
        %dma_wait3A_31 = arith.constant 0 : i32
        %dma_wait3A_32 = tpu.memref_slice %arg2[%arg1, %dma_wait3A, %dma_wait3A_31] : memref<16x80x128xi32, #tpu.memory_space<hbm>> -> memref<1x80x128xi32, #tpu.memory_space<hbm>>
        %dma_wait3A_33 = tpu.memref_squeeze %dma_wait3A_32 : memref<1x80x128xi32, #tpu.memory_space<hbm>> -> memref<80x128xi32, #tpu.memory_space<hbm>>
        %dma_wait3A_34 = arith.constant 0 : i32
        %dma_wait3A_35 = arith.constant 0 : i32
        %dma_wait3A_36 = tpu.memref_slice %arg2[%arg1, %dma_wait3A_34, %dma_wait3A_35] : memref<16x80x128xi32, #tpu.memory_space<hbm>> -> memref<1x80x128xi32, #tpu.memory_space<hbm>>
        %dma_wait3A_37 = tpu.memref_squeeze %dma_wait3A_36 : memref<1x80x128xi32, #tpu.memory_space<hbm>> -> memref<80x128xi32, #tpu.memory_space<hbm>>
        tpu.wait_dma2 semaphore(%run_scoped3A : memref<!tpu.dma_semaphore, #tpu.memory_space<semaphore_mem>>) src(%dma_wait3A_37 : memref<80x128xi32, #tpu.memory_space<hbm>>) dst(%arg7 : memref<80x128xi32, #tpu.memory_space<vmem>>)
        tpu.yield
      }) : () -> ()
    } else {
    }
    %barrier3A = arith.constant 0 : index
    tpu.barrier barrier_id(%barrier3A)
    %dma_start3A = arith.constant 0 : i32
    %dma_start3A_8 = arith.constant 0 : i32
    %dma_start3A_9 = tpu.memref_slice %arg7[%dma_start3A, %dma_start3A_8] : memref<80x128xi32, #tpu.memory_space<vmem>> -> memref<1x128xi32, #tpu.memory_space<vmem>>
    %dma_start3A_10 = tpu.memref_squeeze %dma_start3A_9 : memref<1x128xi32, #tpu.memory_space<vmem>> -> memref<128xi32, #tpu.memory_space<vmem>>
    %dma_start3A_11 = arith.constant 0 : i32
    %dma_start3A_12 = arith.constant 0 : i32
    %dma_start3A_13 = tpu.memref_slice %arg9[%dma_start3A_11, %dma_start3A_12] : memref<10112x128xf32, #tpu.memory_space<vmem_shared>> -> memref<10112x128xf32, #tpu.memory_space<vmem_shared>>
    tpu.enqueue_indirect_dma source(%arg8 : memref<128x128xf32, #tpu.memory_space<vmem>>) target(%dma_start3A_13 : memref<10112x128xf32, #tpu.memory_space<vmem_shared>>) offsets(%dma_start3A_10 : memref<128xi32, #tpu.memory_space<vmem>>) semaphore(%arg10 : memref<!tpu.dma_semaphore, #tpu.memory_space<semaphore_mem>>) {add = true}
    %scan3A = arith.constant 0 : i32
    %scan3A_14 = arith.constant 40 : i32
    %scan3A_15 = arith.addi %scan3A, %scan3A_14 : i32
    %scan3A_16 = arith.constant 1 : i32
    scf.for %scan3A_23 = %scan3A to %scan3A_15 step %scan3A_16  : i32 {
      %mul3A_24 = arith.constant 2 : i32
      %mul3A_25 = arith.muli %scan3A_23, %mul3A_24 : i32
      %add3A = arith.constant 1 : i32
      %add3A_26 = arith.addi %mul3A_25, %add3A : i32
      %dma_start3A_27 = arith.constant 0 : i32
      %dma_start3A_28 = tpu.memref_slice %arg7[%add3A_26, %dma_start3A_27] : memref<80x128xi32, #tpu.memory_space<vmem>> -> memref<1x128xi32, #tpu.memory_space<vmem>>
      %dma_start3A_29 = tpu.memref_squeeze %dma_start3A_28 : memref<1x128xi32, #tpu.memory_space<vmem>> -> memref<128xi32, #tpu.memory_space<vmem>>
      %dma_start3A_30 = arith.constant 0 : i32
      %dma_start3A_31 = arith.constant 0 : i32
      %dma_start3A_32 = tpu.memref_slice %arg9[%dma_start3A_30, %dma_start3A_31] : memref<10112x128xf32, #tpu.memory_space<vmem_shared>> -> memref<10112x128xf32, #tpu.memory_space<vmem_shared>>
      tpu.enqueue_indirect_dma source(%arg8 : memref<128x128xf32, #tpu.memory_space<vmem>>) target(%dma_start3A_32 : memref<10112x128xf32, #tpu.memory_space<vmem_shared>>) offsets(%dma_start3A_29 : memref<128xi32, #tpu.memory_space<vmem>>) semaphore(%arg11 : memref<!tpu.dma_semaphore, #tpu.memory_space<semaphore_mem>>) {add = true}
      %dma_wait3A = arith.constant 0 : i32
      %dma_wait3A_33 = tpu.memref_slice %arg7[%mul3A_25, %dma_wait3A] : memref<80x128xi32, #tpu.memory_space<vmem>> -> memref<1x128xi32, #tpu.memory_space<vmem>>
      %dma_wait3A_34 = tpu.memref_squeeze %dma_wait3A_33 : memref<1x128xi32, #tpu.memory_space<vmem>> -> memref<128xi32, #tpu.memory_space<vmem>>
      %dma_wait3A_35 = arith.constant 0 : i32
      %dma_wait3A_36 = arith.constant 0 : i32
      %dma_wait3A_37 = tpu.memref_slice %arg9[%dma_wait3A_35, %dma_wait3A_36] : memref<10112x128xf32, #tpu.memory_space<vmem_shared>> -> memref<10112x128xf32, #tpu.memory_space<vmem_shared>>
      tpu.wait_indirect_dma semaphore(%arg10 : memref<!tpu.dma_semaphore, #tpu.memory_space<semaphore_mem>>) src(%arg8 : memref<128x128xf32, #tpu.memory_space<vmem>>) dst(%dma_wait3A_37 : memref<10112x128xf32, #tpu.memory_space<vmem_shared>>)
      %add3A_38 = arith.constant 2 : i32
      %add3A_39 = arith.addi %mul3A_25, %add3A_38 : i32
      %lt3A = arith.constant 80 : i32
      %lt3A_40 = arith.cmpi slt, %add3A_39, %lt3A : i32
      %convert_element_type3A_41 = arith.extui %lt3A_40 : i1 to i32
      %cond3A_42 = arith.constant 0 : i32
      %cond3A_43 = arith.cmpi ne, %convert_element_type3A_41, %cond3A_42 : i32
      scf.if %cond3A_43 {
        %add3A_52 = arith.constant 2 : i32
        %add3A_53 = arith.addi %mul3A_25, %add3A_52 : i32
        %dma_start3A_54 = arith.constant 0 : i32
        %dma_start3A_55 = tpu.memref_slice %arg7[%add3A_53, %dma_start3A_54] : memref<80x128xi32, #tpu.memory_space<vmem>> -> memref<1x128xi32, #tpu.memory_space<vmem>>
        %dma_start3A_56 = tpu.memref_squeeze %dma_start3A_55 : memref<1x128xi32, #tpu.memory_space<vmem>> -> memref<128xi32, #tpu.memory_space<vmem>>
        %dma_start3A_57 = arith.constant 0 : i32
        %dma_start3A_58 = arith.constant 0 : i32
        %dma_start3A_59 = tpu.memref_slice %arg9[%dma_start3A_57, %dma_start3A_58] : memref<10112x128xf32, #tpu.memory_space<vmem_shared>> -> memref<10112x128xf32, #tpu.memory_space<vmem_shared>>
        tpu.enqueue_indirect_dma source(%arg8 : memref<128x128xf32, #tpu.memory_space<vmem>>) target(%dma_start3A_59 : memref<10112x128xf32, #tpu.memory_space<vmem_shared>>) offsets(%dma_start3A_56 : memref<128xi32, #tpu.memory_space<vmem>>) semaphore(%arg10 : memref<!tpu.dma_semaphore, #tpu.memory_space<semaphore_mem>>) {add = true}
      } else {
      }
      %add3A_44 = arith.constant 1 : i32
      %add3A_45 = arith.addi %mul3A_25, %add3A_44 : i32
      %dma_wait3A_46 = arith.constant 0 : i32
      %dma_wait3A_47 = tpu.memref_slice %arg7[%add3A_45, %dma_wait3A_46] : memref<80x128xi32, #tpu.memory_space<vmem>> -> memref<1x128xi32, #tpu.memory_space<vmem>>
      %dma_wait3A_48 = tpu.memref_squeeze %dma_wait3A_47 : memref<1x128xi32, #tpu.memory_space<vmem>> -> memref<128xi32, #tpu.memory_space<vmem>>
      %dma_wait3A_49 = arith.constant 0 : i32
      %dma_wait3A_50 = arith.constant 0 : i32
      %dma_wait3A_51 = tpu.memref_slice %arg9[%dma_wait3A_49, %dma_wait3A_50] : memref<10112x128xf32, #tpu.memory_space<vmem_shared>> -> memref<10112x128xf32, #tpu.memory_space<vmem_shared>>
      tpu.wait_indirect_dma semaphore(%arg11 : memref<!tpu.dma_semaphore, #tpu.memory_space<semaphore_mem>>) src(%arg8 : memref<128x128xf32, #tpu.memory_space<vmem>>) dst(%dma_wait3A_51 : memref<10112x128xf32, #tpu.memory_space<vmem_shared>>)
    }
    %scan3A_17 = arith.constant 40 : i32
    %barrier3A_18 = arith.constant 0 : index
    tpu.barrier barrier_id(%barrier3A_18)
    %mul3A_19 = arith.constant 632 : i32
    %mul3A_20 = arith.muli %arg1, %mul3A_19 : i32
    %mul3A_21 = arith.constant 632 : i32
    %mul3A_22 = arith.muli %arg1, %mul3A_21 : i32
    "tpu.region"() ({
      %run_scoped3A = tpu.sem_alloc : memref<!tpu.dma_semaphore, #tpu.memory_space<semaphore_mem>>
      %dma_start3A_23 = arith.constant 0 : i32
      %dma_start3A_24 = arith.constant 0 : i32
      %dma_start3A_25 = tpu.memref_slice %arg6[%arg0, %dma_start3A_23, %dma_start3A_24] : memref<2x10112x128xf32, #tpu.memory_space<hbm>> -> memref<1x10112x128xf32, #tpu.memory_space<hbm>>
      %dma_start3A_26 = tpu.memref_squeeze %dma_start3A_25 : memref<1x10112x128xf32, #tpu.memory_space<hbm>> -> memref<10112x128xf32, #tpu.memory_space<hbm>>
      %dma_start3A_27 = arith.constant 0 : i32
      %dma_start3A_28 = tpu.memref_slice %dma_start3A_26[%mul3A_22, %dma_start3A_27] : memref<10112x128xf32, #tpu.memory_space<hbm>> -> memref<632x128xf32, #tpu.memory_space<hbm>>
      %dma_start3A_29 = arith.constant 0 : i32
      %dma_start3A_30 = tpu.memref_slice %arg9[%mul3A_20, %dma_start3A_29] : memref<10112x128xf32, #tpu.memory_space<vmem_shared>> -> memref<632x128xf32, #tpu.memory_space<vmem_shared>>
      tpu.enqueue_dma source(%dma_start3A_30 : memref<632x128xf32, #tpu.memory_space<vmem_shared>>) target(%dma_start3A_28 : memref<632x128xf32, #tpu.memory_space<hbm>>) target_semaphore(%run_scoped3A : memref<!tpu.dma_semaphore, #tpu.memory_space<semaphore_mem>>)
      %dma_wait3A = arith.constant 0 : i32
      %dma_wait3A_31 = arith.constant 0 : i32
      %dma_wait3A_32 = tpu.memref_slice %arg6[%arg0, %dma_wait3A, %dma_wait3A_31] : memref<2x10112x128xf32, #tpu.memory_space<hbm>> -> memref<1x10112x128xf32, #tpu.memory_space<hbm>>
      %dma_wait3A_33 = tpu.memref_squeeze %dma_wait3A_32 : memref<1x10112x128xf32, #tpu.memory_space<hbm>> -> memref<10112x128xf32, #tpu.memory_space<hbm>>
      %dma_wait3A_34 = arith.constant 0 : i32
      %dma_wait3A_35 = tpu.memref_slice %dma_wait3A_33[%mul3A_22, %dma_wait3A_34] : memref<10112x128xf32, #tpu.memory_space<hbm>> -> memref<632x128xf32, #tpu.memory_space<hbm>>
      %dma_wait3A_36 = arith.constant 0 : i32
      %dma_wait3A_37 = tpu.memref_slice %arg9[%mul3A_20, %dma_wait3A_36] : memref<10112x128xf32, #tpu.memory_space<vmem_shared>> -> memref<632x128xf32, #tpu.memory_space<vmem_shared>>
      tpu.wait_dma2 semaphore(%run_scoped3A : memref<!tpu.dma_semaphore, #tpu.memory_space<semaphore_mem>>) src(%dma_wait3A_37 : memref<632x128xf32, #tpu.memory_space<vmem_shared>>) dst(%dma_wait3A_35 : memref<632x128xf32, #tpu.memory_space<hbm>>)
      tpu.yield
    }) : () -> ()
    return
  }
}

#map = affine_map<(d0, d1) -> (0, 0)>
#map1 = affine_map<(d0, d1) -> (0, 0, 0)>
module attributes {stable_mosaic.version = 14 : i64} {
  func.func @_sc_spmv(%arg0: i32, %arg1: i32, %arg2: memref<10000x128xf32, #tpu.memory_space<hbm>>, %arg3: memref<10000x128xf32, #tpu.memory_space<hbm>>, %arg4: memref<16x80x128xi32, #tpu.memory_space<hbm>>, %arg5: memref<16x80x128xi32, #tpu.memory_space<hbm>>, %arg6: memref<632x128xf32, #tpu.memory_space<hbm>>, %arg7: memref<10112x128xf32, #tpu.memory_space<hbm>>, %arg8: memref<10112x128xf32, #tpu.memory_space<hbm>>, %arg9: memref<40x128xi32, #tpu.memory_space<vmem>>, %arg10: memref<40x128xi32, #tpu.memory_space<vmem>>, %arg11: memref<128x128xf32, #tpu.memory_space<vmem>>, %arg12: memref<128x128xf32, #tpu.memory_space<vmem>>, %arg13: memref<10112x128xf32, #tpu.memory_space<vmem_shared>>, %arg14: memref<!tpu.dma_semaphore, #tpu.memory_space<semaphore_mem>>, %arg15: memref<!tpu.dma_semaphore, #tpu.memory_space<semaphore_mem>>) attributes {dimension_semantics = [#tpu.dimension_semantics<core_parallel>, #tpu.dimension_semantics<subcore_parallel>], iteration_bounds = array<i64: 2, 16>, scalar_prefetch = 0 : i64, scratch_operands = 7 : i64, tpu.core_type = #tpu.core_type<sc_vector_subcore>, window_params = [{transform_indices = #map}, {transform_indices = #map}, {transform_indices = #map1}, {transform_indices = #map1}, {transform_indices = #map}, {transform_indices = #map}, {transform_indices = #map}]} {
    %mul3A = arith.constant 632 : i32
    %mul3A_0 = arith.muli %arg1, %mul3A : i32
    "tpu.region"() ({
      %run_scoped3A = tpu.sem_alloc : memref<!tpu.dma_semaphore, #tpu.memory_space<semaphore_mem>>
      %dma_start3A = arith.constant 0 : i32
      %dma_start3A_19 = tpu.memref_slice %arg13[%mul3A_0, %dma_start3A] : memref<10112x128xf32, #tpu.memory_space<vmem_shared>> -> memref<632x128xf32, #tpu.memory_space<vmem_shared>>
      tpu.enqueue_dma source(%arg6 : memref<632x128xf32, #tpu.memory_space<hbm>>) target(%dma_start3A_19 : memref<632x128xf32, #tpu.memory_space<vmem_shared>>) target_semaphore(%run_scoped3A : memref<!tpu.dma_semaphore, #tpu.memory_space<semaphore_mem>>)
      %dma_wait3A = arith.constant 0 : i32
      %dma_wait3A_20 = tpu.memref_slice %arg13[%mul3A_0, %dma_wait3A] : memref<10112x128xf32, #tpu.memory_space<vmem_shared>> -> memref<632x128xf32, #tpu.memory_space<vmem_shared>>
      tpu.wait_dma2 semaphore(%run_scoped3A : memref<!tpu.dma_semaphore, #tpu.memory_space<semaphore_mem>>) src(%arg6 : memref<632x128xf32, #tpu.memory_space<hbm>>) dst(%dma_wait3A_20 : memref<632x128xf32, #tpu.memory_space<vmem_shared>>)
      tpu.yield
    }) : () -> ()
    %barrier3A = arith.constant 0 : index
    tpu.barrier barrier_id(%barrier3A)
    %eq3A = arith.constant 0 : i32
    %eq3A_1 = arith.cmpi eq, %arg0, %eq3A : i32
    %convert_element_type3A = arith.extui %eq3A_1 : i1 to i32
    %cond3A = arith.constant 0 : i32
    %cond3A_2 = arith.cmpi ne, %convert_element_type3A, %cond3A : i32
    scf.if %cond3A_2 {
      "tpu.region"() ({
        %run_scoped3A = tpu.sem_alloc : memref<!tpu.dma_semaphore, #tpu.memory_space<semaphore_mem>>
        %dma_start3A_41 = arith.constant 0 : i32
        %dma_start3A_42 = arith.constant 0 : i32
        %dma_start3A_43 = tpu.memref_slice %arg4[%arg1, %dma_start3A_41, %dma_start3A_42] : memref<16x80x128xi32, #tpu.memory_space<hbm>> -> memref<1x80x128xi32, #tpu.memory_space<hbm>>
        %dma_start3A_44 = tpu.memref_squeeze %dma_start3A_43 : memref<1x80x128xi32, #tpu.memory_space<hbm>> -> memref<80x128xi32, #tpu.memory_space<hbm>>
        %dma_start3A_45 = arith.constant 0 : i32
        %dma_start3A_46 = arith.constant 0 : i32
        %dma_start3A_47 = tpu.memref_slice %dma_start3A_44[%dma_start3A_45, %dma_start3A_46] : memref<80x128xi32, #tpu.memory_space<hbm>> -> memref<40x128xi32, #tpu.memory_space<hbm>>
        %dma_start3A_48 = arith.constant 0 : i32
        %dma_start3A_49 = arith.constant 0 : i32
        %dma_start3A_50 = tpu.memref_slice %arg4[%arg1, %dma_start3A_48, %dma_start3A_49] : memref<16x80x128xi32, #tpu.memory_space<hbm>> -> memref<1x80x128xi32, #tpu.memory_space<hbm>>
        %dma_start3A_51 = tpu.memref_squeeze %dma_start3A_50 : memref<1x80x128xi32, #tpu.memory_space<hbm>> -> memref<80x128xi32, #tpu.memory_space<hbm>>
        %dma_start3A_52 = arith.constant 0 : i32
        %dma_start3A_53 = arith.constant 0 : i32
        %dma_start3A_54 = tpu.memref_slice %dma_start3A_51[%dma_start3A_52, %dma_start3A_53] : memref<80x128xi32, #tpu.memory_space<hbm>> -> memref<40x128xi32, #tpu.memory_space<hbm>>
        tpu.enqueue_dma source(%dma_start3A_54 : memref<40x128xi32, #tpu.memory_space<hbm>>) target(%arg9 : memref<40x128xi32, #tpu.memory_space<vmem>>) target_semaphore(%run_scoped3A : memref<!tpu.dma_semaphore, #tpu.memory_space<semaphore_mem>>)
        %dma_wait3A = arith.constant 0 : i32
        %dma_wait3A_55 = arith.constant 0 : i32
        %dma_wait3A_56 = tpu.memref_slice %arg4[%arg1, %dma_wait3A, %dma_wait3A_55] : memref<16x80x128xi32, #tpu.memory_space<hbm>> -> memref<1x80x128xi32, #tpu.memory_space<hbm>>
        %dma_wait3A_57 = tpu.memref_squeeze %dma_wait3A_56 : memref<1x80x128xi32, #tpu.memory_space<hbm>> -> memref<80x128xi32, #tpu.memory_space<hbm>>
        %dma_wait3A_58 = arith.constant 0 : i32
        %dma_wait3A_59 = arith.constant 0 : i32
        %dma_wait3A_60 = tpu.memref_slice %dma_wait3A_57[%dma_wait3A_58, %dma_wait3A_59] : memref<80x128xi32, #tpu.memory_space<hbm>> -> memref<40x128xi32, #tpu.memory_space<hbm>>
        %dma_wait3A_61 = arith.constant 0 : i32
        %dma_wait3A_62 = arith.constant 0 : i32
        %dma_wait3A_63 = tpu.memref_slice %arg4[%arg1, %dma_wait3A_61, %dma_wait3A_62] : memref<16x80x128xi32, #tpu.memory_space<hbm>> -> memref<1x80x128xi32, #tpu.memory_space<hbm>>
        %dma_wait3A_64 = tpu.memref_squeeze %dma_wait3A_63 : memref<1x80x128xi32, #tpu.memory_space<hbm>> -> memref<80x128xi32, #tpu.memory_space<hbm>>
        %dma_wait3A_65 = arith.constant 0 : i32
        %dma_wait3A_66 = arith.constant 0 : i32
        %dma_wait3A_67 = tpu.memref_slice %dma_wait3A_64[%dma_wait3A_65, %dma_wait3A_66] : memref<80x128xi32, #tpu.memory_space<hbm>> -> memref<40x128xi32, #tpu.memory_space<hbm>>
        tpu.wait_dma2 semaphore(%run_scoped3A : memref<!tpu.dma_semaphore, #tpu.memory_space<semaphore_mem>>) src(%dma_wait3A_67 : memref<40x128xi32, #tpu.memory_space<hbm>>) dst(%arg9 : memref<40x128xi32, #tpu.memory_space<vmem>>)
        tpu.yield
      }) : () -> ()
      "tpu.region"() ({
        %run_scoped3A = tpu.sem_alloc : memref<!tpu.dma_semaphore, #tpu.memory_space<semaphore_mem>>
        %dma_start3A_41 = arith.constant 0 : i32
        %dma_start3A_42 = arith.constant 0 : i32
        %dma_start3A_43 = tpu.memref_slice %arg5[%arg1, %dma_start3A_41, %dma_start3A_42] : memref<16x80x128xi32, #tpu.memory_space<hbm>> -> memref<1x80x128xi32, #tpu.memory_space<hbm>>
        %dma_start3A_44 = tpu.memref_squeeze %dma_start3A_43 : memref<1x80x128xi32, #tpu.memory_space<hbm>> -> memref<80x128xi32, #tpu.memory_space<hbm>>
        %dma_start3A_45 = arith.constant 0 : i32
        %dma_start3A_46 = arith.constant 0 : i32
        %dma_start3A_47 = tpu.memref_slice %dma_start3A_44[%dma_start3A_45, %dma_start3A_46] : memref<80x128xi32, #tpu.memory_space<hbm>> -> memref<40x128xi32, #tpu.memory_space<hbm>>
        %dma_start3A_48 = arith.constant 0 : i32
        %dma_start3A_49 = arith.constant 0 : i32
        %dma_start3A_50 = tpu.memref_slice %arg5[%arg1, %dma_start3A_48, %dma_start3A_49] : memref<16x80x128xi32, #tpu.memory_space<hbm>> -> memref<1x80x128xi32, #tpu.memory_space<hbm>>
        %dma_start3A_51 = tpu.memref_squeeze %dma_start3A_50 : memref<1x80x128xi32, #tpu.memory_space<hbm>> -> memref<80x128xi32, #tpu.memory_space<hbm>>
        %dma_start3A_52 = arith.constant 0 : i32
        %dma_start3A_53 = arith.constant 0 : i32
        %dma_start3A_54 = tpu.memref_slice %dma_start3A_51[%dma_start3A_52, %dma_start3A_53] : memref<80x128xi32, #tpu.memory_space<hbm>> -> memref<40x128xi32, #tpu.memory_space<hbm>>
        tpu.enqueue_dma source(%dma_start3A_54 : memref<40x128xi32, #tpu.memory_space<hbm>>) target(%arg10 : memref<40x128xi32, #tpu.memory_space<vmem>>) target_semaphore(%run_scoped3A : memref<!tpu.dma_semaphore, #tpu.memory_space<semaphore_mem>>)
        %dma_wait3A = arith.constant 0 : i32
        %dma_wait3A_55 = arith.constant 0 : i32
        %dma_wait3A_56 = tpu.memref_slice %arg5[%arg1, %dma_wait3A, %dma_wait3A_55] : memref<16x80x128xi32, #tpu.memory_space<hbm>> -> memref<1x80x128xi32, #tpu.memory_space<hbm>>
        %dma_wait3A_57 = tpu.memref_squeeze %dma_wait3A_56 : memref<1x80x128xi32, #tpu.memory_space<hbm>> -> memref<80x128xi32, #tpu.memory_space<hbm>>
        %dma_wait3A_58 = arith.constant 0 : i32
        %dma_wait3A_59 = arith.constant 0 : i32
        %dma_wait3A_60 = tpu.memref_slice %dma_wait3A_57[%dma_wait3A_58, %dma_wait3A_59] : memref<80x128xi32, #tpu.memory_space<hbm>> -> memref<40x128xi32, #tpu.memory_space<hbm>>
        %dma_wait3A_61 = arith.constant 0 : i32
        %dma_wait3A_62 = arith.constant 0 : i32
        %dma_wait3A_63 = tpu.memref_slice %arg5[%arg1, %dma_wait3A_61, %dma_wait3A_62] : memref<16x80x128xi32, #tpu.memory_space<hbm>> -> memref<1x80x128xi32, #tpu.memory_space<hbm>>
        %dma_wait3A_64 = tpu.memref_squeeze %dma_wait3A_63 : memref<1x80x128xi32, #tpu.memory_space<hbm>> -> memref<80x128xi32, #tpu.memory_space<hbm>>
        %dma_wait3A_65 = arith.constant 0 : i32
        %dma_wait3A_66 = arith.constant 0 : i32
        %dma_wait3A_67 = tpu.memref_slice %dma_wait3A_64[%dma_wait3A_65, %dma_wait3A_66] : memref<80x128xi32, #tpu.memory_space<hbm>> -> memref<40x128xi32, #tpu.memory_space<hbm>>
        tpu.wait_dma2 semaphore(%run_scoped3A : memref<!tpu.dma_semaphore, #tpu.memory_space<semaphore_mem>>) src(%dma_wait3A_67 : memref<40x128xi32, #tpu.memory_space<hbm>>) dst(%arg10 : memref<40x128xi32, #tpu.memory_space<vmem>>)
        tpu.yield
      }) : () -> ()
      %dma_start3A = arith.constant 0 : i32
      %dma_start3A_19 = arith.constant 0 : i32
      %dma_start3A_20 = tpu.memref_slice %arg9[%dma_start3A, %dma_start3A_19] : memref<40x128xi32, #tpu.memory_space<vmem>> -> memref<1x128xi32, #tpu.memory_space<vmem>>
      %dma_start3A_21 = tpu.memref_squeeze %dma_start3A_20 : memref<1x128xi32, #tpu.memory_space<vmem>> -> memref<128xi32, #tpu.memory_space<vmem>>
      %dma_start3A_22 = arith.constant 0 : i32
      %dma_start3A_23 = arith.constant 0 : i32
      %dma_start3A_24 = tpu.memref_slice %arg2[%dma_start3A_22, %dma_start3A_23] : memref<10000x128xf32, #tpu.memory_space<hbm>> -> memref<10000x128xf32, #tpu.memory_space<hbm>>
      tpu.enqueue_indirect_dma source(%dma_start3A_24 : memref<10000x128xf32, #tpu.memory_space<hbm>>) target(%arg11 : memref<128x128xf32, #tpu.memory_space<vmem>>) offsets(%dma_start3A_21 : memref<128xi32, #tpu.memory_space<vmem>>) semaphore(%arg14 : memref<!tpu.dma_semaphore, #tpu.memory_space<semaphore_mem>>)
      %scan3A = arith.constant 0 : i32
      %scan3A_25 = arith.constant 20 : i32
      %scan3A_26 = arith.addi %scan3A, %scan3A_25 : i32
      %scan3A_27 = arith.constant 1 : i32
      scf.for %scan3A_41 = %scan3A to %scan3A_26 step %scan3A_27  : i32 {
        %mul3A_42 = arith.constant 2 : i32
        %mul3A_43 = arith.muli %scan3A_41, %mul3A_42 : i32
        %add3A = arith.constant 1 : i32
        %add3A_44 = arith.addi %mul3A_43, %add3A : i32
        %dma_start3A_45 = arith.constant 0 : i32
        %dma_start3A_46 = tpu.memref_slice %arg9[%add3A_44, %dma_start3A_45] : memref<40x128xi32, #tpu.memory_space<vmem>> -> memref<1x128xi32, #tpu.memory_space<vmem>>
        %dma_start3A_47 = tpu.memref_squeeze %dma_start3A_46 : memref<1x128xi32, #tpu.memory_space<vmem>> -> memref<128xi32, #tpu.memory_space<vmem>>
        %dma_start3A_48 = arith.constant 0 : i32
        %dma_start3A_49 = arith.constant 0 : i32
        %dma_start3A_50 = tpu.memref_slice %arg2[%dma_start3A_48, %dma_start3A_49] : memref<10000x128xf32, #tpu.memory_space<hbm>> -> memref<10000x128xf32, #tpu.memory_space<hbm>>
        tpu.enqueue_indirect_dma source(%dma_start3A_50 : memref<10000x128xf32, #tpu.memory_space<hbm>>) target(%arg12 : memref<128x128xf32, #tpu.memory_space<vmem>>) offsets(%dma_start3A_47 : memref<128xi32, #tpu.memory_space<vmem>>) semaphore(%arg15 : memref<!tpu.dma_semaphore, #tpu.memory_space<semaphore_mem>>)
        %dma_wait3A = arith.constant 0 : i32
        %dma_wait3A_51 = tpu.memref_slice %arg9[%mul3A_43, %dma_wait3A] : memref<40x128xi32, #tpu.memory_space<vmem>> -> memref<1x128xi32, #tpu.memory_space<vmem>>
        %dma_wait3A_52 = tpu.memref_squeeze %dma_wait3A_51 : memref<1x128xi32, #tpu.memory_space<vmem>> -> memref<128xi32, #tpu.memory_space<vmem>>
        %dma_wait3A_53 = arith.constant 0 : i32
        %dma_wait3A_54 = arith.constant 0 : i32
        %dma_wait3A_55 = tpu.memref_slice %arg2[%dma_wait3A_53, %dma_wait3A_54] : memref<10000x128xf32, #tpu.memory_space<hbm>> -> memref<10000x128xf32, #tpu.memory_space<hbm>>
        tpu.wait_indirect_dma semaphore(%arg14 : memref<!tpu.dma_semaphore, #tpu.memory_space<semaphore_mem>>) src(%dma_wait3A_55 : memref<10000x128xf32, #tpu.memory_space<hbm>>) dst(%arg11 : memref<128x128xf32, #tpu.memory_space<vmem>>)
        "tpu.region"() ({
          %run_scoped3A = tpu.sem_alloc : memref<!tpu.dma_semaphore, #tpu.memory_space<semaphore_mem>>
          %dma_start3A_72 = arith.constant 0 : i32
          %dma_start3A_73 = tpu.memref_slice %arg10[%mul3A_43, %dma_start3A_72] : memref<40x128xi32, #tpu.memory_space<vmem>> -> memref<1x128xi32, #tpu.memory_space<vmem>>
          %dma_start3A_74 = tpu.memref_squeeze %dma_start3A_73 : memref<1x128xi32, #tpu.memory_space<vmem>> -> memref<128xi32, #tpu.memory_space<vmem>>
          %dma_start3A_75 = arith.constant 0 : i32
          %dma_start3A_76 = arith.constant 0 : i32
          %dma_start3A_77 = tpu.memref_slice %arg13[%dma_start3A_75, %dma_start3A_76] : memref<10112x128xf32, #tpu.memory_space<vmem_shared>> -> memref<10112x128xf32, #tpu.memory_space<vmem_shared>>
          tpu.enqueue_indirect_dma source(%arg11 : memref<128x128xf32, #tpu.memory_space<vmem>>) target(%dma_start3A_77 : memref<10112x128xf32, #tpu.memory_space<vmem_shared>>) offsets(%dma_start3A_74 : memref<128xi32, #tpu.memory_space<vmem>>) semaphore(%run_scoped3A : memref<!tpu.dma_semaphore, #tpu.memory_space<semaphore_mem>>) {add = true}
          %dma_wait3A_78 = arith.constant 0 : i32
          %dma_wait3A_79 = tpu.memref_slice %arg10[%mul3A_43, %dma_wait3A_78] : memref<40x128xi32, #tpu.memory_space<vmem>> -> memref<1x128xi32, #tpu.memory_space<vmem>>
          %dma_wait3A_80 = tpu.memref_squeeze %dma_wait3A_79 : memref<1x128xi32, #tpu.memory_space<vmem>> -> memref<128xi32, #tpu.memory_space<vmem>>
          %dma_wait3A_81 = arith.constant 0 : i32
          %dma_wait3A_82 = arith.constant 0 : i32
          %dma_wait3A_83 = tpu.memref_slice %arg13[%dma_wait3A_81, %dma_wait3A_82] : memref<10112x128xf32, #tpu.memory_space<vmem_shared>> -> memref<10112x128xf32, #tpu.memory_space<vmem_shared>>
          tpu.wait_indirect_dma semaphore(%run_scoped3A : memref<!tpu.dma_semaphore, #tpu.memory_space<semaphore_mem>>) src(%arg11 : memref<128x128xf32, #tpu.memory_space<vmem>>) dst(%dma_wait3A_83 : memref<10112x128xf32, #tpu.memory_space<vmem_shared>>)
          tpu.yield
        }) : () -> ()
        %add3A_56 = arith.constant 2 : i32
        %add3A_57 = arith.addi %mul3A_43, %add3A_56 : i32
        %lt3A = arith.constant 40 : i32
        %lt3A_58 = arith.cmpi slt, %add3A_57, %lt3A : i32
        %convert_element_type3A_59 = arith.extui %lt3A_58 : i1 to i32
        %cond3A_60 = arith.constant 0 : i32
        %cond3A_61 = arith.cmpi ne, %convert_element_type3A_59, %cond3A_60 : i32
        scf.if %cond3A_61 {
          %add3A_72 = arith.constant 2 : i32
          %add3A_73 = arith.addi %mul3A_43, %add3A_72 : i32
          %dma_start3A_74 = arith.constant 0 : i32
          %dma_start3A_75 = tpu.memref_slice %arg9[%add3A_73, %dma_start3A_74] : memref<40x128xi32, #tpu.memory_space<vmem>> -> memref<1x128xi32, #tpu.memory_space<vmem>>
          %dma_start3A_76 = tpu.memref_squeeze %dma_start3A_75 : memref<1x128xi32, #tpu.memory_space<vmem>> -> memref<128xi32, #tpu.memory_space<vmem>>
          %dma_start3A_77 = arith.constant 0 : i32
          %dma_start3A_78 = arith.constant 0 : i32
          %dma_start3A_79 = tpu.memref_slice %arg2[%dma_start3A_77, %dma_start3A_78] : memref<10000x128xf32, #tpu.memory_space<hbm>> -> memref<10000x128xf32, #tpu.memory_space<hbm>>
          tpu.enqueue_indirect_dma source(%dma_start3A_79 : memref<10000x128xf32, #tpu.memory_space<hbm>>) target(%arg11 : memref<128x128xf32, #tpu.memory_space<vmem>>) offsets(%dma_start3A_76 : memref<128xi32, #tpu.memory_space<vmem>>) semaphore(%arg14 : memref<!tpu.dma_semaphore, #tpu.memory_space<semaphore_mem>>)
        } else {
        }
        %add3A_62 = arith.constant 1 : i32
        %add3A_63 = arith.addi %mul3A_43, %add3A_62 : i32
        %dma_wait3A_64 = arith.constant 0 : i32
        %dma_wait3A_65 = tpu.memref_slice %arg9[%add3A_63, %dma_wait3A_64] : memref<40x128xi32, #tpu.memory_space<vmem>> -> memref<1x128xi32, #tpu.memory_space<vmem>>
        %dma_wait3A_66 = tpu.memref_squeeze %dma_wait3A_65 : memref<1x128xi32, #tpu.memory_space<vmem>> -> memref<128xi32, #tpu.memory_space<vmem>>
        %dma_wait3A_67 = arith.constant 0 : i32
        %dma_wait3A_68 = arith.constant 0 : i32
        %dma_wait3A_69 = tpu.memref_slice %arg2[%dma_wait3A_67, %dma_wait3A_68] : memref<10000x128xf32, #tpu.memory_space<hbm>> -> memref<10000x128xf32, #tpu.memory_space<hbm>>
        tpu.wait_indirect_dma semaphore(%arg15 : memref<!tpu.dma_semaphore, #tpu.memory_space<semaphore_mem>>) src(%dma_wait3A_69 : memref<10000x128xf32, #tpu.memory_space<hbm>>) dst(%arg12 : memref<128x128xf32, #tpu.memory_space<vmem>>)
        %add3A_70 = arith.constant 1 : i32
        %add3A_71 = arith.addi %mul3A_43, %add3A_70 : i32
        "tpu.region"() ({
          %run_scoped3A = tpu.sem_alloc : memref<!tpu.dma_semaphore, #tpu.memory_space<semaphore_mem>>
          %dma_start3A_72 = arith.constant 0 : i32
          %dma_start3A_73 = tpu.memref_slice %arg10[%add3A_71, %dma_start3A_72] : memref<40x128xi32, #tpu.memory_space<vmem>> -> memref<1x128xi32, #tpu.memory_space<vmem>>
          %dma_start3A_74 = tpu.memref_squeeze %dma_start3A_73 : memref<1x128xi32, #tpu.memory_space<vmem>> -> memref<128xi32, #tpu.memory_space<vmem>>
          %dma_start3A_75 = arith.constant 0 : i32
          %dma_start3A_76 = arith.constant 0 : i32
          %dma_start3A_77 = tpu.memref_slice %arg13[%dma_start3A_75, %dma_start3A_76] : memref<10112x128xf32, #tpu.memory_space<vmem_shared>> -> memref<10112x128xf32, #tpu.memory_space<vmem_shared>>
          tpu.enqueue_indirect_dma source(%arg12 : memref<128x128xf32, #tpu.memory_space<vmem>>) target(%dma_start3A_77 : memref<10112x128xf32, #tpu.memory_space<vmem_shared>>) offsets(%dma_start3A_74 : memref<128xi32, #tpu.memory_space<vmem>>) semaphore(%run_scoped3A : memref<!tpu.dma_semaphore, #tpu.memory_space<semaphore_mem>>) {add = true}
          %dma_wait3A_78 = arith.constant 0 : i32
          %dma_wait3A_79 = tpu.memref_slice %arg10[%add3A_71, %dma_wait3A_78] : memref<40x128xi32, #tpu.memory_space<vmem>> -> memref<1x128xi32, #tpu.memory_space<vmem>>
          %dma_wait3A_80 = tpu.memref_squeeze %dma_wait3A_79 : memref<1x128xi32, #tpu.memory_space<vmem>> -> memref<128xi32, #tpu.memory_space<vmem>>
          %dma_wait3A_81 = arith.constant 0 : i32
          %dma_wait3A_82 = arith.constant 0 : i32
          %dma_wait3A_83 = tpu.memref_slice %arg13[%dma_wait3A_81, %dma_wait3A_82] : memref<10112x128xf32, #tpu.memory_space<vmem_shared>> -> memref<10112x128xf32, #tpu.memory_space<vmem_shared>>
          tpu.wait_indirect_dma semaphore(%run_scoped3A : memref<!tpu.dma_semaphore, #tpu.memory_space<semaphore_mem>>) src(%arg12 : memref<128x128xf32, #tpu.memory_space<vmem>>) dst(%dma_wait3A_83 : memref<10112x128xf32, #tpu.memory_space<vmem_shared>>)
          tpu.yield
        }) : () -> ()
      }
      %scan3A_28 = arith.constant 20 : i32
      "tpu.region"() ({
        %run_scoped3A = tpu.sem_alloc : memref<!tpu.dma_semaphore, #tpu.memory_space<semaphore_mem>>
        %dma_start3A_41 = arith.constant 0 : i32
        %dma_start3A_42 = arith.constant 0 : i32
        %dma_start3A_43 = tpu.memref_slice %arg4[%arg1, %dma_start3A_41, %dma_start3A_42] : memref<16x80x128xi32, #tpu.memory_space<hbm>> -> memref<1x80x128xi32, #tpu.memory_space<hbm>>
        %dma_start3A_44 = tpu.memref_squeeze %dma_start3A_43 : memref<1x80x128xi32, #tpu.memory_space<hbm>> -> memref<80x128xi32, #tpu.memory_space<hbm>>
        %dma_start3A_45 = arith.constant 40 : i32
        %dma_start3A_46 = arith.constant 0 : i32
        %dma_start3A_47 = tpu.memref_slice %dma_start3A_44[%dma_start3A_45, %dma_start3A_46] : memref<80x128xi32, #tpu.memory_space<hbm>> -> memref<40x128xi32, #tpu.memory_space<hbm>>
        %dma_start3A_48 = arith.constant 0 : i32
        %dma_start3A_49 = arith.constant 0 : i32
        %dma_start3A_50 = tpu.memref_slice %arg4[%arg1, %dma_start3A_48, %dma_start3A_49] : memref<16x80x128xi32, #tpu.memory_space<hbm>> -> memref<1x80x128xi32, #tpu.memory_space<hbm>>
        %dma_start3A_51 = tpu.memref_squeeze %dma_start3A_50 : memref<1x80x128xi32, #tpu.memory_space<hbm>> -> memref<80x128xi32, #tpu.memory_space<hbm>>
        %dma_start3A_52 = arith.constant 40 : i32
        %dma_start3A_53 = arith.constant 0 : i32
        %dma_start3A_54 = tpu.memref_slice %dma_start3A_51[%dma_start3A_52, %dma_start3A_53] : memref<80x128xi32, #tpu.memory_space<hbm>> -> memref<40x128xi32, #tpu.memory_space<hbm>>
        tpu.enqueue_dma source(%dma_start3A_54 : memref<40x128xi32, #tpu.memory_space<hbm>>) target(%arg9 : memref<40x128xi32, #tpu.memory_space<vmem>>) target_semaphore(%run_scoped3A : memref<!tpu.dma_semaphore, #tpu.memory_space<semaphore_mem>>)
        %dma_wait3A = arith.constant 0 : i32
        %dma_wait3A_55 = arith.constant 0 : i32
        %dma_wait3A_56 = tpu.memref_slice %arg4[%arg1, %dma_wait3A, %dma_wait3A_55] : memref<16x80x128xi32, #tpu.memory_space<hbm>> -> memref<1x80x128xi32, #tpu.memory_space<hbm>>
        %dma_wait3A_57 = tpu.memref_squeeze %dma_wait3A_56 : memref<1x80x128xi32, #tpu.memory_space<hbm>> -> memref<80x128xi32, #tpu.memory_space<hbm>>
        %dma_wait3A_58 = arith.constant 40 : i32
        %dma_wait3A_59 = arith.constant 0 : i32
        %dma_wait3A_60 = tpu.memref_slice %dma_wait3A_57[%dma_wait3A_58, %dma_wait3A_59] : memref<80x128xi32, #tpu.memory_space<hbm>> -> memref<40x128xi32, #tpu.memory_space<hbm>>
        %dma_wait3A_61 = arith.constant 0 : i32
        %dma_wait3A_62 = arith.constant 0 : i32
        %dma_wait3A_63 = tpu.memref_slice %arg4[%arg1, %dma_wait3A_61, %dma_wait3A_62] : memref<16x80x128xi32, #tpu.memory_space<hbm>> -> memref<1x80x128xi32, #tpu.memory_space<hbm>>
        %dma_wait3A_64 = tpu.memref_squeeze %dma_wait3A_63 : memref<1x80x128xi32, #tpu.memory_space<hbm>> -> memref<80x128xi32, #tpu.memory_space<hbm>>
        %dma_wait3A_65 = arith.constant 40 : i32
        %dma_wait3A_66 = arith.constant 0 : i32
        %dma_wait3A_67 = tpu.memref_slice %dma_wait3A_64[%dma_wait3A_65, %dma_wait3A_66] : memref<80x128xi32, #tpu.memory_space<hbm>> -> memref<40x128xi32, #tpu.memory_space<hbm>>
        tpu.wait_dma2 semaphore(%run_scoped3A : memref<!tpu.dma_semaphore, #tpu.memory_space<semaphore_mem>>) src(%dma_wait3A_67 : memref<40x128xi32, #tpu.memory_space<hbm>>) dst(%arg9 : memref<40x128xi32, #tpu.memory_space<vmem>>)
        tpu.yield
      }) : () -> ()
      "tpu.region"() ({
        %run_scoped3A = tpu.sem_alloc : memref<!tpu.dma_semaphore, #tpu.memory_space<semaphore_mem>>
        %dma_start3A_41 = arith.constant 0 : i32
        %dma_start3A_42 = arith.constant 0 : i32
        %dma_start3A_43 = tpu.memref_slice %arg5[%arg1, %dma_start3A_41, %dma_start3A_42] : memref<16x80x128xi32, #tpu.memory_space<hbm>> -> memref<1x80x128xi32, #tpu.memory_space<hbm>>
        %dma_start3A_44 = tpu.memref_squeeze %dma_start3A_43 : memref<1x80x128xi32, #tpu.memory_space<hbm>> -> memref<80x128xi32, #tpu.memory_space<hbm>>
        %dma_start3A_45 = arith.constant 40 : i32
        %dma_start3A_46 = arith.constant 0 : i32
        %dma_start3A_47 = tpu.memref_slice %dma_start3A_44[%dma_start3A_45, %dma_start3A_46] : memref<80x128xi32, #tpu.memory_space<hbm>> -> memref<40x128xi32, #tpu.memory_space<hbm>>
        %dma_start3A_48 = arith.constant 0 : i32
        %dma_start3A_49 = arith.constant 0 : i32
        %dma_start3A_50 = tpu.memref_slice %arg5[%arg1, %dma_start3A_48, %dma_start3A_49] : memref<16x80x128xi32, #tpu.memory_space<hbm>> -> memref<1x80x128xi32, #tpu.memory_space<hbm>>
        %dma_start3A_51 = tpu.memref_squeeze %dma_start3A_50 : memref<1x80x128xi32, #tpu.memory_space<hbm>> -> memref<80x128xi32, #tpu.memory_space<hbm>>
        %dma_start3A_52 = arith.constant 40 : i32
        %dma_start3A_53 = arith.constant 0 : i32
        %dma_start3A_54 = tpu.memref_slice %dma_start3A_51[%dma_start3A_52, %dma_start3A_53] : memref<80x128xi32, #tpu.memory_space<hbm>> -> memref<40x128xi32, #tpu.memory_space<hbm>>
        tpu.enqueue_dma source(%dma_start3A_54 : memref<40x128xi32, #tpu.memory_space<hbm>>) target(%arg10 : memref<40x128xi32, #tpu.memory_space<vmem>>) target_semaphore(%run_scoped3A : memref<!tpu.dma_semaphore, #tpu.memory_space<semaphore_mem>>)
        %dma_wait3A = arith.constant 0 : i32
        %dma_wait3A_55 = arith.constant 0 : i32
        %dma_wait3A_56 = tpu.memref_slice %arg5[%arg1, %dma_wait3A, %dma_wait3A_55] : memref<16x80x128xi32, #tpu.memory_space<hbm>> -> memref<1x80x128xi32, #tpu.memory_space<hbm>>
        %dma_wait3A_57 = tpu.memref_squeeze %dma_wait3A_56 : memref<1x80x128xi32, #tpu.memory_space<hbm>> -> memref<80x128xi32, #tpu.memory_space<hbm>>
        %dma_wait3A_58 = arith.constant 40 : i32
        %dma_wait3A_59 = arith.constant 0 : i32
        %dma_wait3A_60 = tpu.memref_slice %dma_wait3A_57[%dma_wait3A_58, %dma_wait3A_59] : memref<80x128xi32, #tpu.memory_space<hbm>> -> memref<40x128xi32, #tpu.memory_space<hbm>>
        %dma_wait3A_61 = arith.constant 0 : i32
        %dma_wait3A_62 = arith.constant 0 : i32
        %dma_wait3A_63 = tpu.memref_slice %arg5[%arg1, %dma_wait3A_61, %dma_wait3A_62] : memref<16x80x128xi32, #tpu.memory_space<hbm>> -> memref<1x80x128xi32, #tpu.memory_space<hbm>>
        %dma_wait3A_64 = tpu.memref_squeeze %dma_wait3A_63 : memref<1x80x128xi32, #tpu.memory_space<hbm>> -> memref<80x128xi32, #tpu.memory_space<hbm>>
        %dma_wait3A_65 = arith.constant 40 : i32
        %dma_wait3A_66 = arith.constant 0 : i32
        %dma_wait3A_67 = tpu.memref_slice %dma_wait3A_64[%dma_wait3A_65, %dma_wait3A_66] : memref<80x128xi32, #tpu.memory_space<hbm>> -> memref<40x128xi32, #tpu.memory_space<hbm>>
        tpu.wait_dma2 semaphore(%run_scoped3A : memref<!tpu.dma_semaphore, #tpu.memory_space<semaphore_mem>>) src(%dma_wait3A_67 : memref<40x128xi32, #tpu.memory_space<hbm>>) dst(%arg10 : memref<40x128xi32, #tpu.memory_space<vmem>>)
        tpu.yield
      }) : () -> ()
      %dma_start3A_29 = arith.constant 0 : i32
      %dma_start3A_30 = arith.constant 0 : i32
      %dma_start3A_31 = tpu.memref_slice %arg9[%dma_start3A_29, %dma_start3A_30] : memref<40x128xi32, #tpu.memory_space<vmem>> -> memref<1x128xi32, #tpu.memory_space<vmem>>
      %dma_start3A_32 = tpu.memref_squeeze %dma_start3A_31 : memref<1x128xi32, #tpu.memory_space<vmem>> -> memref<128xi32, #tpu.memory_space<vmem>>
      %dma_start3A_33 = arith.constant 0 : i32
      %dma_start3A_34 = arith.constant 0 : i32
      %dma_start3A_35 = tpu.memref_slice %arg2[%dma_start3A_33, %dma_start3A_34] : memref<10000x128xf32, #tpu.memory_space<hbm>> -> memref<10000x128xf32, #tpu.memory_space<hbm>>
      tpu.enqueue_indirect_dma source(%dma_start3A_35 : memref<10000x128xf32, #tpu.memory_space<hbm>>) target(%arg11 : memref<128x128xf32, #tpu.memory_space<vmem>>) offsets(%dma_start3A_32 : memref<128xi32, #tpu.memory_space<vmem>>) semaphore(%arg14 : memref<!tpu.dma_semaphore, #tpu.memory_space<semaphore_mem>>)
      %scan3A_36 = arith.constant 0 : i32
      %scan3A_37 = arith.constant 20 : i32
      %scan3A_38 = arith.addi %scan3A_36, %scan3A_37 : i32
      %scan3A_39 = arith.constant 1 : i32
      scf.for %scan3A_41 = %scan3A_36 to %scan3A_38 step %scan3A_39  : i32 {
        %mul3A_42 = arith.constant 2 : i32
        %mul3A_43 = arith.muli %scan3A_41, %mul3A_42 : i32
        %add3A = arith.constant 1 : i32
        %add3A_44 = arith.addi %mul3A_43, %add3A : i32
        %dma_start3A_45 = arith.constant 0 : i32
        %dma_start3A_46 = tpu.memref_slice %arg9[%add3A_44, %dma_start3A_45] : memref<40x128xi32, #tpu.memory_space<vmem>> -> memref<1x128xi32, #tpu.memory_space<vmem>>
        %dma_start3A_47 = tpu.memref_squeeze %dma_start3A_46 : memref<1x128xi32, #tpu.memory_space<vmem>> -> memref<128xi32, #tpu.memory_space<vmem>>
        %dma_start3A_48 = arith.constant 0 : i32
        %dma_start3A_49 = arith.constant 0 : i32
        %dma_start3A_50 = tpu.memref_slice %arg2[%dma_start3A_48, %dma_start3A_49] : memref<10000x128xf32, #tpu.memory_space<hbm>> -> memref<10000x128xf32, #tpu.memory_space<hbm>>
        tpu.enqueue_indirect_dma source(%dma_start3A_50 : memref<10000x128xf32, #tpu.memory_space<hbm>>) target(%arg12 : memref<128x128xf32, #tpu.memory_space<vmem>>) offsets(%dma_start3A_47 : memref<128xi32, #tpu.memory_space<vmem>>) semaphore(%arg15 : memref<!tpu.dma_semaphore, #tpu.memory_space<semaphore_mem>>)
        %dma_wait3A = arith.constant 0 : i32
        %dma_wait3A_51 = tpu.memref_slice %arg9[%mul3A_43, %dma_wait3A] : memref<40x128xi32, #tpu.memory_space<vmem>> -> memref<1x128xi32, #tpu.memory_space<vmem>>
        %dma_wait3A_52 = tpu.memref_squeeze %dma_wait3A_51 : memref<1x128xi32, #tpu.memory_space<vmem>> -> memref<128xi32, #tpu.memory_space<vmem>>
        %dma_wait3A_53 = arith.constant 0 : i32
        %dma_wait3A_54 = arith.constant 0 : i32
        %dma_wait3A_55 = tpu.memref_slice %arg2[%dma_wait3A_53, %dma_wait3A_54] : memref<10000x128xf32, #tpu.memory_space<hbm>> -> memref<10000x128xf32, #tpu.memory_space<hbm>>
        tpu.wait_indirect_dma semaphore(%arg14 : memref<!tpu.dma_semaphore, #tpu.memory_space<semaphore_mem>>) src(%dma_wait3A_55 : memref<10000x128xf32, #tpu.memory_space<hbm>>) dst(%arg11 : memref<128x128xf32, #tpu.memory_space<vmem>>)
        "tpu.region"() ({
          %run_scoped3A = tpu.sem_alloc : memref<!tpu.dma_semaphore, #tpu.memory_space<semaphore_mem>>
          %dma_start3A_72 = arith.constant 0 : i32
          %dma_start3A_73 = tpu.memref_slice %arg10[%mul3A_43, %dma_start3A_72] : memref<40x128xi32, #tpu.memory_space<vmem>> -> memref<1x128xi32, #tpu.memory_space<vmem>>
          %dma_start3A_74 = tpu.memref_squeeze %dma_start3A_73 : memref<1x128xi32, #tpu.memory_space<vmem>> -> memref<128xi32, #tpu.memory_space<vmem>>
          %dma_start3A_75 = arith.constant 0 : i32
          %dma_start3A_76 = arith.constant 0 : i32
          %dma_start3A_77 = tpu.memref_slice %arg13[%dma_start3A_75, %dma_start3A_76] : memref<10112x128xf32, #tpu.memory_space<vmem_shared>> -> memref<10112x128xf32, #tpu.memory_space<vmem_shared>>
          tpu.enqueue_indirect_dma source(%arg11 : memref<128x128xf32, #tpu.memory_space<vmem>>) target(%dma_start3A_77 : memref<10112x128xf32, #tpu.memory_space<vmem_shared>>) offsets(%dma_start3A_74 : memref<128xi32, #tpu.memory_space<vmem>>) semaphore(%run_scoped3A : memref<!tpu.dma_semaphore, #tpu.memory_space<semaphore_mem>>) {add = true}
          %dma_wait3A_78 = arith.constant 0 : i32
          %dma_wait3A_79 = tpu.memref_slice %arg10[%mul3A_43, %dma_wait3A_78] : memref<40x128xi32, #tpu.memory_space<vmem>> -> memref<1x128xi32, #tpu.memory_space<vmem>>
          %dma_wait3A_80 = tpu.memref_squeeze %dma_wait3A_79 : memref<1x128xi32, #tpu.memory_space<vmem>> -> memref<128xi32, #tpu.memory_space<vmem>>
          %dma_wait3A_81 = arith.constant 0 : i32
          %dma_wait3A_82 = arith.constant 0 : i32
          %dma_wait3A_83 = tpu.memref_slice %arg13[%dma_wait3A_81, %dma_wait3A_82] : memref<10112x128xf32, #tpu.memory_space<vmem_shared>> -> memref<10112x128xf32, #tpu.memory_space<vmem_shared>>
          tpu.wait_indirect_dma semaphore(%run_scoped3A : memref<!tpu.dma_semaphore, #tpu.memory_space<semaphore_mem>>) src(%arg11 : memref<128x128xf32, #tpu.memory_space<vmem>>) dst(%dma_wait3A_83 : memref<10112x128xf32, #tpu.memory_space<vmem_shared>>)
          tpu.yield
        }) : () -> ()
        %add3A_56 = arith.constant 2 : i32
        %add3A_57 = arith.addi %mul3A_43, %add3A_56 : i32
        %lt3A = arith.constant 40 : i32
        %lt3A_58 = arith.cmpi slt, %add3A_57, %lt3A : i32
        %convert_element_type3A_59 = arith.extui %lt3A_58 : i1 to i32
        %cond3A_60 = arith.constant 0 : i32
        %cond3A_61 = arith.cmpi ne, %convert_element_type3A_59, %cond3A_60 : i32
        scf.if %cond3A_61 {
          %add3A_72 = arith.constant 2 : i32
          %add3A_73 = arith.addi %mul3A_43, %add3A_72 : i32
          %dma_start3A_74 = arith.constant 0 : i32
          %dma_start3A_75 = tpu.memref_slice %arg9[%add3A_73, %dma_start3A_74] : memref<40x128xi32, #tpu.memory_space<vmem>> -> memref<1x128xi32, #tpu.memory_space<vmem>>
          %dma_start3A_76 = tpu.memref_squeeze %dma_start3A_75 : memref<1x128xi32, #tpu.memory_space<vmem>> -> memref<128xi32, #tpu.memory_space<vmem>>
          %dma_start3A_77 = arith.constant 0 : i32
          %dma_start3A_78 = arith.constant 0 : i32
          %dma_start3A_79 = tpu.memref_slice %arg2[%dma_start3A_77, %dma_start3A_78] : memref<10000x128xf32, #tpu.memory_space<hbm>> -> memref<10000x128xf32, #tpu.memory_space<hbm>>
          tpu.enqueue_indirect_dma source(%dma_start3A_79 : memref<10000x128xf32, #tpu.memory_space<hbm>>) target(%arg11 : memref<128x128xf32, #tpu.memory_space<vmem>>) offsets(%dma_start3A_76 : memref<128xi32, #tpu.memory_space<vmem>>) semaphore(%arg14 : memref<!tpu.dma_semaphore, #tpu.memory_space<semaphore_mem>>)
        } else {
        }
        %add3A_62 = arith.constant 1 : i32
        %add3A_63 = arith.addi %mul3A_43, %add3A_62 : i32
        %dma_wait3A_64 = arith.constant 0 : i32
        %dma_wait3A_65 = tpu.memref_slice %arg9[%add3A_63, %dma_wait3A_64] : memref<40x128xi32, #tpu.memory_space<vmem>> -> memref<1x128xi32, #tpu.memory_space<vmem>>
        %dma_wait3A_66 = tpu.memref_squeeze %dma_wait3A_65 : memref<1x128xi32, #tpu.memory_space<vmem>> -> memref<128xi32, #tpu.memory_space<vmem>>
        %dma_wait3A_67 = arith.constant 0 : i32
        %dma_wait3A_68 = arith.constant 0 : i32
        %dma_wait3A_69 = tpu.memref_slice %arg2[%dma_wait3A_67, %dma_wait3A_68] : memref<10000x128xf32, #tpu.memory_space<hbm>> -> memref<10000x128xf32, #tpu.memory_space<hbm>>
        tpu.wait_indirect_dma semaphore(%arg15 : memref<!tpu.dma_semaphore, #tpu.memory_space<semaphore_mem>>) src(%dma_wait3A_69 : memref<10000x128xf32, #tpu.memory_space<hbm>>) dst(%arg12 : memref<128x128xf32, #tpu.memory_space<vmem>>)
        %add3A_70 = arith.constant 1 : i32
        %add3A_71 = arith.addi %mul3A_43, %add3A_70 : i32
        "tpu.region"() ({
          %run_scoped3A = tpu.sem_alloc : memref<!tpu.dma_semaphore, #tpu.memory_space<semaphore_mem>>
          %dma_start3A_72 = arith.constant 0 : i32
          %dma_start3A_73 = tpu.memref_slice %arg10[%add3A_71, %dma_start3A_72] : memref<40x128xi32, #tpu.memory_space<vmem>> -> memref<1x128xi32, #tpu.memory_space<vmem>>
          %dma_start3A_74 = tpu.memref_squeeze %dma_start3A_73 : memref<1x128xi32, #tpu.memory_space<vmem>> -> memref<128xi32, #tpu.memory_space<vmem>>
          %dma_start3A_75 = arith.constant 0 : i32
          %dma_start3A_76 = arith.constant 0 : i32
          %dma_start3A_77 = tpu.memref_slice %arg13[%dma_start3A_75, %dma_start3A_76] : memref<10112x128xf32, #tpu.memory_space<vmem_shared>> -> memref<10112x128xf32, #tpu.memory_space<vmem_shared>>
          tpu.enqueue_indirect_dma source(%arg12 : memref<128x128xf32, #tpu.memory_space<vmem>>) target(%dma_start3A_77 : memref<10112x128xf32, #tpu.memory_space<vmem_shared>>) offsets(%dma_start3A_74 : memref<128xi32, #tpu.memory_space<vmem>>) semaphore(%run_scoped3A : memref<!tpu.dma_semaphore, #tpu.memory_space<semaphore_mem>>) {add = true}
          %dma_wait3A_78 = arith.constant 0 : i32
          %dma_wait3A_79 = tpu.memref_slice %arg10[%add3A_71, %dma_wait3A_78] : memref<40x128xi32, #tpu.memory_space<vmem>> -> memref<1x128xi32, #tpu.memory_space<vmem>>
          %dma_wait3A_80 = tpu.memref_squeeze %dma_wait3A_79 : memref<1x128xi32, #tpu.memory_space<vmem>> -> memref<128xi32, #tpu.memory_space<vmem>>
          %dma_wait3A_81 = arith.constant 0 : i32
          %dma_wait3A_82 = arith.constant 0 : i32
          %dma_wait3A_83 = tpu.memref_slice %arg13[%dma_wait3A_81, %dma_wait3A_82] : memref<10112x128xf32, #tpu.memory_space<vmem_shared>> -> memref<10112x128xf32, #tpu.memory_space<vmem_shared>>
          tpu.wait_indirect_dma semaphore(%run_scoped3A : memref<!tpu.dma_semaphore, #tpu.memory_space<semaphore_mem>>) src(%arg12 : memref<128x128xf32, #tpu.memory_space<vmem>>) dst(%dma_wait3A_83 : memref<10112x128xf32, #tpu.memory_space<vmem_shared>>)
          tpu.yield
        }) : () -> ()
      }
      %scan3A_40 = arith.constant 20 : i32
    } else {
    }
    %eq3A_3 = arith.constant 1 : i32
    %eq3A_4 = arith.cmpi eq, %arg0, %eq3A_3 : i32
    %convert_element_type3A_5 = arith.extui %eq3A_4 : i1 to i32
    %cond3A_6 = arith.constant 0 : i32
    %cond3A_7 = arith.cmpi ne, %convert_element_type3A_5, %cond3A_6 : i32
    scf.if %cond3A_7 {
      "tpu.region"() ({
        %run_scoped3A = tpu.sem_alloc : memref<!tpu.dma_semaphore, #tpu.memory_space<semaphore_mem>>
        %dma_start3A_41 = arith.constant 0 : i32
        %dma_start3A_42 = arith.constant 0 : i32
        %dma_start3A_43 = tpu.memref_slice %arg4[%arg1, %dma_start3A_41, %dma_start3A_42] : memref<16x80x128xi32, #tpu.memory_space<hbm>> -> memref<1x80x128xi32, #tpu.memory_space<hbm>>
        %dma_start3A_44 = tpu.memref_squeeze %dma_start3A_43 : memref<1x80x128xi32, #tpu.memory_space<hbm>> -> memref<80x128xi32, #tpu.memory_space<hbm>>
        %dma_start3A_45 = arith.constant 0 : i32
        %dma_start3A_46 = arith.constant 0 : i32
        %dma_start3A_47 = tpu.memref_slice %dma_start3A_44[%dma_start3A_45, %dma_start3A_46] : memref<80x128xi32, #tpu.memory_space<hbm>> -> memref<40x128xi32, #tpu.memory_space<hbm>>
        %dma_start3A_48 = arith.constant 0 : i32
        %dma_start3A_49 = arith.constant 0 : i32
        %dma_start3A_50 = tpu.memref_slice %arg4[%arg1, %dma_start3A_48, %dma_start3A_49] : memref<16x80x128xi32, #tpu.memory_space<hbm>> -> memref<1x80x128xi32, #tpu.memory_space<hbm>>
        %dma_start3A_51 = tpu.memref_squeeze %dma_start3A_50 : memref<1x80x128xi32, #tpu.memory_space<hbm>> -> memref<80x128xi32, #tpu.memory_space<hbm>>
        %dma_start3A_52 = arith.constant 0 : i32
        %dma_start3A_53 = arith.constant 0 : i32
        %dma_start3A_54 = tpu.memref_slice %dma_start3A_51[%dma_start3A_52, %dma_start3A_53] : memref<80x128xi32, #tpu.memory_space<hbm>> -> memref<40x128xi32, #tpu.memory_space<hbm>>
        tpu.enqueue_dma source(%dma_start3A_54 : memref<40x128xi32, #tpu.memory_space<hbm>>) target(%arg9 : memref<40x128xi32, #tpu.memory_space<vmem>>) target_semaphore(%run_scoped3A : memref<!tpu.dma_semaphore, #tpu.memory_space<semaphore_mem>>)
        %dma_wait3A = arith.constant 0 : i32
        %dma_wait3A_55 = arith.constant 0 : i32
        %dma_wait3A_56 = tpu.memref_slice %arg4[%arg1, %dma_wait3A, %dma_wait3A_55] : memref<16x80x128xi32, #tpu.memory_space<hbm>> -> memref<1x80x128xi32, #tpu.memory_space<hbm>>
        %dma_wait3A_57 = tpu.memref_squeeze %dma_wait3A_56 : memref<1x80x128xi32, #tpu.memory_space<hbm>> -> memref<80x128xi32, #tpu.memory_space<hbm>>
        %dma_wait3A_58 = arith.constant 0 : i32
        %dma_wait3A_59 = arith.constant 0 : i32
        %dma_wait3A_60 = tpu.memref_slice %dma_wait3A_57[%dma_wait3A_58, %dma_wait3A_59] : memref<80x128xi32, #tpu.memory_space<hbm>> -> memref<40x128xi32, #tpu.memory_space<hbm>>
        %dma_wait3A_61 = arith.constant 0 : i32
        %dma_wait3A_62 = arith.constant 0 : i32
        %dma_wait3A_63 = tpu.memref_slice %arg4[%arg1, %dma_wait3A_61, %dma_wait3A_62] : memref<16x80x128xi32, #tpu.memory_space<hbm>> -> memref<1x80x128xi32, #tpu.memory_space<hbm>>
        %dma_wait3A_64 = tpu.memref_squeeze %dma_wait3A_63 : memref<1x80x128xi32, #tpu.memory_space<hbm>> -> memref<80x128xi32, #tpu.memory_space<hbm>>
        %dma_wait3A_65 = arith.constant 0 : i32
        %dma_wait3A_66 = arith.constant 0 : i32
        %dma_wait3A_67 = tpu.memref_slice %dma_wait3A_64[%dma_wait3A_65, %dma_wait3A_66] : memref<80x128xi32, #tpu.memory_space<hbm>> -> memref<40x128xi32, #tpu.memory_space<hbm>>
        tpu.wait_dma2 semaphore(%run_scoped3A : memref<!tpu.dma_semaphore, #tpu.memory_space<semaphore_mem>>) src(%dma_wait3A_67 : memref<40x128xi32, #tpu.memory_space<hbm>>) dst(%arg9 : memref<40x128xi32, #tpu.memory_space<vmem>>)
        tpu.yield
      }) : () -> ()
      "tpu.region"() ({
        %run_scoped3A = tpu.sem_alloc : memref<!tpu.dma_semaphore, #tpu.memory_space<semaphore_mem>>
        %dma_start3A_41 = arith.constant 0 : i32
        %dma_start3A_42 = arith.constant 0 : i32
        %dma_start3A_43 = tpu.memref_slice %arg5[%arg1, %dma_start3A_41, %dma_start3A_42] : memref<16x80x128xi32, #tpu.memory_space<hbm>> -> memref<1x80x128xi32, #tpu.memory_space<hbm>>
        %dma_start3A_44 = tpu.memref_squeeze %dma_start3A_43 : memref<1x80x128xi32, #tpu.memory_space<hbm>> -> memref<80x128xi32, #tpu.memory_space<hbm>>
        %dma_start3A_45 = arith.constant 0 : i32
        %dma_start3A_46 = arith.constant 0 : i32
        %dma_start3A_47 = tpu.memref_slice %dma_start3A_44[%dma_start3A_45, %dma_start3A_46] : memref<80x128xi32, #tpu.memory_space<hbm>> -> memref<40x128xi32, #tpu.memory_space<hbm>>
        %dma_start3A_48 = arith.constant 0 : i32
        %dma_start3A_49 = arith.constant 0 : i32
        %dma_start3A_50 = tpu.memref_slice %arg5[%arg1, %dma_start3A_48, %dma_start3A_49] : memref<16x80x128xi32, #tpu.memory_space<hbm>> -> memref<1x80x128xi32, #tpu.memory_space<hbm>>
        %dma_start3A_51 = tpu.memref_squeeze %dma_start3A_50 : memref<1x80x128xi32, #tpu.memory_space<hbm>> -> memref<80x128xi32, #tpu.memory_space<hbm>>
        %dma_start3A_52 = arith.constant 0 : i32
        %dma_start3A_53 = arith.constant 0 : i32
        %dma_start3A_54 = tpu.memref_slice %dma_start3A_51[%dma_start3A_52, %dma_start3A_53] : memref<80x128xi32, #tpu.memory_space<hbm>> -> memref<40x128xi32, #tpu.memory_space<hbm>>
        tpu.enqueue_dma source(%dma_start3A_54 : memref<40x128xi32, #tpu.memory_space<hbm>>) target(%arg10 : memref<40x128xi32, #tpu.memory_space<vmem>>) target_semaphore(%run_scoped3A : memref<!tpu.dma_semaphore, #tpu.memory_space<semaphore_mem>>)
        %dma_wait3A = arith.constant 0 : i32
        %dma_wait3A_55 = arith.constant 0 : i32
        %dma_wait3A_56 = tpu.memref_slice %arg5[%arg1, %dma_wait3A, %dma_wait3A_55] : memref<16x80x128xi32, #tpu.memory_space<hbm>> -> memref<1x80x128xi32, #tpu.memory_space<hbm>>
        %dma_wait3A_57 = tpu.memref_squeeze %dma_wait3A_56 : memref<1x80x128xi32, #tpu.memory_space<hbm>> -> memref<80x128xi32, #tpu.memory_space<hbm>>
        %dma_wait3A_58 = arith.constant 0 : i32
        %dma_wait3A_59 = arith.constant 0 : i32
        %dma_wait3A_60 = tpu.memref_slice %dma_wait3A_57[%dma_wait3A_58, %dma_wait3A_59] : memref<80x128xi32, #tpu.memory_space<hbm>> -> memref<40x128xi32, #tpu.memory_space<hbm>>
        %dma_wait3A_61 = arith.constant 0 : i32
        %dma_wait3A_62 = arith.constant 0 : i32
        %dma_wait3A_63 = tpu.memref_slice %arg5[%arg1, %dma_wait3A_61, %dma_wait3A_62] : memref<16x80x128xi32, #tpu.memory_space<hbm>> -> memref<1x80x128xi32, #tpu.memory_space<hbm>>
        %dma_wait3A_64 = tpu.memref_squeeze %dma_wait3A_63 : memref<1x80x128xi32, #tpu.memory_space<hbm>> -> memref<80x128xi32, #tpu.memory_space<hbm>>
        %dma_wait3A_65 = arith.constant 0 : i32
        %dma_wait3A_66 = arith.constant 0 : i32
        %dma_wait3A_67 = tpu.memref_slice %dma_wait3A_64[%dma_wait3A_65, %dma_wait3A_66] : memref<80x128xi32, #tpu.memory_space<hbm>> -> memref<40x128xi32, #tpu.memory_space<hbm>>
        tpu.wait_dma2 semaphore(%run_scoped3A : memref<!tpu.dma_semaphore, #tpu.memory_space<semaphore_mem>>) src(%dma_wait3A_67 : memref<40x128xi32, #tpu.memory_space<hbm>>) dst(%arg10 : memref<40x128xi32, #tpu.memory_space<vmem>>)
        tpu.yield
      }) : () -> ()
      %dma_start3A = arith.constant 0 : i32
      %dma_start3A_19 = arith.constant 0 : i32
      %dma_start3A_20 = tpu.memref_slice %arg9[%dma_start3A, %dma_start3A_19] : memref<40x128xi32, #tpu.memory_space<vmem>> -> memref<1x128xi32, #tpu.memory_space<vmem>>
      %dma_start3A_21 = tpu.memref_squeeze %dma_start3A_20 : memref<1x128xi32, #tpu.memory_space<vmem>> -> memref<128xi32, #tpu.memory_space<vmem>>
      %dma_start3A_22 = arith.constant 0 : i32
      %dma_start3A_23 = arith.constant 0 : i32
      %dma_start3A_24 = tpu.memref_slice %arg3[%dma_start3A_22, %dma_start3A_23] : memref<10000x128xf32, #tpu.memory_space<hbm>> -> memref<10000x128xf32, #tpu.memory_space<hbm>>
      tpu.enqueue_indirect_dma source(%dma_start3A_24 : memref<10000x128xf32, #tpu.memory_space<hbm>>) target(%arg11 : memref<128x128xf32, #tpu.memory_space<vmem>>) offsets(%dma_start3A_21 : memref<128xi32, #tpu.memory_space<vmem>>) semaphore(%arg14 : memref<!tpu.dma_semaphore, #tpu.memory_space<semaphore_mem>>)
      %scan3A = arith.constant 0 : i32
      %scan3A_25 = arith.constant 20 : i32
      %scan3A_26 = arith.addi %scan3A, %scan3A_25 : i32
      %scan3A_27 = arith.constant 1 : i32
      scf.for %scan3A_41 = %scan3A to %scan3A_26 step %scan3A_27  : i32 {
        %mul3A_42 = arith.constant 2 : i32
        %mul3A_43 = arith.muli %scan3A_41, %mul3A_42 : i32
        %add3A = arith.constant 1 : i32
        %add3A_44 = arith.addi %mul3A_43, %add3A : i32
        %dma_start3A_45 = arith.constant 0 : i32
        %dma_start3A_46 = tpu.memref_slice %arg9[%add3A_44, %dma_start3A_45] : memref<40x128xi32, #tpu.memory_space<vmem>> -> memref<1x128xi32, #tpu.memory_space<vmem>>
        %dma_start3A_47 = tpu.memref_squeeze %dma_start3A_46 : memref<1x128xi32, #tpu.memory_space<vmem>> -> memref<128xi32, #tpu.memory_space<vmem>>
        %dma_start3A_48 = arith.constant 0 : i32
        %dma_start3A_49 = arith.constant 0 : i32
        %dma_start3A_50 = tpu.memref_slice %arg3[%dma_start3A_48, %dma_start3A_49] : memref<10000x128xf32, #tpu.memory_space<hbm>> -> memref<10000x128xf32, #tpu.memory_space<hbm>>
        tpu.enqueue_indirect_dma source(%dma_start3A_50 : memref<10000x128xf32, #tpu.memory_space<hbm>>) target(%arg12 : memref<128x128xf32, #tpu.memory_space<vmem>>) offsets(%dma_start3A_47 : memref<128xi32, #tpu.memory_space<vmem>>) semaphore(%arg15 : memref<!tpu.dma_semaphore, #tpu.memory_space<semaphore_mem>>)
        %dma_wait3A = arith.constant 0 : i32
        %dma_wait3A_51 = tpu.memref_slice %arg9[%mul3A_43, %dma_wait3A] : memref<40x128xi32, #tpu.memory_space<vmem>> -> memref<1x128xi32, #tpu.memory_space<vmem>>
        %dma_wait3A_52 = tpu.memref_squeeze %dma_wait3A_51 : memref<1x128xi32, #tpu.memory_space<vmem>> -> memref<128xi32, #tpu.memory_space<vmem>>
        %dma_wait3A_53 = arith.constant 0 : i32
        %dma_wait3A_54 = arith.constant 0 : i32
        %dma_wait3A_55 = tpu.memref_slice %arg3[%dma_wait3A_53, %dma_wait3A_54] : memref<10000x128xf32, #tpu.memory_space<hbm>> -> memref<10000x128xf32, #tpu.memory_space<hbm>>
        tpu.wait_indirect_dma semaphore(%arg14 : memref<!tpu.dma_semaphore, #tpu.memory_space<semaphore_mem>>) src(%dma_wait3A_55 : memref<10000x128xf32, #tpu.memory_space<hbm>>) dst(%arg11 : memref<128x128xf32, #tpu.memory_space<vmem>>)
        "tpu.region"() ({
          %run_scoped3A = tpu.sem_alloc : memref<!tpu.dma_semaphore, #tpu.memory_space<semaphore_mem>>
          %dma_start3A_72 = arith.constant 0 : i32
          %dma_start3A_73 = tpu.memref_slice %arg10[%mul3A_43, %dma_start3A_72] : memref<40x128xi32, #tpu.memory_space<vmem>> -> memref<1x128xi32, #tpu.memory_space<vmem>>
          %dma_start3A_74 = tpu.memref_squeeze %dma_start3A_73 : memref<1x128xi32, #tpu.memory_space<vmem>> -> memref<128xi32, #tpu.memory_space<vmem>>
          %dma_start3A_75 = arith.constant 0 : i32
          %dma_start3A_76 = arith.constant 0 : i32
          %dma_start3A_77 = tpu.memref_slice %arg13[%dma_start3A_75, %dma_start3A_76] : memref<10112x128xf32, #tpu.memory_space<vmem_shared>> -> memref<10112x128xf32, #tpu.memory_space<vmem_shared>>
          tpu.enqueue_indirect_dma source(%arg11 : memref<128x128xf32, #tpu.memory_space<vmem>>) target(%dma_start3A_77 : memref<10112x128xf32, #tpu.memory_space<vmem_shared>>) offsets(%dma_start3A_74 : memref<128xi32, #tpu.memory_space<vmem>>) semaphore(%run_scoped3A : memref<!tpu.dma_semaphore, #tpu.memory_space<semaphore_mem>>) {add = true}
          %dma_wait3A_78 = arith.constant 0 : i32
          %dma_wait3A_79 = tpu.memref_slice %arg10[%mul3A_43, %dma_wait3A_78] : memref<40x128xi32, #tpu.memory_space<vmem>> -> memref<1x128xi32, #tpu.memory_space<vmem>>
          %dma_wait3A_80 = tpu.memref_squeeze %dma_wait3A_79 : memref<1x128xi32, #tpu.memory_space<vmem>> -> memref<128xi32, #tpu.memory_space<vmem>>
          %dma_wait3A_81 = arith.constant 0 : i32
          %dma_wait3A_82 = arith.constant 0 : i32
          %dma_wait3A_83 = tpu.memref_slice %arg13[%dma_wait3A_81, %dma_wait3A_82] : memref<10112x128xf32, #tpu.memory_space<vmem_shared>> -> memref<10112x128xf32, #tpu.memory_space<vmem_shared>>
          tpu.wait_indirect_dma semaphore(%run_scoped3A : memref<!tpu.dma_semaphore, #tpu.memory_space<semaphore_mem>>) src(%arg11 : memref<128x128xf32, #tpu.memory_space<vmem>>) dst(%dma_wait3A_83 : memref<10112x128xf32, #tpu.memory_space<vmem_shared>>)
          tpu.yield
        }) : () -> ()
        %add3A_56 = arith.constant 2 : i32
        %add3A_57 = arith.addi %mul3A_43, %add3A_56 : i32
        %lt3A = arith.constant 40 : i32
        %lt3A_58 = arith.cmpi slt, %add3A_57, %lt3A : i32
        %convert_element_type3A_59 = arith.extui %lt3A_58 : i1 to i32
        %cond3A_60 = arith.constant 0 : i32
        %cond3A_61 = arith.cmpi ne, %convert_element_type3A_59, %cond3A_60 : i32
        scf.if %cond3A_61 {
          %add3A_72 = arith.constant 2 : i32
          %add3A_73 = arith.addi %mul3A_43, %add3A_72 : i32
          %dma_start3A_74 = arith.constant 0 : i32
          %dma_start3A_75 = tpu.memref_slice %arg9[%add3A_73, %dma_start3A_74] : memref<40x128xi32, #tpu.memory_space<vmem>> -> memref<1x128xi32, #tpu.memory_space<vmem>>
          %dma_start3A_76 = tpu.memref_squeeze %dma_start3A_75 : memref<1x128xi32, #tpu.memory_space<vmem>> -> memref<128xi32, #tpu.memory_space<vmem>>
          %dma_start3A_77 = arith.constant 0 : i32
          %dma_start3A_78 = arith.constant 0 : i32
          %dma_start3A_79 = tpu.memref_slice %arg3[%dma_start3A_77, %dma_start3A_78] : memref<10000x128xf32, #tpu.memory_space<hbm>> -> memref<10000x128xf32, #tpu.memory_space<hbm>>
          tpu.enqueue_indirect_dma source(%dma_start3A_79 : memref<10000x128xf32, #tpu.memory_space<hbm>>) target(%arg11 : memref<128x128xf32, #tpu.memory_space<vmem>>) offsets(%dma_start3A_76 : memref<128xi32, #tpu.memory_space<vmem>>) semaphore(%arg14 : memref<!tpu.dma_semaphore, #tpu.memory_space<semaphore_mem>>)
        } else {
        }
        %add3A_62 = arith.constant 1 : i32
        %add3A_63 = arith.addi %mul3A_43, %add3A_62 : i32
        %dma_wait3A_64 = arith.constant 0 : i32
        %dma_wait3A_65 = tpu.memref_slice %arg9[%add3A_63, %dma_wait3A_64] : memref<40x128xi32, #tpu.memory_space<vmem>> -> memref<1x128xi32, #tpu.memory_space<vmem>>
        %dma_wait3A_66 = tpu.memref_squeeze %dma_wait3A_65 : memref<1x128xi32, #tpu.memory_space<vmem>> -> memref<128xi32, #tpu.memory_space<vmem>>
        %dma_wait3A_67 = arith.constant 0 : i32
        %dma_wait3A_68 = arith.constant 0 : i32
        %dma_wait3A_69 = tpu.memref_slice %arg3[%dma_wait3A_67, %dma_wait3A_68] : memref<10000x128xf32, #tpu.memory_space<hbm>> -> memref<10000x128xf32, #tpu.memory_space<hbm>>
        tpu.wait_indirect_dma semaphore(%arg15 : memref<!tpu.dma_semaphore, #tpu.memory_space<semaphore_mem>>) src(%dma_wait3A_69 : memref<10000x128xf32, #tpu.memory_space<hbm>>) dst(%arg12 : memref<128x128xf32, #tpu.memory_space<vmem>>)
        %add3A_70 = arith.constant 1 : i32
        %add3A_71 = arith.addi %mul3A_43, %add3A_70 : i32
        "tpu.region"() ({
          %run_scoped3A = tpu.sem_alloc : memref<!tpu.dma_semaphore, #tpu.memory_space<semaphore_mem>>
          %dma_start3A_72 = arith.constant 0 : i32
          %dma_start3A_73 = tpu.memref_slice %arg10[%add3A_71, %dma_start3A_72] : memref<40x128xi32, #tpu.memory_space<vmem>> -> memref<1x128xi32, #tpu.memory_space<vmem>>
          %dma_start3A_74 = tpu.memref_squeeze %dma_start3A_73 : memref<1x128xi32, #tpu.memory_space<vmem>> -> memref<128xi32, #tpu.memory_space<vmem>>
          %dma_start3A_75 = arith.constant 0 : i32
          %dma_start3A_76 = arith.constant 0 : i32
          %dma_start3A_77 = tpu.memref_slice %arg13[%dma_start3A_75, %dma_start3A_76] : memref<10112x128xf32, #tpu.memory_space<vmem_shared>> -> memref<10112x128xf32, #tpu.memory_space<vmem_shared>>
          tpu.enqueue_indirect_dma source(%arg12 : memref<128x128xf32, #tpu.memory_space<vmem>>) target(%dma_start3A_77 : memref<10112x128xf32, #tpu.memory_space<vmem_shared>>) offsets(%dma_start3A_74 : memref<128xi32, #tpu.memory_space<vmem>>) semaphore(%run_scoped3A : memref<!tpu.dma_semaphore, #tpu.memory_space<semaphore_mem>>) {add = true}
          %dma_wait3A_78 = arith.constant 0 : i32
          %dma_wait3A_79 = tpu.memref_slice %arg10[%add3A_71, %dma_wait3A_78] : memref<40x128xi32, #tpu.memory_space<vmem>> -> memref<1x128xi32, #tpu.memory_space<vmem>>
          %dma_wait3A_80 = tpu.memref_squeeze %dma_wait3A_79 : memref<1x128xi32, #tpu.memory_space<vmem>> -> memref<128xi32, #tpu.memory_space<vmem>>
          %dma_wait3A_81 = arith.constant 0 : i32
          %dma_wait3A_82 = arith.constant 0 : i32
          %dma_wait3A_83 = tpu.memref_slice %arg13[%dma_wait3A_81, %dma_wait3A_82] : memref<10112x128xf32, #tpu.memory_space<vmem_shared>> -> memref<10112x128xf32, #tpu.memory_space<vmem_shared>>
          tpu.wait_indirect_dma semaphore(%run_scoped3A : memref<!tpu.dma_semaphore, #tpu.memory_space<semaphore_mem>>) src(%arg12 : memref<128x128xf32, #tpu.memory_space<vmem>>) dst(%dma_wait3A_83 : memref<10112x128xf32, #tpu.memory_space<vmem_shared>>)
          tpu.yield
        }) : () -> ()
      }
      %scan3A_28 = arith.constant 20 : i32
      "tpu.region"() ({
        %run_scoped3A = tpu.sem_alloc : memref<!tpu.dma_semaphore, #tpu.memory_space<semaphore_mem>>
        %dma_start3A_41 = arith.constant 0 : i32
        %dma_start3A_42 = arith.constant 0 : i32
        %dma_start3A_43 = tpu.memref_slice %arg4[%arg1, %dma_start3A_41, %dma_start3A_42] : memref<16x80x128xi32, #tpu.memory_space<hbm>> -> memref<1x80x128xi32, #tpu.memory_space<hbm>>
        %dma_start3A_44 = tpu.memref_squeeze %dma_start3A_43 : memref<1x80x128xi32, #tpu.memory_space<hbm>> -> memref<80x128xi32, #tpu.memory_space<hbm>>
        %dma_start3A_45 = arith.constant 40 : i32
        %dma_start3A_46 = arith.constant 0 : i32
        %dma_start3A_47 = tpu.memref_slice %dma_start3A_44[%dma_start3A_45, %dma_start3A_46] : memref<80x128xi32, #tpu.memory_space<hbm>> -> memref<40x128xi32, #tpu.memory_space<hbm>>
        %dma_start3A_48 = arith.constant 0 : i32
        %dma_start3A_49 = arith.constant 0 : i32
        %dma_start3A_50 = tpu.memref_slice %arg4[%arg1, %dma_start3A_48, %dma_start3A_49] : memref<16x80x128xi32, #tpu.memory_space<hbm>> -> memref<1x80x128xi32, #tpu.memory_space<hbm>>
        %dma_start3A_51 = tpu.memref_squeeze %dma_start3A_50 : memref<1x80x128xi32, #tpu.memory_space<hbm>> -> memref<80x128xi32, #tpu.memory_space<hbm>>
        %dma_start3A_52 = arith.constant 40 : i32
        %dma_start3A_53 = arith.constant 0 : i32
        %dma_start3A_54 = tpu.memref_slice %dma_start3A_51[%dma_start3A_52, %dma_start3A_53] : memref<80x128xi32, #tpu.memory_space<hbm>> -> memref<40x128xi32, #tpu.memory_space<hbm>>
        tpu.enqueue_dma source(%dma_start3A_54 : memref<40x128xi32, #tpu.memory_space<hbm>>) target(%arg9 : memref<40x128xi32, #tpu.memory_space<vmem>>) target_semaphore(%run_scoped3A : memref<!tpu.dma_semaphore, #tpu.memory_space<semaphore_mem>>)
        %dma_wait3A = arith.constant 0 : i32
        %dma_wait3A_55 = arith.constant 0 : i32
        %dma_wait3A_56 = tpu.memref_slice %arg4[%arg1, %dma_wait3A, %dma_wait3A_55] : memref<16x80x128xi32, #tpu.memory_space<hbm>> -> memref<1x80x128xi32, #tpu.memory_space<hbm>>
        %dma_wait3A_57 = tpu.memref_squeeze %dma_wait3A_56 : memref<1x80x128xi32, #tpu.memory_space<hbm>> -> memref<80x128xi32, #tpu.memory_space<hbm>>
        %dma_wait3A_58 = arith.constant 40 : i32
        %dma_wait3A_59 = arith.constant 0 : i32
        %dma_wait3A_60 = tpu.memref_slice %dma_wait3A_57[%dma_wait3A_58, %dma_wait3A_59] : memref<80x128xi32, #tpu.memory_space<hbm>> -> memref<40x128xi32, #tpu.memory_space<hbm>>
        %dma_wait3A_61 = arith.constant 0 : i32
        %dma_wait3A_62 = arith.constant 0 : i32
        %dma_wait3A_63 = tpu.memref_slice %arg4[%arg1, %dma_wait3A_61, %dma_wait3A_62] : memref<16x80x128xi32, #tpu.memory_space<hbm>> -> memref<1x80x128xi32, #tpu.memory_space<hbm>>
        %dma_wait3A_64 = tpu.memref_squeeze %dma_wait3A_63 : memref<1x80x128xi32, #tpu.memory_space<hbm>> -> memref<80x128xi32, #tpu.memory_space<hbm>>
        %dma_wait3A_65 = arith.constant 40 : i32
        %dma_wait3A_66 = arith.constant 0 : i32
        %dma_wait3A_67 = tpu.memref_slice %dma_wait3A_64[%dma_wait3A_65, %dma_wait3A_66] : memref<80x128xi32, #tpu.memory_space<hbm>> -> memref<40x128xi32, #tpu.memory_space<hbm>>
        tpu.wait_dma2 semaphore(%run_scoped3A : memref<!tpu.dma_semaphore, #tpu.memory_space<semaphore_mem>>) src(%dma_wait3A_67 : memref<40x128xi32, #tpu.memory_space<hbm>>) dst(%arg9 : memref<40x128xi32, #tpu.memory_space<vmem>>)
        tpu.yield
      }) : () -> ()
      "tpu.region"() ({
        %run_scoped3A = tpu.sem_alloc : memref<!tpu.dma_semaphore, #tpu.memory_space<semaphore_mem>>
        %dma_start3A_41 = arith.constant 0 : i32
        %dma_start3A_42 = arith.constant 0 : i32
        %dma_start3A_43 = tpu.memref_slice %arg5[%arg1, %dma_start3A_41, %dma_start3A_42] : memref<16x80x128xi32, #tpu.memory_space<hbm>> -> memref<1x80x128xi32, #tpu.memory_space<hbm>>
        %dma_start3A_44 = tpu.memref_squeeze %dma_start3A_43 : memref<1x80x128xi32, #tpu.memory_space<hbm>> -> memref<80x128xi32, #tpu.memory_space<hbm>>
        %dma_start3A_45 = arith.constant 40 : i32
        %dma_start3A_46 = arith.constant 0 : i32
        %dma_start3A_47 = tpu.memref_slice %dma_start3A_44[%dma_start3A_45, %dma_start3A_46] : memref<80x128xi32, #tpu.memory_space<hbm>> -> memref<40x128xi32, #tpu.memory_space<hbm>>
        %dma_start3A_48 = arith.constant 0 : i32
        %dma_start3A_49 = arith.constant 0 : i32
        %dma_start3A_50 = tpu.memref_slice %arg5[%arg1, %dma_start3A_48, %dma_start3A_49] : memref<16x80x128xi32, #tpu.memory_space<hbm>> -> memref<1x80x128xi32, #tpu.memory_space<hbm>>
        %dma_start3A_51 = tpu.memref_squeeze %dma_start3A_50 : memref<1x80x128xi32, #tpu.memory_space<hbm>> -> memref<80x128xi32, #tpu.memory_space<hbm>>
        %dma_start3A_52 = arith.constant 40 : i32
        %dma_start3A_53 = arith.constant 0 : i32
        %dma_start3A_54 = tpu.memref_slice %dma_start3A_51[%dma_start3A_52, %dma_start3A_53] : memref<80x128xi32, #tpu.memory_space<hbm>> -> memref<40x128xi32, #tpu.memory_space<hbm>>
        tpu.enqueue_dma source(%dma_start3A_54 : memref<40x128xi32, #tpu.memory_space<hbm>>) target(%arg10 : memref<40x128xi32, #tpu.memory_space<vmem>>) target_semaphore(%run_scoped3A : memref<!tpu.dma_semaphore, #tpu.memory_space<semaphore_mem>>)
        %dma_wait3A = arith.constant 0 : i32
        %dma_wait3A_55 = arith.constant 0 : i32
        %dma_wait3A_56 = tpu.memref_slice %arg5[%arg1, %dma_wait3A, %dma_wait3A_55] : memref<16x80x128xi32, #tpu.memory_space<hbm>> -> memref<1x80x128xi32, #tpu.memory_space<hbm>>
        %dma_wait3A_57 = tpu.memref_squeeze %dma_wait3A_56 : memref<1x80x128xi32, #tpu.memory_space<hbm>> -> memref<80x128xi32, #tpu.memory_space<hbm>>
        %dma_wait3A_58 = arith.constant 40 : i32
        %dma_wait3A_59 = arith.constant 0 : i32
        %dma_wait3A_60 = tpu.memref_slice %dma_wait3A_57[%dma_wait3A_58, %dma_wait3A_59] : memref<80x128xi32, #tpu.memory_space<hbm>> -> memref<40x128xi32, #tpu.memory_space<hbm>>
        %dma_wait3A_61 = arith.constant 0 : i32
        %dma_wait3A_62 = arith.constant 0 : i32
        %dma_wait3A_63 = tpu.memref_slice %arg5[%arg1, %dma_wait3A_61, %dma_wait3A_62] : memref<16x80x128xi32, #tpu.memory_space<hbm>> -> memref<1x80x128xi32, #tpu.memory_space<hbm>>
        %dma_wait3A_64 = tpu.memref_squeeze %dma_wait3A_63 : memref<1x80x128xi32, #tpu.memory_space<hbm>> -> memref<80x128xi32, #tpu.memory_space<hbm>>
        %dma_wait3A_65 = arith.constant 40 : i32
        %dma_wait3A_66 = arith.constant 0 : i32
        %dma_wait3A_67 = tpu.memref_slice %dma_wait3A_64[%dma_wait3A_65, %dma_wait3A_66] : memref<80x128xi32, #tpu.memory_space<hbm>> -> memref<40x128xi32, #tpu.memory_space<hbm>>
        tpu.wait_dma2 semaphore(%run_scoped3A : memref<!tpu.dma_semaphore, #tpu.memory_space<semaphore_mem>>) src(%dma_wait3A_67 : memref<40x128xi32, #tpu.memory_space<hbm>>) dst(%arg10 : memref<40x128xi32, #tpu.memory_space<vmem>>)
        tpu.yield
      }) : () -> ()
      %dma_start3A_29 = arith.constant 0 : i32
      %dma_start3A_30 = arith.constant 0 : i32
      %dma_start3A_31 = tpu.memref_slice %arg9[%dma_start3A_29, %dma_start3A_30] : memref<40x128xi32, #tpu.memory_space<vmem>> -> memref<1x128xi32, #tpu.memory_space<vmem>>
      %dma_start3A_32 = tpu.memref_squeeze %dma_start3A_31 : memref<1x128xi32, #tpu.memory_space<vmem>> -> memref<128xi32, #tpu.memory_space<vmem>>
      %dma_start3A_33 = arith.constant 0 : i32
      %dma_start3A_34 = arith.constant 0 : i32
      %dma_start3A_35 = tpu.memref_slice %arg3[%dma_start3A_33, %dma_start3A_34] : memref<10000x128xf32, #tpu.memory_space<hbm>> -> memref<10000x128xf32, #tpu.memory_space<hbm>>
      tpu.enqueue_indirect_dma source(%dma_start3A_35 : memref<10000x128xf32, #tpu.memory_space<hbm>>) target(%arg11 : memref<128x128xf32, #tpu.memory_space<vmem>>) offsets(%dma_start3A_32 : memref<128xi32, #tpu.memory_space<vmem>>) semaphore(%arg14 : memref<!tpu.dma_semaphore, #tpu.memory_space<semaphore_mem>>)
      %scan3A_36 = arith.constant 0 : i32
      %scan3A_37 = arith.constant 20 : i32
      %scan3A_38 = arith.addi %scan3A_36, %scan3A_37 : i32
      %scan3A_39 = arith.constant 1 : i32
      scf.for %scan3A_41 = %scan3A_36 to %scan3A_38 step %scan3A_39  : i32 {
        %mul3A_42 = arith.constant 2 : i32
        %mul3A_43 = arith.muli %scan3A_41, %mul3A_42 : i32
        %add3A = arith.constant 1 : i32
        %add3A_44 = arith.addi %mul3A_43, %add3A : i32
        %dma_start3A_45 = arith.constant 0 : i32
        %dma_start3A_46 = tpu.memref_slice %arg9[%add3A_44, %dma_start3A_45] : memref<40x128xi32, #tpu.memory_space<vmem>> -> memref<1x128xi32, #tpu.memory_space<vmem>>
        %dma_start3A_47 = tpu.memref_squeeze %dma_start3A_46 : memref<1x128xi32, #tpu.memory_space<vmem>> -> memref<128xi32, #tpu.memory_space<vmem>>
        %dma_start3A_48 = arith.constant 0 : i32
        %dma_start3A_49 = arith.constant 0 : i32
        %dma_start3A_50 = tpu.memref_slice %arg3[%dma_start3A_48, %dma_start3A_49] : memref<10000x128xf32, #tpu.memory_space<hbm>> -> memref<10000x128xf32, #tpu.memory_space<hbm>>
        tpu.enqueue_indirect_dma source(%dma_start3A_50 : memref<10000x128xf32, #tpu.memory_space<hbm>>) target(%arg12 : memref<128x128xf32, #tpu.memory_space<vmem>>) offsets(%dma_start3A_47 : memref<128xi32, #tpu.memory_space<vmem>>) semaphore(%arg15 : memref<!tpu.dma_semaphore, #tpu.memory_space<semaphore_mem>>)
        %dma_wait3A = arith.constant 0 : i32
        %dma_wait3A_51 = tpu.memref_slice %arg9[%mul3A_43, %dma_wait3A] : memref<40x128xi32, #tpu.memory_space<vmem>> -> memref<1x128xi32, #tpu.memory_space<vmem>>
        %dma_wait3A_52 = tpu.memref_squeeze %dma_wait3A_51 : memref<1x128xi32, #tpu.memory_space<vmem>> -> memref<128xi32, #tpu.memory_space<vmem>>
        %dma_wait3A_53 = arith.constant 0 : i32
        %dma_wait3A_54 = arith.constant 0 : i32
        %dma_wait3A_55 = tpu.memref_slice %arg3[%dma_wait3A_53, %dma_wait3A_54] : memref<10000x128xf32, #tpu.memory_space<hbm>> -> memref<10000x128xf32, #tpu.memory_space<hbm>>
        tpu.wait_indirect_dma semaphore(%arg14 : memref<!tpu.dma_semaphore, #tpu.memory_space<semaphore_mem>>) src(%dma_wait3A_55 : memref<10000x128xf32, #tpu.memory_space<hbm>>) dst(%arg11 : memref<128x128xf32, #tpu.memory_space<vmem>>)
        "tpu.region"() ({
          %run_scoped3A = tpu.sem_alloc : memref<!tpu.dma_semaphore, #tpu.memory_space<semaphore_mem>>
          %dma_start3A_72 = arith.constant 0 : i32
          %dma_start3A_73 = tpu.memref_slice %arg10[%mul3A_43, %dma_start3A_72] : memref<40x128xi32, #tpu.memory_space<vmem>> -> memref<1x128xi32, #tpu.memory_space<vmem>>
          %dma_start3A_74 = tpu.memref_squeeze %dma_start3A_73 : memref<1x128xi32, #tpu.memory_space<vmem>> -> memref<128xi32, #tpu.memory_space<vmem>>
          %dma_start3A_75 = arith.constant 0 : i32
          %dma_start3A_76 = arith.constant 0 : i32
          %dma_start3A_77 = tpu.memref_slice %arg13[%dma_start3A_75, %dma_start3A_76] : memref<10112x128xf32, #tpu.memory_space<vmem_shared>> -> memref<10112x128xf32, #tpu.memory_space<vmem_shared>>
          tpu.enqueue_indirect_dma source(%arg11 : memref<128x128xf32, #tpu.memory_space<vmem>>) target(%dma_start3A_77 : memref<10112x128xf32, #tpu.memory_space<vmem_shared>>) offsets(%dma_start3A_74 : memref<128xi32, #tpu.memory_space<vmem>>) semaphore(%run_scoped3A : memref<!tpu.dma_semaphore, #tpu.memory_space<semaphore_mem>>) {add = true}
          %dma_wait3A_78 = arith.constant 0 : i32
          %dma_wait3A_79 = tpu.memref_slice %arg10[%mul3A_43, %dma_wait3A_78] : memref<40x128xi32, #tpu.memory_space<vmem>> -> memref<1x128xi32, #tpu.memory_space<vmem>>
          %dma_wait3A_80 = tpu.memref_squeeze %dma_wait3A_79 : memref<1x128xi32, #tpu.memory_space<vmem>> -> memref<128xi32, #tpu.memory_space<vmem>>
          %dma_wait3A_81 = arith.constant 0 : i32
          %dma_wait3A_82 = arith.constant 0 : i32
          %dma_wait3A_83 = tpu.memref_slice %arg13[%dma_wait3A_81, %dma_wait3A_82] : memref<10112x128xf32, #tpu.memory_space<vmem_shared>> -> memref<10112x128xf32, #tpu.memory_space<vmem_shared>>
          tpu.wait_indirect_dma semaphore(%run_scoped3A : memref<!tpu.dma_semaphore, #tpu.memory_space<semaphore_mem>>) src(%arg11 : memref<128x128xf32, #tpu.memory_space<vmem>>) dst(%dma_wait3A_83 : memref<10112x128xf32, #tpu.memory_space<vmem_shared>>)
          tpu.yield
        }) : () -> ()
        %add3A_56 = arith.constant 2 : i32
        %add3A_57 = arith.addi %mul3A_43, %add3A_56 : i32
        %lt3A = arith.constant 40 : i32
        %lt3A_58 = arith.cmpi slt, %add3A_57, %lt3A : i32
        %convert_element_type3A_59 = arith.extui %lt3A_58 : i1 to i32
        %cond3A_60 = arith.constant 0 : i32
        %cond3A_61 = arith.cmpi ne, %convert_element_type3A_59, %cond3A_60 : i32
        scf.if %cond3A_61 {
          %add3A_72 = arith.constant 2 : i32
          %add3A_73 = arith.addi %mul3A_43, %add3A_72 : i32
          %dma_start3A_74 = arith.constant 0 : i32
          %dma_start3A_75 = tpu.memref_slice %arg9[%add3A_73, %dma_start3A_74] : memref<40x128xi32, #tpu.memory_space<vmem>> -> memref<1x128xi32, #tpu.memory_space<vmem>>
          %dma_start3A_76 = tpu.memref_squeeze %dma_start3A_75 : memref<1x128xi32, #tpu.memory_space<vmem>> -> memref<128xi32, #tpu.memory_space<vmem>>
          %dma_start3A_77 = arith.constant 0 : i32
          %dma_start3A_78 = arith.constant 0 : i32
          %dma_start3A_79 = tpu.memref_slice %arg3[%dma_start3A_77, %dma_start3A_78] : memref<10000x128xf32, #tpu.memory_space<hbm>> -> memref<10000x128xf32, #tpu.memory_space<hbm>>
          tpu.enqueue_indirect_dma source(%dma_start3A_79 : memref<10000x128xf32, #tpu.memory_space<hbm>>) target(%arg11 : memref<128x128xf32, #tpu.memory_space<vmem>>) offsets(%dma_start3A_76 : memref<128xi32, #tpu.memory_space<vmem>>) semaphore(%arg14 : memref<!tpu.dma_semaphore, #tpu.memory_space<semaphore_mem>>)
        } else {
        }
        %add3A_62 = arith.constant 1 : i32
        %add3A_63 = arith.addi %mul3A_43, %add3A_62 : i32
        %dma_wait3A_64 = arith.constant 0 : i32
        %dma_wait3A_65 = tpu.memref_slice %arg9[%add3A_63, %dma_wait3A_64] : memref<40x128xi32, #tpu.memory_space<vmem>> -> memref<1x128xi32, #tpu.memory_space<vmem>>
        %dma_wait3A_66 = tpu.memref_squeeze %dma_wait3A_65 : memref<1x128xi32, #tpu.memory_space<vmem>> -> memref<128xi32, #tpu.memory_space<vmem>>
        %dma_wait3A_67 = arith.constant 0 : i32
        %dma_wait3A_68 = arith.constant 0 : i32
        %dma_wait3A_69 = tpu.memref_slice %arg3[%dma_wait3A_67, %dma_wait3A_68] : memref<10000x128xf32, #tpu.memory_space<hbm>> -> memref<10000x128xf32, #tpu.memory_space<hbm>>
        tpu.wait_indirect_dma semaphore(%arg15 : memref<!tpu.dma_semaphore, #tpu.memory_space<semaphore_mem>>) src(%dma_wait3A_69 : memref<10000x128xf32, #tpu.memory_space<hbm>>) dst(%arg12 : memref<128x128xf32, #tpu.memory_space<vmem>>)
        %add3A_70 = arith.constant 1 : i32
        %add3A_71 = arith.addi %mul3A_43, %add3A_70 : i32
        "tpu.region"() ({
          %run_scoped3A = tpu.sem_alloc : memref<!tpu.dma_semaphore, #tpu.memory_space<semaphore_mem>>
          %dma_start3A_72 = arith.constant 0 : i32
          %dma_start3A_73 = tpu.memref_slice %arg10[%add3A_71, %dma_start3A_72] : memref<40x128xi32, #tpu.memory_space<vmem>> -> memref<1x128xi32, #tpu.memory_space<vmem>>
          %dma_start3A_74 = tpu.memref_squeeze %dma_start3A_73 : memref<1x128xi32, #tpu.memory_space<vmem>> -> memref<128xi32, #tpu.memory_space<vmem>>
          %dma_start3A_75 = arith.constant 0 : i32
          %dma_start3A_76 = arith.constant 0 : i32
          %dma_start3A_77 = tpu.memref_slice %arg13[%dma_start3A_75, %dma_start3A_76] : memref<10112x128xf32, #tpu.memory_space<vmem_shared>> -> memref<10112x128xf32, #tpu.memory_space<vmem_shared>>
          tpu.enqueue_indirect_dma source(%arg12 : memref<128x128xf32, #tpu.memory_space<vmem>>) target(%dma_start3A_77 : memref<10112x128xf32, #tpu.memory_space<vmem_shared>>) offsets(%dma_start3A_74 : memref<128xi32, #tpu.memory_space<vmem>>) semaphore(%run_scoped3A : memref<!tpu.dma_semaphore, #tpu.memory_space<semaphore_mem>>) {add = true}
          %dma_wait3A_78 = arith.constant 0 : i32
          %dma_wait3A_79 = tpu.memref_slice %arg10[%add3A_71, %dma_wait3A_78] : memref<40x128xi32, #tpu.memory_space<vmem>> -> memref<1x128xi32, #tpu.memory_space<vmem>>
          %dma_wait3A_80 = tpu.memref_squeeze %dma_wait3A_79 : memref<1x128xi32, #tpu.memory_space<vmem>> -> memref<128xi32, #tpu.memory_space<vmem>>
          %dma_wait3A_81 = arith.constant 0 : i32
          %dma_wait3A_82 = arith.constant 0 : i32
          %dma_wait3A_83 = tpu.memref_slice %arg13[%dma_wait3A_81, %dma_wait3A_82] : memref<10112x128xf32, #tpu.memory_space<vmem_shared>> -> memref<10112x128xf32, #tpu.memory_space<vmem_shared>>
          tpu.wait_indirect_dma semaphore(%run_scoped3A : memref<!tpu.dma_semaphore, #tpu.memory_space<semaphore_mem>>) src(%arg12 : memref<128x128xf32, #tpu.memory_space<vmem>>) dst(%dma_wait3A_83 : memref<10112x128xf32, #tpu.memory_space<vmem_shared>>)
          tpu.yield
        }) : () -> ()
      }
      %scan3A_40 = arith.constant 20 : i32
    } else {
    }
    %barrier3A_8 = arith.constant 0 : index
    tpu.barrier barrier_id(%barrier3A_8)
    %eq3A_9 = arith.constant 0 : i32
    %eq3A_10 = arith.cmpi eq, %arg0, %eq3A_9 : i32
    %convert_element_type3A_11 = arith.extui %eq3A_10 : i1 to i32
    %cond3A_12 = arith.constant 0 : i32
    %cond3A_13 = arith.cmpi ne, %convert_element_type3A_11, %cond3A_12 : i32
    scf.if %cond3A_13 {
      %mul3A_19 = arith.constant 632 : i32
      %mul3A_20 = arith.muli %arg1, %mul3A_19 : i32
      %mul3A_21 = arith.constant 632 : i32
      %mul3A_22 = arith.muli %arg1, %mul3A_21 : i32
      "tpu.region"() ({
        %run_scoped3A = tpu.sem_alloc : memref<!tpu.dma_semaphore, #tpu.memory_space<semaphore_mem>>
        %dma_start3A = arith.constant 0 : i32
        %dma_start3A_23 = tpu.memref_slice %arg7[%mul3A_22, %dma_start3A] : memref<10112x128xf32, #tpu.memory_space<hbm>> -> memref<632x128xf32, #tpu.memory_space<hbm>>
        %dma_start3A_24 = arith.constant 0 : i32
        %dma_start3A_25 = tpu.memref_slice %arg13[%mul3A_20, %dma_start3A_24] : memref<10112x128xf32, #tpu.memory_space<vmem_shared>> -> memref<632x128xf32, #tpu.memory_space<vmem_shared>>
        tpu.enqueue_dma source(%dma_start3A_25 : memref<632x128xf32, #tpu.memory_space<vmem_shared>>) target(%dma_start3A_23 : memref<632x128xf32, #tpu.memory_space<hbm>>) target_semaphore(%run_scoped3A : memref<!tpu.dma_semaphore, #tpu.memory_space<semaphore_mem>>)
        %dma_wait3A = arith.constant 0 : i32
        %dma_wait3A_26 = tpu.memref_slice %arg7[%mul3A_22, %dma_wait3A] : memref<10112x128xf32, #tpu.memory_space<hbm>> -> memref<632x128xf32, #tpu.memory_space<hbm>>
        %dma_wait3A_27 = arith.constant 0 : i32
        %dma_wait3A_28 = tpu.memref_slice %arg13[%mul3A_20, %dma_wait3A_27] : memref<10112x128xf32, #tpu.memory_space<vmem_shared>> -> memref<632x128xf32, #tpu.memory_space<vmem_shared>>
        tpu.wait_dma2 semaphore(%run_scoped3A : memref<!tpu.dma_semaphore, #tpu.memory_space<semaphore_mem>>) src(%dma_wait3A_28 : memref<632x128xf32, #tpu.memory_space<vmem_shared>>) dst(%dma_wait3A_26 : memref<632x128xf32, #tpu.memory_space<hbm>>)
        tpu.yield
      }) : () -> ()
    } else {
    }
    %eq3A_14 = arith.constant 1 : i32
    %eq3A_15 = arith.cmpi eq, %arg0, %eq3A_14 : i32
    %convert_element_type3A_16 = arith.extui %eq3A_15 : i1 to i32
    %cond3A_17 = arith.constant 0 : i32
    %cond3A_18 = arith.cmpi ne, %convert_element_type3A_16, %cond3A_17 : i32
    scf.if %cond3A_18 {
      %mul3A_19 = arith.constant 632 : i32
      %mul3A_20 = arith.muli %arg1, %mul3A_19 : i32
      %mul3A_21 = arith.constant 632 : i32
      %mul3A_22 = arith.muli %arg1, %mul3A_21 : i32
      "tpu.region"() ({
        %run_scoped3A = tpu.sem_alloc : memref<!tpu.dma_semaphore, #tpu.memory_space<semaphore_mem>>
        %dma_start3A = arith.constant 0 : i32
        %dma_start3A_23 = tpu.memref_slice %arg8[%mul3A_22, %dma_start3A] : memref<10112x128xf32, #tpu.memory_space<hbm>> -> memref<632x128xf32, #tpu.memory_space<hbm>>
        %dma_start3A_24 = arith.constant 0 : i32
        %dma_start3A_25 = tpu.memref_slice %arg13[%mul3A_20, %dma_start3A_24] : memref<10112x128xf32, #tpu.memory_space<vmem_shared>> -> memref<632x128xf32, #tpu.memory_space<vmem_shared>>
        tpu.enqueue_dma source(%dma_start3A_25 : memref<632x128xf32, #tpu.memory_space<vmem_shared>>) target(%dma_start3A_23 : memref<632x128xf32, #tpu.memory_space<hbm>>) target_semaphore(%run_scoped3A : memref<!tpu.dma_semaphore, #tpu.memory_space<semaphore_mem>>)
        %dma_wait3A = arith.constant 0 : i32
        %dma_wait3A_26 = tpu.memref_slice %arg8[%mul3A_22, %dma_wait3A] : memref<10112x128xf32, #tpu.memory_space<hbm>> -> memref<632x128xf32, #tpu.memory_space<hbm>>
        %dma_wait3A_27 = arith.constant 0 : i32
        %dma_wait3A_28 = tpu.memref_slice %arg13[%mul3A_20, %dma_wait3A_27] : memref<10112x128xf32, #tpu.memory_space<vmem_shared>> -> memref<632x128xf32, #tpu.memory_space<vmem_shared>>
        tpu.wait_dma2 semaphore(%run_scoped3A : memref<!tpu.dma_semaphore, #tpu.memory_space<semaphore_mem>>) src(%dma_wait3A_28 : memref<632x128xf32, #tpu.memory_space<vmem_shared>>) dst(%dma_wait3A_26 : memref<632x128xf32, #tpu.memory_space<hbm>>)
        tpu.yield
      }) : () -> ()
    } else {
    }
    return
  }
}

module attributes {stable_mosaic.version = 14 : i64} {
  func.func @_tc_first_body(%arg0: i32, %arg1: memref<10000x16xf32, #tpu.memory_space<vmem>>, %arg2: memref<2000x256xf32, #tpu.memory_space<vmem>>, %arg3: memref<256x256xf32, #tpu.memory_space<vmem>>, %arg4: memref<2000x128xf32, #tpu.memory_space<vmem>>, %arg5: memref<2000x128xf32, #tpu.memory_space<vmem>>) attributes {dimension_semantics = [#tpu.dimension_semantics<arbitrary>], iteration_bounds = array<i64: 5>, scalar_prefetch = 0 : i64, scratch_operands = 0 : i64, tpu.core_type = #tpu.core_type<tc>, window_params = [{pipeline_mode = #tpu.pipeline_mode<synchronous>, transform_indices = @transform_0, window_bounds = array<i64: 10000, 16>}, {transform_indices = @transform_1, window_bounds = array<i64: 2000, 256>}, {pipeline_mode = #tpu.pipeline_mode<synchronous>, transform_indices = @transform_2, window_bounds = array<i64: 256, 256>}, {transform_indices = @transform_3, window_bounds = array<i64: 2000, 128>}, {transform_indices = @transform_4, window_bounds = array<i64: 2000, 128>}]} {
    %mul3A = arith.constant 2000 : i32
    %mul3A_0 = arith.muli %arg0, %mul3A : i32
    %get3A = arith.index_cast %mul3A_0 : i32 to index
    %get3A_1 = arith.constant 0 : index
    %get3A_2 = vector.load %arg1[%get3A, %get3A_1] : memref<10000x16xf32, #tpu.memory_space<vmem>>, vector<2000x1xf32>
    %gt3A = arith.constant 0.000000e+00 : f32
    %gt3A_3 = vector.broadcast %gt3A : f32 to vector<2000x1xf32>
    %gt3A_4 = arith.cmpf ogt, %get3A_2, %gt3A_3 : vector<2000x1xf32>
    %max3A = arith.constant 9.99999996E-13 : f32
    %max3A_5 = vector.broadcast %max3A : f32 to vector<2000x1xf32>
    %max3A_6 = arith.maximumf %get3A_2, %max3A_5 : vector<2000x1xf32>
    %rsqrt3A = math.rsqrt %max3A_6 : vector<2000x1xf32>
    %jit3A = arith.constant 0.000000e+00 : f32
    %broadcast_in_dim3A = vector.broadcast %jit3A : f32 to vector<2000x1xf32>
    %select_n3A = arith.select %gt3A_4, %rsqrt3A, %broadcast_in_dim3A : vector<2000x1xi1>, vector<2000x1xf32>
    %get3A_7 = arith.constant 0 : index
    %get3A_8 = arith.constant 0 : index
    %get3A_9 = vector.load %arg2[%get3A_7, %get3A_8] : memref<2000x256xf32, #tpu.memory_space<vmem>>, vector<2000x256xf32>
    %mul3A_10 = vector.broadcast %select_n3A : vector<2000x1xf32> to vector<2000x256xf32>
    %mul3A_11 = arith.mulf %get3A_9, %mul3A_10 : vector<2000x256xf32>
    %get3A_12 = arith.constant 0 : index
    %get3A_13 = arith.constant 0 : index
    %get3A_14 = vector.load %arg3[%get3A_12, %get3A_13] : memref<256x256xf32, #tpu.memory_space<vmem>>, vector<256x256xf32>
    %dot_general3A = arith.constant dense<0.000000e+00> : vector<2000x256xf32>
    %dot_general3A_15 = tpu.matmul %mul3A_11, %get3A_14, %dot_general3A {dimension_numbers = #tpu.dot_dimension_numbers<[1], [0], [0], [1], [0, 0, 1, 1], [], []>, precision = #tpu.contract_precision<fp32>, transpose_lhs_hint = false} : vector<2000x256xf32>, vector<256x256xf32>, vector<2000x256xf32> -> vector<2000x256xf32>
    %slice3A = vector.extract_strided_slice %dot_general3A_15 {offsets = [0, 0], sizes = [2000, 128], strides = [1, 1]} : vector<2000x256xf32> to vector<2000x128xf32>
    %swap3A = arith.constant 0 : index
    %swap3A_16 = arith.constant 0 : index
    %swap3A_17 = vector.load %arg4[%swap3A, %swap3A_16] : memref<2000x128xf32, #tpu.memory_space<vmem>>, vector<2000x128xf32>
    tpu.vector_store %arg4[%swap3A, %swap3A_16], %slice3A {strides = array<i32>} : memref<2000x128xf32, #tpu.memory_space<vmem>>, vector<2000x128xf32>,
    %slice3A_18 = vector.extract_strided_slice %dot_general3A_15 {offsets = [0, 128], sizes = [2000, 128], strides = [1, 1]} : vector<2000x256xf32> to vector<2000x128xf32>
    %swap3A_19 = arith.constant 0 : index
    %swap3A_20 = arith.constant 0 : index
    %swap3A_21 = vector.load %arg5[%swap3A_19, %swap3A_20] : memref<2000x128xf32, #tpu.memory_space<vmem>>, vector<2000x128xf32>
    tpu.vector_store %arg5[%swap3A_19, %swap3A_20], %slice3A_18 {strides = array<i32>} : memref<2000x128xf32, #tpu.memory_space<vmem>>, vector<2000x128xf32>,
    return
  }
  func.func @transform_0(%arg0: i32) -> (i32, i32) {
    %c0_i32 = arith.constant 0 : i32
    %c0_i32_0 = arith.constant 0 : i32
    %c0_i32_1 = arith.constant 0 : i32
    return %c0_i32, %c0_i32_0 : i32, i32
  }
  func.func @transform_1(%arg0: i32) -> (i32, i32) {
    %c0_i32 = arith.constant 0 : i32
    %c0_i32_0 = arith.constant 0 : i32
    return %arg0, %c0_i32 : i32, i32
  }
  func.func @transform_2(%arg0: i32) -> (i32, i32) {
    %c0_i32 = arith.constant 0 : i32
    %c0_i32_0 = arith.constant 0 : i32
    %c0_i32_1 = arith.constant 0 : i32
    return %c0_i32, %c0_i32_0 : i32, i32
  }
  func.func @transform_3(%arg0: i32) -> (i32, i32) {
    %c0_i32 = arith.constant 0 : i32
    %c0_i32_0 = arith.constant 0 : i32
    return %arg0, %c0_i32 : i32, i32
  }
  func.func @transform_4(%arg0: i32) -> (i32, i32) {
    %c0_i32 = arith.constant 0 : i32
    %c0_i32_0 = arith.constant 0 : i32
    return %arg0, %c0_i32 : i32, i32
  }
}

module attributes {stable_mosaic.version = 14 : i64} {
  func.func @_tc_mid_body(%arg0: i32, %arg1: memref<10000x16xf32, #tpu.memory_space<vmem>>, %arg2: memref<10000x16xf32, #tpu.memory_space<vmem>>, %arg3: memref<2000x128xf32, #tpu.memory_space<vmem>>, %arg4: memref<2000x128xf32, #tpu.memory_space<vmem>>, %arg5: memref<1x256xf32, #tpu.memory_space<vmem>>, %arg6: memref<256x256xf32, #tpu.memory_space<vmem>>, %arg7: memref<2000x128xf32, #tpu.memory_space<vmem>>, %arg8: memref<2000x128xf32, #tpu.memory_space<vmem>>) attributes {dimension_semantics = [#tpu.dimension_semantics<arbitrary>], iteration_bounds = array<i64: 5>, scalar_prefetch = 0 : i64, scratch_operands = 0 : i64, tpu.core_type = #tpu.core_type<tc>, window_params = [{pipeline_mode = #tpu.pipeline_mode<synchronous>, transform_indices = @transform_0, window_bounds = array<i64: 10000, 16>}, {pipeline_mode = #tpu.pipeline_mode<synchronous>, transform_indices = @transform_1, window_bounds = array<i64: 10000, 16>}, {transform_indices = @transform_2, window_bounds = array<i64: 2000, 128>}, {transform_indices = @transform_3, window_bounds = array<i64: 2000, 128>}, {pipeline_mode = #tpu.pipeline_mode<synchronous>, transform_indices = @transform_4, window_bounds = array<i64: 1, 256>}, {pipeline_mode = #tpu.pipeline_mode<synchronous>, transform_indices = @transform_5, window_bounds = array<i64: 256, 256>}, {transform_indices = @transform_6, window_bounds = array<i64: 2000, 128>}, {transform_indices = @transform_7, window_bounds = array<i64: 2000, 128>}]} {
    %mul3A = arith.constant 2000 : i32
    %mul3A_0 = arith.muli %arg0, %mul3A : i32
    %get3A = arith.index_cast %mul3A_0 : i32 to index
    %get3A_1 = arith.constant 0 : index
    %get3A_2 = vector.load %arg1[%get3A, %get3A_1] : memref<10000x16xf32, #tpu.memory_space<vmem>>, vector<2000x1xf32>
    %gt3A = arith.constant 0.000000e+00 : f32
    %gt3A_3 = vector.broadcast %gt3A : f32 to vector<2000x1xf32>
    %gt3A_4 = arith.cmpf ogt, %get3A_2, %gt3A_3 : vector<2000x1xf32>
    %max3A = arith.constant 9.99999996E-13 : f32
    %max3A_5 = vector.broadcast %max3A : f32 to vector<2000x1xf32>
    %max3A_6 = arith.maximumf %get3A_2, %max3A_5 : vector<2000x1xf32>
    %rsqrt3A = math.rsqrt %max3A_6 : vector<2000x1xf32>
    %jit3A = arith.constant 0.000000e+00 : f32
    %broadcast_in_dim3A = vector.broadcast %jit3A : f32 to vector<2000x1xf32>
    %select_n3A = arith.select %gt3A_4, %rsqrt3A, %broadcast_in_dim3A : vector<2000x1xi1>, vector<2000x1xf32>
    %mul3A_7 = arith.constant 2000 : i32
    %mul3A_8 = arith.muli %arg0, %mul3A_7 : i32
    %get3A_9 = arith.index_cast %mul3A_8 : i32 to index
    %get3A_10 = arith.constant 0 : index
    %get3A_11 = vector.load %arg2[%get3A_9, %get3A_10] : memref<10000x16xf32, #tpu.memory_space<vmem>>, vector<2000x1xf32>
    %gt3A_12 = arith.constant 0.000000e+00 : f32
    %gt3A_13 = vector.broadcast %gt3A_12 : f32 to vector<2000x1xf32>
    %gt3A_14 = arith.cmpf ogt, %get3A_11, %gt3A_13 : vector<2000x1xf32>
    %max3A_15 = arith.constant 9.99999996E-13 : f32
    %max3A_16 = vector.broadcast %max3A_15 : f32 to vector<2000x1xf32>
    %max3A_17 = arith.maximumf %get3A_11, %max3A_16 : vector<2000x1xf32>
    %rsqrt3A_18 = math.rsqrt %max3A_17 : vector<2000x1xf32>
    %jit3A_19 = arith.constant 0.000000e+00 : f32
    %broadcast_in_dim3A_20 = vector.broadcast %jit3A_19 : f32 to vector<2000x1xf32>
    %select_n3A_21 = arith.select %gt3A_14, %rsqrt3A_18, %broadcast_in_dim3A_20 : vector<2000x1xi1>, vector<2000x1xf32>
    %get3A_22 = arith.constant 0 : index
    %get3A_23 = arith.constant 0 : index
    %get3A_24 = vector.load %arg3[%get3A_22, %get3A_23] : memref<2000x128xf32, #tpu.memory_space<vmem>>, vector<2000x128xf32>
    %get3A_25 = arith.constant 0 : index
    %get3A_26 = arith.constant 0 : index
    %get3A_27 = vector.load %arg4[%get3A_25, %get3A_26] : memref<2000x128xf32, #tpu.memory_space<vmem>>, vector<2000x128xf32>
    %concatenate3A = tpu.concatenate %get3A_24, %get3A_27 in 1 : vector<2000x128xf32>, vector<2000x128xf32> -> vector<2000x256xf32>
    %mul3A_28 = vector.broadcast %select_n3A : vector<2000x1xf32> to vector<2000x256xf32>
    %mul3A_29 = arith.mulf %concatenate3A, %mul3A_28 : vector<2000x256xf32>
    %get3A_30 = arith.constant 0 : index
    %get3A_31 = arith.constant 0 : index
    %get3A_32 = vector.load %arg5[%get3A_30, %get3A_31] : memref<1x256xf32, #tpu.memory_space<vmem>>, vector<1x256xf32>
    %add3A = vector.broadcast %get3A_32 : vector<1x256xf32> to vector<2000x256xf32>
    %add3A_33 = arith.addf %mul3A_29, %add3A : vector<2000x256xf32>
    %max3A_34 = arith.constant 0.000000e+00 : f32
    %max3A_35 = vector.broadcast %max3A_34 : f32 to vector<2000x256xf32>
    %max3A_36 = arith.maximumf %add3A_33, %max3A_35 : vector<2000x256xf32>
    %mul3A_37 = vector.broadcast %select_n3A_21 : vector<2000x1xf32> to vector<2000x256xf32>
    %mul3A_38 = arith.mulf %max3A_36, %mul3A_37 : vector<2000x256xf32>
    %get3A_39 = arith.constant 0 : index
    %get3A_40 = arith.constant 0 : index
    %get3A_41 = vector.load %arg6[%get3A_39, %get3A_40] : memref<256x256xf32, #tpu.memory_space<vmem>>, vector<256x256xf32>
    %dot_general3A = arith.constant dense<0.000000e+00> : vector<2000x256xf32>
    %dot_general3A_42 = tpu.matmul %mul3A_38, %get3A_41, %dot_general3A {dimension_numbers = #tpu.dot_dimension_numbers<[1], [0], [0], [1], [0, 0, 1, 1], [], []>, precision = #tpu.contract_precision<fp32>, transpose_lhs_hint = false} : vector<2000x256xf32>, vector<256x256xf32>, vector<2000x256xf32> -> vector<2000x256xf32>
    %slice3A = vector.extract_strided_slice %dot_general3A_42 {offsets = [0, 0], sizes = [2000, 128], strides = [1, 1]} : vector<2000x256xf32> to vector<2000x128xf32>
    %swap3A = arith.constant 0 : index
    %swap3A_43 = arith.constant 0 : index
    %swap3A_44 = vector.load %arg7[%swap3A, %swap3A_43] : memref<2000x128xf32, #tpu.memory_space<vmem>>, vector<2000x128xf32>
    tpu.vector_store %arg7[%swap3A, %swap3A_43], %slice3A {strides = array<i32>} : memref<2000x128xf32, #tpu.memory_space<vmem>>, vector<2000x128xf32>,
    %slice3A_45 = vector.extract_strided_slice %dot_general3A_42 {offsets = [0, 128], sizes = [2000, 128], strides = [1, 1]} : vector<2000x256xf32> to vector<2000x128xf32>
    %swap3A_46 = arith.constant 0 : index
    %swap3A_47 = arith.constant 0 : index
    %swap3A_48 = vector.load %arg8[%swap3A_46, %swap3A_47] : memref<2000x128xf32, #tpu.memory_space<vmem>>, vector<2000x128xf32>
    tpu.vector_store %arg8[%swap3A_46, %swap3A_47], %slice3A_45 {strides = array<i32>} : memref<2000x128xf32, #tpu.memory_space<vmem>>, vector<2000x128xf32>,
    return
  }
  func.func @transform_0(%arg0: i32) -> (i32, i32) {
    %c0_i32 = arith.constant 0 : i32
    %c0_i32_0 = arith.constant 0 : i32
    %c0_i32_1 = arith.constant 0 : i32
    return %c0_i32, %c0_i32_0 : i32, i32
  }
  func.func @transform_1(%arg0: i32) -> (i32, i32) {
    %c0_i32 = arith.constant 0 : i32
    %c0_i32_0 = arith.constant 0 : i32
    %c0_i32_1 = arith.constant 0 : i32
    return %c0_i32, %c0_i32_0 : i32, i32
  }
  func.func @transform_2(%arg0: i32) -> (i32, i32) {
    %c0_i32 = arith.constant 0 : i32
    %c0_i32_0 = arith.constant 0 : i32
    return %arg0, %c0_i32 : i32, i32
  }
  func.func @transform_3(%arg0: i32) -> (i32, i32) {
    %c0_i32 = arith.constant 0 : i32
    %c0_i32_0 = arith.constant 0 : i32
    return %arg0, %c0_i32 : i32, i32
  }
  func.func @transform_4(%arg0: i32) -> (i32, i32) {
    %c0_i32 = arith.constant 0 : i32
    %c0_i32_0 = arith.constant 0 : i32
    %c0_i32_1 = arith.constant 0 : i32
    return %c0_i32, %c0_i32_0 : i32, i32
  }
  func.func @transform_5(%arg0: i32) -> (i32, i32) {
    %c0_i32 = arith.constant 0 : i32
    %c0_i32_0 = arith.constant 0 : i32
    %c0_i32_1 = arith.constant 0 : i32
    return %c0_i32, %c0_i32_0 : i32, i32
  }
  func.func @transform_6(%arg0: i32) -> (i32, i32) {
    %c0_i32 = arith.constant 0 : i32
    %c0_i32_0 = arith.constant 0 : i32
    return %arg0, %c0_i32 : i32, i32
  }
  func.func @transform_7(%arg0: i32) -> (i32, i32) {
    %c0_i32 = arith.constant 0 : i32
    %c0_i32_0 = arith.constant 0 : i32
    return %arg0, %c0_i32 : i32, i32
  }
}

module attributes {stable_mosaic.version = 14 : i64} {
  func.func @_tc_final_body(%arg0: i32, %arg1: memref<10000x16xf32, #tpu.memory_space<vmem>>, %arg2: memref<2000x128xf32, #tpu.memory_space<vmem>>, %arg3: memref<2000x128xf32, #tpu.memory_space<vmem>>, %arg4: memref<1x256xf32, #tpu.memory_space<vmem>>, %arg5: memref<1x256xf32, #tpu.memory_space<vmem>>) attributes {dimension_semantics = [#tpu.dimension_semantics<arbitrary>], iteration_bounds = array<i64: 5>, scalar_prefetch = 0 : i64, scratch_operands = 0 : i64, tpu.core_type = #tpu.core_type<tc>, window_params = [{pipeline_mode = #tpu.pipeline_mode<synchronous>, transform_indices = @transform_0, window_bounds = array<i64: 10000, 16>}, {transform_indices = @transform_1, window_bounds = array<i64: 2000, 128>}, {transform_indices = @transform_2, window_bounds = array<i64: 2000, 128>}, {pipeline_mode = #tpu.pipeline_mode<synchronous>, transform_indices = @transform_3, window_bounds = array<i64: 1, 256>}, {pipeline_mode = #tpu.pipeline_mode<synchronous>, transform_indices = @transform_4, window_bounds = array<i64: 1, 256>}]} {
    %mul3A = arith.constant 2000 : i32
    %mul3A_0 = arith.muli %arg0, %mul3A : i32
    %get3A = arith.index_cast %mul3A_0 : i32 to index
    %get3A_1 = arith.constant 0 : index
    %get3A_2 = vector.load %arg1[%get3A, %get3A_1] : memref<10000x16xf32, #tpu.memory_space<vmem>>, vector<2000x1xf32>
    %gt3A = arith.constant 0.000000e+00 : f32
    %gt3A_3 = vector.broadcast %gt3A : f32 to vector<2000x1xf32>
    %gt3A_4 = arith.cmpf ogt, %get3A_2, %gt3A_3 : vector<2000x1xf32>
    %max3A = arith.constant 9.99999996E-13 : f32
    %max3A_5 = vector.broadcast %max3A : f32 to vector<2000x1xf32>
    %max3A_6 = arith.maximumf %get3A_2, %max3A_5 : vector<2000x1xf32>
    %rsqrt3A = math.rsqrt %max3A_6 : vector<2000x1xf32>
    %jit3A = arith.constant 0.000000e+00 : f32
    %broadcast_in_dim3A = vector.broadcast %jit3A : f32 to vector<2000x1xf32>
    %select_n3A = arith.select %gt3A_4, %rsqrt3A, %broadcast_in_dim3A : vector<2000x1xi1>, vector<2000x1xf32>
    %get3A_7 = arith.constant 0 : index
    %get3A_8 = arith.constant 0 : index
    %get3A_9 = vector.load %arg2[%get3A_7, %get3A_8] : memref<2000x128xf32, #tpu.memory_space<vmem>>, vector<2000x128xf32>
    %get3A_10 = arith.constant 0 : index
    %get3A_11 = arith.constant 0 : index
    %get3A_12 = vector.load %arg3[%get3A_10, %get3A_11] : memref<2000x128xf32, #tpu.memory_space<vmem>>, vector<2000x128xf32>
    %concatenate3A = tpu.concatenate %get3A_9, %get3A_12 in 1 : vector<2000x128xf32>, vector<2000x128xf32> -> vector<2000x256xf32>
    %mul3A_13 = vector.broadcast %select_n3A : vector<2000x1xf32> to vector<2000x256xf32>
    %mul3A_14 = arith.mulf %concatenate3A, %mul3A_13 : vector<2000x256xf32>
    %get3A_15 = arith.constant 0 : index
    %get3A_16 = arith.constant 0 : index
    %get3A_17 = vector.load %arg4[%get3A_15, %get3A_16] : memref<1x256xf32, #tpu.memory_space<vmem>>, vector<1x256xf32>
    %add3A = vector.broadcast %get3A_17 : vector<1x256xf32> to vector<2000x256xf32>
    %add3A_18 = arith.addf %mul3A_14, %add3A : vector<2000x256xf32>
    %max3A_19 = arith.constant 0.000000e+00 : f32
    %max3A_20 = vector.broadcast %max3A_19 : f32 to vector<2000x256xf32>
    %max3A_21 = arith.maximumf %add3A_18, %max3A_20 : vector<2000x256xf32>
    %reduce_sum3A = arith.constant dense<0.000000e+00> : vector<256xf32>
    %reduce_sum3A_22 = vector.multi_reduction <add>, %max3A_21, %reduce_sum3A [0] : vector<2000x256xf32> to vector<256xf32>
    %broadcast_in_dim3A_23 = vector.shape_cast %reduce_sum3A_22 : vector<256xf32> to vector<1x256xf32>
    %mul3A_24 = arith.constant 9.99999974E-5 : f32
    %mul3A_25 = vector.broadcast %mul3A_24 : f32 to vector<1x256xf32>
    %mul3A_26 = arith.mulf %broadcast_in_dim3A_23, %mul3A_25 : vector<1x256xf32>
    %eq3A = arith.constant 0 : i32
    %eq3A_27 = arith.cmpi eq, %arg0, %eq3A : i32
    %convert_element_type3A = arith.extui %eq3A_27 : i1 to i32
    %cond3A = arith.constant 0 : i32
    %cond3A_28 = arith.cmpi ne, %convert_element_type3A, %cond3A : i32
    scf.if %cond3A_28 {
      %broadcast_in_dim3A_35 = arith.constant 0.000000e+00 : f32
      %broadcast_in_dim3A_36 = vector.broadcast %broadcast_in_dim3A_35 : f32 to vector<1x256xf32>
      %swap3A_37 = arith.constant 0 : index
      %swap3A_38 = arith.constant 0 : index
      %swap3A_39 = vector.load %arg5[%swap3A_37, %swap3A_38] : memref<1x256xf32, #tpu.memory_space<vmem>>, vector<1x256xf32>
      tpu.vector_store %arg5[%swap3A_37, %swap3A_38], %broadcast_in_dim3A_36 {strides = array<i32>} : memref<1x256xf32, #tpu.memory_space<vmem>>, vector<1x256xf32>,
    } else {
    }
    %get3A_29 = arith.constant 0 : index
    %get3A_30 = arith.constant 0 : index
    %get3A_31 = vector.load %arg5[%get3A_29, %get3A_30] : memref<1x256xf32, #tpu.memory_space<vmem>>, vector<1x256xf32>
    %add3A_32 = arith.addf %get3A_31, %mul3A_26 : vector<1x256xf32>
    %swap3A = arith.constant 0 : index
    %swap3A_33 = arith.constant 0 : index
    %swap3A_34 = vector.load %arg5[%swap3A, %swap3A_33] : memref<1x256xf32, #tpu.memory_space<vmem>>, vector<1x256xf32>
    tpu.vector_store %arg5[%swap3A, %swap3A_33], %add3A_32 {strides = array<i32>} : memref<1x256xf32, #tpu.memory_space<vmem>>, vector<1x256xf32>,
    return
  }
  func.func @transform_0(%arg0: i32) -> (i32, i32) {
    %c0_i32 = arith.constant 0 : i32
    %c0_i32_0 = arith.constant 0 : i32
    %c0_i32_1 = arith.constant 0 : i32
    return %c0_i32, %c0_i32_0 : i32, i32
  }
  func.func @transform_1(%arg0: i32) -> (i32, i32) {
    %c0_i32 = arith.constant 0 : i32
    %c0_i32_0 = arith.constant 0 : i32
    return %arg0, %c0_i32 : i32, i32
  }
  func.func @transform_2(%arg0: i32) -> (i32, i32) {
    %c0_i32 = arith.constant 0 : i32
    %c0_i32_0 = arith.constant 0 : i32
    return %arg0, %c0_i32 : i32, i32
  }
  func.func @transform_3(%arg0: i32) -> (i32, i32) {
    %c0_i32 = arith.constant 0 : i32
    %c0_i32_0 = arith.constant 0 : i32
    %c0_i32_1 = arith.constant 0 : i32
    return %c0_i32, %c0_i32_0 : i32, i32
  }
  func.func @transform_4(%arg0: i32) -> (i32, i32) {
    %c0_i32 = arith.constant 0 : i32
    %c0_i32_0 = arith.constant 0 : i32
    %c0_i32_1 = arith.constant 0 : i32
    return %c0_i32, %c0_i32_0 : i32, i32
  }
}

</mosaic_0001>

<sc_bundles>
// kernel: kernel.10.cloned.1.call-start
scs
__scs_entry_jumppad:
0x0: {  	(pc) =	sbr.rel $0x88, $3  }
0x1: {  	(tag) =	ssettag $0x0;
	lr =	simm.s32 $0x1  }
0x2: {  	[smem:$0x3F99] =	sst lr;
	_ =	strace $0xD0000000  }
0x3: {  	_ = 	snop  }
0x4: {  	_ = 	snop  }
0x5: {  	_ = 	snop  }
0x6: {  	_ = 	snop  }
0x7: {  	_ = 	snop  }
__scs_overlays_trampoline_lowered:
0x8: {  	[smem:$0x3FA8] =	sst s0  }
0x9: {  	[smem:$0x3FA9] =	sst s1  }
0xa: {  	[smem:$0x3FAA] =	sst s2  }
0xb: {  	[smem:$0x3FAB] =	sst s3  }
0xc: {  	[smem:$0x3FAC] =	sst s4  }
0xd: {  	[smem:$0x3FAD] =	sst s5  }
0xe: {  	[smem:$0x3FAE] =	sst s6  }
0xf: {  	[smem:$0x3FAF] =	sst s7  }
0x10: {  	[smem:$0x3FB0] =	sst s8  }
0x11: {  	[smem:$0x3FB1] =	sst s9;
	s0 =	simm.s32 @!p0 $0x0  }
0x12: {  	s1 =	sld [smem:$0x3F97];
	s0 =	simm.s32 @p0 $0x1  }
0x13: {  	[smem:$0x3FB2] =	sst s0;
	s0 =	simm.s32 @!p1 $0x0  }
0x14: {  	s2 =	sld [smem:$0x3F96];
	s0 =	simm.s32 @p1 $0x1  }
0x15: {  	[smem:$0x3FB3] =	sst s0;
	s0 =	simm.s32 @!p2 $0x0  }
0x16: {  	s3 =	sld [smem:$0x3FDB];
	s0 =	simm.s32 @p2 $0x1  }
0x17: {  	s4 =	simm.s32 $0x1BF5;
	[smem:$0x3FB5] =	sst s0  }
0x18: {  	s0 =	sld [smem:$0x3F98];
	_ =	swait.ge [sflag:s4], $0x0  }
0x19: {  	s7 =	sld [smem:$0x3F99]  }
0x1a: {  	s8 =	sadd.s32 $0xFFFFE003, lr  }
0x1b: {  	s9 =	sadd.s32 $0xFFFFFEF7, lr;
	s5 =	simm.s32 $0xFFFFFFFF;
	p2 =	slt.u32 s8, $0xFFFFF086  }
0x1c: {  	p1 =	slt.u32 s9, $0xF7A;
	s5 =	simm.s32 @!p2 $0x0  }
0x1d: {  	s5 =	simm.s32 @p1 $0x1;
	p0 =	seq.s32 s7, s2  }
0x1e: {  	s7 =	smul.u32 @!p0 $0xF7A, s2;
	p2 =	seq.s32 @!p0 s5, $0x0  }
0x1f: {  	s9 =	smul.u32 $0xF7A, s1;
	s8 =	simm.s32 @!p0 $0x1BF5;
	p2 =	por !p2, p0  }
0x20: {  	[sflag:s8] =	ssyncset.s32 @!p0 $0xFFFFF086;
	s6 =	sadd.s32 @!p0 s3, s7;
	s7 =	simm.s32 @!p0 $0x108  }
0x21: {  	s3 =	sadd.s32 s3, s9;
	s6 =	sadd.s32 @!p0 $0x88, s6;
	s7 =	simm.s32 @p2 $0x1082  }
0x22: {  	[simem:s7], [sflag:s8] =	dma.local @!p0 [hbm:s6], $0xF7A  }
0x23: {  	s9 =	sor.u32 $0xD0000000, s2;
	s6 =	simm.s32 $0x108;
	_ =	swait.ge @!p0 [sflag:s8], $0x0  }
0x24: {  	s3 =	sadd.s32 $0x88, s3;
	s6 =	simm.s32 @!p1 $0x1082;
	[sflag:s4] =	ssyncset.s32 $0xFFFFF086  }
0x25: {  	[simem:s6], [sflag:s4] =	dma.local [hbm:s3], $0xF7A  }
0x26: {  	[smem:$0x3F99] =	sst s1;
	(tag) =	ssettag s2;
	_ =	strace s9  }
0x27: {  	s1 =	sld [smem:$0x3FA9]  }
0x28: {  	s2 =	sld [smem:$0x3FAA]  }
0x29: {  	s4 =	sld [smem:$0x3FAC]  }
0x2a: {  	p0 =	seq.s32 s5, $0x0;
	s5 =	sld [smem:$0x3FAD]  }
0x2b: {  	s6 =	sld [smem:$0x3FAE]  }
0x2c: {  	s7 =	sld [smem:$0x3FAF]  }
0x2d: {  	s3 =	simm.s32 $0x108;
	s8 =	sld [smem:$0x3FB0]  }
0x2e: {  	s3 =	simm.s32 @!p0 $0x1082;
	s9 =	sld [smem:$0x3FB1]  }
0x2f: {  	lr =	sadd.s32 s0, s3;
	s0 =	sld [smem:$0x3FA8]  }
0x30: {  	s3 =	sld [smem:$0x3FAB]  }
0x31: {  	[smem:$0x3FB4] =	sst s10  }
0x32: {  	s10 =	sld [smem:$0x3FB2];
	_ =	sdelay $0x3  }
0x33: {  	p0 =	seq.s32 s10, $0x1;
	s10 =	sld [smem:$0x3FB4];
	_ =	sdelay $0x3  }
0x34: {  	[smem:$0x3FB4] =	sst s10  }
0x35: {  	s10 =	sld [smem:$0x3FB3];
	_ =	sdelay $0x3  }
0x36: {  	p1 =	seq.s32 s10, $0x1;
	s10 =	sld [smem:$0x3FB4];
	_ =	sdelay $0x3  }
0x37: {  	[smem:$0x3FB4] =	sst s10  }
0x38: {  	s10 =	sld [smem:$0x3FB5]  }
0x39: {  	_ = 	snop;
	(pc) =	sbr.ind lr, $3  }
0x3a: {  	_ = 	snop  }
0x3b: {  	_ = 	snop  }
0x3c: {  	p2 =	seq.s32 s10, $0x1;
	s10 =	sld [smem:$0x3FB4]  }
0x3d: {  	_ =	shalt  }
0x3e: {  	_ =	shalt  }
0x3f: {  	_ =	shalt  }
0x40: {  	_ =	shalt  }
0x41: {  	_ =	shalt  }
0x42: {  	_ =	shalt  }
0x43: {  	_ =	shalt  }
0x44: {  	_ =	shalt  }
0x45: {  	_ =	shalt  }
0x46: {  	_ =	shalt  }
0x47: {  	_ =	shalt  }
0x48: {  	_ =	shalt  }
0x49: {  	_ =	shalt  }
0x4a: {  	_ =	shalt  }
0x4b: {  	_ =	shalt  }
0x4c: {  	_ =	shalt  }
0x4d: {  	_ =	shalt  }
0x4e: {  	_ =	shalt  }
0x4f: {  	_ =	shalt  }
0x50: {  	_ =	shalt  }
0x51: {  	_ =	shalt  }
0x52: {  	_ =	shalt  }
0x53: {  	_ =	shalt  }
0x54: {  	_ =	shalt  }
0x55: {  	_ =	shalt  }
0x56: {  	_ =	shalt  }
0x57: {  	_ =	shalt  }
0x58: {  	_ =	shalt  }
0x59: {  	_ =	shalt  }
0x5a: {  	_ =	shalt  }
0x5b: {  	_ =	shalt  }
0x5c: {  	_ =	shalt  }
0x5d: {  	_ =	shalt  }
0x5e: {  	_ =	shalt  }
0x5f: {  	_ =	shalt  }
0x60: {  	_ =	shalt  }
0x61: {  	_ =	shalt  }
0x62: {  	_ =	shalt  }
0x63: {  	_ =	shalt  }
0x64: {  	_ =	shalt  }
0x65: {  	_ =	shalt  }
0x66: {  	_ =	shalt  }
0x67: {  	_ =	shalt  }
0x68: {  	_ =	shalt  }
0x69: {  	_ =	shalt  }
0x6a: {  	_ =	shalt  }
0x6b: {  	_ =	shalt  }
0x6c: {  	_ =	shalt  }
0x6d: {  	_ =	shalt  }
0x6e: {  	_ =	shalt  }
0x6f: {  	_ =	shalt  }
0x70: {  	_ =	shalt  }
0x71: {  	_ =	shalt  }
0x72: {  	_ =	shalt  }
0x73: {  	_ =	shalt  }
0x74: {  	_ =	shalt  }
0x75: {  	_ =	shalt  }
0x76: {  	_ =	shalt  }
0x77: {  	_ =	shalt  }
0x78: {  	_ =	shalt  }
0x79: {  	_ =	shalt  }
0x7a: {  	_ =	shalt  }
0x7b: {  	_ =	shalt  }
0x7c: {  	_ =	shalt  }
0x7d: {  	_ =	shalt  }
0x7e: {  	_ =	shalt  }
0x7f: {  	_ =	shalt  }
0x80: {  	_ =	shalt  }
0x81: {  	_ =	shalt  }
0x82: {  	_ =	shalt  }
0x83: {  	_ =	shalt  }
0x84: {  	_ =	shalt  }
0x85: {  	_ =	shalt  }
0x86: {  	_ =	shalt  }
0x87: {  	_ =	shalt  }
.Lfunc_end0:
.L_simem_size_0:
called_computation_lowered:
.L_overlay_start_0:
0x88: {  	s2 =	sld [smem:$0x3FD9]  }
0x89: {  	s3 =	sld [smem:$0x3FFE];
	_ =	sdelay $0x1  }
0x8a: {  	s1 =	srdreg.scid  }
0x8b: {  	s0 =	sand.u32 $0x1, s1  }
0x8c: {  	s16 =	sshll.u32 s0, $0xA;
	s2 =	sadd.s32 s3, s2  }
0x8d: {  	s2 =	sadd.s32 s2, s16  }
0x8e: {  	[smem:$0x3FC0] =	sst s2  }
0x8f: {  	_ = 	snop  }
0x90: {  	(tm) =	ssettm $0x1  }
0x91: {  	s17 =	sld [smem:$0x3FFB];
	_ =	sdelay $0x3  }
0x92: {  	_ =	strace s17  }
0x93: {  	s2 =	sld [smem:$0x3FFC];
	_ =	sdelay $0x3  }
0x94: {  	_ =	strace s2  }
0x95: {  	s2 =	sld [smem:$0x3FFD];
	_ =	sdelay $0x3  }
0x96: {  	_ =	strace s2  }
0x97: {  	_ =	strace $0x8FFFFFFF  }
0x98: {  	s18 =	sld [smem:$0x3FDB];
	_ =	sdelay $0x1  }
0x99: {  	s19 =	simm.s32 $_scs_section_size  }
0x9a: {  	s4 =	simm.s32 $_size__tile_overlayer_lowered;
	s5 =	simm.s32 $_tile_overlayer_lowered  }
0x9b: {  	s22 =	simm.s32 $0x1BFF;
	s21 =	sshll.u32 s5, $0x1;
	s2 =	sadd.s32 s19, s18  }
0x9c: {  	s6 =	simm.s32 $0x0;
	s20 =	sshll.u32 s4, $0x1;
	s4 =	sadd.s32 s21, s2  }
0x9d: {  	[timem:s6], [sflag:s22] =	dma.local [hbm:s4], s20  }
0x9e: {  	_ =	swait.ge [sflag:s22], s20  }
0x9f: {  	s3 =	ssub.s32 $0x0, s20;
	[sflag:s22] =	ssyncset.done $0x0  }
0xa0: {  	[sflag:s22] =	ssyncadd.s32 s3;
	_ =	sdelay $0x1  }
0xa1: {  	s23 =	simm.s32 $0x1B8B  }
0xa2: {  	_ =	swait.ge [sflag:s23], $0x1  }
0xa3: {  	[sflag:s23] =	ssyncset.done $0x0  }
0xa4: {  	s25 =	simm.s32 $0x1B8E;
	s24 =	sld [smem:$0x3FFE];
	[sflag:s23] =	ssyncadd.s32 $0xFFFFFFFF  }
0xa5: {  	s26 =	simm.s32 $execute0_lowered;
	[smem:$0x3FD2] =	sst s25  }
0xa6: {  	s4 =	sshll.u32 s26, $0x1;
	_ =	strace $0x80000046;
	[dreg:$0x1] =	wrdreg $0xFFFFFFFF  }
0xa7: {  	s28 =	simm.s32 $_size_execute0_lowered;
	s2 =	sadd.s32 s2, s4;
	[dreg:$0x0] =	wrdreg $0x0  }
0xa8: {  	s4 =	sshll.u32 s28, $0x1;
	[dreg:$0x2] =	wrdreg s2  }
0xa9: {  	[dreg:$0x3] =	wrdreg s4  }
0xaa: {  	[dreg:$0x4] =	wrdreg $0xC0  }
0xab: {  	_ =	task [dreg:s6], $0x5FFFF  }
0xac: {  	[dreg:$0x1] =	wrdreg $0xFFFFFFFF  }
0xad: {  	[dreg:$0x0] =	wrdreg $0x60  }
0xae: {  	[dreg:$0x2] =	wrdreg s24  }
0xaf: {  	[dreg:$0x3] =	wrdreg $0x68000  }
0xb0: {  	[dreg:$0x4] =	wrdreg $0x9  }
0xb1: {  	_ =	task.clear_ibuf [dreg:s6], $0x5FFFF;
	_ =	strace $0x90000046  }
0xb2: {  	s29 =	simm.s32 $0x9;
	_ =	strace $0x80000048  }
0xb3: {  	_ =	swait.ge [sflag:s29], $0x1  }
0xb4: {  	[sflag:s29] =	ssyncadd.s32 $0xFFFFFFFF  }
0xb5: {  	_ =	strace $0x90000048  }
0xb6: {  	_ =	sfence  }
0xb7: {  	s30 =	sld [smem:$0x0];
	_ =	sdelay $0x2  }
0xb8: {  	s31 =	sshll.u32 s1, $0xD;
	s1 =	sshrl.u32 s1, $0x2  }
0xb9: {  	s3 =	sand.u32 $0x4000, s31;
	s1 =	sadd.s32 s1, s30  }
0xba: {  	s0 =	sor.u32 s3, s0;
	s1 =	sshll.u32 s1, $0x11  }
0xbb: {  	s0 =	sor.u32 s1, s0  }
0xbc: {  	s0 =	sadd.s32 $0x8F2B, s0  }
0xbd: {  	[sflag:s0] =	ssyncadd.remote.s32 $0x1  }
0xbe: {  	_ =	sfence.sel $0xFFFF  }
0xbf: {  	[dreg:$0x0] =	wrdreg $0xFFFFFFFF;
	(pc) =	sbr.abs _section_cstart, $3  }
0xc0: {  	[dreg:$0x1] =	wrdreg $0xFFFFFFFF  }
0xc1: {  	_ =	task.clear_ibuf [dreg:s6], $0x2FFFF;
	_ =	strace $0x9FFFFFFF  }
0xc2: {  	(tm) =	ssettm $0x7FFFFFFF  }
0xc3: {  	_ =	shalt  }
tec
execute0_lowered:
.L_overlay_start_1:
0x0: {  	(tag) =	ssettag $0x1  }
0x1: {  	s7 =	rddreg [dreg:$0x0]  }
0x2: {  	s1 =	rddreg [dreg:$0x1]  }
0x3: {  	s0 =	rddreg [dreg:$0x2]  }
0x4: {  	s2 =	simm.s32 $0x0;
	s3 =	srdreg.scid;
	s13 =	simm.s32 $0x1  }
0x5: {  	s14 =	simm.s32 $0x2;
	[smem:$0x7FF] =	sst s2;
	s6 =	sand.u32 $0x1, s3  }
0x6: {  	s15 =	simm.s32 $0x2780;
	s3 =	stileid.u32;
	s8 =	smul.u32 $0x27800, s6  }
0x7: {  	s4 =	sadd.s32 $0x12A00, s7;
	s5 =	sadd.s32 $0x13200, s7;
	s10 =	smul.u32 $0x4F000, s3  }
0x8: {  	_ =	strace $0x80000047;
	s9 =	ssub.s32 $0x2, s6;
	s12 =	smul.u32 $0x500, s3  }
0x9: {  	p0 =	seq.s32 s6, $0x1;
	s30 =	sshll.u32 s3, $0x6;
	s17 =	smul.u32 $0x2780, s3  }
0xa: {  	s11 =	sshrl.u32 s9, $0x1;
	s6 =	sor.u32 $0x1C03, s30;
	s8 =	sadd.s32 s8, s7  }
0xb: {  	s9 =	ssub.s32 s9, s11;
	s10 =	sshrl.u32 s10, $0x2;
	s11 =	simm.s32 $0x3A00  }
0xc: {  	s10 =	sadd.s32 s10, s1;
	s11 =	simm.s32 @!p0 $0xDA00;
	s16 =	sadd.s32 $0x15A00, s8  }
0xd: {  	s31 =	sadd.s32 s11, s7;
	s7 =	smax.u32 s9, $0x1;
	s9 =	sshrl.u32 s10, $0x3  }
0xe: {  	s10 =	simm.s32 $0x3;
	s11 =	simm.s32 $0x2800;
	s16 =	sadd.s32 s17, s16  }
0xf: {  	s17 =	simm.s32 $0x0;
	s8 =	sadd.s32 s31, s12;
	s12 =	simm.s32 $0x80  }
.LBB2_1:
0x10: {  	[spmem:s9], [sflag:s6] =	dma.local [hbm:s5], $0x2780  }
0x11: {  	_ =	swait.ge [sflag:s10], $0x2780  }
0x12: {  	[sflag:s10] =	ssyncset.done $0x0  }
0x13: {  	[sflag:s10] =	ssyncadd.s32 $0xFFFFD880  }
0x14: {  	[tilespmem:s11], [sflag:$0x3] =	stream.linear.gather [hbm4b:s4+s2], $0x4000, $0x38;
	[tilespmem:$0x1A400] =	vst v63  }
0x15: {  	_ =	swait.ge [sflag:s10], $0x4000  }
0x16: {  	[sflag:s10] =	ssyncset.done $0x0  }
0x17: {  	[sflag:s10] =	ssyncadd.s32 $0xFFFFC000  }
0x18: {  	[tilespmem:s2], [sflag:$0x3] =	stream.linear.gather [hbm4b:s8+s2], $0x2800, $0x38;
	[tilespmem:$0x1A400] =	vst v63  }
0x19: {  	_ =	swait.ge [sflag:s10], $0x2800  }
0x1a: {  	[sflag:s10] =	ssyncset.done $0x0  }
0x1b: {  	[sflag:s10] =	ssyncadd.s32 $0xFFFFD800  }
0x1c: {  	[bflag:$0x0] =	sbarrier.arrive $0xFFFF  }
0x1d: {  	[spmem:s1] =	stream.indirect.scatter.add.f32 [tilespmem:s11], [sflag:$0x1], $0x80, s2, s12, $0xb8;
	[tilespmem:$0x1A400] =	vst v63  }
0x1e: {  	s18 =	simm.s32 $0x80  }
0x1f: {  	[spmem:s1] =	stream.indirect.scatter.add.f32 [tilespmem:s11], [sflag:$0x2], $0x80, s18, s12, $0xb8;
	[tilespmem:$0x1A400] =	vst v63  }
0x20: {  	_ =	swait.ge [sflag:s13], $0x4000  }
0x21: {  	[sflag:s13] =	ssyncset.done $0x0  }
0x22: {  	s31 =	simm.s32 $0x100;
	[sflag:s13] =	ssyncadd.s32 $0xFFFFC000  }
0x23: {  	[spmem:s1] =	stream.indirect.scatter.add.f32 [tilespmem:s11], [sflag:$0x1], $0x80, s31, s12, $0xb8;
	[tilespmem:$0x1A400] =	vst v63  }
0x24: {  	_ =	swait.ge [sflag:s14], $0x4000  }
0x25: {  	s19 =	simm.s32 $0xFFFF6C00;
	s18 =	simm.s32 $0xFFFFDA00;
	[sflag:s14] =	ssyncset.done $0x0  }
.LBB2_2:
0x26: {  	s20 =	sadd.s32 $0x2780, s18  }
0x27: {  	[sflag:s14] =	ssyncadd.s32 $0xFFFFC000;
	s21 =	smov.u32 s19;
	s22 =	sadd.s32 $0x400, s19  }
0x28: {  	[spmem:s1] =	stream.indirect.scatter.add.f32 [tilespmem:s11], [sflag:$0x2], $0x80, s20, s12, $0xb8;
	[tilespmem:$0x1A400] =	vst v63  }
0x29: {  	p0 =	sne.s32 s19, $0xFFFFFC00;
	_ =	swait.ge [sflag:s13], $0x4000  }
.Ltmp0:
0x2a: {  	[sflag:s13] =	ssyncset.done $0x0;
	(pc) =	sbr.rel @p0 .LBB2_2-.Ltmp0, $4  }
0x2b: {  	s18 =	sadd.s32 $0x2800, s18;
	[sflag:s13] =	ssyncadd.s32 $0xFFFFC000  }
0x2c: {  	[spmem:s1] =	stream.indirect.scatter.add.f32 [tilespmem:s11], [sflag:$0x1], $0x80, s18, s12, $0xb8;
	[tilespmem:$0x1A400] =	vst v63  }
0x2d: {  	_ =	swait.ge [sflag:s14], $0x4000  }
0x2e: {  	s19 =	smov.u32 s22;
	s18 =	sshra.s32 s21, $0x2;
	[sflag:s14] =	ssyncset.done $0x0  }
0x2f: {  	s19 =	sadd.s32 $0x2780, s18;
	[sflag:s14] =	ssyncadd.s32 $0xFFFFC000  }
0x30: {  	[spmem:s1] =	stream.indirect.scatter.add.f32 [tilespmem:s11], [sflag:$0x2], $0x80, s19, s12, $0xb8;
	[tilespmem:$0x1A400] =	vst v63  }
0x31: {  	_ =	swait.ge [sflag:s13], $0x4000  }
0x32: {  	[sflag:s13] =	ssyncset.done $0x0  }
0x33: {  	s31 =	sadd.s32 $0x2800, s18;
	[sflag:s13] =	ssyncadd.s32 $0xFFFFC000  }
0x34: {  	[spmem:s1] =	stream.indirect.scatter.add.f32 [tilespmem:s11], [sflag:$0x1], $0x80, s31, s12, $0xb8;
	[tilespmem:$0x1A400] =	vst v63  }
0x35: {  	_ =	swait.ge [sflag:s14], $0x4000  }
0x36: {  	[sflag:s14] =	ssyncset.done $0x0  }
0x37: {  	[sflag:s14] =	ssyncadd.s32 $0xFFFFC000  }
0x38: {  	[spmem:s1] =	stream.indirect.scatter.add.f32 [tilespmem:s11], [sflag:$0x2], $0x80, s15, s12, $0xb8;
	[tilespmem:$0x1A400] =	vst v63  }
0x39: {  	_ =	swait.ge [sflag:s13], $0x4000  }
0x3a: {  	[sflag:s13] =	ssyncset.done $0x0  }
0x3b: {  	[sflag:s13] =	ssyncadd.s32 $0xFFFFC000  }
0x3c: {  	_ =	swait.ge [sflag:s14], $0x4000  }
0x3d: {  	s17 =	sadd.s32 $0x1, s17;
	[sflag:s14] =	ssyncset.done $0x0  }
0x3e: {  	p0 =	sne.s32 s17, s7;
	[sflag:s14] =	ssyncadd.s32 $0xFFFFC000  }
.Ltmp1:
0x3f: {  	[bflag:$0x0] =	sbarrier.arrive $0xFFFF;
	(pc) =	sbr.rel @p0 .LBB2_1-.Ltmp1, $4  }
0x40: {  	[hbm:s16], [sflag:s6] =	dma.local [spmem:s9], $0x2780  }
0x41: {  	_ =	swait.ge [sflag:s10], $0x2780  }
0x42: {  	[sflag:s10] =	ssyncset.done $0x0  }
0x43: {  	[sflag:s10] =	ssyncadd.s32 $0xFFFFD880  }
0x44: {  	_ =	sfence.sel $0x180000  }
0x45: {  	[bflag:$0x0] =	sbarrier.arrive $0xFFFF  }
0x46: {  	p0 =	sne.s32 s3, $0x0;
	_ =	strace $0x90000047  }
0x47: {  	s0 =	sadd.s32 @!p0 $0x100000, s0;
	[bflag:$0x2] =	sbarrier.arrive $0xFFFF  }
0x48: {  	[sflag:s0] =	ssyncadd.tile.s32 @!p0 $0x1;
	_ =	shalt  }
.Lfunc_end2:
_tile_overlayer_lowered:
.L_overlay_start_2:
0x49: {  	(tag) =	ssettag $0x2  }
0x4a: {  	s0 =	rddreg [dreg:$0x0];
	s2 =	stileid.u32  }
0x4b: {  	s1 =	rddreg [dreg:$0x1];
	p0 =	sne.s32 s2, $0x0  }
0x4c: {  	s3 =	rddreg [dreg:$0x2];
	[bflag:$0x3] =	sbarrier.arrive $0xFFFF;
	s2 =	simm.s32 @!p0 $0x1C03  }
0x4d: {  	[timem:s3], [sflag:s2] =	dma.local @!p0 [hbm:s0], s1  }
0x4e: {  	s0 =	simm.s32 @!p0 $0x3  }
0x4f: {  	_ =	swait.ge @!p0 [sflag:s0], s1  }
0x50: {  	s1 =	ssub.s32 @!p0 $0x0, s1;
	[sflag:s0] =	ssyncset.done @!p0 $0x0  }
0x51: {  	[sflag:s0] =	ssyncadd.s32 @!p0 s1  }
0x52: {  	[bflag:$0x3] =	sbarrier.arrive $0xFFFF  }
0x53: {  	_ =	shalt  }

// kernel: kernel.13.cloned.1.call-start
scs
__scs_entry_jumppad:
0x0: {  	(pc) =	sbr.rel $0x88, $3  }
0x1: {  	(tag) =	ssettag $0x0;
	lr =	simm.s32 $0x1  }
0x2: {  	[smem:$0x3F99] =	sst lr;
	_ =	strace $0xD0000000  }
0x3: {  	_ = 	snop  }
0x4: {  	_ = 	snop  }
0x5: {  	_ = 	snop  }
0x6: {  	_ = 	snop  }
0x7: {  	_ = 	snop  }
__scs_overlays_trampoline_lowered:
0x8: {  	[smem:$0x3FA8] =	sst s0  }
0x9: {  	[smem:$0x3FA9] =	sst s1  }
0xa: {  	[smem:$0x3FAA] =	sst s2  }
0xb: {  	[smem:$0x3FAB] =	sst s3  }
0xc: {  	[smem:$0x3FAC] =	sst s4  }
0xd: {  	[smem:$0x3FAD] =	sst s5  }
0xe: {  	[smem:$0x3FAE] =	sst s6  }
0xf: {  	[smem:$0x3FAF] =	sst s7  }
0x10: {  	[smem:$0x3FB0] =	sst s8  }
0x11: {  	[smem:$0x3FB1] =	sst s9;
	s0 =	simm.s32 @!p0 $0x0  }
0x12: {  	s1 =	sld [smem:$0x3F97];
	s0 =	simm.s32 @p0 $0x1  }
0x13: {  	[smem:$0x3FB2] =	sst s0;
	s0 =	simm.s32 @!p1 $0x0  }
0x14: {  	s2 =	sld [smem:$0x3F96];
	s0 =	simm.s32 @p1 $0x1  }
0x15: {  	[smem:$0x3FB3] =	sst s0;
	s0 =	simm.s32 @!p2 $0x0  }
0x16: {  	s3 =	sld [smem:$0x3FDB];
	s0 =	simm.s32 @p2 $0x1  }
0x17: {  	s4 =	simm.s32 $0x1BF5;
	[smem:$0x3FB5] =	sst s0  }
0x18: {  	s0 =	sld [smem:$0x3F98];
	_ =	swait.ge [sflag:s4], $0x0  }
0x19: {  	s7 =	sld [smem:$0x3F99]  }
0x1a: {  	s8 =	sadd.s32 $0xFFFFE003, lr  }
0x1b: {  	s9 =	sadd.s32 $0xFFFFFEF7, lr;
	s5 =	simm.s32 $0xFFFFFFFF;
	p2 =	slt.u32 s8, $0xFFFFF086  }
0x1c: {  	p1 =	slt.u32 s9, $0xF7A;
	s5 =	simm.s32 @!p2 $0x0  }
0x1d: {  	s5 =	simm.s32 @p1 $0x1;
	p0 =	seq.s32 s7, s2  }
0x1e: {  	s7 =	smul.u32 @!p0 $0xF7A, s2;
	p2 =	seq.s32 @!p0 s5, $0x0  }
0x1f: {  	s9 =	smul.u32 $0xF7A, s1;
	s8 =	simm.s32 @!p0 $0x1BF5;
	p2 =	por !p2, p0  }
0x20: {  	[sflag:s8] =	ssyncset.s32 @!p0 $0xFFFFF086;
	s6 =	sadd.s32 @!p0 s3, s7;
	s7 =	simm.s32 @!p0 $0x108  }
0x21: {  	s3 =	sadd.s32 s3, s9;
	s6 =	sadd.s32 @!p0 $0x88, s6;
	s7 =	simm.s32 @p2 $0x1082  }
0x22: {  	[simem:s7], [sflag:s8] =	dma.local @!p0 [hbm:s6], $0xF7A  }
0x23: {  	s9 =	sor.u32 $0xD0000000, s2;
	s6 =	simm.s32 $0x108;
	_ =	swait.ge @!p0 [sflag:s8], $0x0  }
0x24: {  	s3 =	sadd.s32 $0x88, s3;
	s6 =	simm.s32 @!p1 $0x1082;
	[sflag:s4] =	ssyncset.s32 $0xFFFFF086  }
0x25: {  	[simem:s6], [sflag:s4] =	dma.local [hbm:s3], $0xF7A  }
0x26: {  	[smem:$0x3F99] =	sst s1;
	(tag) =	ssettag s2;
	_ =	strace s9  }
0x27: {  	s1 =	sld [smem:$0x3FA9]  }
0x28: {  	s2 =	sld [smem:$0x3FAA]  }
0x29: {  	s4 =	sld [smem:$0x3FAC]  }
0x2a: {  	p0 =	seq.s32 s5, $0x0;
	s5 =	sld [smem:$0x3FAD]  }
0x2b: {  	s6 =	sld [smem:$0x3FAE]  }
0x2c: {  	s7 =	sld [smem:$0x3FAF]  }
0x2d: {  	s3 =	simm.s32 $0x108;
	s8 =	sld [smem:$0x3FB0]  }
0x2e: {  	s3 =	simm.s32 @!p0 $0x1082;
	s9 =	sld [smem:$0x3FB1]  }
0x2f: {  	lr =	sadd.s32 s0, s3;
	s0 =	sld [smem:$0x3FA8]  }
0x30: {  	s3 =	sld [smem:$0x3FAB]  }
0x31: {  	[smem:$0x3FB4] =	sst s10  }
0x32: {  	s10 =	sld [smem:$0x3FB2];
	_ =	sdelay $0x3  }
0x33: {  	p0 =	seq.s32 s10, $0x1;
	s10 =	sld [smem:$0x3FB4];
	_ =	sdelay $0x3  }
0x34: {  	[smem:$0x3FB4] =	sst s10  }
0x35: {  	s10 =	sld [smem:$0x3FB3];
	_ =	sdelay $0x3  }
0x36: {  	p1 =	seq.s32 s10, $0x1;
	s10 =	sld [smem:$0x3FB4];
	_ =	sdelay $0x3  }
0x37: {  	[smem:$0x3FB4] =	sst s10  }
0x38: {  	s10 =	sld [smem:$0x3FB5]  }
0x39: {  	_ = 	snop;
	(pc) =	sbr.ind lr, $3  }
0x3a: {  	_ = 	snop  }
0x3b: {  	_ = 	snop  }
0x3c: {  	p2 =	seq.s32 s10, $0x1;
	s10 =	sld [smem:$0x3FB4]  }
0x3d: {  	_ =	shalt  }
0x3e: {  	_ =	shalt  }
0x3f: {  	_ =	shalt  }
0x40: {  	_ =	shalt  }
0x41: {  	_ =	shalt  }
0x42: {  	_ =	shalt  }
0x43: {  	_ =	shalt  }
0x44: {  	_ =	shalt  }
0x45: {  	_ =	shalt  }
0x46: {  	_ =	shalt  }
0x47: {  	_ =	shalt  }
0x48: {  	_ =	shalt  }
0x49: {  	_ =	shalt  }
0x4a: {  	_ =	shalt  }
0x4b: {  	_ =	shalt  }
0x4c: {  	_ =	shalt  }
0x4d: {  	_ =	shalt  }
0x4e: {  	_ =	shalt  }
0x4f: {  	_ =	shalt  }
0x50: {  	_ =	shalt  }
0x51: {  	_ =	shalt  }
0x52: {  	_ =	shalt  }
0x53: {  	_ =	shalt  }
0x54: {  	_ =	shalt  }
0x55: {  	_ =	shalt  }
0x56: {  	_ =	shalt  }
0x57: {  	_ =	shalt  }
0x58: {  	_ =	shalt  }
0x59: {  	_ =	shalt  }
0x5a: {  	_ =	shalt  }
0x5b: {  	_ =	shalt  }
0x5c: {  	_ =	shalt  }
0x5d: {  	_ =	shalt  }
0x5e: {  	_ =	shalt  }
0x5f: {  	_ =	shalt  }
0x60: {  	_ =	shalt  }
0x61: {  	_ =	shalt  }
0x62: {  	_ =	shalt  }
0x63: {  	_ =	shalt  }
0x64: {  	_ =	shalt  }
0x65: {  	_ =	shalt  }
0x66: {  	_ =	shalt  }
0x67: {  	_ =	shalt  }
0x68: {  	_ =	shalt  }
0x69: {  	_ =	shalt  }
0x6a: {  	_ =	shalt  }
0x6b: {  	_ =	shalt  }
0x6c: {  	_ =	shalt  }
0x6d: {  	_ =	shalt  }
0x6e: {  	_ =	shalt  }
0x6f: {  	_ =	shalt  }
0x70: {  	_ =	shalt  }
0x71: {  	_ =	shalt  }
0x72: {  	_ =	shalt  }
0x73: {  	_ =	shalt  }
0x74: {  	_ =	shalt  }
0x75: {  	_ =	shalt  }
0x76: {  	_ =	shalt  }
0x77: {  	_ =	shalt  }
0x78: {  	_ =	shalt  }
0x79: {  	_ =	shalt  }
0x7a: {  	_ =	shalt  }
0x7b: {  	_ =	shalt  }
0x7c: {  	_ =	shalt  }
0x7d: {  	_ =	shalt  }
0x7e: {  	_ =	shalt  }
0x7f: {  	_ =	shalt  }
0x80: {  	_ =	shalt  }
0x81: {  	_ =	shalt  }
0x82: {  	_ =	shalt  }
0x83: {  	_ =	shalt  }
0x84: {  	_ =	shalt  }
0x85: {  	_ =	shalt  }
0x86: {  	_ =	shalt  }
0x87: {  	_ =	shalt  }
.Lfunc_end0:
.L_simem_size_0:
called_computation.1_lowered:
.L_overlay_start_0:
0x88: {  	s2 =	sld [smem:$0x3FD9]  }
0x89: {  	s3 =	sld [smem:$0x3FFE];
	_ =	sdelay $0x1  }
0x8a: {  	s1 =	srdreg.scid  }
0x8b: {  	s0 =	sand.u32 $0x1, s1  }
0x8c: {  	s16 =	sshll.u32 s0, $0xA;
	s2 =	sadd.s32 s3, s2  }
0x8d: {  	s2 =	sadd.s32 s2, s16  }
0x8e: {  	[smem:$0x3FC0] =	sst s2  }
0x8f: {  	_ = 	snop  }
0x90: {  	(tm) =	ssettm $0x1  }
0x91: {  	s17 =	sld [smem:$0x3FFB];
	_ =	sdelay $0x3  }
0x92: {  	_ =	strace s17  }
0x93: {  	s2 =	sld [smem:$0x3FFC];
	_ =	sdelay $0x3  }
0x94: {  	_ =	strace s2  }
0x95: {  	s2 =	sld [smem:$0x3FFD];
	_ =	sdelay $0x3  }
0x96: {  	_ =	strace s2  }
0x97: {  	_ =	strace $0x8FFFFFFF  }
0x98: {  	s18 =	sld [smem:$0x3FDB];
	_ =	sdelay $0x1  }
0x99: {  	s19 =	simm.s32 $_scs_section_size  }
0x9a: {  	s4 =	simm.s32 $_size__tile_overlayer_lowered;
	s5 =	simm.s32 $_tile_overlayer_lowered  }
0x9b: {  	s22 =	simm.s32 $0x1BFF;
	s21 =	sshll.u32 s5, $0x1;
	s2 =	sadd.s32 s19, s18  }
0x9c: {  	s6 =	simm.s32 $0x0;
	s20 =	sshll.u32 s4, $0x1;
	s4 =	sadd.s32 s21, s2  }
0x9d: {  	[timem:s6], [sflag:s22] =	dma.local [hbm:s4], s20  }
0x9e: {  	_ =	swait.ge [sflag:s22], s20  }
0x9f: {  	s3 =	ssub.s32 $0x0, s20;
	[sflag:s22] =	ssyncset.done $0x0  }
0xa0: {  	[sflag:s22] =	ssyncadd.s32 s3;
	_ =	sdelay $0x1  }
0xa1: {  	s23 =	simm.s32 $0x1B8B  }
0xa2: {  	_ =	swait.ge [sflag:s23], $0x1  }
0xa3: {  	[sflag:s23] =	ssyncset.done $0x0  }
0xa4: {  	s25 =	simm.s32 $0x1B8E;
	s24 =	sld [smem:$0x3FFE];
	[sflag:s23] =	ssyncadd.s32 $0xFFFFFFFF  }
0xa5: {  	s26 =	simm.s32 $execute0_lowered;
	[smem:$0x3FD2] =	sst s25  }
0xa6: {  	s4 =	sshll.u32 s26, $0x1;
	_ =	strace $0x80000049;
	[dreg:$0x1] =	wrdreg $0xFFFFFFFF  }
0xa7: {  	s28 =	simm.s32 $_size_execute0_lowered;
	s2 =	sadd.s32 s2, s4;
	[dreg:$0x0] =	wrdreg $0x0  }
0xa8: {  	s4 =	sshll.u32 s28, $0x1;
	[dreg:$0x2] =	wrdreg s2  }
0xa9: {  	[dreg:$0x3] =	wrdreg s4  }
0xaa: {  	[dreg:$0x4] =	wrdreg $0xC0  }
0xab: {  	_ =	task [dreg:s6], $0x5FFFF  }
0xac: {  	[dreg:$0x1] =	wrdreg $0xFFFFFFFF  }
0xad: {  	[dreg:$0x0] =	wrdreg $0x60  }
0xae: {  	[dreg:$0x2] =	wrdreg s24  }
0xaf: {  	[dreg:$0x3] =	wrdreg $0xA8000  }
0xb0: {  	[dreg:$0x4] =	wrdreg $0x9  }
0xb1: {  	_ =	task.clear_ibuf [dreg:s6], $0x5FFFF;
	_ =	strace $0x90000049  }
0xb2: {  	s29 =	simm.s32 $0x9;
	_ =	strace $0x8000004B  }
0xb3: {  	_ =	swait.ge [sflag:s29], $0x1  }
0xb4: {  	[sflag:s29] =	ssyncadd.s32 $0xFFFFFFFF  }
0xb5: {  	_ =	strace $0x9000004B  }
0xb6: {  	_ =	sfence  }
0xb7: {  	s30 =	sld [smem:$0x0];
	_ =	sdelay $0x2  }
0xb8: {  	s31 =	sshll.u32 s1, $0xD;
	s1 =	sshrl.u32 s1, $0x2  }
0xb9: {  	s3 =	sand.u32 $0x4000, s31;
	s1 =	sadd.s32 s1, s30  }
0xba: {  	s0 =	sor.u32 s3, s0;
	s1 =	sshll.u32 s1, $0x11  }
0xbb: {  	s0 =	sor.u32 s1, s0  }
0xbc: {  	s0 =	sadd.s32 $0x8F2B, s0  }
0xbd: {  	[sflag:s0] =	ssyncadd.remote.s32 $0x1  }
0xbe: {  	_ =	sfence.sel $0xFFFF  }
0xbf: {  	[dreg:$0x0] =	wrdreg $0xFFFFFFFF;
	(pc) =	sbr.abs _section_cstart, $3  }
0xc0: {  	[dreg:$0x1] =	wrdreg $0xFFFFFFFF  }
0xc1: {  	_ =	task.clear_ibuf [dreg:s6], $0x2FFFF;
	_ =	strace $0x9FFFFFFF  }
0xc2: {  	(tm) =	ssettm $0x7FFFFFFF  }
0xc3: {  	_ =	shalt  }
tec
execute0_lowered:
.L_overlay_start_1:
0x0: {  	(tag) =	ssettag $0x1  }
0x1: {  	s8 =	rddreg [dreg:$0x0]  }
0x2: {  	s2 =	rddreg [dreg:$0x1];
	s3 =	simm.s32 $0x0  }
0x3: {  	s1 =	stileid.u32;
	s7 =	srdreg.scid;
	s17 =	simm.s32 $0x80  }
0x4: {  	s18 =	simm.s32 $0x2800;
	s19 =	simm.s32 $0x6800;
	s20 =	simm.s32 $0x1  }
0x5: {  	s21 =	simm.s32 $0x2;
	s22 =	simm.s32 $0x1380;
	s23 =	simm.s32 $0x2700  }
0x6: {  	s24 =	simm.s32 $0x2780;
	s26 =	simm.s32 $0x0;
	[smem:$0x7FF] =	sst s3  }
0x7: {  	s6 =	smul.u32 $0x500, s1;
	s4 =	sadd.s32 $0x15A00, s8;
	s5 =	sadd.s32 $0x3CC00, s8  }
0x8: {  	s14 =	sand.u32 $0x1, s7;
	s9 =	smul.u32 $0x4F000, s1;
	s7 =	sadd.s32 $0x63E00, s8  }
0x9: {  	s13 =	sshll.u32 s1, $0x6;
	_ =	strace $0x8000004A;
	s10 =	ssub.s32 $0x2, s14  }
0xa: {  	p0 =	sne.s32 s14, $0x0;
	s11 =	sadd.s32 s6, s8;
	s6 =	sadd.s32 $0x13200, s8  }
.Ltmp0:
0xb: {  	s12 =	sshrl.u32 s10, $0x1;
	s9 =	sshrl.u32 s9, $0x2;
	(pc) =	sbr.rel .LBB2_1-.Ltmp0, $4  }
0xc: {  	s8 =	sadd.s32 $0x8B600, s8;
	s15 =	ssub.s32 s10, s12;
	s16 =	sadd.s32 s9, s2  }
0xd: {  	s9 =	sor.u32 $0x1C03, s13;
	s10 =	sadd.s32 $0x8A00, s11;
	s11 =	sadd.s32 $0xDA00, s11  }
0xe: {  	s12 =	smul.u32 $0x2780, s1;
	s13 =	smax.u32 s15, $0x1;
	s14 =	sshrl.u32 s16, $0x3  }
0xf: {  	s15 =	simm.s32 $0x3;
	s16 =	simm.s32 $0x1400;
	s25 =	sadd.s32 $0x280, s10  }
.LBB2_11:
0x10: {  	s0 =	sadd.s32 $0x80, s28;
	[sflag:s15] =	ssyncadd.s32 $0xFFFFC000  }
0x11: {  	[tilespmem:s19], [sflag:$0x2] =	stream.indirect.gather [hbm4b:s5+s17], $0x80, s0, s17, $0xb8;
	[tilespmem:$0x1E400] =	vst v63  }
0x12: {  	_ =	swait.ge [sflag:s20], $0x4000  }
0x13: {  	[sflag:s20] =	ssyncset.done $0x0  }
0x14: {  	s29 =	sadd.s32 $0x1400, s28;
	[sflag:s20] =	ssyncadd.s32 $0xFFFFC000  }
0x15: {  	[spmem:s2] =	stream.indirect.scatter.add.f32 [tilespmem:s18], [sflag:$0x3], $0x80, s29, s17, $0xb8;
	[tilespmem:$0x1E400] =	vst v63  }
0x16: {  	_ =	swait.ge [sflag:s15], $0x4000  }
0x17: {  	[sflag:s15] =	ssyncset.done $0x0  }
0x18: {  	s30 =	sadd.s32 $0x100, s28;
	[sflag:s15] =	ssyncadd.s32 $0xFFFFC000  }
0x19: {  	[tilespmem:s18], [sflag:$0x1] =	stream.indirect.gather [hbm4b:s5+s17], $0x80, s30, s17, $0xb8;
	[tilespmem:$0x1E400] =	vst v63  }
0x1a: {  	_ =	swait.ge [sflag:s21], $0x4000  }
0x1b: {  	[sflag:s21] =	ssyncset.done $0x0  }
0x1c: {  	s31 =	sadd.s32 $0x1480, s28;
	[sflag:s21] =	ssyncadd.s32 $0xFFFFC000  }
0x1d: {  	[spmem:s2] =	stream.indirect.scatter.add.f32 [tilespmem:s19], [sflag:$0x3], $0x80, s31, s17, $0xb8;
	[tilespmem:$0x1E400] =	vst v63  }
0x1e: {  	_ =	swait.ge [sflag:s15], $0x4000  }
0x1f: {  	[sflag:s15] =	ssyncset.done $0x0  }
0x20: {  	s28 =	smov.u32 s8;
	[sflag:s15] =	ssyncadd.s32 $0xFFFFC000  }
0x21: {  	[tilespmem:s19], [sflag:$0x2] =	stream.indirect.gather [hbm4b:s5+s17], $0x80, s22, s17, $0xb8;
	[tilespmem:$0x1E400] =	vst v63  }
.LBB2_12:
0x22: {  	_ =	swait.ge [sflag:s20], $0x4000  }
0x23: {  	[sflag:s20] =	ssyncset.done $0x0  }
0x24: {  	[sflag:s20] =	ssyncadd.s32 $0xFFFFC000  }
0x25: {  	[spmem:s2] =	stream.indirect.scatter.add.f32 [tilespmem:s18], [sflag:$0x3], $0x80, s23, s17, $0xb8;
	[tilespmem:$0x1E400] =	vst v63  }
0x26: {  	_ =	swait.ge [sflag:s15], $0x4000  }
0x27: {  	[sflag:s15] =	ssyncset.done $0x0  }
0x28: {  	[sflag:s15] =	ssyncadd.s32 $0xFFFFC000  }
0x29: {  	_ =	swait.ge [sflag:s21], $0x4000  }
0x2a: {  	[sflag:s21] =	ssyncset.done $0x0  }
0x2b: {  	[sflag:s21] =	ssyncadd.s32 $0xFFFFC000  }
0x2c: {  	[spmem:s2] =	stream.indirect.scatter.add.f32 [tilespmem:s19], [sflag:$0x3], $0x80, s24, s17, $0xb8;
	[tilespmem:$0x1E400] =	vst v63  }
0x2d: {  	_ =	swait.ge [sflag:s15], $0x4000  }
0x2e: {  	s26 =	sadd.s32 $0x1, s26;
	[sflag:s15] =	ssyncset.done $0x0  }
0x2f: {  	p1 =	sne.s32 s26, s13;
	[sflag:s15] =	ssyncadd.s32 $0xFFFFC000  }
.Ltmp1:
0x30: {  	s0 =	sadd.s32 s28, s12;
	[bflag:$0x0] =	sbarrier.arrive $0xFFFF;
	(pc) =	sbr.rel @!p1 .LBB2_13-.Ltmp1, $4  }
0x31: {  	[hbm:s0], [sflag:s9] =	dma.local [spmem:s14], $0x2780  }
0x32: {  	_ =	swait.ge [sflag:s15], $0x2780  }
0x33: {  	[sflag:s15] =	ssyncset.done $0x0  }
0x34: {  	[sflag:s15] =	ssyncadd.s32 $0xFFFFD880  }
.LBB2_1:
0x35: {  	[spmem:s14], [sflag:s9] =	dma.local [hbm:s6], $0x2780  }
0x36: {  	_ =	swait.ge [sflag:s15], $0x2780  }
0x37: {  	[sflag:s15] =	ssyncset.done $0x0  }
0x38: {  	[sflag:s15] =	ssyncadd.s32 $0xFFFFD880  }
0x39: {  	[bflag:$0x0] =	sbarrier.arrive $0xFFFF  }
0x3a: {  	[tilespmem:s3], [sflag:$0x3] =	stream.linear.gather [hbm4b:s10+s3], $0x1400, $0x38;
	[tilespmem:$0x1E400] =	vst v63  }
0x3b: {  	_ =	swait.ge [sflag:s15], $0x1400  }
0x3c: {  	[sflag:s15] =	ssyncset.done $0x0  }
.Ltmp2:
0x3d: {  	[sflag:s15] =	ssyncadd.s32 $0xFFFFEC00;
	(pc) =	sbr.rel @p0 .LBB2_7-.Ltmp2, $4  }
0x3e: {  	[tilespmem:s16], [sflag:$0x3] =	stream.linear.gather [hbm4b:s11+s3], $0x1400, $0x38;
	[tilespmem:$0x1E400] =	vst v63  }
0x3f: {  	_ =	swait.ge [sflag:s15], $0x1400  }
0x40: {  	[sflag:s15] =	ssyncset.done $0x0  }
0x41: {  	[sflag:s15] =	ssyncadd.s32 $0xFFFFEC00  }
0x42: {  	s28 =	simm.s32 $0x0  }
0x43: {  	[tilespmem:s18], [sflag:$0x1] =	stream.indirect.gather [hbm4b:s4+s17], $0x80, s28, s17, $0xb8;
	[tilespmem:$0x1E400] =	vst v63  }
0x44: {  	s28 =	simm.s32 $0x80  }
0x45: {  	[tilespmem:s19], [sflag:$0x2] =	stream.indirect.gather [hbm4b:s4+s17], $0x80, s28, s17, $0xb8;
	[tilespmem:$0x1E400] =	vst v63  }
0x46: {  	_ =	swait.ge [sflag:s20], $0x4000  }
0x47: {  	[sflag:s20] =	ssyncset.done $0x0  }
0x48: {  	s28 =	simm.s32 $0x1400;
	[sflag:s20] =	ssyncadd.s32 $0xFFFFC000  }
0x49: {  	[spmem:s2] =	stream.indirect.scatter.add.f32 [tilespmem:s18], [sflag:$0x3], $0x80, s28, s17, $0xb8;
	[tilespmem:$0x1E400] =	vst v63  }
0x4a: {  	_ =	swait.ge [sflag:s15], $0x4000  }
0x4b: {  	[sflag:s15] =	ssyncset.done $0x0  }
0x4c: {  	s28 =	simm.s32 $0x100;
	[sflag:s15] =	ssyncadd.s32 $0xFFFFC000  }
0x4d: {  	[tilespmem:s18], [sflag:$0x1] =	stream.indirect.gather [hbm4b:s4+s17], $0x80, s28, s17, $0xb8;
	[tilespmem:$0x1E400] =	vst v63  }
0x4e: {  	_ =	swait.ge [sflag:s21], $0x4000  }
0x4f: {  	[sflag:s21] =	ssyncset.done $0x0  }
0x50: {  	s28 =	simm.s32 $0x1480;
	[sflag:s21] =	ssyncadd.s32 $0xFFFFC000  }
0x51: {  	[spmem:s2] =	stream.indirect.scatter.add.f32 [tilespmem:s19], [sflag:$0x3], $0x80, s28, s17, $0xb8;
	[tilespmem:$0x1E400] =	vst v63  }
0x52: {  	_ =	swait.ge [sflag:s15], $0x4000  }
0x53: {  	s29 =	simm.s32 $0x800;
	s28 =	simm.s32 $0x100;
	[sflag:s15] =	ssyncset.done $0x0  }
.LBB2_3:
0x54: {  	s30 =	sadd.s32 $0x80, s28  }
0x55: {  	[sflag:s15] =	ssyncadd.s32 $0xFFFFC000;
	s31 =	smov.u32 s29;
	s0 =	sadd.s32 $0x400, s29  }
0x56: {  	[tilespmem:s19], [sflag:$0x2] =	stream.indirect.gather [hbm4b:s4+s17], $0x80, s30, s17, $0xb8;
	[tilespmem:$0x1E400] =	vst v63  }
0x57: {  	p1 =	sne.s32 s29, $0x4800;
	_ =	swait.ge [sflag:s20], $0x4000  }
0x58: {  	[sflag:s20] =	ssyncset.done $0x0  }
0x59: {  	s29 =	sadd.s32 $0x1400, s28;
	[sflag:s20] =	ssyncadd.s32 $0xFFFFC000  }
0x5a: {  	[spmem:s2] =	stream.indirect.scatter.add.f32 [tilespmem:s18], [sflag:$0x3], $0x80, s29, s17, $0xb8;
	[tilespmem:$0x1E400] =	vst v63  }
0x5b: {  	_ =	swait.ge [sflag:s15], $0x4000  }
0x5c: {  	[sflag:s15] =	ssyncset.done $0x0  }
0x5d: {  	s29 =	sadd.s32 $0x100, s28;
	[sflag:s15] =	ssyncadd.s32 $0xFFFFC000  }
0x5e: {  	[tilespmem:s18], [sflag:$0x1] =	stream.indirect.gather [hbm4b:s4+s17], $0x80, s29, s17, $0xb8;
	[tilespmem:$0x1E400] =	vst v63  }
0x5f: {  	_ =	swait.ge [sflag:s21], $0x4000  }
.Ltmp3:
0x60: {  	[sflag:s21] =	ssyncset.done $0x0;
	(pc) =	sbr.rel @p1 .LBB2_3-.Ltmp3, $4  }
0x61: {  	s28 =	sadd.s32 $0x1480, s28;
	[sflag:s21] =	ssyncadd.s32 $0xFFFFC000  }
0x62: {  	[spmem:s2] =	stream.indirect.scatter.add.f32 [tilespmem:s19], [sflag:$0x3], $0x80, s28, s17, $0xb8;
	[tilespmem:$0x1E400] =	vst v63  }
0x63: {  	_ =	swait.ge [sflag:s15], $0x4000  }
0x64: {  	s29 =	smov.u32 s0;
	s28 =	sshra.s32 s31, $0x2;
	[sflag:s15] =	ssyncset.done $0x0  }
0x65: {  	s0 =	sadd.s32 $0x80, s28;
	[sflag:s15] =	ssyncadd.s32 $0xFFFFC000  }
0x66: {  	[tilespmem:s19], [sflag:$0x2] =	stream.indirect.gather [hbm4b:s4+s17], $0x80, s0, s17, $0xb8;
	[tilespmem:$0x1E400] =	vst v63  }
0x67: {  	_ =	swait.ge [sflag:s20], $0x4000  }
0x68: {  	[sflag:s20] =	ssyncset.done $0x0  }
0x69: {  	s30 =	sadd.s32 $0x1400, s28;
	[sflag:s20] =	ssyncadd.s32 $0xFFFFC000  }
0x6a: {  	[spmem:s2] =	stream.indirect.scatter.add.f32 [tilespmem:s18], [sflag:$0x3], $0x80, s30, s17, $0xb8;
	[tilespmem:$0x1E400] =	vst v63  }
0x6b: {  	_ =	swait.ge [sflag:s15], $0x4000  }
0x6c: {  	[sflag:s15] =	ssyncset.done $0x0  }
0x6d: {  	s31 =	sadd.s32 $0x100, s28;
	[sflag:s15] =	ssyncadd.s32 $0xFFFFC000  }
0x6e: {  	[tilespmem:s18], [sflag:$0x1] =	stream.indirect.gather [hbm4b:s4+s17], $0x80, s31, s17, $0xb8;
	[tilespmem:$0x1E400] =	vst v63  }
0x6f: {  	_ =	swait.ge [sflag:s21], $0x4000  }
0x70: {  	[sflag:s21] =	ssyncset.done $0x0  }
0x71: {  	s30 =	sadd.s32 $0x1480, s28;
	[sflag:s21] =	ssyncadd.s32 $0xFFFFC000  }
0x72: {  	[spmem:s2] =	stream.indirect.scatter.add.f32 [tilespmem:s19], [sflag:$0x3], $0x80, s30, s17, $0xb8;
	[tilespmem:$0x1E400] =	vst v63  }
0x73: {  	_ =	swait.ge [sflag:s15], $0x4000  }
0x74: {  	[sflag:s15] =	ssyncset.done $0x0  }
0x75: {  	[sflag:s15] =	ssyncadd.s32 $0xFFFFC000  }
0x76: {  	[tilespmem:s19], [sflag:$0x2] =	stream.indirect.gather [hbm4b:s4+s17], $0x80, s22, s17, $0xb8;
	[tilespmem:$0x1E400] =	vst v63  }
0x77: {  	_ =	swait.ge [sflag:s20], $0x4000  }
0x78: {  	[sflag:s20] =	ssyncset.done $0x0  }
0x79: {  	[sflag:s20] =	ssyncadd.s32 $0xFFFFC000  }
0x7a: {  	[spmem:s2] =	stream.indirect.scatter.add.f32 [tilespmem:s18], [sflag:$0x3], $0x80, s23, s17, $0xb8;
	[tilespmem:$0x1E400] =	vst v63  }
0x7b: {  	_ =	swait.ge [sflag:s15], $0x4000  }
0x7c: {  	[sflag:s15] =	ssyncset.done $0x0  }
0x7d: {  	[sflag:s15] =	ssyncadd.s32 $0xFFFFC000  }
0x7e: {  	_ =	swait.ge [sflag:s21], $0x4000  }
0x7f: {  	[sflag:s21] =	ssyncset.done $0x0  }
0x80: {  	[sflag:s21] =	ssyncadd.s32 $0xFFFFC000  }
0x81: {  	[spmem:s2] =	stream.indirect.scatter.add.f32 [tilespmem:s19], [sflag:$0x3], $0x80, s24, s17, $0xb8;
	[tilespmem:$0x1E400] =	vst v63  }
0x82: {  	_ =	swait.ge [sflag:s15], $0x4000  }
0x83: {  	[sflag:s15] =	ssyncset.done $0x0  }
0x84: {  	s31 =	simm.s32 $0x0;
	[sflag:s15] =	ssyncadd.s32 $0xFFFFC000  }
0x85: {  	[tilespmem:s31], [sflag:$0x3] =	stream.linear.gather [hbm4b:s25+s31], $0x1400, $0x38;
	[tilespmem:$0x1E400] =	vst v63  }
0x86: {  	_ =	swait.ge [sflag:s15], $0x1400  }
0x87: {  	[sflag:s15] =	ssyncset.done $0x0  }
0x88: {  	s28 =	sadd.s32 $0x280, s11;
	[sflag:s15] =	ssyncadd.s32 $0xFFFFEC00  }
0x89: {  	[tilespmem:s16], [sflag:$0x3] =	stream.linear.gather [hbm4b:s28+s31], $0x1400, $0x38;
	[tilespmem:$0x1E400] =	vst v63  }
0x8a: {  	_ =	swait.ge [sflag:s15], $0x1400  }
0x8b: {  	[sflag:s15] =	ssyncset.done $0x0  }
0x8c: {  	[sflag:s15] =	ssyncadd.s32 $0xFFFFEC00  }
0x8d: {  	[tilespmem:s18], [sflag:$0x1] =	stream.indirect.gather [hbm4b:s4+s17], $0x80, s31, s17, $0xb8;
	[tilespmem:$0x1E400] =	vst v63  }
0x8e: {  	s30 =	simm.s32 $0x80  }
0x8f: {  	[tilespmem:s19], [sflag:$0x2] =	stream.indirect.gather [hbm4b:s4+s17], $0x80, s30, s17, $0xb8;
	[tilespmem:$0x1E400] =	vst v63  }
0x90: {  	_ =	swait.ge [sflag:s20], $0x4000  }
0x91: {  	[sflag:s20] =	ssyncset.done $0x0  }
0x92: {  	s31 =	simm.s32 $0x1400;
	[sflag:s20] =	ssyncadd.s32 $0xFFFFC000  }
0x93: {  	[spmem:s2] =	stream.indirect.scatter.add.f32 [tilespmem:s18], [sflag:$0x3], $0x80, s31, s17, $0xb8;
	[tilespmem:$0x1E400] =	vst v63  }
0x94: {  	_ =	swait.ge [sflag:s15], $0x4000  }
0x95: {  	[sflag:s15] =	ssyncset.done $0x0  }
0x96: {  	s30 =	simm.s32 $0x100;
	[sflag:s15] =	ssyncadd.s32 $0xFFFFC000  }
0x97: {  	[tilespmem:s18], [sflag:$0x1] =	stream.indirect.gather [hbm4b:s4+s17], $0x80, s30, s17, $0xb8;
	[tilespmem:$0x1E400] =	vst v63  }
0x98: {  	_ =	swait.ge [sflag:s21], $0x4000  }
0x99: {  	[sflag:s21] =	ssyncset.done $0x0  }
0x9a: {  	s31 =	simm.s32 $0x1480;
	[sflag:s21] =	ssyncadd.s32 $0xFFFFC000  }
0x9b: {  	[spmem:s2] =	stream.indirect.scatter.add.f32 [tilespmem:s19], [sflag:$0x3], $0x80, s31, s17, $0xb8;
	[tilespmem:$0x1E400] =	vst v63  }
0x9c: {  	_ =	swait.ge [sflag:s15], $0x4000  }
0x9d: {  	s29 =	simm.s32 $0x800;
	s28 =	simm.s32 $0x100;
	[sflag:s15] =	ssyncset.done $0x0  }
.LBB2_5:
0x9e: {  	s0 =	sadd.s32 $0x80, s28  }
0x9f: {  	[sflag:s15] =	ssyncadd.s32 $0xFFFFC000;
	s30 =	smov.u32 s29;
	s31 =	sadd.s32 $0x400, s29  }
0xa0: {  	[tilespmem:s19], [sflag:$0x2] =	stream.indirect.gather [hbm4b:s4+s17], $0x80, s0, s17, $0xb8;
	[tilespmem:$0x1E400] =	vst v63  }
0xa1: {  	p1 =	sne.s32 s29, $0x4800;
	_ =	swait.ge [sflag:s20], $0x4000  }
0xa2: {  	[sflag:s20] =	ssyncset.done $0x0  }
0xa3: {  	s0 =	sadd.s32 $0x1400, s28;
	[sflag:s20] =	ssyncadd.s32 $0xFFFFC000  }
0xa4: {  	[spmem:s2] =	stream.indirect.scatter.add.f32 [tilespmem:s18], [sflag:$0x3], $0x80, s0, s17, $0xb8;
	[tilespmem:$0x1E400] =	vst v63  }
0xa5: {  	_ =	swait.ge [sflag:s15], $0x4000  }
0xa6: {  	[sflag:s15] =	ssyncset.done $0x0  }
0xa7: {  	s0 =	sadd.s32 $0x100, s28;
	[sflag:s15] =	ssyncadd.s32 $0xFFFFC000  }
0xa8: {  	[tilespmem:s18], [sflag:$0x1] =	stream.indirect.gather [hbm4b:s4+s17], $0x80, s0, s17, $0xb8;
	[tilespmem:$0x1E400] =	vst v63  }
0xa9: {  	_ =	swait.ge [sflag:s21], $0x4000  }
.Ltmp4:
0xaa: {  	[sflag:s21] =	ssyncset.done $0x0;
	(pc) =	sbr.rel @p1 .LBB2_5-.Ltmp4, $4  }
0xab: {  	s0 =	sadd.s32 $0x1480, s28;
	[sflag:s21] =	ssyncadd.s32 $0xFFFFC000  }
0xac: {  	[spmem:s2] =	stream.indirect.scatter.add.f32 [tilespmem:s19], [sflag:$0x3], $0x80, s0, s17, $0xb8;
	[tilespmem:$0x1E400] =	vst v63  }
0xad: {  	_ =	swait.ge [sflag:s15], $0x4000  }
0xae: {  	s29 =	smov.u32 s31;
	s28 =	sshra.s32 s30, $0x2;
	[sflag:s15] =	ssyncset.done $0x0  }
0xaf: {  	s0 =	sadd.s32 $0x80, s28;
	[sflag:s15] =	ssyncadd.s32 $0xFFFFC000  }
0xb0: {  	[tilespmem:s19], [sflag:$0x2] =	stream.indirect.gather [hbm4b:s4+s17], $0x80, s0, s17, $0xb8;
	[tilespmem:$0x1E400] =	vst v63  }
0xb1: {  	_ =	swait.ge [sflag:s20], $0x4000  }
0xb2: {  	[sflag:s20] =	ssyncset.done $0x0  }
0xb3: {  	s29 =	sadd.s32 $0x1400, s28;
	[sflag:s20] =	ssyncadd.s32 $0xFFFFC000  }
0xb4: {  	[spmem:s2] =	stream.indirect.scatter.add.f32 [tilespmem:s18], [sflag:$0x3], $0x80, s29, s17, $0xb8;
	[tilespmem:$0x1E400] =	vst v63  }
0xb5: {  	_ =	swait.ge [sflag:s15], $0x4000  }
0xb6: {  	[sflag:s15] =	ssyncset.done $0x0  }
0xb7: {  	s30 =	sadd.s32 $0x100, s28;
	[sflag:s15] =	ssyncadd.s32 $0xFFFFC000  }
0xb8: {  	[tilespmem:s18], [sflag:$0x1] =	stream.indirect.gather [hbm4b:s4+s17], $0x80, s30, s17, $0xb8;
	[tilespmem:$0x1E400] =	vst v63  }
0xb9: {  	_ =	swait.ge [sflag:s21], $0x4000  }
0xba: {  	[sflag:s21] =	ssyncset.done $0x0  }
0xbb: {  	s31 =	sadd.s32 $0x1480, s28;
	[sflag:s21] =	ssyncadd.s32 $0xFFFFC000  }
0xbc: {  	[spmem:s2] =	stream.indirect.scatter.add.f32 [tilespmem:s19], [sflag:$0x3], $0x80, s31, s17, $0xb8;
	[tilespmem:$0x1E400] =	vst v63  }
.Ltmp5:
0xbd: {  	_ = 	snop;
	(pc) =	sbr.rel .LBB2_12-.Ltmp5, $4  }
0xbe: {  	_ =	swait.ge [sflag:s15], $0x4000  }
0xbf: {  	[sflag:s15] =	ssyncset.done $0x0  }
0xc0: {  	s28 =	smov.u32 s7;
	[sflag:s15] =	ssyncadd.s32 $0xFFFFC000  }
0xc1: {  	[tilespmem:s19], [sflag:$0x2] =	stream.indirect.gather [hbm4b:s4+s17], $0x80, s22, s17, $0xb8;
	[tilespmem:$0x1E400] =	vst v63  }
.LBB2_7:
0xc2: {  	s0 =	simm.s32 $0x0  }
0xc3: {  	[tilespmem:s18], [sflag:$0x1] =	stream.indirect.gather [hbm4b:s5+s17], $0x80, s0, s17, $0xb8;
	[tilespmem:$0x1E400] =	vst v63  }
0xc4: {  	s30 =	simm.s32 $0x80  }
0xc5: {  	[tilespmem:s19], [sflag:$0x2] =	stream.indirect.gather [hbm4b:s5+s17], $0x80, s30, s17, $0xb8;
	[tilespmem:$0x1E400] =	vst v63  }
0xc6: {  	_ =	swait.ge [sflag:s20], $0x4000  }
0xc7: {  	[sflag:s20] =	ssyncset.done $0x0  }
0xc8: {  	s31 =	simm.s32 $0x1400;
	[sflag:s20] =	ssyncadd.s32 $0xFFFFC000  }
0xc9: {  	[spmem:s2] =	stream.indirect.scatter.add.f32 [tilespmem:s18], [sflag:$0x3], $0x80, s31, s17, $0xb8;
	[tilespmem:$0x1E400] =	vst v63  }
0xca: {  	_ =	swait.ge [sflag:s15], $0x4000  }
0xcb: {  	[sflag:s15] =	ssyncset.done $0x0  }
0xcc: {  	s30 =	simm.s32 $0x100;
	[sflag:s15] =	ssyncadd.s32 $0xFFFFC000  }
0xcd: {  	[tilespmem:s18], [sflag:$0x1] =	stream.indirect.gather [hbm4b:s5+s17], $0x80, s30, s17, $0xb8;
	[tilespmem:$0x1E400] =	vst v63  }
0xce: {  	_ =	swait.ge [sflag:s21], $0x4000  }
0xcf: {  	[sflag:s21] =	ssyncset.done $0x0  }
0xd0: {  	s31 =	simm.s32 $0x1480;
	[sflag:s21] =	ssyncadd.s32 $0xFFFFC000  }
0xd1: {  	[spmem:s2] =	stream.indirect.scatter.add.f32 [tilespmem:s19], [sflag:$0x3], $0x80, s31, s17, $0xb8;
	[tilespmem:$0x1E400] =	vst v63  }
0xd2: {  	_ =	swait.ge [sflag:s15], $0x4000  }
0xd3: {  	s29 =	simm.s32 $0x800;
	s28 =	simm.s32 $0x100;
	[sflag:s15] =	ssyncset.done $0x0  }
.LBB2_8:
0xd4: {  	s0 =	sadd.s32 $0x80, s28  }
0xd5: {  	[sflag:s15] =	ssyncadd.s32 $0xFFFFC000;
	s30 =	smov.u32 s29;
	s31 =	sadd.s32 $0x400, s29  }
0xd6: {  	[tilespmem:s19], [sflag:$0x2] =	stream.indirect.gather [hbm4b:s5+s17], $0x80, s0, s17, $0xb8;
	[tilespmem:$0x1E400] =	vst v63  }
0xd7: {  	p1 =	sne.s32 s29, $0x4800;
	_ =	swait.ge [sflag:s20], $0x4000  }
0xd8: {  	[sflag:s20] =	ssyncset.done $0x0  }
0xd9: {  	s0 =	sadd.s32 $0x1400, s28;
	[sflag:s20] =	ssyncadd.s32 $0xFFFFC000  }
0xda: {  	[spmem:s2] =	stream.indirect.scatter.add.f32 [tilespmem:s18], [sflag:$0x3], $0x80, s0, s17, $0xb8;
	[tilespmem:$0x1E400] =	vst v63  }
0xdb: {  	_ =	swait.ge [sflag:s15], $0x4000  }
0xdc: {  	[sflag:s15] =	ssyncset.done $0x0  }
0xdd: {  	s0 =	sadd.s32 $0x100, s28;
	[sflag:s15] =	ssyncadd.s32 $0xFFFFC000  }
0xde: {  	[tilespmem:s18], [sflag:$0x1] =	stream.indirect.gather [hbm4b:s5+s17], $0x80, s0, s17, $0xb8;
	[tilespmem:$0x1E400] =	vst v63  }
0xdf: {  	_ =	swait.ge [sflag:s21], $0x4000  }
.Ltmp6:
0xe0: {  	[sflag:s21] =	ssyncset.done $0x0;
	(pc) =	sbr.rel @p1 .LBB2_8-.Ltmp6, $4  }
0xe1: {  	s0 =	sadd.s32 $0x1480, s28;
	[sflag:s21] =	ssyncadd.s32 $0xFFFFC000  }
0xe2: {  	[spmem:s2] =	stream.indirect.scatter.add.f32 [tilespmem:s19], [sflag:$0x3], $0x80, s0, s17, $0xb8;
	[tilespmem:$0x1E400] =	vst v63  }
0xe3: {  	_ =	swait.ge [sflag:s15], $0x4000  }
0xe4: {  	s29 =	smov.u32 s31;
	s28 =	sshra.s32 s30, $0x2;
	[sflag:s15] =	ssyncset.done $0x0  }
0xe5: {  	s0 =	sadd.s32 $0x80, s28;
	[sflag:s15] =	ssyncadd.s32 $0xFFFFC000  }
0xe6: {  	[tilespmem:s19], [sflag:$0x2] =	stream.indirect.gather [hbm4b:s5+s17], $0x80, s0, s17, $0xb8;
	[tilespmem:$0x1E400] =	vst v63  }
0xe7: {  	_ =	swait.ge [sflag:s20], $0x4000  }
0xe8: {  	[sflag:s20] =	ssyncset.done $0x0  }
0xe9: {  	s30 =	sadd.s32 $0x1400, s28;
	[sflag:s20] =	ssyncadd.s32 $0xFFFFC000  }
0xea: {  	[spmem:s2] =	stream.indirect.scatter.add.f32 [tilespmem:s18], [sflag:$0x3], $0x80, s30, s17, $0xb8;
	[tilespmem:$0x1E400] =	vst v63  }
0xeb: {  	_ =	swait.ge [sflag:s15], $0x4000  }
0xec: {  	[sflag:s15] =	ssyncset.done $0x0  }
0xed: {  	s31 =	sadd.s32 $0x100, s28;
	[sflag:s15] =	ssyncadd.s32 $0xFFFFC000  }
0xee: {  	[tilespmem:s18], [sflag:$0x1] =	stream.indirect.gather [hbm4b:s5+s17], $0x80, s31, s17, $0xb8;
	[tilespmem:$0x1E400] =	vst v63  }
0xef: {  	_ =	swait.ge [sflag:s21], $0x4000  }
0xf0: {  	[sflag:s21] =	ssyncset.done $0x0  }
0xf1: {  	s30 =	sadd.s32 $0x1480, s28;
	[sflag:s21] =	ssyncadd.s32 $0xFFFFC000  }
0xf2: {  	[spmem:s2] =	stream.indirect.scatter.add.f32 [tilespmem:s19], [sflag:$0x3], $0x80, s30, s17, $0xb8;
	[tilespmem:$0x1E400] =	vst v63  }
0xf3: {  	_ =	swait.ge [sflag:s15], $0x4000  }
0xf4: {  	[sflag:s15] =	ssyncset.done $0x0  }
0xf5: {  	[sflag:s15] =	ssyncadd.s32 $0xFFFFC000  }
0xf6: {  	[tilespmem:s19], [sflag:$0x2] =	stream.indirect.gather [hbm4b:s5+s17], $0x80, s22, s17, $0xb8;
	[tilespmem:$0x1E400] =	vst v63  }
0xf7: {  	_ =	swait.ge [sflag:s20], $0x4000  }
0xf8: {  	[sflag:s20] =	ssyncset.done $0x0  }
0xf9: {  	[sflag:s20] =	ssyncadd.s32 $0xFFFFC000  }
0xfa: {  	[spmem:s2] =	stream.indirect.scatter.add.f32 [tilespmem:s18], [sflag:$0x3], $0x80, s23, s17, $0xb8;
	[tilespmem:$0x1E400] =	vst v63  }
0xfb: {  	_ =	swait.ge [sflag:s15], $0x4000  }
0xfc: {  	[sflag:s15] =	ssyncset.done $0x0  }
0xfd: {  	[sflag:s15] =	ssyncadd.s32 $0xFFFFC000  }
0xfe: {  	_ =	swait.ge [sflag:s21], $0x4000  }
0xff: {  	[sflag:s21] =	ssyncset.done $0x0  }
0x100: {  	[sflag:s21] =	ssyncadd.s32 $0xFFFFC000  }
0x101: {  	[spmem:s2] =	stream.indirect.scatter.add.f32 [tilespmem:s19], [sflag:$0x3], $0x80, s24, s17, $0xb8;
	[tilespmem:$0x1E400] =	vst v63  }
0x102: {  	_ =	swait.ge [sflag:s15], $0x4000  }
0x103: {  	[sflag:s15] =	ssyncset.done $0x0  }
0x104: {  	s31 =	simm.s32 $0x0;
	[sflag:s15] =	ssyncadd.s32 $0xFFFFC000  }
0x105: {  	[tilespmem:s31], [sflag:$0x3] =	stream.linear.gather [hbm4b:s25+s31], $0x1400, $0x38;
	[tilespmem:$0x1E400] =	vst v63  }
0x106: {  	_ =	swait.ge [sflag:s15], $0x1400  }
0x107: {  	[sflag:s15] =	ssyncset.done $0x0  }
0x108: {  	s28 =	sadd.s32 $0x280, s11;
	[sflag:s15] =	ssyncadd.s32 $0xFFFFEC00  }
0x109: {  	[tilespmem:s16], [sflag:$0x3] =	stream.linear.gather [hbm4b:s28+s31], $0x1400, $0x38;
	[tilespmem:$0x1E400] =	vst v63  }
0x10a: {  	_ =	swait.ge [sflag:s15], $0x1400  }
0x10b: {  	[sflag:s15] =	ssyncset.done $0x0  }
0x10c: {  	[sflag:s15] =	ssyncadd.s32 $0xFFFFEC00  }
0x10d: {  	[tilespmem:s18], [sflag:$0x1] =	stream.indirect.gather [hbm4b:s5+s17], $0x80, s31, s17, $0xb8;
	[tilespmem:$0x1E400] =	vst v63  }
0x10e: {  	s30 =	simm.s32 $0x80  }
0x10f: {  	[tilespmem:s19], [sflag:$0x2] =	stream.indirect.gather [hbm4b:s5+s17], $0x80, s30, s17, $0xb8;
	[tilespmem:$0x1E400] =	vst v63  }
0x110: {  	_ =	swait.ge [sflag:s20], $0x4000  }
0x111: {  	[sflag:s20] =	ssyncset.done $0x0  }
0x112: {  	s31 =	simm.s32 $0x1400;
	[sflag:s20] =	ssyncadd.s32 $0xFFFFC000  }
0x113: {  	[spmem:s2] =	stream.indirect.scatter.add.f32 [tilespmem:s18], [sflag:$0x3], $0x80, s31, s17, $0xb8;
	[tilespmem:$0x1E400] =	vst v63  }
0x114: {  	_ =	swait.ge [sflag:s15], $0x4000  }
0x115: {  	[sflag:s15] =	ssyncset.done $0x0  }
0x116: {  	s30 =	simm.s32 $0x100;
	[sflag:s15] =	ssyncadd.s32 $0xFFFFC000  }
0x117: {  	[tilespmem:s18], [sflag:$0x1] =	stream.indirect.gather [hbm4b:s5+s17], $0x80, s30, s17, $0xb8;
	[tilespmem:$0x1E400] =	vst v63  }
0x118: {  	_ =	swait.ge [sflag:s21], $0x4000  }
0x119: {  	[sflag:s21] =	ssyncset.done $0x0  }
0x11a: {  	s31 =	simm.s32 $0x1480;
	[sflag:s21] =	ssyncadd.s32 $0xFFFFC000  }
0x11b: {  	[spmem:s2] =	stream.indirect.scatter.add.f32 [tilespmem:s19], [sflag:$0x3], $0x80, s31, s17, $0xb8;
	[tilespmem:$0x1E400] =	vst v63  }
0x11c: {  	_ =	swait.ge [sflag:s15], $0x4000  }
0x11d: {  	s29 =	simm.s32 $0x800;
	s28 =	simm.s32 $0x100;
	[sflag:s15] =	ssyncset.done $0x0  }
.LBB2_10:
0x11e: {  	s0 =	sadd.s32 $0x80, s28  }
0x11f: {  	[sflag:s15] =	ssyncadd.s32 $0xFFFFC000;
	s30 =	smov.u32 s29;
	s31 =	sadd.s32 $0x400, s29  }
0x120: {  	[tilespmem:s19], [sflag:$0x2] =	stream.indirect.gather [hbm4b:s5+s17], $0x80, s0, s17, $0xb8;
	[tilespmem:$0x1E400] =	vst v63  }
0x121: {  	p1 =	sne.s32 s29, $0x4800;
	_ =	swait.ge [sflag:s20], $0x4000  }
0x122: {  	[sflag:s20] =	ssyncset.done $0x0  }
0x123: {  	s0 =	sadd.s32 $0x1400, s28;
	[sflag:s20] =	ssyncadd.s32 $0xFFFFC000  }
0x124: {  	[spmem:s2] =	stream.indirect.scatter.add.f32 [tilespmem:s18], [sflag:$0x3], $0x80, s0, s17, $0xb8;
	[tilespmem:$0x1E400] =	vst v63  }
0x125: {  	_ =	swait.ge [sflag:s15], $0x4000  }
0x126: {  	[sflag:s15] =	ssyncset.done $0x0  }
0x127: {  	s0 =	sadd.s32 $0x100, s28;
	[sflag:s15] =	ssyncadd.s32 $0xFFFFC000  }
0x128: {  	[tilespmem:s18], [sflag:$0x1] =	stream.indirect.gather [hbm4b:s5+s17], $0x80, s0, s17, $0xb8;
	[tilespmem:$0x1E400] =	vst v63  }
0x129: {  	_ =	swait.ge [sflag:s21], $0x4000  }
.Ltmp7:
0x12a: {  	[sflag:s21] =	ssyncset.done $0x0;
	(pc) =	sbr.rel @p1 .LBB2_10-.Ltmp7, $4  }
0x12b: {  	s0 =	sadd.s32 $0x1480, s28;
	[sflag:s21] =	ssyncadd.s32 $0xFFFFC000  }
0x12c: {  	[spmem:s2] =	stream.indirect.scatter.add.f32 [tilespmem:s19], [sflag:$0x3], $0x80, s0, s17, $0xb8;
	[tilespmem:$0x1E400] =	vst v63  }
0x12d: {  	_ =	swait.ge [sflag:s15], $0x4000  }
0x12e: {  	s29 =	smov.u32 s31;
	s28 =	sshra.s32 s30, $0x2;
	[sflag:s15] =	ssyncset.done $0x0  }
.Ltmp8:
0x12f: {  	_ = 	snop;
	(pc) =	sbr.rel .LBB2_11-.Ltmp8, $1  }
0x130: {  	_ =	sdelay $0x3  }
.LBB2_13:
0x131: {  	_ =	sfence.sel $0x180000  }
0x132: {  	[bflag:$0x0] =	sbarrier.arrive $0xFFFF  }
0x133: {  	_ =	strace $0x9000004A  }
0x134: {  	[bflag:$0x2] =	sbarrier.arrive $0xFFFF  }
0x135: {  	p0 =	sne.s32 s1, $0x0;
	s0 =	rddreg [dreg:$0x2]  }
0x136: {  	s0 =	sadd.s32 @!p0 $0x100000, s0  }
0x137: {  	[sflag:s0] =	ssyncadd.tile.s32 @!p0 $0x1;
	_ =	shalt  }
.Lfunc_end2:
_tile_overlayer_lowered:
.L_overlay_start_2:
0x138: {  	(tag) =	ssettag $0x2  }
0x139: {  	s0 =	rddreg [dreg:$0x0];
	s2 =	stileid.u32  }
0x13a: {  	s1 =	rddreg [dreg:$0x1];
	p0 =	sne.s32 s2, $0x0  }
0x13b: {  	s3 =	rddreg [dreg:$0x2];
	[bflag:$0x3] =	sbarrier.arrive $0xFFFF;
	s2 =	simm.s32 @!p0 $0x1C03  }
0x13c: {  	[timem:s3], [sflag:s2] =	dma.local @!p0 [hbm:s0], s1  }
0x13d: {  	s0 =	simm.s32 @!p0 $0x3  }
0x13e: {  	_ =	swait.ge @!p0 [sflag:s0], s1  }
0x13f: {  	s1 =	ssub.s32 @!p0 $0x0, s1;
	[sflag:s0] =	ssyncset.done @!p0 $0x0  }
0x140: {  	[sflag:s0] =	ssyncadd.s32 @!p0 s1  }
0x141: {  	[bflag:$0x3] =	sbarrier.arrive $0xFFFF  }
0x142: {  	_ =	shalt  }

// kernel: kernel.16.cloned.1.call-start
scs
__scs_entry_jumppad:
0x0: {  	(pc) =	sbr.rel $0x88, $3  }
0x1: {  	(tag) =	ssettag $0x0;
	lr =	simm.s32 $0x1  }
0x2: {  	[smem:$0x3F99] =	sst lr;
	_ =	strace $0xD0000000  }
0x3: {  	_ = 	snop  }
0x4: {  	_ = 	snop  }
0x5: {  	_ = 	snop  }
0x6: {  	_ = 	snop  }
0x7: {  	_ = 	snop  }
__scs_overlays_trampoline_lowered:
0x8: {  	[smem:$0x3FA8] =	sst s0  }
0x9: {  	[smem:$0x3FA9] =	sst s1  }
0xa: {  	[smem:$0x3FAA] =	sst s2  }
0xb: {  	[smem:$0x3FAB] =	sst s3  }
0xc: {  	[smem:$0x3FAC] =	sst s4  }
0xd: {  	[smem:$0x3FAD] =	sst s5  }
0xe: {  	[smem:$0x3FAE] =	sst s6  }
0xf: {  	[smem:$0x3FAF] =	sst s7  }
0x10: {  	[smem:$0x3FB0] =	sst s8  }
0x11: {  	[smem:$0x3FB1] =	sst s9;
	s0 =	simm.s32 @!p0 $0x0  }
0x12: {  	s1 =	sld [smem:$0x3F97];
	s0 =	simm.s32 @p0 $0x1  }
0x13: {  	[smem:$0x3FB2] =	sst s0;
	s0 =	simm.s32 @!p1 $0x0  }
0x14: {  	s2 =	sld [smem:$0x3F96];
	s0 =	simm.s32 @p1 $0x1  }
0x15: {  	[smem:$0x3FB3] =	sst s0;
	s0 =	simm.s32 @!p2 $0x0  }
0x16: {  	s3 =	sld [smem:$0x3FDB];
	s0 =	simm.s32 @p2 $0x1  }
0x17: {  	s4 =	simm.s32 $0x1BF5;
	[smem:$0x3FB5] =	sst s0  }
0x18: {  	s0 =	sld [smem:$0x3F98];
	_ =	swait.ge [sflag:s4], $0x0  }
0x19: {  	s7 =	sld [smem:$0x3F99]  }
0x1a: {  	s8 =	sadd.s32 $0xFFFFE003, lr  }
0x1b: {  	s9 =	sadd.s32 $0xFFFFFEF7, lr;
	s5 =	simm.s32 $0xFFFFFFFF;
	p2 =	slt.u32 s8, $0xFFFFF086  }
0x1c: {  	p1 =	slt.u32 s9, $0xF7A;
	s5 =	simm.s32 @!p2 $0x0  }
0x1d: {  	s5 =	simm.s32 @p1 $0x1;
	p0 =	seq.s32 s7, s2  }
0x1e: {  	s7 =	smul.u32 @!p0 $0xF7A, s2;
	p2 =	seq.s32 @!p0 s5, $0x0  }
0x1f: {  	s9 =	smul.u32 $0xF7A, s1;
	s8 =	simm.s32 @!p0 $0x1BF5;
	p2 =	por !p2, p0  }
0x20: {  	[sflag:s8] =	ssyncset.s32 @!p0 $0xFFFFF086;
	s6 =	sadd.s32 @!p0 s3, s7;
	s7 =	simm.s32 @!p0 $0x108  }
0x21: {  	s3 =	sadd.s32 s3, s9;
	s6 =	sadd.s32 @!p0 $0x88, s6;
	s7 =	simm.s32 @p2 $0x1082  }
0x22: {  	[simem:s7], [sflag:s8] =	dma.local @!p0 [hbm:s6], $0xF7A  }
0x23: {  	s9 =	sor.u32 $0xD0000000, s2;
	s6 =	simm.s32 $0x108;
	_ =	swait.ge @!p0 [sflag:s8], $0x0  }
0x24: {  	s3 =	sadd.s32 $0x88, s3;
	s6 =	simm.s32 @!p1 $0x1082;
	[sflag:s4] =	ssyncset.s32 $0xFFFFF086  }
0x25: {  	[simem:s6], [sflag:s4] =	dma.local [hbm:s3], $0xF7A  }
0x26: {  	[smem:$0x3F99] =	sst s1;
	(tag) =	ssettag s2;
	_ =	strace s9  }
0x27: {  	s1 =	sld [smem:$0x3FA9]  }
0x28: {  	s2 =	sld [smem:$0x3FAA]  }
0x29: {  	s4 =	sld [smem:$0x3FAC]  }
0x2a: {  	p0 =	seq.s32 s5, $0x0;
	s5 =	sld [smem:$0x3FAD]  }
0x2b: {  	s6 =	sld [smem:$0x3FAE]  }
0x2c: {  	s7 =	sld [smem:$0x3FAF]  }
0x2d: {  	s3 =	simm.s32 $0x108;
	s8 =	sld [smem:$0x3FB0]  }
0x2e: {  	s3 =	simm.s32 @!p0 $0x1082;
	s9 =	sld [smem:$0x3FB1]  }
0x2f: {  	lr =	sadd.s32 s0, s3;
	s0 =	sld [smem:$0x3FA8]  }
0x30: {  	s3 =	sld [smem:$0x3FAB]  }
0x31: {  	[smem:$0x3FB4] =	sst s10  }
0x32: {  	s10 =	sld [smem:$0x3FB2];
	_ =	sdelay $0x3  }
0x33: {  	p0 =	seq.s32 s10, $0x1;
	s10 =	sld [smem:$0x3FB4];
	_ =	sdelay $0x3  }
0x34: {  	[smem:$0x3FB4] =	sst s10  }
0x35: {  	s10 =	sld [smem:$0x3FB3];
	_ =	sdelay $0x3  }
0x36: {  	p1 =	seq.s32 s10, $0x1;
	s10 =	sld [smem:$0x3FB4];
	_ =	sdelay $0x3  }
0x37: {  	[smem:$0x3FB4] =	sst s10  }
0x38: {  	s10 =	sld [smem:$0x3FB5]  }
0x39: {  	_ = 	snop;
	(pc) =	sbr.ind lr, $3  }
0x3a: {  	_ = 	snop  }
0x3b: {  	_ = 	snop  }
0x3c: {  	p2 =	seq.s32 s10, $0x1;
	s10 =	sld [smem:$0x3FB4]  }
0x3d: {  	_ =	shalt  }
0x3e: {  	_ =	shalt  }
0x3f: {  	_ =	shalt  }
0x40: {  	_ =	shalt  }
0x41: {  	_ =	shalt  }
0x42: {  	_ =	shalt  }
0x43: {  	_ =	shalt  }
0x44: {  	_ =	shalt  }
0x45: {  	_ =	shalt  }
0x46: {  	_ =	shalt  }
0x47: {  	_ =	shalt  }
0x48: {  	_ =	shalt  }
0x49: {  	_ =	shalt  }
0x4a: {  	_ =	shalt  }
0x4b: {  	_ =	shalt  }
0x4c: {  	_ =	shalt  }
0x4d: {  	_ =	shalt  }
0x4e: {  	_ =	shalt  }
0x4f: {  	_ =	shalt  }
0x50: {  	_ =	shalt  }
0x51: {  	_ =	shalt  }
0x52: {  	_ =	shalt  }
0x53: {  	_ =	shalt  }
0x54: {  	_ =	shalt  }
0x55: {  	_ =	shalt  }
0x56: {  	_ =	shalt  }
0x57: {  	_ =	shalt  }
0x58: {  	_ =	shalt  }
0x59: {  	_ =	shalt  }
0x5a: {  	_ =	shalt  }
0x5b: {  	_ =	shalt  }
0x5c: {  	_ =	shalt  }
0x5d: {  	_ =	shalt  }
0x5e: {  	_ =	shalt  }
0x5f: {  	_ =	shalt  }
0x60: {  	_ =	shalt  }
0x61: {  	_ =	shalt  }
0x62: {  	_ =	shalt  }
0x63: {  	_ =	shalt  }
0x64: {  	_ =	shalt  }
0x65: {  	_ =	shalt  }
0x66: {  	_ =	shalt  }
0x67: {  	_ =	shalt  }
0x68: {  	_ =	shalt  }
0x69: {  	_ =	shalt  }
0x6a: {  	_ =	shalt  }
0x6b: {  	_ =	shalt  }
0x6c: {  	_ =	shalt  }
0x6d: {  	_ =	shalt  }
0x6e: {  	_ =	shalt  }
0x6f: {  	_ =	shalt  }
0x70: {  	_ =	shalt  }
0x71: {  	_ =	shalt  }
0x72: {  	_ =	shalt  }
0x73: {  	_ =	shalt  }
0x74: {  	_ =	shalt  }
0x75: {  	_ =	shalt  }
0x76: {  	_ =	shalt  }
0x77: {  	_ =	shalt  }
0x78: {  	_ =	shalt  }
0x79: {  	_ =	shalt  }
0x7a: {  	_ =	shalt  }
0x7b: {  	_ =	shalt  }
0x7c: {  	_ =	shalt  }
0x7d: {  	_ =	shalt  }
0x7e: {  	_ =	shalt  }
0x7f: {  	_ =	shalt  }
0x80: {  	_ =	shalt  }
0x81: {  	_ =	shalt  }
0x82: {  	_ =	shalt  }
0x83: {  	_ =	shalt  }
0x84: {  	_ =	shalt  }
0x85: {  	_ =	shalt  }
0x86: {  	_ =	shalt  }
0x87: {  	_ =	shalt  }
.Lfunc_end0:
.L_simem_size_0:
called_computation.2_lowered:
.L_overlay_start_0:
0x88: {  	s2 =	sld [smem:$0x3FD9]  }
0x89: {  	s3 =	sld [smem:$0x3FFE];
	_ =	sdelay $0x1  }
0x8a: {  	s1 =	srdreg.scid  }
0x8b: {  	s0 =	sand.u32 $0x1, s1  }
0x8c: {  	s16 =	sshll.u32 s0, $0xA;
	s2 =	sadd.s32 s3, s2  }
0x8d: {  	s2 =	sadd.s32 s2, s16  }
0x8e: {  	[smem:$0x3FC0] =	sst s2  }
0x8f: {  	_ = 	snop  }
0x90: {  	(tm) =	ssettm $0x1  }
0x91: {  	s17 =	sld [smem:$0x3FFB];
	_ =	sdelay $0x3  }
0x92: {  	_ =	strace s17  }
0x93: {  	s2 =	sld [smem:$0x3FFC];
	_ =	sdelay $0x3  }
0x94: {  	_ =	strace s2  }
0x95: {  	s2 =	sld [smem:$0x3FFD];
	_ =	sdelay $0x3  }
0x96: {  	_ =	strace s2  }
0x97: {  	_ =	strace $0x8FFFFFFF  }
0x98: {  	s18 =	sld [smem:$0x3FDB];
	_ =	sdelay $0x1  }
0x99: {  	s19 =	simm.s32 $_scs_section_size  }
0x9a: {  	s4 =	simm.s32 $_size__tile_overlayer_lowered;
	s5 =	simm.s32 $_tile_overlayer_lowered  }
0x9b: {  	s22 =	simm.s32 $0x1BFF;
	s21 =	sshll.u32 s5, $0x1;
	s2 =	sadd.s32 s19, s18  }
0x9c: {  	s6 =	simm.s32 $0x0;
	s20 =	sshll.u32 s4, $0x1;
	s4 =	sadd.s32 s21, s2  }
0x9d: {  	[timem:s6], [sflag:s22] =	dma.local [hbm:s4], s20  }
0x9e: {  	_ =	swait.ge [sflag:s22], s20  }
0x9f: {  	s3 =	ssub.s32 $0x0, s20;
	[sflag:s22] =	ssyncset.done $0x0  }
0xa0: {  	[sflag:s22] =	ssyncadd.s32 s3;
	_ =	sdelay $0x1  }
0xa1: {  	s23 =	simm.s32 $0x1B8B  }
0xa2: {  	_ =	swait.ge [sflag:s23], $0x1  }
0xa3: {  	[sflag:s23] =	ssyncset.done $0x0  }
0xa4: {  	s25 =	simm.s32 $0x1B8E;
	s24 =	sld [smem:$0x3FFE];
	[sflag:s23] =	ssyncadd.s32 $0xFFFFFFFF  }
0xa5: {  	s26 =	simm.s32 $execute0_lowered;
	[smem:$0x3FD2] =	sst s25  }
0xa6: {  	s4 =	sshll.u32 s26, $0x1;
	_ =	strace $0x8000004C;
	[dreg:$0x1] =	wrdreg $0xFFFFFFFF  }
0xa7: {  	s28 =	simm.s32 $_size_execute0_lowered;
	s2 =	sadd.s32 s2, s4;
	[dreg:$0x0] =	wrdreg $0x0  }
0xa8: {  	s4 =	sshll.u32 s28, $0x1;
	[dreg:$0x2] =	wrdreg s2  }
0xa9: {  	[dreg:$0x3] =	wrdreg s4  }
0xaa: {  	[dreg:$0x4] =	wrdreg $0xC0  }
0xab: {  	_ =	task [dreg:s6], $0x5FFFF  }
0xac: {  	[dreg:$0x1] =	wrdreg $0xFFFFFFFF  }
0xad: {  	[dreg:$0x0] =	wrdreg $0x60  }
0xae: {  	[dreg:$0x2] =	wrdreg s24  }
0xaf: {  	[dreg:$0x3] =	wrdreg $0xA8000  }
0xb0: {  	[dreg:$0x4] =	wrdreg $0x9  }
0xb1: {  	_ =	task.clear_ibuf [dreg:s6], $0x5FFFF;
	_ =	strace $0x9000004C  }
0xb2: {  	s29 =	simm.s32 $0x9;
	_ =	strace $0x8000004E  }
0xb3: {  	_ =	swait.ge [sflag:s29], $0x1  }
0xb4: {  	[sflag:s29] =	ssyncadd.s32 $0xFFFFFFFF  }
0xb5: {  	_ =	strace $0x9000004E  }
0xb6: {  	_ =	sfence  }
0xb7: {  	s30 =	sld [smem:$0x0];
	_ =	sdelay $0x2  }
0xb8: {  	s31 =	sshll.u32 s1, $0xD;
	s1 =	sshrl.u32 s1, $0x2  }
0xb9: {  	s3 =	sand.u32 $0x4000, s31;
	s1 =	sadd.s32 s1, s30  }
0xba: {  	s0 =	sor.u32 s3, s0;
	s1 =	sshll.u32 s1, $0x11  }
0xbb: {  	s0 =	sor.u32 s1, s0  }
0xbc: {  	s0 =	sadd.s32 $0x8F2B, s0  }
0xbd: {  	[sflag:s0] =	ssyncadd.remote.s32 $0x1  }
0xbe: {  	_ =	sfence.sel $0xFFFF  }
0xbf: {  	[dreg:$0x0] =	wrdreg $0xFFFFFFFF;
	(pc) =	sbr.abs _section_cstart, $3  }
0xc0: {  	[dreg:$0x1] =	wrdreg $0xFFFFFFFF  }
0xc1: {  	_ =	task.clear_ibuf [dreg:s6], $0x2FFFF;
	_ =	strace $0x9FFFFFFF  }
0xc2: {  	(tm) =	ssettm $0x7FFFFFFF  }
0xc3: {  	_ =	shalt  }
tec
execute0_lowered:
.L_overlay_start_1:
0x0: {  	(tag) =	ssettag $0x1  }
0x1: {  	s8 =	rddreg [dreg:$0x0]  }
0x2: {  	s2 =	rddreg [dreg:$0x1];
	s3 =	simm.s32 $0x0  }
0x3: {  	s1 =	stileid.u32;
	s7 =	srdreg.scid;
	s17 =	simm.s32 $0x80  }
0x4: {  	s18 =	simm.s32 $0x2800;
	s19 =	simm.s32 $0x6800;
	s20 =	simm.s32 $0x1  }
0x5: {  	s21 =	simm.s32 $0x2;
	s22 =	simm.s32 $0x1380;
	s23 =	simm.s32 $0x2700  }
0x6: {  	s24 =	simm.s32 $0x2780;
	s26 =	simm.s32 $0x0;
	[smem:$0x7FF] =	sst s3  }
0x7: {  	s6 =	smul.u32 $0x500, s1;
	s4 =	sadd.s32 $0x15A00, s8;
	s5 =	sadd.s32 $0x3CC00, s8  }
0x8: {  	s14 =	sand.u32 $0x1, s7;
	s9 =	smul.u32 $0x4F000, s1;
	s7 =	sadd.s32 $0x63E00, s8  }
0x9: {  	s13 =	sshll.u32 s1, $0x6;
	_ =	strace $0x8000004D;
	s10 =	ssub.s32 $0x2, s14  }
0xa: {  	p0 =	sne.s32 s14, $0x0;
	s11 =	sadd.s32 s6, s8;
	s6 =	sadd.s32 $0x13200, s8  }
.Ltmp0:
0xb: {  	s12 =	sshrl.u32 s10, $0x1;
	s9 =	sshrl.u32 s9, $0x2;
	(pc) =	sbr.rel .LBB2_1-.Ltmp0, $4  }
0xc: {  	s8 =	sadd.s32 $0x8B600, s8;
	s15 =	ssub.s32 s10, s12;
	s16 =	sadd.s32 s9, s2  }
0xd: {  	s9 =	sor.u32 $0x1C03, s13;
	s10 =	sadd.s32 $0x8A00, s11;
	s11 =	sadd.s32 $0xDA00, s11  }
0xe: {  	s12 =	smul.u32 $0x2780, s1;
	s13 =	smax.u32 s15, $0x1;
	s14 =	sshrl.u32 s16, $0x3  }
0xf: {  	s15 =	simm.s32 $0x3;
	s16 =	simm.s32 $0x1400;
	s25 =	sadd.s32 $0x280, s10  }
.LBB2_11:
0x10: {  	s0 =	sadd.s32 $0x80, s28;
	[sflag:s15] =	ssyncadd.s32 $0xFFFFC000  }
0x11: {  	[tilespmem:s19], [sflag:$0x2] =	stream.indirect.gather [hbm4b:s5+s17], $0x80, s0, s17, $0xb8;
	[tilespmem:$0x1E400] =	vst v63  }
0x12: {  	_ =	swait.ge [sflag:s20], $0x4000  }
0x13: {  	[sflag:s20] =	ssyncset.done $0x0  }
0x14: {  	s29 =	sadd.s32 $0x1400, s28;
	[sflag:s20] =	ssyncadd.s32 $0xFFFFC000  }
0x15: {  	[spmem:s2] =	stream.indirect.scatter.add.f32 [tilespmem:s18], [sflag:$0x3], $0x80, s29, s17, $0xb8;
	[tilespmem:$0x1E400] =	vst v63  }
0x16: {  	_ =	swait.ge [sflag:s15], $0x4000  }
0x17: {  	[sflag:s15] =	ssyncset.done $0x0  }
0x18: {  	s30 =	sadd.s32 $0x100, s28;
	[sflag:s15] =	ssyncadd.s32 $0xFFFFC000  }
0x19: {  	[tilespmem:s18], [sflag:$0x1] =	stream.indirect.gather [hbm4b:s5+s17], $0x80, s30, s17, $0xb8;
	[tilespmem:$0x1E400] =	vst v63  }
0x1a: {  	_ =	swait.ge [sflag:s21], $0x4000  }
0x1b: {  	[sflag:s21] =	ssyncset.done $0x0  }
0x1c: {  	s31 =	sadd.s32 $0x1480, s28;
	[sflag:s21] =	ssyncadd.s32 $0xFFFFC000  }
0x1d: {  	[spmem:s2] =	stream.indirect.scatter.add.f32 [tilespmem:s19], [sflag:$0x3], $0x80, s31, s17, $0xb8;
	[tilespmem:$0x1E400] =	vst v63  }
0x1e: {  	_ =	swait.ge [sflag:s15], $0x4000  }
0x1f: {  	[sflag:s15] =	ssyncset.done $0x0  }
0x20: {  	s28 =	smov.u32 s8;
	[sflag:s15] =	ssyncadd.s32 $0xFFFFC000  }
0x21: {  	[tilespmem:s19], [sflag:$0x2] =	stream.indirect.gather [hbm4b:s5+s17], $0x80, s22, s17, $0xb8;
	[tilespmem:$0x1E400] =	vst v63  }
.LBB2_12:
0x22: {  	_ =	swait.ge [sflag:s20], $0x4000  }
0x23: {  	[sflag:s20] =	ssyncset.done $0x0  }
0x24: {  	[sflag:s20] =	ssyncadd.s32 $0xFFFFC000  }
0x25: {  	[spmem:s2] =	stream.indirect.scatter.add.f32 [tilespmem:s18], [sflag:$0x3], $0x80, s23, s17, $0xb8;
	[tilespmem:$0x1E400] =	vst v63  }
0x26: {  	_ =	swait.ge [sflag:s15], $0x4000  }
0x27: {  	[sflag:s15] =	ssyncset.done $0x0  }
0x28: {  	[sflag:s15] =	ssyncadd.s32 $0xFFFFC000  }
0x29: {  	_ =	swait.ge [sflag:s21], $0x4000  }
0x2a: {  	[sflag:s21] =	ssyncset.done $0x0  }
0x2b: {  	[sflag:s21] =	ssyncadd.s32 $0xFFFFC000  }
0x2c: {  	[spmem:s2] =	stream.indirect.scatter.add.f32 [tilespmem:s19], [sflag:$0x3], $0x80, s24, s17, $0xb8;
	[tilespmem:$0x1E400] =	vst v63  }
0x2d: {  	_ =	swait.ge [sflag:s15], $0x4000  }
0x2e: {  	s26 =	sadd.s32 $0x1, s26;
	[sflag:s15] =	ssyncset.done $0x0  }
0x2f: {  	p1 =	sne.s32 s26, s13;
	[sflag:s15] =	ssyncadd.s32 $0xFFFFC000  }
.Ltmp1:
0x30: {  	s0 =	sadd.s32 s28, s12;
	[bflag:$0x0] =	sbarrier.arrive $0xFFFF;
	(pc) =	sbr.rel @!p1 .LBB2_13-.Ltmp1, $4  }
0x31: {  	[hbm:s0], [sflag:s9] =	dma.local [spmem:s14], $0x2780  }
0x32: {  	_ =	swait.ge [sflag:s15], $0x2780  }
0x33: {  	[sflag:s15] =	ssyncset.done $0x0  }
0x34: {  	[sflag:s15] =	ssyncadd.s32 $0xFFFFD880  }
.LBB2_1:
0x35: {  	[spmem:s14], [sflag:s9] =	dma.local [hbm:s6], $0x2780  }
0x36: {  	_ =	swait.ge [sflag:s15], $0x2780  }
0x37: {  	[sflag:s15] =	ssyncset.done $0x0  }
0x38: {  	[sflag:s15] =	ssyncadd.s32 $0xFFFFD880  }
0x39: {  	[bflag:$0x0] =	sbarrier.arrive $0xFFFF  }
0x3a: {  	[tilespmem:s3], [sflag:$0x3] =	stream.linear.gather [hbm4b:s10+s3], $0x1400, $0x38;
	[tilespmem:$0x1E400] =	vst v63  }
0x3b: {  	_ =	swait.ge [sflag:s15], $0x1400  }
0x3c: {  	[sflag:s15] =	ssyncset.done $0x0  }
.Ltmp2:
0x3d: {  	[sflag:s15] =	ssyncadd.s32 $0xFFFFEC00;
	(pc) =	sbr.rel @p0 .LBB2_7-.Ltmp2, $4  }
0x3e: {  	[tilespmem:s16], [sflag:$0x3] =	stream.linear.gather [hbm4b:s11+s3], $0x1400, $0x38;
	[tilespmem:$0x1E400] =	vst v63  }
0x3f: {  	_ =	swait.ge [sflag:s15], $0x1400  }
0x40: {  	[sflag:s15] =	ssyncset.done $0x0  }
0x41: {  	[sflag:s15] =	ssyncadd.s32 $0xFFFFEC00  }
0x42: {  	s28 =	simm.s32 $0x0  }
0x43: {  	[tilespmem:s18], [sflag:$0x1] =	stream.indirect.gather [hbm4b:s4+s17], $0x80, s28, s17, $0xb8;
	[tilespmem:$0x1E400] =	vst v63  }
0x44: {  	s28 =	simm.s32 $0x80  }
0x45: {  	[tilespmem:s19], [sflag:$0x2] =	stream.indirect.gather [hbm4b:s4+s17], $0x80, s28, s17, $0xb8;
	[tilespmem:$0x1E400] =	vst v63  }
0x46: {  	_ =	swait.ge [sflag:s20], $0x4000  }
0x47: {  	[sflag:s20] =	ssyncset.done $0x0  }
0x48: {  	s28 =	simm.s32 $0x1400;
	[sflag:s20] =	ssyncadd.s32 $0xFFFFC000  }
0x49: {  	[spmem:s2] =	stream.indirect.scatter.add.f32 [tilespmem:s18], [sflag:$0x3], $0x80, s28, s17, $0xb8;
	[tilespmem:$0x1E400] =	vst v63  }
0x4a: {  	_ =	swait.ge [sflag:s15], $0x4000  }
0x4b: {  	[sflag:s15] =	ssyncset.done $0x0  }
0x4c: {  	s28 =	simm.s32 $0x100;
	[sflag:s15] =	ssyncadd.s32 $0xFFFFC000  }
0x4d: {  	[tilespmem:s18], [sflag:$0x1] =	stream.indirect.gather [hbm4b:s4+s17], $0x80, s28, s17, $0xb8;
	[tilespmem:$0x1E400] =	vst v63  }
0x4e: {  	_ =	swait.ge [sflag:s21], $0x4000  }
0x4f: {  	[sflag:s21] =	ssyncset.done $0x0  }
0x50: {  	s28 =	simm.s32 $0x1480;
	[sflag:s21] =	ssyncadd.s32 $0xFFFFC000  }
0x51: {  	[spmem:s2] =	stream.indirect.scatter.add.f32 [tilespmem:s19], [sflag:$0x3], $0x80, s28, s17, $0xb8;
	[tilespmem:$0x1E400] =	vst v63  }
0x52: {  	_ =	swait.ge [sflag:s15], $0x4000  }
0x53: {  	s29 =	simm.s32 $0x800;
	s28 =	simm.s32 $0x100;
	[sflag:s15] =	ssyncset.done $0x0  }
.LBB2_3:
0x54: {  	s30 =	sadd.s32 $0x80, s28  }
0x55: {  	[sflag:s15] =	ssyncadd.s32 $0xFFFFC000;
	s31 =	smov.u32 s29;
	s0 =	sadd.s32 $0x400, s29  }
0x56: {  	[tilespmem:s19], [sflag:$0x2] =	stream.indirect.gather [hbm4b:s4+s17], $0x80, s30, s17, $0xb8;
	[tilespmem:$0x1E400] =	vst v63  }
0x57: {  	p1 =	sne.s32 s29, $0x4800;
	_ =	swait.ge [sflag:s20], $0x4000  }
0x58: {  	[sflag:s20] =	ssyncset.done $0x0  }
0x59: {  	s29 =	sadd.s32 $0x1400, s28;
	[sflag:s20] =	ssyncadd.s32 $0xFFFFC000  }
0x5a: {  	[spmem:s2] =	stream.indirect.scatter.add.f32 [tilespmem:s18], [sflag:$0x3], $0x80, s29, s17, $0xb8;
	[tilespmem:$0x1E400] =	vst v63  }
0x5b: {  	_ =	swait.ge [sflag:s15], $0x4000  }
0x5c: {  	[sflag:s15] =	ssyncset.done $0x0  }
0x5d: {  	s29 =	sadd.s32 $0x100, s28;
	[sflag:s15] =	ssyncadd.s32 $0xFFFFC000  }
0x5e: {  	[tilespmem:s18], [sflag:$0x1] =	stream.indirect.gather [hbm4b:s4+s17], $0x80, s29, s17, $0xb8;
	[tilespmem:$0x1E400] =	vst v63  }
0x5f: {  	_ =	swait.ge [sflag:s21], $0x4000  }
.Ltmp3:
0x60: {  	[sflag:s21] =	ssyncset.done $0x0;
	(pc) =	sbr.rel @p1 .LBB2_3-.Ltmp3, $4  }
0x61: {  	s28 =	sadd.s32 $0x1480, s28;
	[sflag:s21] =	ssyncadd.s32 $0xFFFFC000  }
0x62: {  	[spmem:s2] =	stream.indirect.scatter.add.f32 [tilespmem:s19], [sflag:$0x3], $0x80, s28, s17, $0xb8;
	[tilespmem:$0x1E400] =	vst v63  }
0x63: {  	_ =	swait.ge [sflag:s15], $0x4000  }
0x64: {  	s29 =	smov.u32 s0;
	s28 =	sshra.s32 s31, $0x2;
	[sflag:s15] =	ssyncset.done $0x0  }
0x65: {  	s0 =	sadd.s32 $0x80, s28;
	[sflag:s15] =	ssyncadd.s32 $0xFFFFC000  }
0x66: {  	[tilespmem:s19], [sflag:$0x2] =	stream.indirect.gather [hbm4b:s4+s17], $0x80, s0, s17, $0xb8;
	[tilespmem:$0x1E400] =	vst v63  }
0x67: {  	_ =	swait.ge [sflag:s20], $0x4000  }
0x68: {  	[sflag:s20] =	ssyncset.done $0x0  }
0x69: {  	s30 =	sadd.s32 $0x1400, s28;
	[sflag:s20] =	ssyncadd.s32 $0xFFFFC000  }
0x6a: {  	[spmem:s2] =	stream.indirect.scatter.add.f32 [tilespmem:s18], [sflag:$0x3], $0x80, s30, s17, $0xb8;
	[tilespmem:$0x1E400] =	vst v63  }
0x6b: {  	_ =	swait.ge [sflag:s15], $0x4000  }
0x6c: {  	[sflag:s15] =	ssyncset.done $0x0  }
0x6d: {  	s31 =	sadd.s32 $0x100, s28;
	[sflag:s15] =	ssyncadd.s32 $0xFFFFC000  }
0x6e: {  	[tilespmem:s18], [sflag:$0x1] =	stream.indirect.gather [hbm4b:s4+s17], $0x80, s31, s17, $0xb8;
	[tilespmem:$0x1E400] =	vst v63  }
0x6f: {  	_ =	swait.ge [sflag:s21], $0x4000  }
0x70: {  	[sflag:s21] =	ssyncset.done $0x0  }
0x71: {  	s30 =	sadd.s32 $0x1480, s28;
	[sflag:s21] =	ssyncadd.s32 $0xFFFFC000  }
0x72: {  	[spmem:s2] =	stream.indirect.scatter.add.f32 [tilespmem:s19], [sflag:$0x3], $0x80, s30, s17, $0xb8;
	[tilespmem:$0x1E400] =	vst v63  }
0x73: {  	_ =	swait.ge [sflag:s15], $0x4000  }
0x74: {  	[sflag:s15] =	ssyncset.done $0x0  }
0x75: {  	[sflag:s15] =	ssyncadd.s32 $0xFFFFC000  }
0x76: {  	[tilespmem:s19], [sflag:$0x2] =	stream.indirect.gather [hbm4b:s4+s17], $0x80, s22, s17, $0xb8;
	[tilespmem:$0x1E400] =	vst v63  }
0x77: {  	_ =	swait.ge [sflag:s20], $0x4000  }
0x78: {  	[sflag:s20] =	ssyncset.done $0x0  }
0x79: {  	[sflag:s20] =	ssyncadd.s32 $0xFFFFC000  }
0x7a: {  	[spmem:s2] =	stream.indirect.scatter.add.f32 [tilespmem:s18], [sflag:$0x3], $0x80, s23, s17, $0xb8;
	[tilespmem:$0x1E400] =	vst v63  }
0x7b: {  	_ =	swait.ge [sflag:s15], $0x4000  }
0x7c: {  	[sflag:s15] =	ssyncset.done $0x0  }
0x7d: {  	[sflag:s15] =	ssyncadd.s32 $0xFFFFC000  }
0x7e: {  	_ =	swait.ge [sflag:s21], $0x4000  }
0x7f: {  	[sflag:s21] =	ssyncset.done $0x0  }
0x80: {  	[sflag:s21] =	ssyncadd.s32 $0xFFFFC000  }
0x81: {  	[spmem:s2] =	stream.indirect.scatter.add.f32 [tilespmem:s19], [sflag:$0x3], $0x80, s24, s17, $0xb8;
	[tilespmem:$0x1E400] =	vst v63  }
0x82: {  	_ =	swait.ge [sflag:s15], $0x4000  }
0x83: {  	[sflag:s15] =	ssyncset.done $0x0  }
0x84: {  	s31 =	simm.s32 $0x0;
	[sflag:s15] =	ssyncadd.s32 $0xFFFFC000  }
0x85: {  	[tilespmem:s31], [sflag:$0x3] =	stream.linear.gather [hbm4b:s25+s31], $0x1400, $0x38;
	[tilespmem:$0x1E400] =	vst v63  }
0x86: {  	_ =	swait.ge [sflag:s15], $0x1400  }
0x87: {  	[sflag:s15] =	ssyncset.done $0x0  }
0x88: {  	s28 =	sadd.s32 $0x280, s11;
	[sflag:s15] =	ssyncadd.s32 $0xFFFFEC00  }
0x89: {  	[tilespmem:s16], [sflag:$0x3] =	stream.linear.gather [hbm4b:s28+s31], $0x1400, $0x38;
	[tilespmem:$0x1E400] =	vst v63  }
0x8a: {  	_ =	swait.ge [sflag:s15], $0x1400  }
0x8b: {  	[sflag:s15] =	ssyncset.done $0x0  }
0x8c: {  	[sflag:s15] =	ssyncadd.s32 $0xFFFFEC00  }
0x8d: {  	[tilespmem:s18], [sflag:$0x1] =	stream.indirect.gather [hbm4b:s4+s17], $0x80, s31, s17, $0xb8;
	[tilespmem:$0x1E400] =	vst v63  }
0x8e: {  	s30 =	simm.s32 $0x80  }
0x8f: {  	[tilespmem:s19], [sflag:$0x2] =	stream.indirect.gather [hbm4b:s4+s17], $0x80, s30, s17, $0xb8;
	[tilespmem:$0x1E400] =	vst v63  }
0x90: {  	_ =	swait.ge [sflag:s20], $0x4000  }
0x91: {  	[sflag:s20] =	ssyncset.done $0x0  }
0x92: {  	s31 =	simm.s32 $0x1400;
	[sflag:s20] =	ssyncadd.s32 $0xFFFFC000  }
0x93: {  	[spmem:s2] =	stream.indirect.scatter.add.f32 [tilespmem:s18], [sflag:$0x3], $0x80, s31, s17, $0xb8;
	[tilespmem:$0x1E400] =	vst v63  }
0x94: {  	_ =	swait.ge [sflag:s15], $0x4000  }
0x95: {  	[sflag:s15] =	ssyncset.done $0x0  }
0x96: {  	s30 =	simm.s32 $0x100;
	[sflag:s15] =	ssyncadd.s32 $0xFFFFC000  }
0x97: {  	[tilespmem:s18], [sflag:$0x1] =	stream.indirect.gather [hbm4b:s4+s17], $0x80, s30, s17, $0xb8;
	[tilespmem:$0x1E400] =	vst v63  }
0x98: {  	_ =	swait.ge [sflag:s21], $0x4000  }
0x99: {  	[sflag:s21] =	ssyncset.done $0x0  }
0x9a: {  	s31 =	simm.s32 $0x1480;
	[sflag:s21] =	ssyncadd.s32 $0xFFFFC000  }
0x9b: {  	[spmem:s2] =	stream.indirect.scatter.add.f32 [tilespmem:s19], [sflag:$0x3], $0x80, s31, s17, $0xb8;
	[tilespmem:$0x1E400] =	vst v63  }
0x9c: {  	_ =	swait.ge [sflag:s15], $0x4000  }
0x9d: {  	s29 =	simm.s32 $0x800;
	s28 =	simm.s32 $0x100;
	[sflag:s15] =	ssyncset.done $0x0  }
.LBB2_5:
0x9e: {  	s0 =	sadd.s32 $0x80, s28  }
0x9f: {  	[sflag:s15] =	ssyncadd.s32 $0xFFFFC000;
	s30 =	smov.u32 s29;
	s31 =	sadd.s32 $0x400, s29  }
0xa0: {  	[tilespmem:s19], [sflag:$0x2] =	stream.indirect.gather [hbm4b:s4+s17], $0x80, s0, s17, $0xb8;
	[tilespmem:$0x1E400] =	vst v63  }
0xa1: {  	p1 =	sne.s32 s29, $0x4800;
	_ =	swait.ge [sflag:s20], $0x4000  }
0xa2: {  	[sflag:s20] =	ssyncset.done $0x0  }
0xa3: {  	s0 =	sadd.s32 $0x1400, s28;
	[sflag:s20] =	ssyncadd.s32 $0xFFFFC000  }
0xa4: {  	[spmem:s2] =	stream.indirect.scatter.add.f32 [tilespmem:s18], [sflag:$0x3], $0x80, s0, s17, $0xb8;
	[tilespmem:$0x1E400] =	vst v63  }
0xa5: {  	_ =	swait.ge [sflag:s15], $0x4000  }
0xa6: {  	[sflag:s15] =	ssyncset.done $0x0  }
0xa7: {  	s0 =	sadd.s32 $0x100, s28;
	[sflag:s15] =	ssyncadd.s32 $0xFFFFC000  }
0xa8: {  	[tilespmem:s18], [sflag:$0x1] =	stream.indirect.gather [hbm4b:s4+s17], $0x80, s0, s17, $0xb8;
	[tilespmem:$0x1E400] =	vst v63  }
0xa9: {  	_ =	swait.ge [sflag:s21], $0x4000  }
.Ltmp4:
0xaa: {  	[sflag:s21] =	ssyncset.done $0x0;
	(pc) =	sbr.rel @p1 .LBB2_5-.Ltmp4, $4  }
0xab: {  	s0 =	sadd.s32 $0x1480, s28;
	[sflag:s21] =	ssyncadd.s32 $0xFFFFC000  }
0xac: {  	[spmem:s2] =	stream.indirect.scatter.add.f32 [tilespmem:s19], [sflag:$0x3], $0x80, s0, s17, $0xb8;
	[tilespmem:$0x1E400] =	vst v63  }
0xad: {  	_ =	swait.ge [sflag:s15], $0x4000  }
0xae: {  	s29 =	smov.u32 s31;
	s28 =	sshra.s32 s30, $0x2;
	[sflag:s15] =	ssyncset.done $0x0  }
0xaf: {  	s0 =	sadd.s32 $0x80, s28;
	[sflag:s15] =	ssyncadd.s32 $0xFFFFC000  }
0xb0: {  	[tilespmem:s19], [sflag:$0x2] =	stream.indirect.gather [hbm4b:s4+s17], $0x80, s0, s17, $0xb8;
	[tilespmem:$0x1E400] =	vst v63  }
0xb1: {  	_ =	swait.ge [sflag:s20], $0x4000  }
0xb2: {  	[sflag:s20] =	ssyncset.done $0x0  }
0xb3: {  	s29 =	sadd.s32 $0x1400, s28;
	[sflag:s20] =	ssyncadd.s32 $0xFFFFC000  }
0xb4: {  	[spmem:s2] =	stream.indirect.scatter.add.f32 [tilespmem:s18], [sflag:$0x3], $0x80, s29, s17, $0xb8;
	[tilespmem:$0x1E400] =	vst v63  }
0xb5: {  	_ =	swait.ge [sflag:s15], $0x4000  }
0xb6: {  	[sflag:s15] =	ssyncset.done $0x0  }
0xb7: {  	s30 =	sadd.s32 $0x100, s28;
	[sflag:s15] =	ssyncadd.s32 $0xFFFFC000  }
0xb8: {  	[tilespmem:s18], [sflag:$0x1] =	stream.indirect.gather [hbm4b:s4+s17], $0x80, s30, s17, $0xb8;
	[tilespmem:$0x1E400] =	vst v63  }
0xb9: {  	_ =	swait.ge [sflag:s21], $0x4000  }
0xba: {  	[sflag:s21] =	ssyncset.done $0x0  }
0xbb: {  	s31 =	sadd.s32 $0x1480, s28;
	[sflag:s21] =	ssyncadd.s32 $0xFFFFC000  }
0xbc: {  	[spmem:s2] =	stream.indirect.scatter.add.f32 [tilespmem:s19], [sflag:$0x3], $0x80, s31, s17, $0xb8;
	[tilespmem:$0x1E400] =	vst v63  }
.Ltmp5:
0xbd: {  	_ = 	snop;
	(pc) =	sbr.rel .LBB2_12-.Ltmp5, $4  }
0xbe: {  	_ =	swait.ge [sflag:s15], $0x4000  }
0xbf: {  	[sflag:s15] =	ssyncset.done $0x0  }
0xc0: {  	s28 =	smov.u32 s7;
	[sflag:s15] =	ssyncadd.s32 $0xFFFFC000  }
0xc1: {  	[tilespmem:s19], [sflag:$0x2] =	stream.indirect.gather [hbm4b:s4+s17], $0x80, s22, s17, $0xb8;
	[tilespmem:$0x1E400] =	vst v63  }
.LBB2_7:
0xc2: {  	s0 =	simm.s32 $0x0  }
0xc3: {  	[tilespmem:s18], [sflag:$0x1] =	stream.indirect.gather [hbm4b:s5+s17], $0x80, s0, s17, $0xb8;
	[tilespmem:$0x1E400] =	vst v63  }
0xc4: {  	s30 =	simm.s32 $0x80  }
0xc5: {  	[tilespmem:s19], [sflag:$0x2] =	stream.indirect.gather [hbm4b:s5+s17], $0x80, s30, s17, $0xb8;
	[tilespmem:$0x1E400] =	vst v63  }
0xc6: {  	_ =	swait.ge [sflag:s20], $0x4000  }
0xc7: {  	[sflag:s20] =	ssyncset.done $0x0  }
0xc8: {  	s31 =	simm.s32 $0x1400;
	[sflag:s20] =	ssyncadd.s32 $0xFFFFC000  }
0xc9: {  	[spmem:s2] =	stream.indirect.scatter.add.f32 [tilespmem:s18], [sflag:$0x3], $0x80, s31, s17, $0xb8;
	[tilespmem:$0x1E400] =	vst v63  }
0xca: {  	_ =	swait.ge [sflag:s15], $0x4000  }
0xcb: {  	[sflag:s15] =	ssyncset.done $0x0  }
0xcc: {  	s30 =	simm.s32 $0x100;
	[sflag:s15] =	ssyncadd.s32 $0xFFFFC000  }
0xcd: {  	[tilespmem:s18], [sflag:$0x1] =	stream.indirect.gather [hbm4b:s5+s17], $0x80, s30, s17, $0xb8;
	[tilespmem:$0x1E400] =	vst v63  }
0xce: {  	_ =	swait.ge [sflag:s21], $0x4000  }
0xcf: {  	[sflag:s21] =	ssyncset.done $0x0  }
0xd0: {  	s31 =	simm.s32 $0x1480;
	[sflag:s21] =	ssyncadd.s32 $0xFFFFC000  }
0xd1: {  	[spmem:s2] =	stream.indirect.scatter.add.f32 [tilespmem:s19], [sflag:$0x3], $0x80, s31, s17, $0xb8;
	[tilespmem:$0x1E400] =	vst v63  }
0xd2: {  	_ =	swait.ge [sflag:s15], $0x4000  }
0xd3: {  	s29 =	simm.s32 $0x800;
	s28 =	simm.s32 $0x100;
	[sflag:s15] =	ssyncset.done $0x0  }
.LBB2_8:
0xd4: {  	s0 =	sadd.s32 $0x80, s28  }
0xd5: {  	[sflag:s15] =	ssyncadd.s32 $0xFFFFC000;
	s30 =	smov.u32 s29;
	s31 =	sadd.s32 $0x400, s29  }
0xd6: {  	[tilespmem:s19], [sflag:$0x2] =	stream.indirect.gather [hbm4b:s5+s17], $0x80, s0, s17, $0xb8;
	[tilespmem:$0x1E400] =	vst v63  }
0xd7: {  	p1 =	sne.s32 s29, $0x4800;
	_ =	swait.ge [sflag:s20], $0x4000  }
0xd8: {  	[sflag:s20] =	ssyncset.done $0x0  }
0xd9: {  	s0 =	sadd.s32 $0x1400, s28;
	[sflag:s20] =	ssyncadd.s32 $0xFFFFC000  }
0xda: {  	[spmem:s2] =	stream.indirect.scatter.add.f32 [tilespmem:s18], [sflag:$0x3], $0x80, s0, s17, $0xb8;
	[tilespmem:$0x1E400] =	vst v63  }
0xdb: {  	_ =	swait.ge [sflag:s15], $0x4000  }
0xdc: {  	[sflag:s15] =	ssyncset.done $0x0  }
0xdd: {  	s0 =	sadd.s32 $0x100, s28;
	[sflag:s15] =	ssyncadd.s32 $0xFFFFC000  }
0xde: {  	[tilespmem:s18], [sflag:$0x1] =	stream.indirect.gather [hbm4b:s5+s17], $0x80, s0, s17, $0xb8;
	[tilespmem:$0x1E400] =	vst v63  }
0xdf: {  	_ =	swait.ge [sflag:s21], $0x4000  }
.Ltmp6:
0xe0: {  	[sflag:s21] =	ssyncset.done $0x0;
	(pc) =	sbr.rel @p1 .LBB2_8-.Ltmp6, $4  }
0xe1: {  	s0 =	sadd.s32 $0x1480, s28;
	[sflag:s21] =	ssyncadd.s32 $0xFFFFC000  }
0xe2: {  	[spmem:s2] =	stream.indirect.scatter.add.f32 [tilespmem:s19], [sflag:$0x3], $0x80, s0, s17, $0xb8;
	[tilespmem:$0x1E400] =	vst v63  }
0xe3: {  	_ =	swait.ge [sflag:s15], $0x4000  }
0xe4: {  	s29 =	smov.u32 s31;
	s28 =	sshra.s32 s30, $0x2;
	[sflag:s15] =	ssyncset.done $0x0  }
0xe5: {  	s0 =	sadd.s32 $0x80, s28;
	[sflag:s15] =	ssyncadd.s32 $0xFFFFC000  }
0xe6: {  	[tilespmem:s19], [sflag:$0x2] =	stream.indirect.gather [hbm4b:s5+s17], $0x80, s0, s17, $0xb8;
	[tilespmem:$0x1E400] =	vst v63  }
0xe7: {  	_ =	swait.ge [sflag:s20], $0x4000  }
0xe8: {  	[sflag:s20] =	ssyncset.done $0x0  }
0xe9: {  	s30 =	sadd.s32 $0x1400, s28;
	[sflag:s20] =	ssyncadd.s32 $0xFFFFC000  }
0xea: {  	[spmem:s2] =	stream.indirect.scatter.add.f32 [tilespmem:s18], [sflag:$0x3], $0x80, s30, s17, $0xb8;
	[tilespmem:$0x1E400] =	vst v63  }
0xeb: {  	_ =	swait.ge [sflag:s15], $0x4000  }
0xec: {  	[sflag:s15] =	ssyncset.done $0x0  }
0xed: {  	s31 =	sadd.s32 $0x100, s28;
	[sflag:s15] =	ssyncadd.s32 $0xFFFFC000  }
0xee: {  	[tilespmem:s18], [sflag:$0x1] =	stream.indirect.gather [hbm4b:s5+s17], $0x80, s31, s17, $0xb8;
	[tilespmem:$0x1E400] =	vst v63  }
0xef: {  	_ =	swait.ge [sflag:s21], $0x4000  }
0xf0: {  	[sflag:s21] =	ssyncset.done $0x0  }
0xf1: {  	s30 =	sadd.s32 $0x1480, s28;
	[sflag:s21] =	ssyncadd.s32 $0xFFFFC000  }
0xf2: {  	[spmem:s2] =	stream.indirect.scatter.add.f32 [tilespmem:s19], [sflag:$0x3], $0x80, s30, s17, $0xb8;
	[tilespmem:$0x1E400] =	vst v63  }
0xf3: {  	_ =	swait.ge [sflag:s15], $0x4000  }
0xf4: {  	[sflag:s15] =	ssyncset.done $0x0  }
0xf5: {  	[sflag:s15] =	ssyncadd.s32 $0xFFFFC000  }
0xf6: {  	[tilespmem:s19], [sflag:$0x2] =	stream.indirect.gather [hbm4b:s5+s17], $0x80, s22, s17, $0xb8;
	[tilespmem:$0x1E400] =	vst v63  }
0xf7: {  	_ =	swait.ge [sflag:s20], $0x4000  }
0xf8: {  	[sflag:s20] =	ssyncset.done $0x0  }
0xf9: {  	[sflag:s20] =	ssyncadd.s32 $0xFFFFC000  }
0xfa: {  	[spmem:s2] =	stream.indirect.scatter.add.f32 [tilespmem:s18], [sflag:$0x3], $0x80, s23, s17, $0xb8;
	[tilespmem:$0x1E400] =	vst v63  }
0xfb: {  	_ =	swait.ge [sflag:s15], $0x4000  }
0xfc: {  	[sflag:s15] =	ssyncset.done $0x0  }
0xfd: {  	[sflag:s15] =	ssyncadd.s32 $0xFFFFC000  }
0xfe: {  	_ =	swait.ge [sflag:s21], $0x4000  }
0xff: {  	[sflag:s21] =	ssyncset.done $0x0  }
0x100: {  	[sflag:s21] =	ssyncadd.s32 $0xFFFFC000  }
0x101: {  	[spmem:s2] =	stream.indirect.scatter.add.f32 [tilespmem:s19], [sflag:$0x3], $0x80, s24, s17, $0xb8;
	[tilespmem:$0x1E400] =	vst v63  }
0x102: {  	_ =	swait.ge [sflag:s15], $0x4000  }
0x103: {  	[sflag:s15] =	ssyncset.done $0x0  }
0x104: {  	s31 =	simm.s32 $0x0;
	[sflag:s15] =	ssyncadd.s32 $0xFFFFC000  }
0x105: {  	[tilespmem:s31], [sflag:$0x3] =	stream.linear.gather [hbm4b:s25+s31], $0x1400, $0x38;
	[tilespmem:$0x1E400] =	vst v63  }
0x106: {  	_ =	swait.ge [sflag:s15], $0x1400  }
0x107: {  	[sflag:s15] =	ssyncset.done $0x0  }
0x108: {  	s28 =	sadd.s32 $0x280, s11;
	[sflag:s15] =	ssyncadd.s32 $0xFFFFEC00  }
0x109: {  	[tilespmem:s16], [sflag:$0x3] =	stream.linear.gather [hbm4b:s28+s31], $0x1400, $0x38;
	[tilespmem:$0x1E400] =	vst v63  }
0x10a: {  	_ =	swait.ge [sflag:s15], $0x1400  }
0x10b: {  	[sflag:s15] =	ssyncset.done $0x0  }
0x10c: {  	[sflag:s15] =	ssyncadd.s32 $0xFFFFEC00  }
0x10d: {  	[tilespmem:s18], [sflag:$0x1] =	stream.indirect.gather [hbm4b:s5+s17], $0x80, s31, s17, $0xb8;
	[tilespmem:$0x1E400] =	vst v63  }
0x10e: {  	s30 =	simm.s32 $0x80  }
0x10f: {  	[tilespmem:s19], [sflag:$0x2] =	stream.indirect.gather [hbm4b:s5+s17], $0x80, s30, s17, $0xb8;
	[tilespmem:$0x1E400] =	vst v63  }
0x110: {  	_ =	swait.ge [sflag:s20], $0x4000  }
0x111: {  	[sflag:s20] =	ssyncset.done $0x0  }
0x112: {  	s31 =	simm.s32 $0x1400;
	[sflag:s20] =	ssyncadd.s32 $0xFFFFC000  }
0x113: {  	[spmem:s2] =	stream.indirect.scatter.add.f32 [tilespmem:s18], [sflag:$0x3], $0x80, s31, s17, $0xb8;
	[tilespmem:$0x1E400] =	vst v63  }
0x114: {  	_ =	swait.ge [sflag:s15], $0x4000  }
0x115: {  	[sflag:s15] =	ssyncset.done $0x0  }
0x116: {  	s30 =	simm.s32 $0x100;
	[sflag:s15] =	ssyncadd.s32 $0xFFFFC000  }
0x117: {  	[tilespmem:s18], [sflag:$0x1] =	stream.indirect.gather [hbm4b:s5+s17], $0x80, s30, s17, $0xb8;
	[tilespmem:$0x1E400] =	vst v63  }
0x118: {  	_ =	swait.ge [sflag:s21], $0x4000  }
0x119: {  	[sflag:s21] =	ssyncset.done $0x0  }
0x11a: {  	s31 =	simm.s32 $0x1480;
	[sflag:s21] =	ssyncadd.s32 $0xFFFFC000  }
0x11b: {  	[spmem:s2] =	stream.indirect.scatter.add.f32 [tilespmem:s19], [sflag:$0x3], $0x80, s31, s17, $0xb8;
	[tilespmem:$0x1E400] =	vst v63  }
0x11c: {  	_ =	swait.ge [sflag:s15], $0x4000  }
0x11d: {  	s29 =	simm.s32 $0x800;
	s28 =	simm.s32 $0x100;
	[sflag:s15] =	ssyncset.done $0x0  }
.LBB2_10:
0x11e: {  	s0 =	sadd.s32 $0x80, s28  }
0x11f: {  	[sflag:s15] =	ssyncadd.s32 $0xFFFFC000;
	s30 =	smov.u32 s29;
	s31 =	sadd.s32 $0x400, s29  }
0x120: {  	[tilespmem:s19], [sflag:$0x2] =	stream.indirect.gather [hbm4b:s5+s17], $0x80, s0, s17, $0xb8;
	[tilespmem:$0x1E400] =	vst v63  }
0x121: {  	p1 =	sne.s32 s29, $0x4800;
	_ =	swait.ge [sflag:s20], $0x4000  }
0x122: {  	[sflag:s20] =	ssyncset.done $0x0  }
0x123: {  	s0 =	sadd.s32 $0x1400, s28;
	[sflag:s20] =	ssyncadd.s32 $0xFFFFC000  }
0x124: {  	[spmem:s2] =	stream.indirect.scatter.add.f32 [tilespmem:s18], [sflag:$0x3], $0x80, s0, s17, $0xb8;
	[tilespmem:$0x1E400] =	vst v63  }
0x125: {  	_ =	swait.ge [sflag:s15], $0x4000  }
0x126: {  	[sflag:s15] =	ssyncset.done $0x0  }
0x127: {  	s0 =	sadd.s32 $0x100, s28;
	[sflag:s15] =	ssyncadd.s32 $0xFFFFC000  }
0x128: {  	[tilespmem:s18], [sflag:$0x1] =	stream.indirect.gather [hbm4b:s5+s17], $0x80, s0, s17, $0xb8;
	[tilespmem:$0x1E400] =	vst v63  }
0x129: {  	_ =	swait.ge [sflag:s21], $0x4000  }
.Ltmp7:
0x12a: {  	[sflag:s21] =	ssyncset.done $0x0;
	(pc) =	sbr.rel @p1 .LBB2_10-.Ltmp7, $4  }
0x12b: {  	s0 =	sadd.s32 $0x1480, s28;
	[sflag:s21] =	ssyncadd.s32 $0xFFFFC000  }
0x12c: {  	[spmem:s2] =	stream.indirect.scatter.add.f32 [tilespmem:s19], [sflag:$0x3], $0x80, s0, s17, $0xb8;
	[tilespmem:$0x1E400] =	vst v63  }
0x12d: {  	_ =	swait.ge [sflag:s15], $0x4000  }
0x12e: {  	s29 =	smov.u32 s31;
	s28 =	sshra.s32 s30, $0x2;
	[sflag:s15] =	ssyncset.done $0x0  }
.Ltmp8:
0x12f: {  	_ = 	snop;
	(pc) =	sbr.rel .LBB2_11-.Ltmp8, $1  }
0x130: {  	_ =	sdelay $0x3  }
.LBB2_13:
0x131: {  	_ =	sfence.sel $0x180000  }
0x132: {  	[bflag:$0x0] =	sbarrier.arrive $0xFFFF  }
0x133: {  	_ =	strace $0x9000004D  }
0x134: {  	[bflag:$0x2] =	sbarrier.arrive $0xFFFF  }
0x135: {  	p0 =	sne.s32 s1, $0x0;
	s0 =	rddreg [dreg:$0x2]  }
0x136: {  	s0 =	sadd.s32 @!p0 $0x100000, s0  }
0x137: {  	[sflag:s0] =	ssyncadd.tile.s32 @!p0 $0x1;
	_ =	shalt  }
.Lfunc_end2:
_tile_overlayer_lowered:
.L_overlay_start_2:
0x138: {  	(tag) =	ssettag $0x2  }
0x139: {  	s0 =	rddreg [dreg:$0x0];
	s2 =	stileid.u32  }
0x13a: {  	s1 =	rddreg [dreg:$0x1];
	p0 =	sne.s32 s2, $0x0  }
0x13b: {  	s3 =	rddreg [dreg:$0x2];
	[bflag:$0x3] =	sbarrier.arrive $0xFFFF;
	s2 =	simm.s32 @!p0 $0x1C03  }
0x13c: {  	[timem:s3], [sflag:s2] =	dma.local @!p0 [hbm:s0], s1  }
0x13d: {  	s0 =	simm.s32 @!p0 $0x3  }
0x13e: {  	_ =	swait.ge @!p0 [sflag:s0], s1  }
0x13f: {  	s1 =	ssub.s32 @!p0 $0x0, s1;
	[sflag:s0] =	ssyncset.done @!p0 $0x0  }
0x140: {  	[sflag:s0] =	ssyncadd.s32 @!p0 s1  }
0x141: {  	[bflag:$0x3] =	sbarrier.arrive $0xFFFF  }
0x142: {  	_ =	shalt  }

// kernel: kernel.19.cloned.1.call-start
scs
__scs_entry_jumppad:
0x0: {  	(pc) =	sbr.rel $0x88, $3  }
0x1: {  	(tag) =	ssettag $0x0;
	lr =	simm.s32 $0x1  }
0x2: {  	[smem:$0x3F99] =	sst lr;
	_ =	strace $0xD0000000  }
0x3: {  	_ = 	snop  }
0x4: {  	_ = 	snop  }
0x5: {  	_ = 	snop  }
0x6: {  	_ = 	snop  }
0x7: {  	_ = 	snop  }
__scs_overlays_trampoline_lowered:
0x8: {  	[smem:$0x3FA8] =	sst s0  }
0x9: {  	[smem:$0x3FA9] =	sst s1  }
0xa: {  	[smem:$0x3FAA] =	sst s2  }
0xb: {  	[smem:$0x3FAB] =	sst s3  }
0xc: {  	[smem:$0x3FAC] =	sst s4  }
0xd: {  	[smem:$0x3FAD] =	sst s5  }
0xe: {  	[smem:$0x3FAE] =	sst s6  }
0xf: {  	[smem:$0x3FAF] =	sst s7  }
0x10: {  	[smem:$0x3FB0] =	sst s8  }
0x11: {  	[smem:$0x3FB1] =	sst s9;
	s0 =	simm.s32 @!p0 $0x0  }
0x12: {  	s1 =	sld [smem:$0x3F97];
	s0 =	simm.s32 @p0 $0x1  }
0x13: {  	[smem:$0x3FB2] =	sst s0;
	s0 =	simm.s32 @!p1 $0x0  }
0x14: {  	s2 =	sld [smem:$0x3F96];
	s0 =	simm.s32 @p1 $0x1  }
0x15: {  	[smem:$0x3FB3] =	sst s0;
	s0 =	simm.s32 @!p2 $0x0  }
0x16: {  	s3 =	sld [smem:$0x3FDB];
	s0 =	simm.s32 @p2 $0x1  }
0x17: {  	s4 =	simm.s32 $0x1BF5;
	[smem:$0x3FB5] =	sst s0  }
0x18: {  	s0 =	sld [smem:$0x3F98];
	_ =	swait.ge [sflag:s4], $0x0  }
0x19: {  	s7 =	sld [smem:$0x3F99]  }
0x1a: {  	s8 =	sadd.s32 $0xFFFFE003, lr  }
0x1b: {  	s9 =	sadd.s32 $0xFFFFFEF7, lr;
	s5 =	simm.s32 $0xFFFFFFFF;
	p2 =	slt.u32 s8, $0xFFFFF086  }
0x1c: {  	p1 =	slt.u32 s9, $0xF7A;
	s5 =	simm.s32 @!p2 $0x0  }
0x1d: {  	s5 =	simm.s32 @p1 $0x1;
	p0 =	seq.s32 s7, s2  }
0x1e: {  	s7 =	smul.u32 @!p0 $0xF7A, s2;
	p2 =	seq.s32 @!p0 s5, $0x0  }
0x1f: {  	s9 =	smul.u32 $0xF7A, s1;
	s8 =	simm.s32 @!p0 $0x1BF5;
	p2 =	por !p2, p0  }
0x20: {  	[sflag:s8] =	ssyncset.s32 @!p0 $0xFFFFF086;
	s6 =	sadd.s32 @!p0 s3, s7;
	s7 =	simm.s32 @!p0 $0x108  }
0x21: {  	s3 =	sadd.s32 s3, s9;
	s6 =	sadd.s32 @!p0 $0x88, s6;
	s7 =	simm.s32 @p2 $0x1082  }
0x22: {  	[simem:s7], [sflag:s8] =	dma.local @!p0 [hbm:s6], $0xF7A  }
0x23: {  	s9 =	sor.u32 $0xD0000000, s2;
	s6 =	simm.s32 $0x108;
	_ =	swait.ge @!p0 [sflag:s8], $0x0  }
0x24: {  	s3 =	sadd.s32 $0x88, s3;
	s6 =	simm.s32 @!p1 $0x1082;
	[sflag:s4] =	ssyncset.s32 $0xFFFFF086  }
0x25: {  	[simem:s6], [sflag:s4] =	dma.local [hbm:s3], $0xF7A  }
0x26: {  	[smem:$0x3F99] =	sst s1;
	(tag) =	ssettag s2;
	_ =	strace s9  }
0x27: {  	s1 =	sld [smem:$0x3FA9]  }
0x28: {  	s2 =	sld [smem:$0x3FAA]  }
0x29: {  	s4 =	sld [smem:$0x3FAC]  }
0x2a: {  	p0 =	seq.s32 s5, $0x0;
	s5 =	sld [smem:$0x3FAD]  }
0x2b: {  	s6 =	sld [smem:$0x3FAE]  }
0x2c: {  	s7 =	sld [smem:$0x3FAF]  }
0x2d: {  	s3 =	simm.s32 $0x108;
	s8 =	sld [smem:$0x3FB0]  }
0x2e: {  	s3 =	simm.s32 @!p0 $0x1082;
	s9 =	sld [smem:$0x3FB1]  }
0x2f: {  	lr =	sadd.s32 s0, s3;
	s0 =	sld [smem:$0x3FA8]  }
0x30: {  	s3 =	sld [smem:$0x3FAB]  }
0x31: {  	[smem:$0x3FB4] =	sst s10  }
0x32: {  	s10 =	sld [smem:$0x3FB2];
	_ =	sdelay $0x3  }
0x33: {  	p0 =	seq.s32 s10, $0x1;
	s10 =	sld [smem:$0x3FB4];
	_ =	sdelay $0x3  }
0x34: {  	[smem:$0x3FB4] =	sst s10  }
0x35: {  	s10 =	sld [smem:$0x3FB3];
	_ =	sdelay $0x3  }
0x36: {  	p1 =	seq.s32 s10, $0x1;
	s10 =	sld [smem:$0x3FB4];
	_ =	sdelay $0x3  }
0x37: {  	[smem:$0x3FB4] =	sst s10  }
0x38: {  	s10 =	sld [smem:$0x3FB5]  }
0x39: {  	_ = 	snop;
	(pc) =	sbr.ind lr, $3  }
0x3a: {  	_ = 	snop  }
0x3b: {  	_ = 	snop  }
0x3c: {  	p2 =	seq.s32 s10, $0x1;
	s10 =	sld [smem:$0x3FB4]  }
0x3d: {  	_ =	shalt  }
0x3e: {  	_ =	shalt  }
0x3f: {  	_ =	shalt  }
0x40: {  	_ =	shalt  }
0x41: {  	_ =	shalt  }
0x42: {  	_ =	shalt  }
0x43: {  	_ =	shalt  }
0x44: {  	_ =	shalt  }
0x45: {  	_ =	shalt  }
0x46: {  	_ =	shalt  }
0x47: {  	_ =	shalt  }
0x48: {  	_ =	shalt  }
0x49: {  	_ =	shalt  }
0x4a: {  	_ =	shalt  }
0x4b: {  	_ =	shalt  }
0x4c: {  	_ =	shalt  }
0x4d: {  	_ =	shalt  }
0x4e: {  	_ =	shalt  }
0x4f: {  	_ =	shalt  }
0x50: {  	_ =	shalt  }
0x51: {  	_ =	shalt  }
0x52: {  	_ =	shalt  }
0x53: {  	_ =	shalt  }
0x54: {  	_ =	shalt  }
0x55: {  	_ =	shalt  }
0x56: {  	_ =	shalt  }
0x57: {  	_ =	shalt  }
0x58: {  	_ =	shalt  }
0x59: {  	_ =	shalt  }
0x5a: {  	_ =	shalt  }
0x5b: {  	_ =	shalt  }
0x5c: {  	_ =	shalt  }
0x5d: {  	_ =	shalt  }
0x5e: {  	_ =	shalt  }
0x5f: {  	_ =	shalt  }
0x60: {  	_ =	shalt  }
0x61: {  	_ =	shalt  }
0x62: {  	_ =	shalt  }
0x63: {  	_ =	shalt  }
0x64: {  	_ =	shalt  }
0x65: {  	_ =	shalt  }
0x66: {  	_ =	shalt  }
0x67: {  	_ =	shalt  }
0x68: {  	_ =	shalt  }
0x69: {  	_ =	shalt  }
0x6a: {  	_ =	shalt  }
0x6b: {  	_ =	shalt  }
0x6c: {  	_ =	shalt  }
0x6d: {  	_ =	shalt  }
0x6e: {  	_ =	shalt  }
0x6f: {  	_ =	shalt  }
0x70: {  	_ =	shalt  }
0x71: {  	_ =	shalt  }
0x72: {  	_ =	shalt  }
0x73: {  	_ =	shalt  }
0x74: {  	_ =	shalt  }
0x75: {  	_ =	shalt  }
0x76: {  	_ =	shalt  }
0x77: {  	_ =	shalt  }
0x78: {  	_ =	shalt  }
0x79: {  	_ =	shalt  }
0x7a: {  	_ =	shalt  }
0x7b: {  	_ =	shalt  }
0x7c: {  	_ =	shalt  }
0x7d: {  	_ =	shalt  }
0x7e: {  	_ =	shalt  }
0x7f: {  	_ =	shalt  }
0x80: {  	_ =	shalt  }
0x81: {  	_ =	shalt  }
0x82: {  	_ =	shalt  }
0x83: {  	_ =	shalt  }
0x84: {  	_ =	shalt  }
0x85: {  	_ =	shalt  }
0x86: {  	_ =	shalt  }
0x87: {  	_ =	shalt  }
.Lfunc_end0:
.L_simem_size_0:
called_computation.3_lowered:
.L_overlay_start_0:
0x88: {  	s2 =	sld [smem:$0x3FD9]  }
0x89: {  	s3 =	sld [smem:$0x3FFE];
	_ =	sdelay $0x1  }
0x8a: {  	s1 =	srdreg.scid  }
0x8b: {  	s0 =	sand.u32 $0x1, s1  }
0x8c: {  	s16 =	sshll.u32 s0, $0xA;
	s2 =	sadd.s32 s3, s2  }
0x8d: {  	s2 =	sadd.s32 s2, s16  }
0x8e: {  	[smem:$0x3FC0] =	sst s2  }
0x8f: {  	_ = 	snop  }
0x90: {  	(tm) =	ssettm $0x1  }
0x91: {  	s17 =	sld [smem:$0x3FFB];
	_ =	sdelay $0x3  }
0x92: {  	_ =	strace s17  }
0x93: {  	s2 =	sld [smem:$0x3FFC];
	_ =	sdelay $0x3  }
0x94: {  	_ =	strace s2  }
0x95: {  	s2 =	sld [smem:$0x3FFD];
	_ =	sdelay $0x3  }
0x96: {  	_ =	strace s2  }
0x97: {  	_ =	strace $0x8FFFFFFF  }
0x98: {  	s18 =	sld [smem:$0x3FDB];
	_ =	sdelay $0x1  }
0x99: {  	s19 =	simm.s32 $_scs_section_size  }
0x9a: {  	s4 =	simm.s32 $_size__tile_overlayer_lowered;
	s5 =	simm.s32 $_tile_overlayer_lowered  }
0x9b: {  	s22 =	simm.s32 $0x1BFF;
	s21 =	sshll.u32 s5, $0x1;
	s2 =	sadd.s32 s19, s18  }
0x9c: {  	s6 =	simm.s32 $0x0;
	s20 =	sshll.u32 s4, $0x1;
	s4 =	sadd.s32 s21, s2  }
0x9d: {  	[timem:s6], [sflag:s22] =	dma.local [hbm:s4], s20  }
0x9e: {  	_ =	swait.ge [sflag:s22], s20  }
0x9f: {  	s3 =	ssub.s32 $0x0, s20;
	[sflag:s22] =	ssyncset.done $0x0  }
0xa0: {  	[sflag:s22] =	ssyncadd.s32 s3;
	_ =	sdelay $0x1  }
0xa1: {  	s23 =	simm.s32 $0x1B8B  }
0xa2: {  	_ =	swait.ge [sflag:s23], $0x1  }
0xa3: {  	[sflag:s23] =	ssyncset.done $0x0  }
0xa4: {  	s25 =	simm.s32 $0x1B8E;
	s24 =	sld [smem:$0x3FFE];
	[sflag:s23] =	ssyncadd.s32 $0xFFFFFFFF  }
0xa5: {  	s26 =	simm.s32 $execute0_lowered;
	[smem:$0x3FD2] =	sst s25  }
0xa6: {  	s4 =	sshll.u32 s26, $0x1;
	_ =	strace $0x8000004F;
	[dreg:$0x1] =	wrdreg $0xFFFFFFFF  }
0xa7: {  	s28 =	simm.s32 $_size_execute0_lowered;
	s2 =	sadd.s32 s2, s4;
	[dreg:$0x0] =	wrdreg $0x0  }
0xa8: {  	s4 =	sshll.u32 s28, $0x1;
	[dreg:$0x2] =	wrdreg s2  }
0xa9: {  	[dreg:$0x3] =	wrdreg s4  }
0xaa: {  	[dreg:$0x4] =	wrdreg $0xC0  }
0xab: {  	_ =	task [dreg:s6], $0x5FFFF  }
0xac: {  	[dreg:$0x1] =	wrdreg $0xFFFFFFFF  }
0xad: {  	[dreg:$0x0] =	wrdreg $0x60  }
0xae: {  	[dreg:$0x2] =	wrdreg s24  }
0xaf: {  	[dreg:$0x3] =	wrdreg $0xA8000  }
0xb0: {  	[dreg:$0x4] =	wrdreg $0x9  }
0xb1: {  	_ =	task.clear_ibuf [dreg:s6], $0x5FFFF;
	_ =	strace $0x9000004F  }
0xb2: {  	s29 =	simm.s32 $0x9;
	_ =	strace $0x80000051  }
0xb3: {  	_ =	swait.ge [sflag:s29], $0x1  }
0xb4: {  	[sflag:s29] =	ssyncadd.s32 $0xFFFFFFFF  }
0xb5: {  	_ =	strace $0x90000051  }
0xb6: {  	_ =	sfence  }
0xb7: {  	s30 =	sld [smem:$0x0];
	_ =	sdelay $0x2  }
0xb8: {  	s31 =	sshll.u32 s1, $0xD;
	s1 =	sshrl.u32 s1, $0x2  }
0xb9: {  	s3 =	sand.u32 $0x4000, s31;
	s1 =	sadd.s32 s1, s30  }
0xba: {  	s0 =	sor.u32 s3, s0;
	s1 =	sshll.u32 s1, $0x11  }
0xbb: {  	s0 =	sor.u32 s1, s0  }
0xbc: {  	s0 =	sadd.s32 $0x8F2B, s0  }
0xbd: {  	[sflag:s0] =	ssyncadd.remote.s32 $0x1  }
0xbe: {  	_ =	sfence.sel $0xFFFF  }
0xbf: {  	[dreg:$0x0] =	wrdreg $0xFFFFFFFF;
	(pc) =	sbr.abs _section_cstart, $3  }
0xc0: {  	[dreg:$0x1] =	wrdreg $0xFFFFFFFF  }
0xc1: {  	_ =	task.clear_ibuf [dreg:s6], $0x2FFFF;
	_ =	strace $0x9FFFFFFF  }
0xc2: {  	(tm) =	ssettm $0x7FFFFFFF  }
0xc3: {  	_ =	shalt  }
tec
execute0_lowered:
.L_overlay_start_1:
0x0: {  	(tag) =	ssettag $0x1  }
0x1: {  	s8 =	rddreg [dreg:$0x0]  }
0x2: {  	s2 =	rddreg [dreg:$0x1];
	s3 =	simm.s32 $0x0  }
0x3: {  	s1 =	stileid.u32;
	s7 =	srdreg.scid;
	s17 =	simm.s32 $0x80  }
0x4: {  	s18 =	simm.s32 $0x2800;
	s19 =	simm.s32 $0x6800;
	s20 =	simm.s32 $0x1  }
0x5: {  	s21 =	simm.s32 $0x2;
	s22 =	simm.s32 $0x1380;
	s23 =	simm.s32 $0x2700  }
0x6: {  	s24 =	simm.s32 $0x2780;
	s26 =	simm.s32 $0x0;
	[smem:$0x7FF] =	sst s3  }
0x7: {  	s6 =	smul.u32 $0x500, s1;
	s4 =	sadd.s32 $0x15A00, s8;
	s5 =	sadd.s32 $0x3CC00, s8  }
0x8: {  	s14 =	sand.u32 $0x1, s7;
	s9 =	smul.u32 $0x4F000, s1;
	s7 =	sadd.s32 $0x63E00, s8  }
0x9: {  	s13 =	sshll.u32 s1, $0x6;
	_ =	strace $0x80000050;
	s10 =	ssub.s32 $0x2, s14  }
0xa: {  	p0 =	sne.s32 s14, $0x0;
	s11 =	sadd.s32 s6, s8;
	s6 =	sadd.s32 $0x13200, s8  }
.Ltmp0:
0xb: {  	s12 =	sshrl.u32 s10, $0x1;
	s9 =	sshrl.u32 s9, $0x2;
	(pc) =	sbr.rel .LBB2_1-.Ltmp0, $4  }
0xc: {  	s8 =	sadd.s32 $0x8B600, s8;
	s15 =	ssub.s32 s10, s12;
	s16 =	sadd.s32 s9, s2  }
0xd: {  	s9 =	sor.u32 $0x1C03, s13;
	s10 =	sadd.s32 $0x8A00, s11;
	s11 =	sadd.s32 $0xDA00, s11  }
0xe: {  	s12 =	smul.u32 $0x2780, s1;
	s13 =	smax.u32 s15, $0x1;
	s14 =	sshrl.u32 s16, $0x3  }
0xf: {  	s15 =	simm.s32 $0x3;
	s16 =	simm.s32 $0x1400;
	s25 =	sadd.s32 $0x280, s10  }
.LBB2_11:
0x10: {  	s0 =	sadd.s32 $0x80, s28;
	[sflag:s15] =	ssyncadd.s32 $0xFFFFC000  }
0x11: {  	[tilespmem:s19], [sflag:$0x2] =	stream.indirect.gather [hbm4b:s5+s17], $0x80, s0, s17, $0xb8;
	[tilespmem:$0x1E400] =	vst v63  }
0x12: {  	_ =	swait.ge [sflag:s20], $0x4000  }
0x13: {  	[sflag:s20] =	ssyncset.done $0x0  }
0x14: {  	s29 =	sadd.s32 $0x1400, s28;
	[sflag:s20] =	ssyncadd.s32 $0xFFFFC000  }
0x15: {  	[spmem:s2] =	stream.indirect.scatter.add.f32 [tilespmem:s18], [sflag:$0x3], $0x80, s29, s17, $0xb8;
	[tilespmem:$0x1E400] =	vst v63  }
0x16: {  	_ =	swait.ge [sflag:s15], $0x4000  }
0x17: {  	[sflag:s15] =	ssyncset.done $0x0  }
0x18: {  	s30 =	sadd.s32 $0x100, s28;
	[sflag:s15] =	ssyncadd.s32 $0xFFFFC000  }
0x19: {  	[tilespmem:s18], [sflag:$0x1] =	stream.indirect.gather [hbm4b:s5+s17], $0x80, s30, s17, $0xb8;
	[tilespmem:$0x1E400] =	vst v63  }
0x1a: {  	_ =	swait.ge [sflag:s21], $0x4000  }
0x1b: {  	[sflag:s21] =	ssyncset.done $0x0  }
0x1c: {  	s31 =	sadd.s32 $0x1480, s28;
	[sflag:s21] =	ssyncadd.s32 $0xFFFFC000  }
0x1d: {  	[spmem:s2] =	stream.indirect.scatter.add.f32 [tilespmem:s19], [sflag:$0x3], $0x80, s31, s17, $0xb8;
	[tilespmem:$0x1E400] =	vst v63  }
0x1e: {  	_ =	swait.ge [sflag:s15], $0x4000  }
0x1f: {  	[sflag:s15] =	ssyncset.done $0x0  }
0x20: {  	s28 =	smov.u32 s8;
	[sflag:s15] =	ssyncadd.s32 $0xFFFFC000  }
0x21: {  	[tilespmem:s19], [sflag:$0x2] =	stream.indirect.gather [hbm4b:s5+s17], $0x80, s22, s17, $0xb8;
	[tilespmem:$0x1E400] =	vst v63  }
.LBB2_12:
0x22: {  	_ =	swait.ge [sflag:s20], $0x4000  }
0x23: {  	[sflag:s20] =	ssyncset.done $0x0  }
0x24: {  	[sflag:s20] =	ssyncadd.s32 $0xFFFFC000  }
0x25: {  	[spmem:s2] =	stream.indirect.scatter.add.f32 [tilespmem:s18], [sflag:$0x3], $0x80, s23, s17, $0xb8;
	[tilespmem:$0x1E400] =	vst v63  }
0x26: {  	_ =	swait.ge [sflag:s15], $0x4000  }
0x27: {  	[sflag:s15] =	ssyncset.done $0x0  }
0x28: {  	[sflag:s15] =	ssyncadd.s32 $0xFFFFC000  }
0x29: {  	_ =	swait.ge [sflag:s21], $0x4000  }
0x2a: {  	[sflag:s21] =	ssyncset.done $0x0  }
0x2b: {  	[sflag:s21] =	ssyncadd.s32 $0xFFFFC000  }
0x2c: {  	[spmem:s2] =	stream.indirect.scatter.add.f32 [tilespmem:s19], [sflag:$0x3], $0x80, s24, s17, $0xb8;
	[tilespmem:$0x1E400] =	vst v63  }
0x2d: {  	_ =	swait.ge [sflag:s15], $0x4000  }
0x2e: {  	s26 =	sadd.s32 $0x1, s26;
	[sflag:s15] =	ssyncset.done $0x0  }
0x2f: {  	p1 =	sne.s32 s26, s13;
	[sflag:s15] =	ssyncadd.s32 $0xFFFFC000  }
.Ltmp1:
0x30: {  	s0 =	sadd.s32 s28, s12;
	[bflag:$0x0] =	sbarrier.arrive $0xFFFF;
	(pc) =	sbr.rel @!p1 .LBB2_13-.Ltmp1, $4  }
0x31: {  	[hbm:s0], [sflag:s9] =	dma.local [spmem:s14], $0x2780  }
0x32: {  	_ =	swait.ge [sflag:s15], $0x2780  }
0x33: {  	[sflag:s15] =	ssyncset.done $0x0  }
0x34: {  	[sflag:s15] =	ssyncadd.s32 $0xFFFFD880  }
.LBB2_1:
0x35: {  	[spmem:s14], [sflag:s9] =	dma.local [hbm:s6], $0x2780  }
0x36: {  	_ =	swait.ge [sflag:s15], $0x2780  }
0x37: {  	[sflag:s15] =	ssyncset.done $0x0  }
0x38: {  	[sflag:s15] =	ssyncadd.s32 $0xFFFFD880  }
0x39: {  	[bflag:$0x0] =	sbarrier.arrive $0xFFFF  }
0x3a: {  	[tilespmem:s3], [sflag:$0x3] =	stream.linear.gather [hbm4b:s10+s3], $0x1400, $0x38;
	[tilespmem:$0x1E400] =	vst v63  }
0x3b: {  	_ =	swait.ge [sflag:s15], $0x1400  }
0x3c: {  	[sflag:s15] =	ssyncset.done $0x0  }
.Ltmp2:
0x3d: {  	[sflag:s15] =	ssyncadd.s32 $0xFFFFEC00;
	(pc) =	sbr.rel @p0 .LBB2_7-.Ltmp2, $4  }
0x3e: {  	[tilespmem:s16], [sflag:$0x3] =	stream.linear.gather [hbm4b:s11+s3], $0x1400, $0x38;
	[tilespmem:$0x1E400] =	vst v63  }
0x3f: {  	_ =	swait.ge [sflag:s15], $0x1400  }
0x40: {  	[sflag:s15] =	ssyncset.done $0x0  }
0x41: {  	[sflag:s15] =	ssyncadd.s32 $0xFFFFEC00  }
0x42: {  	s28 =	simm.s32 $0x0  }
0x43: {  	[tilespmem:s18], [sflag:$0x1] =	stream.indirect.gather [hbm4b:s4+s17], $0x80, s28, s17, $0xb8;
	[tilespmem:$0x1E400] =	vst v63  }
0x44: {  	s28 =	simm.s32 $0x80  }
0x45: {  	[tilespmem:s19], [sflag:$0x2] =	stream.indirect.gather [hbm4b:s4+s17], $0x80, s28, s17, $0xb8;
	[tilespmem:$0x1E400] =	vst v63  }
0x46: {  	_ =	swait.ge [sflag:s20], $0x4000  }
0x47: {  	[sflag:s20] =	ssyncset.done $0x0  }
0x48: {  	s28 =	simm.s32 $0x1400;
	[sflag:s20] =	ssyncadd.s32 $0xFFFFC000  }
0x49: {  	[spmem:s2] =	stream.indirect.scatter.add.f32 [tilespmem:s18], [sflag:$0x3], $0x80, s28, s17, $0xb8;
	[tilespmem:$0x1E400] =	vst v63  }
0x4a: {  	_ =	swait.ge [sflag:s15], $0x4000  }
0x4b: {  	[sflag:s15] =	ssyncset.done $0x0  }
0x4c: {  	s28 =	simm.s32 $0x100;
	[sflag:s15] =	ssyncadd.s32 $0xFFFFC000  }
0x4d: {  	[tilespmem:s18], [sflag:$0x1] =	stream.indirect.gather [hbm4b:s4+s17], $0x80, s28, s17, $0xb8;
	[tilespmem:$0x1E400] =	vst v63  }
0x4e: {  	_ =	swait.ge [sflag:s21], $0x4000  }
0x4f: {  	[sflag:s21] =	ssyncset.done $0x0  }
0x50: {  	s28 =	simm.s32 $0x1480;
	[sflag:s21] =	ssyncadd.s32 $0xFFFFC000  }
0x51: {  	[spmem:s2] =	stream.indirect.scatter.add.f32 [tilespmem:s19], [sflag:$0x3], $0x80, s28, s17, $0xb8;
	[tilespmem:$0x1E400] =	vst v63  }
0x52: {  	_ =	swait.ge [sflag:s15], $0x4000  }
0x53: {  	s29 =	simm.s32 $0x800;
	s28 =	simm.s32 $0x100;
	[sflag:s15] =	ssyncset.done $0x0  }
.LBB2_3:
0x54: {  	s30 =	sadd.s32 $0x80, s28  }
0x55: {  	[sflag:s15] =	ssyncadd.s32 $0xFFFFC000;
	s31 =	smov.u32 s29;
	s0 =	sadd.s32 $0x400, s29  }
0x56: {  	[tilespmem:s19], [sflag:$0x2] =	stream.indirect.gather [hbm4b:s4+s17], $0x80, s30, s17, $0xb8;
	[tilespmem:$0x1E400] =	vst v63  }
0x57: {  	p1 =	sne.s32 s29, $0x4800;
	_ =	swait.ge [sflag:s20], $0x4000  }
0x58: {  	[sflag:s20] =	ssyncset.done $0x0  }
0x59: {  	s29 =	sadd.s32 $0x1400, s28;
	[sflag:s20] =	ssyncadd.s32 $0xFFFFC000  }
0x5a: {  	[spmem:s2] =	stream.indirect.scatter.add.f32 [tilespmem:s18], [sflag:$0x3], $0x80, s29, s17, $0xb8;
	[tilespmem:$0x1E400] =	vst v63  }
0x5b: {  	_ =	swait.ge [sflag:s15], $0x4000  }
0x5c: {  	[sflag:s15] =	ssyncset.done $0x0  }
0x5d: {  	s29 =	sadd.s32 $0x100, s28;
	[sflag:s15] =	ssyncadd.s32 $0xFFFFC000  }
0x5e: {  	[tilespmem:s18], [sflag:$0x1] =	stream.indirect.gather [hbm4b:s4+s17], $0x80, s29, s17, $0xb8;
	[tilespmem:$0x1E400] =	vst v63  }
0x5f: {  	_ =	swait.ge [sflag:s21], $0x4000  }
.Ltmp3:
0x60: {  	[sflag:s21] =	ssyncset.done $0x0;
	(pc) =	sbr.rel @p1 .LBB2_3-.Ltmp3, $4  }
0x61: {  	s28 =	sadd.s32 $0x1480, s28;
	[sflag:s21] =	ssyncadd.s32 $0xFFFFC000  }
0x62: {  	[spmem:s2] =	stream.indirect.scatter.add.f32 [tilespmem:s19], [sflag:$0x3], $0x80, s28, s17, $0xb8;
	[tilespmem:$0x1E400] =	vst v63  }
0x63: {  	_ =	swait.ge [sflag:s15], $0x4000  }
0x64: {  	s29 =	smov.u32 s0;
	s28 =	sshra.s32 s31, $0x2;
	[sflag:s15] =	ssyncset.done $0x0  }
0x65: {  	s0 =	sadd.s32 $0x80, s28;
	[sflag:s15] =	ssyncadd.s32 $0xFFFFC000  }
0x66: {  	[tilespmem:s19], [sflag:$0x2] =	stream.indirect.gather [hbm4b:s4+s17], $0x80, s0, s17, $0xb8;
	[tilespmem:$0x1E400] =	vst v63  }
0x67: {  	_ =	swait.ge [sflag:s20], $0x4000  }
0x68: {  	[sflag:s20] =	ssyncset.done $0x0  }
0x69: {  	s30 =	sadd.s32 $0x1400, s28;
	[sflag:s20] =	ssyncadd.s32 $0xFFFFC000  }
0x6a: {  	[spmem:s2] =	stream.indirect.scatter.add.f32 [tilespmem:s18], [sflag:$0x3], $0x80, s30, s17, $0xb8;
	[tilespmem:$0x1E400] =	vst v63  }
0x6b: {  	_ =	swait.ge [sflag:s15], $0x4000  }
0x6c: {  	[sflag:s15] =	ssyncset.done $0x0  }
0x6d: {  	s31 =	sadd.s32 $0x100, s28;
	[sflag:s15] =	ssyncadd.s32 $0xFFFFC000  }
0x6e: {  	[tilespmem:s18], [sflag:$0x1] =	stream.indirect.gather [hbm4b:s4+s17], $0x80, s31, s17, $0xb8;
	[tilespmem:$0x1E400] =	vst v63  }
0x6f: {  	_ =	swait.ge [sflag:s21], $0x4000  }
0x70: {  	[sflag:s21] =	ssyncset.done $0x0  }
0x71: {  	s30 =	sadd.s32 $0x1480, s28;
	[sflag:s21] =	ssyncadd.s32 $0xFFFFC000  }
0x72: {  	[spmem:s2] =	stream.indirect.scatter.add.f32 [tilespmem:s19], [sflag:$0x3], $0x80, s30, s17, $0xb8;
	[tilespmem:$0x1E400] =	vst v63  }
0x73: {  	_ =	swait.ge [sflag:s15], $0x4000  }
0x74: {  	[sflag:s15] =	ssyncset.done $0x0  }
0x75: {  	[sflag:s15] =	ssyncadd.s32 $0xFFFFC000  }
0x76: {  	[tilespmem:s19], [sflag:$0x2] =	stream.indirect.gather [hbm4b:s4+s17], $0x80, s22, s17, $0xb8;
	[tilespmem:$0x1E400] =	vst v63  }
0x77: {  	_ =	swait.ge [sflag:s20], $0x4000  }
0x78: {  	[sflag:s20] =	ssyncset.done $0x0  }
0x79: {  	[sflag:s20] =	ssyncadd.s32 $0xFFFFC000  }
0x7a: {  	[spmem:s2] =	stream.indirect.scatter.add.f32 [tilespmem:s18], [sflag:$0x3], $0x80, s23, s17, $0xb8;
	[tilespmem:$0x1E400] =	vst v63  }
0x7b: {  	_ =	swait.ge [sflag:s15], $0x4000  }
0x7c: {  	[sflag:s15] =	ssyncset.done $0x0  }
0x7d: {  	[sflag:s15] =	ssyncadd.s32 $0xFFFFC000  }
0x7e: {  	_ =	swait.ge [sflag:s21], $0x4000  }
0x7f: {  	[sflag:s21] =	ssyncset.done $0x0  }
0x80: {  	[sflag:s21] =	ssyncadd.s32 $0xFFFFC000  }
0x81: {  	[spmem:s2] =	stream.indirect.scatter.add.f32 [tilespmem:s19], [sflag:$0x3], $0x80, s24, s17, $0xb8;
	[tilespmem:$0x1E400] =	vst v63  }
0x82: {  	_ =	swait.ge [sflag:s15], $0x4000  }
0x83: {  	[sflag:s15] =	ssyncset.done $0x0  }
0x84: {  	s31 =	simm.s32 $0x0;
	[sflag:s15] =	ssyncadd.s32 $0xFFFFC000  }
0x85: {  	[tilespmem:s31], [sflag:$0x3] =	stream.linear.gather [hbm4b:s25+s31], $0x1400, $0x38;
	[tilespmem:$0x1E400] =	vst v63  }
0x86: {  	_ =	swait.ge [sflag:s15], $0x1400  }
0x87: {  	[sflag:s15] =	ssyncset.done $0x0  }
0x88: {  	s28 =	sadd.s32 $0x280, s11;
	[sflag:s15] =	ssyncadd.s32 $0xFFFFEC00  }
0x89: {  	[tilespmem:s16], [sflag:$0x3] =	stream.linear.gather [hbm4b:s28+s31], $0x1400, $0x38;
	[tilespmem:$0x1E400] =	vst v63  }
0x8a: {  	_ =	swait.ge [sflag:s15], $0x1400  }
0x8b: {  	[sflag:s15] =	ssyncset.done $0x0  }
0x8c: {  	[sflag:s15] =	ssyncadd.s32 $0xFFFFEC00  }
0x8d: {  	[tilespmem:s18], [sflag:$0x1] =	stream.indirect.gather [hbm4b:s4+s17], $0x80, s31, s17, $0xb8;
	[tilespmem:$0x1E400] =	vst v63  }
0x8e: {  	s30 =	simm.s32 $0x80  }
0x8f: {  	[tilespmem:s19], [sflag:$0x2] =	stream.indirect.gather [hbm4b:s4+s17], $0x80, s30, s17, $0xb8;
	[tilespmem:$0x1E400] =	vst v63  }
0x90: {  	_ =	swait.ge [sflag:s20], $0x4000  }
0x91: {  	[sflag:s20] =	ssyncset.done $0x0  }
0x92: {  	s31 =	simm.s32 $0x1400;
	[sflag:s20] =	ssyncadd.s32 $0xFFFFC000  }
0x93: {  	[spmem:s2] =	stream.indirect.scatter.add.f32 [tilespmem:s18], [sflag:$0x3], $0x80, s31, s17, $0xb8;
	[tilespmem:$0x1E400] =	vst v63  }
0x94: {  	_ =	swait.ge [sflag:s15], $0x4000  }
0x95: {  	[sflag:s15] =	ssyncset.done $0x0  }
0x96: {  	s30 =	simm.s32 $0x100;
	[sflag:s15] =	ssyncadd.s32 $0xFFFFC000  }
0x97: {  	[tilespmem:s18], [sflag:$0x1] =	stream.indirect.gather [hbm4b:s4+s17], $0x80, s30, s17, $0xb8;
	[tilespmem:$0x1E400] =	vst v63  }
0x98: {  	_ =	swait.ge [sflag:s21], $0x4000  }
0x99: {  	[sflag:s21] =	ssyncset.done $0x0  }
0x9a: {  	s31 =	simm.s32 $0x1480;
	[sflag:s21] =	ssyncadd.s32 $0xFFFFC000  }
0x9b: {  	[spmem:s2] =	stream.indirect.scatter.add.f32 [tilespmem:s19], [sflag:$0x3], $0x80, s31, s17, $0xb8;
	[tilespmem:$0x1E400] =	vst v63  }
0x9c: {  	_ =	swait.ge [sflag:s15], $0x4000  }
0x9d: {  	s29 =	simm.s32 $0x800;
	s28 =	simm.s32 $0x100;
	[sflag:s15] =	ssyncset.done $0x0  }
.LBB2_5:
0x9e: {  	s0 =	sadd.s32 $0x80, s28  }
0x9f: {  	[sflag:s15] =	ssyncadd.s32 $0xFFFFC000;
	s30 =	smov.u32 s29;
	s31 =	sadd.s32 $0x400, s29  }
0xa0: {  	[tilespmem:s19], [sflag:$0x2] =	stream.indirect.gather [hbm4b:s4+s17], $0x80, s0, s17, $0xb8;
	[tilespmem:$0x1E400] =	vst v63  }
0xa1: {  	p1 =	sne.s32 s29, $0x4800;
	_ =	swait.ge [sflag:s20], $0x4000  }
0xa2: {  	[sflag:s20] =	ssyncset.done $0x0  }
0xa3: {  	s0 =	sadd.s32 $0x1400, s28;
	[sflag:s20] =	ssyncadd.s32 $0xFFFFC000  }
0xa4: {  	[spmem:s2] =	stream.indirect.scatter.add.f32 [tilespmem:s18], [sflag:$0x3], $0x80, s0, s17, $0xb8;
	[tilespmem:$0x1E400] =	vst v63  }
0xa5: {  	_ =	swait.ge [sflag:s15], $0x4000  }
0xa6: {  	[sflag:s15] =	ssyncset.done $0x0  }
0xa7: {  	s0 =	sadd.s32 $0x100, s28;
	[sflag:s15] =	ssyncadd.s32 $0xFFFFC000  }
0xa8: {  	[tilespmem:s18], [sflag:$0x1] =	stream.indirect.gather [hbm4b:s4+s17], $0x80, s0, s17, $0xb8;
	[tilespmem:$0x1E400] =	vst v63  }
0xa9: {  	_ =	swait.ge [sflag:s21], $0x4000  }
.Ltmp4:
0xaa: {  	[sflag:s21] =	ssyncset.done $0x0;
	(pc) =	sbr.rel @p1 .LBB2_5-.Ltmp4, $4  }
0xab: {  	s0 =	sadd.s32 $0x1480, s28;
	[sflag:s21] =	ssyncadd.s32 $0xFFFFC000  }
0xac: {  	[spmem:s2] =	stream.indirect.scatter.add.f32 [tilespmem:s19], [sflag:$0x3], $0x80, s0, s17, $0xb8;
	[tilespmem:$0x1E400] =	vst v63  }
0xad: {  	_ =	swait.ge [sflag:s15], $0x4000  }
0xae: {  	s29 =	smov.u32 s31;
	s28 =	sshra.s32 s30, $0x2;
	[sflag:s15] =	ssyncset.done $0x0  }
0xaf: {  	s0 =	sadd.s32 $0x80, s28;
	[sflag:s15] =	ssyncadd.s32 $0xFFFFC000  }
0xb0: {  	[tilespmem:s19], [sflag:$0x2] =	stream.indirect.gather [hbm4b:s4+s17], $0x80, s0, s17, $0xb8;
	[tilespmem:$0x1E400] =	vst v63  }
0xb1: {  	_ =	swait.ge [sflag:s20], $0x4000  }
0xb2: {  	[sflag:s20] =	ssyncset.done $0x0  }
0xb3: {  	s29 =	sadd.s32 $0x1400, s28;
	[sflag:s20] =	ssyncadd.s32 $0xFFFFC000  }
0xb4: {  	[spmem:s2] =	stream.indirect.scatter.add.f32 [tilespmem:s18], [sflag:$0x3], $0x80, s29, s17, $0xb8;
	[tilespmem:$0x1E400] =	vst v63  }
0xb5: {  	_ =	swait.ge [sflag:s15], $0x4000  }
0xb6: {  	[sflag:s15] =	ssyncset.done $0x0  }
0xb7: {  	s30 =	sadd.s32 $0x100, s28;
	[sflag:s15] =	ssyncadd.s32 $0xFFFFC000  }
0xb8: {  	[tilespmem:s18], [sflag:$0x1] =	stream.indirect.gather [hbm4b:s4+s17], $0x80, s30, s17, $0xb8;
	[tilespmem:$0x1E400] =	vst v63  }
0xb9: {  	_ =	swait.ge [sflag:s21], $0x4000  }
0xba: {  	[sflag:s21] =	ssyncset.done $0x0  }
0xbb: {  	s31 =	sadd.s32 $0x1480, s28;
	[sflag:s21] =	ssyncadd.s32 $0xFFFFC000  }
0xbc: {  	[spmem:s2] =	stream.indirect.scatter.add.f32 [tilespmem:s19], [sflag:$0x3], $0x80, s31, s17, $0xb8;
	[tilespmem:$0x1E400] =	vst v63  }
.Ltmp5:
0xbd: {  	_ = 	snop;
	(pc) =	sbr.rel .LBB2_12-.Ltmp5, $4  }
0xbe: {  	_ =	swait.ge [sflag:s15], $0x4000  }
0xbf: {  	[sflag:s15] =	ssyncset.done $0x0  }
0xc0: {  	s28 =	smov.u32 s7;
	[sflag:s15] =	ssyncadd.s32 $0xFFFFC000  }
0xc1: {  	[tilespmem:s19], [sflag:$0x2] =	stream.indirect.gather [hbm4b:s4+s17], $0x80, s22, s17, $0xb8;
	[tilespmem:$0x1E400] =	vst v63  }
.LBB2_7:
0xc2: {  	s0 =	simm.s32 $0x0  }
0xc3: {  	[tilespmem:s18], [sflag:$0x1] =	stream.indirect.gather [hbm4b:s5+s17], $0x80, s0, s17, $0xb8;
	[tilespmem:$0x1E400] =	vst v63  }
0xc4: {  	s30 =	simm.s32 $0x80  }
0xc5: {  	[tilespmem:s19], [sflag:$0x2] =	stream.indirect.gather [hbm4b:s5+s17], $0x80, s30, s17, $0xb8;
	[tilespmem:$0x1E400] =	vst v63  }
0xc6: {  	_ =	swait.ge [sflag:s20], $0x4000  }
0xc7: {  	[sflag:s20] =	ssyncset.done $0x0  }
0xc8: {  	s31 =	simm.s32 $0x1400;
	[sflag:s20] =	ssyncadd.s32 $0xFFFFC000  }
0xc9: {  	[spmem:s2] =	stream.indirect.scatter.add.f32 [tilespmem:s18], [sflag:$0x3], $0x80, s31, s17, $0xb8;
	[tilespmem:$0x1E400] =	vst v63  }
0xca: {  	_ =	swait.ge [sflag:s15], $0x4000  }
0xcb: {  	[sflag:s15] =	ssyncset.done $0x0  }
0xcc: {  	s30 =	simm.s32 $0x100;
	[sflag:s15] =	ssyncadd.s32 $0xFFFFC000  }
0xcd: {  	[tilespmem:s18], [sflag:$0x1] =	stream.indirect.gather [hbm4b:s5+s17], $0x80, s30, s17, $0xb8;
	[tilespmem:$0x1E400] =	vst v63  }
0xce: {  	_ =	swait.ge [sflag:s21], $0x4000  }
0xcf: {  	[sflag:s21] =	ssyncset.done $0x0  }
0xd0: {  	s31 =	simm.s32 $0x1480;
	[sflag:s21] =	ssyncadd.s32 $0xFFFFC000  }
0xd1: {  	[spmem:s2] =	stream.indirect.scatter.add.f32 [tilespmem:s19], [sflag:$0x3], $0x80, s31, s17, $0xb8;
	[tilespmem:$0x1E400] =	vst v63  }
0xd2: {  	_ =	swait.ge [sflag:s15], $0x4000  }
0xd3: {  	s29 =	simm.s32 $0x800;
	s28 =	simm.s32 $0x100;
	[sflag:s15] =	ssyncset.done $0x0  }
.LBB2_8:
0xd4: {  	s0 =	sadd.s32 $0x80, s28  }
0xd5: {  	[sflag:s15] =	ssyncadd.s32 $0xFFFFC000;
	s30 =	smov.u32 s29;
	s31 =	sadd.s32 $0x400, s29  }
0xd6: {  	[tilespmem:s19], [sflag:$0x2] =	stream.indirect.gather [hbm4b:s5+s17], $0x80, s0, s17, $0xb8;
	[tilespmem:$0x1E400] =	vst v63  }
0xd7: {  	p1 =	sne.s32 s29, $0x4800;
	_ =	swait.ge [sflag:s20], $0x4000  }
0xd8: {  	[sflag:s20] =	ssyncset.done $0x0  }
0xd9: {  	s0 =	sadd.s32 $0x1400, s28;
	[sflag:s20] =	ssyncadd.s32 $0xFFFFC000  }
0xda: {  	[spmem:s2] =	stream.indirect.scatter.add.f32 [tilespmem:s18], [sflag:$0x3], $0x80, s0, s17, $0xb8;
	[tilespmem:$0x1E400] =	vst v63  }
0xdb: {  	_ =	swait.ge [sflag:s15], $0x4000  }
0xdc: {  	[sflag:s15] =	ssyncset.done $0x0  }
0xdd: {  	s0 =	sadd.s32 $0x100, s28;
	[sflag:s15] =	ssyncadd.s32 $0xFFFFC000  }
0xde: {  	[tilespmem:s18], [sflag:$0x1] =	stream.indirect.gather [hbm4b:s5+s17], $0x80, s0, s17, $0xb8;
	[tilespmem:$0x1E400] =	vst v63  }
0xdf: {  	_ =	swait.ge [sflag:s21], $0x4000  }
.Ltmp6:
0xe0: {  	[sflag:s21] =	ssyncset.done $0x0;
	(pc) =	sbr.rel @p1 .LBB2_8-.Ltmp6, $4  }
0xe1: {  	s0 =	sadd.s32 $0x1480, s28;
	[sflag:s21] =	ssyncadd.s32 $0xFFFFC000  }
0xe2: {  	[spmem:s2] =	stream.indirect.scatter.add.f32 [tilespmem:s19], [sflag:$0x3], $0x80, s0, s17, $0xb8;
	[tilespmem:$0x1E400] =	vst v63  }
0xe3: {  	_ =	swait.ge [sflag:s15], $0x4000  }
0xe4: {  	s29 =	smov.u32 s31;
	s28 =	sshra.s32 s30, $0x2;
	[sflag:s15] =	ssyncset.done $0x0  }
0xe5: {  	s0 =	sadd.s32 $0x80, s28;
	[sflag:s15] =	ssyncadd.s32 $0xFFFFC000  }
0xe6: {  	[tilespmem:s19], [sflag:$0x2] =	stream.indirect.gather [hbm4b:s5+s17], $0x80, s0, s17, $0xb8;
	[tilespmem:$0x1E400] =	vst v63  }
0xe7: {  	_ =	swait.ge [sflag:s20], $0x4000  }
0xe8: {  	[sflag:s20] =	ssyncset.done $0x0  }
0xe9: {  	s30 =	sadd.s32 $0x1400, s28;
	[sflag:s20] =	ssyncadd.s32 $0xFFFFC000  }
0xea: {  	[spmem:s2] =	stream.indirect.scatter.add.f32 [tilespmem:s18], [sflag:$0x3], $0x80, s30, s17, $0xb8;
	[tilespmem:$0x1E400] =	vst v63  }
0xeb: {  	_ =	swait.ge [sflag:s15], $0x4000  }
0xec: {  	[sflag:s15] =	ssyncset.done $0x0  }
0xed: {  	s31 =	sadd.s32 $0x100, s28;
	[sflag:s15] =	ssyncadd.s32 $0xFFFFC000  }
0xee: {  	[tilespmem:s18], [sflag:$0x1] =	stream.indirect.gather [hbm4b:s5+s17], $0x80, s31, s17, $0xb8;
	[tilespmem:$0x1E400] =	vst v63  }
0xef: {  	_ =	swait.ge [sflag:s21], $0x4000  }
0xf0: {  	[sflag:s21] =	ssyncset.done $0x0  }
0xf1: {  	s30 =	sadd.s32 $0x1480, s28;
	[sflag:s21] =	ssyncadd.s32 $0xFFFFC000  }
0xf2: {  	[spmem:s2] =	stream.indirect.scatter.add.f32 [tilespmem:s19], [sflag:$0x3], $0x80, s30, s17, $0xb8;
	[tilespmem:$0x1E400] =	vst v63  }
0xf3: {  	_ =	swait.ge [sflag:s15], $0x4000  }
0xf4: {  	[sflag:s15] =	ssyncset.done $0x0  }
0xf5: {  	[sflag:s15] =	ssyncadd.s32 $0xFFFFC000  }
0xf6: {  	[tilespmem:s19], [sflag:$0x2] =	stream.indirect.gather [hbm4b:s5+s17], $0x80, s22, s17, $0xb8;
	[tilespmem:$0x1E400] =	vst v63  }
0xf7: {  	_ =	swait.ge [sflag:s20], $0x4000  }
0xf8: {  	[sflag:s20] =	ssyncset.done $0x0  }
0xf9: {  	[sflag:s20] =	ssyncadd.s32 $0xFFFFC000  }
0xfa: {  	[spmem:s2] =	stream.indirect.scatter.add.f32 [tilespmem:s18], [sflag:$0x3], $0x80, s23, s17, $0xb8;
	[tilespmem:$0x1E400] =	vst v63  }
0xfb: {  	_ =	swait.ge [sflag:s15], $0x4000  }
0xfc: {  	[sflag:s15] =	ssyncset.done $0x0  }
0xfd: {  	[sflag:s15] =	ssyncadd.s32 $0xFFFFC000  }
0xfe: {  	_ =	swait.ge [sflag:s21], $0x4000  }
0xff: {  	[sflag:s21] =	ssyncset.done $0x0  }
0x100: {  	[sflag:s21] =	ssyncadd.s32 $0xFFFFC000  }
0x101: {  	[spmem:s2] =	stream.indirect.scatter.add.f32 [tilespmem:s19], [sflag:$0x3], $0x80, s24, s17, $0xb8;
	[tilespmem:$0x1E400] =	vst v63  }
0x102: {  	_ =	swait.ge [sflag:s15], $0x4000  }
0x103: {  	[sflag:s15] =	ssyncset.done $0x0  }
0x104: {  	s31 =	simm.s32 $0x0;
	[sflag:s15] =	ssyncadd.s32 $0xFFFFC000  }
0x105: {  	[tilespmem:s31], [sflag:$0x3] =	stream.linear.gather [hbm4b:s25+s31], $0x1400, $0x38;
	[tilespmem:$0x1E400] =	vst v63  }
0x106: {  	_ =	swait.ge [sflag:s15], $0x1400  }
0x107: {  	[sflag:s15] =	ssyncset.done $0x0  }
0x108: {  	s28 =	sadd.s32 $0x280, s11;
	[sflag:s15] =	ssyncadd.s32 $0xFFFFEC00  }
0x109: {  	[tilespmem:s16], [sflag:$0x3] =	stream.linear.gather [hbm4b:s28+s31], $0x1400, $0x38;
	[tilespmem:$0x1E400] =	vst v63  }
0x10a: {  	_ =	swait.ge [sflag:s15], $0x1400  }
0x10b: {  	[sflag:s15] =	ssyncset.done $0x0  }
0x10c: {  	[sflag:s15] =	ssyncadd.s32 $0xFFFFEC00  }
0x10d: {  	[tilespmem:s18], [sflag:$0x1] =	stream.indirect.gather [hbm4b:s5+s17], $0x80, s31, s17, $0xb8;
	[tilespmem:$0x1E400] =	vst v63  }
0x10e: {  	s30 =	simm.s32 $0x80  }
0x10f: {  	[tilespmem:s19], [sflag:$0x2] =	stream.indirect.gather [hbm4b:s5+s17], $0x80, s30, s17, $0xb8;
	[tilespmem:$0x1E400] =	vst v63  }
0x110: {  	_ =	swait.ge [sflag:s20], $0x4000  }
0x111: {  	[sflag:s20] =	ssyncset.done $0x0  }
0x112: {  	s31 =	simm.s32 $0x1400;
	[sflag:s20] =	ssyncadd.s32 $0xFFFFC000  }
0x113: {  	[spmem:s2] =	stream.indirect.scatter.add.f32 [tilespmem:s18], [sflag:$0x3], $0x80, s31, s17, $0xb8;
	[tilespmem:$0x1E400] =	vst v63  }
0x114: {  	_ =	swait.ge [sflag:s15], $0x4000  }
0x115: {  	[sflag:s15] =	ssyncset.done $0x0  }
0x116: {  	s30 =	simm.s32 $0x100;
	[sflag:s15] =	ssyncadd.s32 $0xFFFFC000  }
0x117: {  	[tilespmem:s18], [sflag:$0x1] =	stream.indirect.gather [hbm4b:s5+s17], $0x80, s30, s17, $0xb8;
	[tilespmem:$0x1E400] =	vst v63  }
0x118: {  	_ =	swait.ge [sflag:s21], $0x4000  }
0x119: {  	[sflag:s21] =	ssyncset.done $0x0  }
0x11a: {  	s31 =	simm.s32 $0x1480;
	[sflag:s21] =	ssyncadd.s32 $0xFFFFC000  }
0x11b: {  	[spmem:s2] =	stream.indirect.scatter.add.f32 [tilespmem:s19], [sflag:$0x3], $0x80, s31, s17, $0xb8;
	[tilespmem:$0x1E400] =	vst v63  }
0x11c: {  	_ =	swait.ge [sflag:s15], $0x4000  }
0x11d: {  	s29 =	simm.s32 $0x800;
	s28 =	simm.s32 $0x100;
	[sflag:s15] =	ssyncset.done $0x0  }
.LBB2_10:
0x11e: {  	s0 =	sadd.s32 $0x80, s28  }
0x11f: {  	[sflag:s15] =	ssyncadd.s32 $0xFFFFC000;
	s30 =	smov.u32 s29;
	s31 =	sadd.s32 $0x400, s29  }
0x120: {  	[tilespmem:s19], [sflag:$0x2] =	stream.indirect.gather [hbm4b:s5+s17], $0x80, s0, s17, $0xb8;
	[tilespmem:$0x1E400] =	vst v63  }
0x121: {  	p1 =	sne.s32 s29, $0x4800;
	_ =	swait.ge [sflag:s20], $0x4000  }
0x122: {  	[sflag:s20] =	ssyncset.done $0x0  }
0x123: {  	s0 =	sadd.s32 $0x1400, s28;
	[sflag:s20] =	ssyncadd.s32 $0xFFFFC000  }
0x124: {  	[spmem:s2] =	stream.indirect.scatter.add.f32 [tilespmem:s18], [sflag:$0x3], $0x80, s0, s17, $0xb8;
	[tilespmem:$0x1E400] =	vst v63  }
0x125: {  	_ =	swait.ge [sflag:s15], $0x4000  }
0x126: {  	[sflag:s15] =	ssyncset.done $0x0  }
0x127: {  	s0 =	sadd.s32 $0x100, s28;
	[sflag:s15] =	ssyncadd.s32 $0xFFFFC000  }
0x128: {  	[tilespmem:s18], [sflag:$0x1] =	stream.indirect.gather [hbm4b:s5+s17], $0x80, s0, s17, $0xb8;
	[tilespmem:$0x1E400] =	vst v63  }
0x129: {  	_ =	swait.ge [sflag:s21], $0x4000  }
.Ltmp7:
0x12a: {  	[sflag:s21] =	ssyncset.done $0x0;
	(pc) =	sbr.rel @p1 .LBB2_10-.Ltmp7, $4  }
0x12b: {  	s0 =	sadd.s32 $0x1480, s28;
	[sflag:s21] =	ssyncadd.s32 $0xFFFFC000  }
0x12c: {  	[spmem:s2] =	stream.indirect.scatter.add.f32 [tilespmem:s19], [sflag:$0x3], $0x80, s0, s17, $0xb8;
	[tilespmem:$0x1E400] =	vst v63  }
0x12d: {  	_ =	swait.ge [sflag:s15], $0x4000  }
0x12e: {  	s29 =	smov.u32 s31;
	s28 =	sshra.s32 s30, $0x2;
	[sflag:s15] =	ssyncset.done $0x0  }
.Ltmp8:
0x12f: {  	_ = 	snop;
	(pc) =	sbr.rel .LBB2_11-.Ltmp8, $1  }
0x130: {  	_ =	sdelay $0x3  }
.LBB2_13:
0x131: {  	_ =	sfence.sel $0x180000  }
0x132: {  	[bflag:$0x0] =	sbarrier.arrive $0xFFFF  }
0x133: {  	_ =	strace $0x90000050  }
0x134: {  	[bflag:$0x2] =	sbarrier.arrive $0xFFFF  }
0x135: {  	p0 =	sne.s32 s1, $0x0;
	s0 =	rddreg [dreg:$0x2]  }
0x136: {  	s0 =	sadd.s32 @!p0 $0x100000, s0  }
0x137: {  	[sflag:s0] =	ssyncadd.tile.s32 @!p0 $0x1;
	_ =	shalt  }
.Lfunc_end2:
_tile_overlayer_lowered:
.L_overlay_start_2:
0x138: {  	(tag) =	ssettag $0x2  }
0x139: {  	s0 =	rddreg [dreg:$0x0];
	s2 =	stileid.u32  }
0x13a: {  	s1 =	rddreg [dreg:$0x1];
	p0 =	sne.s32 s2, $0x0  }
0x13b: {  	s3 =	rddreg [dreg:$0x2];
	[bflag:$0x3] =	sbarrier.arrive $0xFFFF;
	s2 =	simm.s32 @!p0 $0x1C03  }
0x13c: {  	[timem:s3], [sflag:s2] =	dma.local @!p0 [hbm:s0], s1  }
0x13d: {  	s0 =	simm.s32 @!p0 $0x3  }
0x13e: {  	_ =	swait.ge @!p0 [sflag:s0], s1  }
0x13f: {  	s1 =	ssub.s32 @!p0 $0x0, s1;
	[sflag:s0] =	ssyncset.done @!p0 $0x0  }
0x140: {  	[sflag:s0] =	ssyncadd.s32 @!p0 s1  }
0x141: {  	[bflag:$0x3] =	sbarrier.arrive $0xFFFF  }
0x142: {  	_ =	shalt  }

</sc_bundles>
